<compile_context>
chip_gen: v7x
topology: tpu7x:2x2x1
jax: 0.10.2.dev20260603
libtpu: 0.0.44.dev20260713+nightly
codegen_flags: <defaults>
</compile_context>

<pallas_src>
import functools

import jax
import jax.numpy as jnp
from jax import lax
from jax.experimental import pallas as pl
from jax.experimental.pallas import tpu as pltpu
from jax.experimental.pallas import tpu_sc as plsc

_D = 32
_NC = 2
_NS = 16
_NW = _NC * _NS
_CHUNK = 128
_NBUF = 4
_NOBUF = 2


@functools.lru_cache(maxsize=None)
def _build_gather(n_rows: int):
    assert n_rows % (_NW * _CHUNK) == 0
    b_per_w = n_rows // _NW
    n_chunk = b_per_w // _CHUNK
    n_group = n_chunk // _NBUF
    mesh = plsc.VectorSubcoreMesh(
        core_axis_name="c", subcore_axis_name="s",
        num_cores=_NC, num_subcores=_NS)

    @functools.partial(
        pl.kernel,
        out_type=jax.ShapeDtypeStruct((n_rows, _D), jnp.float32),
        mesh=mesh,
        compiler_params=pltpu.CompilerParams(use_tc_tiling_on_sc=False),
        scratch_types=[
            pltpu.VMEM((b_per_w,), jnp.int32),
            pltpu.VMEM((_NBUF, _CHUNK, _D), jnp.float32),
        ] + [pltpu.SemaphoreType.DMA] * (2 * _NBUF),
    )
    def k_gather(table_hbm, idx_hbm, out_hbm, idx_v, gbuf,
                 g0, g1, g2, g3, o0, o1, o2, o3):
        gsems = (g0, g1, g2, g3)
        osems = (o0, o1, o2, o3)
        wid = lax.axis_index("s") * _NC + lax.axis_index("c")
        base = wid * b_per_w
        pltpu.sync_copy(idx_hbm.at[pl.ds(base, b_per_w)], idx_v)

        def fire_gather(c, u):
            pltpu.async_copy(
                table_hbm.at[idx_v.at[pl.ds(c * _CHUNK, _CHUNK)]],
                gbuf.at[u], gsems[u])

        for u in range(_NBUF - 1):
            fire_gather(u, u)

        def group_body(g, carry):
            for u in range(_NBUF):
                c = g * _NBUF + u
                v = (u - 1) % _NBUF
                pltpu.make_async_copy(
                    table_hbm.at[pl.ds(0, _CHUNK)], gbuf.at[u],
                    gsems[u]).wait()

                pltpu.async_copy(
                    gbuf.at[u],
                    out_hbm.at[pl.ds(base + c * _CHUNK, _CHUNK)],
                    osems[u])

                @pl.when(c + _NBUF - 1 < n_chunk)
                def _():
                    @pl.when(c >= 1)
                    def _():
                        pltpu.make_async_copy(
                            gbuf.at[v], out_hbm.at[pl.ds(0, _CHUNK)],
                            osems[v]).wait()
                    fire_gather(c + _NBUF - 1, v)
            return carry

        lax.fori_loop(0, n_group, group_body, 0)

        for u in range(_NBUF):
            pltpu.make_async_copy(
                gbuf.at[u], out_hbm.at[pl.ds(0, _CHUNK)], osems[u]).wait()

    return k_gather


@functools.lru_cache(maxsize=None)
def _build_pack(batch: int, fields: int):
    n_rows = batch * fields
    n_kb = batch // 128
    kb_per_w = n_kb // _NW
    blk_rows = 128 * fields
    blk_elems = blk_rows * _D
    n_kd = _D // 8
    n_tiles = fields * n_kd * n_kb
    stride = fields * _D
    mesh = plsc.VectorSubcoreMesh(
        core_axis_name="c", subcore_axis_name="s",
        num_cores=_NC, num_subcores=_NS)

    @functools.partial(
        pl.kernel,
        out_type=jax.ShapeDtypeStruct((n_tiles * 1024,), jnp.float32),
        mesh=mesh,
        compiler_params=pltpu.CompilerParams(
            use_tc_tiling_on_sc=False, needs_layout_passes=False),
        scratch_types=[
            pltpu.VMEM((blk_elems,), jnp.float32),
            pltpu.VMEM((_D * 129,), jnp.float32),
            pltpu.VMEM((_NOBUF * n_kd * 1024,), jnp.float32),
            pltpu.SemaphoreType.DMA,
            pltpu.SemaphoreType.DMA,
            pltpu.SemaphoreType.DMA,
        ],
    )
    def k_pack(g_hbm, out_hbm, blk_v, pad_v, tbuf, insem, s0, s1):
        ssems = (s0, s1)
        wid = lax.axis_index("s") * _NC + lax.axis_index("c")
        iota129 = lax.iota(jnp.int32, 16) * 129

        for kb_l in range(kb_per_w):
            kb = wid * kb_per_w + kb_l
            pltpu.async_copy(
                g_hbm.at[pl.ds(kb * blk_elems, blk_elems)], blk_v,
                insem).wait()

            def f_body(f2, carry):
                for o in range(_NOBUF):
                    f = f2 * _NOBUF + o

                    @pl.when(f >= _NOBUF)
                    def _():
                        for _k in range(n_kd):
                            pltpu.make_async_copy(
                                tbuf.at[pl.ds(0, 1024)],
                                out_hbm.at[pl.ds(0, 1024)],
                                ssems[o]).wait()

                    fbase = f * _D

                    @plsc.parallel_loop(0, 128, unroll=8)
                    def _(j):
                        rb = fbase + j * stride
                        v0 = blk_v[pl.ds(rb, 16)]
                        v1 = blk_v[pl.ds(rb + 16, 16)]
                        plsc.store_scatter(pad_v, [iota129 + j], v0)
                        plsc.store_scatter(
                            pad_v, [iota129 + (16 * 129 + j)], v1)

                    @plsc.parallel_loop(0, _D, unroll=4)
                    def _(dd):
                        for h in range(8):
                            tbuf[pl.ds(o * n_kd * 1024 + dd * 128 + h * 16,
                                       16)] = (
                                pad_v[pl.ds(dd * 129 + h * 16, 16)])

                    row0 = f * (n_kd * n_kb) + kb
                    for kd in range(n_kd):
                        pltpu.async_copy(
                            tbuf.at[pl.ds((o * n_kd + kd) * 1024, 1024)],
                            out_hbm.at[pl.ds((row0 + kd * n_kb) * 1024,
                                             1024)],
                            ssems[o])
                return carry

            lax.fori_loop(0, fields // _NOBUF, f_body, 0)

            for o in range(_NOBUF):
                for _k in range(n_kd):
                    pltpu.make_async_copy(
                        tbuf.at[pl.ds(0, 1024)],
                        out_hbm.at[pl.ds(0, 1024)], ssems[o]).wait()

    return k_pack


def kernel(x, table):
    b, f = x.shape
    n_vocab, d = table.shape
    flat = x.reshape(b * f).astype(jnp.int32)
    g = _build_gather(b * f)(table, flat)
    out = _build_pack(b, f)(g.reshape(-1))
    out = out.reshape(f, d // 8, b // 128, 8, 128)
    out = out.transpose(2, 4, 0, 1, 3).reshape(b, f, d)
    return out

# --- scband reference (transcript-rebuilt; emitter-appended) ---
"""Pipeline reference for scband-categorical-embedding-6717328851751 (READ-ONLY COPY).

The authoritative reference and input builder live on the scoring server;
editing this copy changes nothing except your own understanding.
"""

import jax, jax.numpy as jnp
import numpy as np

CATEGORY_SIZE = 1000000
EMB_SIZE = 32
BATCH = 16384
FIELDS = 26


def setup_inputs(seed: int = 0) -> dict:
    key = jax.random.key(seed)
    k_idx, k_tbl = jax.random.split(key)
    x = jax.random.randint(k_idx, (BATCH, FIELDS), 0, CATEGORY_SIZE, dtype=jnp.int64 if jax.config.jax_enable_x64 else jnp.int32)
    x = x.astype(jnp.int32)
    table = jax.random.normal(k_tbl, (CATEGORY_SIZE, EMB_SIZE), dtype=jnp.float32)
    return {"x": x, "table": table}


def reference(x, table):
    # nn.Embedding lookup: out = table[x]
    out = jnp.take(table, x.astype(jnp.int32), axis=0)
    return out

if __name__ == "__main__":
    import jax
    _d = setup_inputs()
    print(jax.jit(kernel)(*tuple(_d.values())))

</pallas_src>

<mosaic_0001>
#map = affine_map<(d0, d1) -> (0)>
module attributes {stable_mosaic.version = 14 : i64} {
  func.func @k_pack(%arg0: i32, %arg1: i32, %arg2: memref<13631488xf32, #tpu.memory_space<hbm>>, %arg3: memref<13631488xf32, #tpu.memory_space<hbm>>, %arg4: memref<106496xf32, #tpu.memory_space<vmem>>, %arg5: memref<4128xf32, #tpu.memory_space<vmem>>, %arg6: memref<8192xf32, #tpu.memory_space<vmem>>, %arg7: memref<!tpu.dma_semaphore, #tpu.memory_space<semaphore_mem>>, %arg8: memref<!tpu.dma_semaphore, #tpu.memory_space<semaphore_mem>>, %arg9: memref<!tpu.dma_semaphore, #tpu.memory_space<semaphore_mem>>) attributes {dimension_semantics = [#tpu.dimension_semantics<core_parallel>, #tpu.dimension_semantics<subcore_parallel>], iteration_bounds = array<i64: 2, 16>, scalar_prefetch = 0 : i64, scratch_operands = 6 : i64, tpu.core_type = #tpu.core_type<sc_vector_subcore>, window_params = [{transform_indices = #map}, {transform_indices = #map}]} {
    %mul3A = arith.constant 2 : i32
    %mul3A_0 = arith.muli %arg1, %mul3A : i32
    %add3A = arith.addi %mul3A_0, %arg0 : i32
    %iota3A = tpu.iota {dimensions = array<i32: 0>} : vector<16xi32>
    %mul3A_1 = arith.constant 129 : i32
    %mul3A_2 = vector.broadcast %mul3A_1 : i32 to vector<16xi32>
    %mul3A_3 = arith.muli %iota3A, %mul3A_2 : vector<16xi32>
    %mul3A_4 = arith.constant 4 : i32
    %mul3A_5 = arith.muli %add3A, %mul3A_4 : i32
    %add3A_6 = arith.constant 0 : i32
    %add3A_7 = arith.addi %mul3A_5, %add3A_6 : i32
    %mul3A_8 = arith.constant 106496 : i32
    %mul3A_9 = arith.muli %add3A_7, %mul3A_8 : i32
    %dma_start3A = tpu.memref_slice %arg2[%mul3A_9] : memref<13631488xf32, #tpu.memory_space<hbm>> -> memref<106496xf32, #tpu.memory_space<hbm>>
    %dma_start3A_10 = tpu.memref_slice %arg2[%mul3A_9] : memref<13631488xf32, #tpu.memory_space<hbm>> -> memref<106496xf32, #tpu.memory_space<hbm>>
    tpu.enqueue_dma source(%dma_start3A_10 : memref<106496xf32, #tpu.memory_space<hbm>>) target(%arg4 : memref<106496xf32, #tpu.memory_space<vmem>>) target_semaphore(%arg7 : memref<!tpu.dma_semaphore, #tpu.memory_space<semaphore_mem>>)
    %dma_wait3A = tpu.memref_slice %arg2[%mul3A_9] : memref<13631488xf32, #tpu.memory_space<hbm>> -> memref<106496xf32, #tpu.memory_space<hbm>>
    %dma_wait3A_11 = tpu.memref_slice %arg2[%mul3A_9] : memref<13631488xf32, #tpu.memory_space<hbm>> -> memref<106496xf32, #tpu.memory_space<hbm>>
    tpu.wait_dma2 semaphore(%arg7 : memref<!tpu.dma_semaphore, #tpu.memory_space<semaphore_mem>>) src(%dma_wait3A_11 : memref<106496xf32, #tpu.memory_space<hbm>>) dst(%arg4 : memref<106496xf32, #tpu.memory_space<vmem>>)
    %scan3A = arith.constant 0 : i32
    %scan3A_12 = arith.constant 0 : i32
    %scan3A_13 = arith.constant 13 : i32
    %scan3A_14 = arith.addi %scan3A_12, %scan3A_13 : i32
    %scan3A_15 = arith.constant 1 : i32
    scf.for %scan3A_321 = %scan3A_12 to %scan3A_14 step %scan3A_15  : i32 {
      %mul3A_322 = arith.constant 2 : i32
      %mul3A_323 = arith.muli %scan3A_321, %mul3A_322 : i32
      %add3A_324 = arith.constant 0 : i32
      %add3A_325 = arith.addi %mul3A_323, %add3A_324 : i32
      %ge3A = arith.constant 2 : i32
      %ge3A_326 = arith.cmpi sge, %add3A_325, %ge3A : i32
      %convert_element_type3A = arith.extui %ge3A_326 : i1 to i32
      %cond3A = arith.constant 0 : i32
      %cond3A_327 = arith.cmpi ne, %convert_element_type3A, %cond3A : i32
      scf.if %cond3A_327 {
        %dma_wait3A_438 = arith.constant 0 : i32
        %dma_wait3A_439 = tpu.memref_slice %arg6[%dma_wait3A_438] : memref<8192xf32, #tpu.memory_space<vmem>> -> memref<1024xf32, #tpu.memory_space<vmem>>
        %dma_wait3A_440 = arith.constant 0 : i32
        %dma_wait3A_441 = tpu.memref_slice %arg3[%dma_wait3A_440] : memref<13631488xf32, #tpu.memory_space<hbm>> -> memref<1024xf32, #tpu.memory_space<hbm>>
        %dma_wait3A_442 = arith.constant 0 : i32
        %dma_wait3A_443 = tpu.memref_slice %arg3[%dma_wait3A_442] : memref<13631488xf32, #tpu.memory_space<hbm>> -> memref<1024xf32, #tpu.memory_space<hbm>>
        %dma_wait3A_444 = arith.constant 0 : i32
        %dma_wait3A_445 = tpu.memref_slice %arg6[%dma_wait3A_444] : memref<8192xf32, #tpu.memory_space<vmem>> -> memref<1024xf32, #tpu.memory_space<vmem>>
        tpu.wait_dma2 semaphore(%arg8 : memref<!tpu.dma_semaphore, #tpu.memory_space<semaphore_mem>>) src(%dma_wait3A_445 : memref<1024xf32, #tpu.memory_space<vmem>>) dst(%dma_wait3A_443 : memref<1024xf32, #tpu.memory_space<hbm>>)
        %dma_wait3A_446 = arith.constant 0 : i32
        %dma_wait3A_447 = tpu.memref_slice %arg6[%dma_wait3A_446] : memref<8192xf32, #tpu.memory_space<vmem>> -> memref<1024xf32, #tpu.memory_space<vmem>>
        %dma_wait3A_448 = arith.constant 0 : i32
        %dma_wait3A_449 = tpu.memref_slice %arg3[%dma_wait3A_448] : memref<13631488xf32, #tpu.memory_space<hbm>> -> memref<1024xf32, #tpu.memory_space<hbm>>
        %dma_wait3A_450 = arith.constant 0 : i32
        %dma_wait3A_451 = tpu.memref_slice %arg3[%dma_wait3A_450] : memref<13631488xf32, #tpu.memory_space<hbm>> -> memref<1024xf32, #tpu.memory_space<hbm>>
        %dma_wait3A_452 = arith.constant 0 : i32
        %dma_wait3A_453 = tpu.memref_slice %arg6[%dma_wait3A_452] : memref<8192xf32, #tpu.memory_space<vmem>> -> memref<1024xf32, #tpu.memory_space<vmem>>
        tpu.wait_dma2 semaphore(%arg8 : memref<!tpu.dma_semaphore, #tpu.memory_space<semaphore_mem>>) src(%dma_wait3A_453 : memref<1024xf32, #tpu.memory_space<vmem>>) dst(%dma_wait3A_451 : memref<1024xf32, #tpu.memory_space<hbm>>)
        %dma_wait3A_454 = arith.constant 0 : i32
        %dma_wait3A_455 = tpu.memref_slice %arg6[%dma_wait3A_454] : memref<8192xf32, #tpu.memory_space<vmem>> -> memref<1024xf32, #tpu.memory_space<vmem>>
        %dma_wait3A_456 = arith.constant 0 : i32
        %dma_wait3A_457 = tpu.memref_slice %arg3[%dma_wait3A_456] : memref<13631488xf32, #tpu.memory_space<hbm>> -> memref<1024xf32, #tpu.memory_space<hbm>>
        %dma_wait3A_458 = arith.constant 0 : i32
        %dma_wait3A_459 = tpu.memref_slice %arg3[%dma_wait3A_458] : memref<13631488xf32, #tpu.memory_space<hbm>> -> memref<1024xf32, #tpu.memory_space<hbm>>
        %dma_wait3A_460 = arith.constant 0 : i32
        %dma_wait3A_461 = tpu.memref_slice %arg6[%dma_wait3A_460] : memref<8192xf32, #tpu.memory_space<vmem>> -> memref<1024xf32, #tpu.memory_space<vmem>>
        tpu.wait_dma2 semaphore(%arg8 : memref<!tpu.dma_semaphore, #tpu.memory_space<semaphore_mem>>) src(%dma_wait3A_461 : memref<1024xf32, #tpu.memory_space<vmem>>) dst(%dma_wait3A_459 : memref<1024xf32, #tpu.memory_space<hbm>>)
        %dma_wait3A_462 = arith.constant 0 : i32
        %dma_wait3A_463 = tpu.memref_slice %arg6[%dma_wait3A_462] : memref<8192xf32, #tpu.memory_space<vmem>> -> memref<1024xf32, #tpu.memory_space<vmem>>
        %dma_wait3A_464 = arith.constant 0 : i32
        %dma_wait3A_465 = tpu.memref_slice %arg3[%dma_wait3A_464] : memref<13631488xf32, #tpu.memory_space<hbm>> -> memref<1024xf32, #tpu.memory_space<hbm>>
        %dma_wait3A_466 = arith.constant 0 : i32
        %dma_wait3A_467 = tpu.memref_slice %arg3[%dma_wait3A_466] : memref<13631488xf32, #tpu.memory_space<hbm>> -> memref<1024xf32, #tpu.memory_space<hbm>>
        %dma_wait3A_468 = arith.constant 0 : i32
        %dma_wait3A_469 = tpu.memref_slice %arg6[%dma_wait3A_468] : memref<8192xf32, #tpu.memory_space<vmem>> -> memref<1024xf32, #tpu.memory_space<vmem>>
        tpu.wait_dma2 semaphore(%arg8 : memref<!tpu.dma_semaphore, #tpu.memory_space<semaphore_mem>>) src(%dma_wait3A_469 : memref<1024xf32, #tpu.memory_space<vmem>>) dst(%dma_wait3A_467 : memref<1024xf32, #tpu.memory_space<hbm>>)
      } else {
      }
      %mul3A_328 = arith.constant 32 : i32
      %mul3A_329 = arith.muli %add3A_325, %mul3A_328 : i32
      %parallel_loop3A = arith.constant 0 : i32
      %parallel_loop3A_330 = arith.constant 128 : i32
      %parallel_loop3A_331 = arith.constant 1 : i32
      scf.for %parallel_loop3A_438 = %parallel_loop3A to %parallel_loop3A_330 step %parallel_loop3A_331  : i32 {
        %parallel_loop3A_439 = arith.constant 832 : i32
        %parallel_loop3A_440 = arith.muli %parallel_loop3A_438, %parallel_loop3A_439 : i32
        %parallel_loop3A_441 = arith.addi %mul3A_329, %parallel_loop3A_440 : i32
        %parallel_loop3A_442 = arith.index_cast %parallel_loop3A_441 : i32 to index
        %parallel_loop3A_443 = tpu.vector_load %arg4[%parallel_loop3A_442] {strides = array<i32>} : memref<106496xf32, #tpu.memory_space<vmem>>, vector<16xf32>,
        %parallel_loop3A_444 = arith.constant 16 : i32
        %parallel_loop3A_445 = arith.addi %parallel_loop3A_441, %parallel_loop3A_444 : i32
        %parallel_loop3A_446 = arith.index_cast %parallel_loop3A_445 : i32 to index
        %parallel_loop3A_447 = tpu.vector_load %arg4[%parallel_loop3A_446] {strides = array<i32>} : memref<106496xf32, #tpu.memory_space<vmem>>, vector<16xf32>,
        %parallel_loop3A_448 = vector.broadcast %parallel_loop3A_438 : i32 to vector<16xi32>
        %parallel_loop3A_449 = arith.addi %mul3A_3, %parallel_loop3A_448 : vector<16xi32>
        tpu.vector_store_idx %arg5[%parallel_loop3A_449], %parallel_loop3A_443 : memref<4128xf32, #tpu.memory_space<vmem>>[vector<16xi32>], vector<16xf32>,
        %parallel_loop3A_450 = arith.constant 2064 : i32
        %parallel_loop3A_451 = arith.addi %parallel_loop3A_450, %parallel_loop3A_438 : i32
        %parallel_loop3A_452 = vector.broadcast %parallel_loop3A_451 : i32 to vector<16xi32>
        %parallel_loop3A_453 = arith.addi %mul3A_3, %parallel_loop3A_452 : vector<16xi32>
        tpu.vector_store_idx %arg5[%parallel_loop3A_453], %parallel_loop3A_447 : memref<4128xf32, #tpu.memory_space<vmem>>[vector<16xi32>], vector<16xf32>,
      } {sc.loop_unroll_factor = 8 : i64, sc.parallel_access}
      %parallel_loop3A_332 = arith.constant 0 : i32
      %parallel_loop3A_333 = arith.constant 32 : i32
      %parallel_loop3A_334 = arith.constant 1 : i32
      scf.for %parallel_loop3A_438 = %parallel_loop3A_332 to %parallel_loop3A_333 step %parallel_loop3A_334  : i32 {
        %parallel_loop3A_439 = arith.constant 129 : i32
        %parallel_loop3A_440 = arith.muli %parallel_loop3A_438, %parallel_loop3A_439 : i32
        %parallel_loop3A_441 = arith.constant 0 : i32
        %parallel_loop3A_442 = arith.addi %parallel_loop3A_440, %parallel_loop3A_441 : i32
        %parallel_loop3A_443 = arith.index_cast %parallel_loop3A_442 : i32 to index
        %parallel_loop3A_444 = tpu.vector_load %arg5[%parallel_loop3A_443] {strides = array<i32>} : memref<4128xf32, #tpu.memory_space<vmem>>, vector<16xf32>,
        %parallel_loop3A_445 = arith.constant 128 : i32
        %parallel_loop3A_446 = arith.muli %parallel_loop3A_438, %parallel_loop3A_445 : i32
        %parallel_loop3A_447 = arith.constant 0 : i32
        %parallel_loop3A_448 = arith.addi %parallel_loop3A_447, %parallel_loop3A_446 : i32
        %parallel_loop3A_449 = arith.constant 0 : i32
        %parallel_loop3A_450 = arith.addi %parallel_loop3A_448, %parallel_loop3A_449 : i32
        %parallel_loop3A_451 = arith.index_cast %parallel_loop3A_450 : i32 to index
        %parallel_loop3A_452 = tpu.vector_load %arg6[%parallel_loop3A_451] {strides = array<i32>} : memref<8192xf32, #tpu.memory_space<vmem>>, vector<16xf32>,
        tpu.vector_store %arg6[%parallel_loop3A_451], %parallel_loop3A_444 {strides = array<i32>} : memref<8192xf32, #tpu.memory_space<vmem>>, vector<16xf32>,
        %parallel_loop3A_453 = arith.constant 129 : i32
        %parallel_loop3A_454 = arith.muli %parallel_loop3A_438, %parallel_loop3A_453 : i32
        %parallel_loop3A_455 = arith.constant 16 : i32
        %parallel_loop3A_456 = arith.addi %parallel_loop3A_454, %parallel_loop3A_455 : i32
        %parallel_loop3A_457 = arith.index_cast %parallel_loop3A_456 : i32 to index
        %parallel_loop3A_458 = tpu.vector_load %arg5[%parallel_loop3A_457] {strides = array<i32>} : memref<4128xf32, #tpu.memory_space<vmem>>, vector<16xf32>,
        %parallel_loop3A_459 = arith.constant 128 : i32
        %parallel_loop3A_460 = arith.muli %parallel_loop3A_438, %parallel_loop3A_459 : i32
        %parallel_loop3A_461 = arith.constant 0 : i32
        %parallel_loop3A_462 = arith.addi %parallel_loop3A_461, %parallel_loop3A_460 : i32
        %parallel_loop3A_463 = arith.constant 16 : i32
        %parallel_loop3A_464 = arith.addi %parallel_loop3A_462, %parallel_loop3A_463 : i32
        %parallel_loop3A_465 = arith.index_cast %parallel_loop3A_464 : i32 to index
        %parallel_loop3A_466 = tpu.vector_load %arg6[%parallel_loop3A_465] {strides = array<i32>} : memref<8192xf32, #tpu.memory_space<vmem>>, vector<16xf32>,
        tpu.vector_store %arg6[%parallel_loop3A_465], %parallel_loop3A_458 {strides = array<i32>} : memref<8192xf32, #tpu.memory_space<vmem>>, vector<16xf32>,
        %parallel_loop3A_467 = arith.constant 129 : i32
        %parallel_loop3A_468 = arith.muli %parallel_loop3A_438, %parallel_loop3A_467 : i32
        %parallel_loop3A_469 = arith.constant 32 : i32
        %parallel_loop3A_470 = arith.addi %parallel_loop3A_468, %parallel_loop3A_469 : i32
        %parallel_loop3A_471 = arith.index_cast %parallel_loop3A_470 : i32 to index
        %parallel_loop3A_472 = tpu.vector_load %arg5[%parallel_loop3A_471] {strides = array<i32>} : memref<4128xf32, #tpu.memory_space<vmem>>, vector<16xf32>,
        %parallel_loop3A_473 = arith.constant 128 : i32
        %parallel_loop3A_474 = arith.muli %parallel_loop3A_438, %parallel_loop3A_473 : i32
        %parallel_loop3A_475 = arith.constant 0 : i32
        %parallel_loop3A_476 = arith.addi %parallel_loop3A_475, %parallel_loop3A_474 : i32
        %parallel_loop3A_477 = arith.constant 32 : i32
        %parallel_loop3A_478 = arith.addi %parallel_loop3A_476, %parallel_loop3A_477 : i32
        %parallel_loop3A_479 = arith.index_cast %parallel_loop3A_478 : i32 to index
        %parallel_loop3A_480 = tpu.vector_load %arg6[%parallel_loop3A_479] {strides = array<i32>} : memref<8192xf32, #tpu.memory_space<vmem>>, vector<16xf32>,
        tpu.vector_store %arg6[%parallel_loop3A_479], %parallel_loop3A_472 {strides = array<i32>} : memref<8192xf32, #tpu.memory_space<vmem>>, vector<16xf32>,
        %parallel_loop3A_481 = arith.constant 129 : i32
        %parallel_loop3A_482 = arith.muli %parallel_loop3A_438, %parallel_loop3A_481 : i32
        %parallel_loop3A_483 = arith.constant 48 : i32
        %parallel_loop3A_484 = arith.addi %parallel_loop3A_482, %parallel_loop3A_483 : i32
        %parallel_loop3A_485 = arith.index_cast %parallel_loop3A_484 : i32 to index
        %parallel_loop3A_486 = tpu.vector_load %arg5[%parallel_loop3A_485] {strides = array<i32>} : memref<4128xf32, #tpu.memory_space<vmem>>, vector<16xf32>,
        %parallel_loop3A_487 = arith.constant 128 : i32
        %parallel_loop3A_488 = arith.muli %parallel_loop3A_438, %parallel_loop3A_487 : i32
        %parallel_loop3A_489 = arith.constant 0 : i32
        %parallel_loop3A_490 = arith.addi %parallel_loop3A_489, %parallel_loop3A_488 : i32
        %parallel_loop3A_491 = arith.constant 48 : i32
        %parallel_loop3A_492 = arith.addi %parallel_loop3A_490, %parallel_loop3A_491 : i32
        %parallel_loop3A_493 = arith.index_cast %parallel_loop3A_492 : i32 to index
        %parallel_loop3A_494 = tpu.vector_load %arg6[%parallel_loop3A_493] {strides = array<i32>} : memref<8192xf32, #tpu.memory_space<vmem>>, vector<16xf32>,
        tpu.vector_store %arg6[%parallel_loop3A_493], %parallel_loop3A_486 {strides = array<i32>} : memref<8192xf32, #tpu.memory_space<vmem>>, vector<16xf32>,
        %parallel_loop3A_495 = arith.constant 129 : i32
        %parallel_loop3A_496 = arith.muli %parallel_loop3A_438, %parallel_loop3A_495 : i32
        %parallel_loop3A_497 = arith.constant 64 : i32
        %parallel_loop3A_498 = arith.addi %parallel_loop3A_496, %parallel_loop3A_497 : i32
        %parallel_loop3A_499 = arith.index_cast %parallel_loop3A_498 : i32 to index
        %parallel_loop3A_500 = tpu.vector_load %arg5[%parallel_loop3A_499] {strides = array<i32>} : memref<4128xf32, #tpu.memory_space<vmem>>, vector<16xf32>,
        %parallel_loop3A_501 = arith.constant 128 : i32
        %parallel_loop3A_502 = arith.muli %parallel_loop3A_438, %parallel_loop3A_501 : i32
        %parallel_loop3A_503 = arith.constant 0 : i32
        %parallel_loop3A_504 = arith.addi %parallel_loop3A_503, %parallel_loop3A_502 : i32
        %parallel_loop3A_505 = arith.constant 64 : i32
        %parallel_loop3A_506 = arith.addi %parallel_loop3A_504, %parallel_loop3A_505 : i32
        %parallel_loop3A_507 = arith.index_cast %parallel_loop3A_506 : i32 to index
        %parallel_loop3A_508 = tpu.vector_load %arg6[%parallel_loop3A_507] {strides = array<i32>} : memref<8192xf32, #tpu.memory_space<vmem>>, vector<16xf32>,
        tpu.vector_store %arg6[%parallel_loop3A_507], %parallel_loop3A_500 {strides = array<i32>} : memref<8192xf32, #tpu.memory_space<vmem>>, vector<16xf32>,
        %parallel_loop3A_509 = arith.constant 129 : i32
        %parallel_loop3A_510 = arith.muli %parallel_loop3A_438, %parallel_loop3A_509 : i32
        %parallel_loop3A_511 = arith.constant 80 : i32
        %parallel_loop3A_512 = arith.addi %parallel_loop3A_510, %parallel_loop3A_511 : i32
        %parallel_loop3A_513 = arith.index_cast %parallel_loop3A_512 : i32 to index
        %parallel_loop3A_514 = tpu.vector_load %arg5[%parallel_loop3A_513] {strides = array<i32>} : memref<4128xf32, #tpu.memory_space<vmem>>, vector<16xf32>,
        %parallel_loop3A_515 = arith.constant 128 : i32
        %parallel_loop3A_516 = arith.muli %parallel_loop3A_438, %parallel_loop3A_515 : i32
        %parallel_loop3A_517 = arith.constant 0 : i32
        %parallel_loop3A_518 = arith.addi %parallel_loop3A_517, %parallel_loop3A_516 : i32
        %parallel_loop3A_519 = arith.constant 80 : i32
        %parallel_loop3A_520 = arith.addi %parallel_loop3A_518, %parallel_loop3A_519 : i32
        %parallel_loop3A_521 = arith.index_cast %parallel_loop3A_520 : i32 to index
        %parallel_loop3A_522 = tpu.vector_load %arg6[%parallel_loop3A_521] {strides = array<i32>} : memref<8192xf32, #tpu.memory_space<vmem>>, vector<16xf32>,
        tpu.vector_store %arg6[%parallel_loop3A_521], %parallel_loop3A_514 {strides = array<i32>} : memref<8192xf32, #tpu.memory_space<vmem>>, vector<16xf32>,
        %parallel_loop3A_523 = arith.constant 129 : i32
        %parallel_loop3A_524 = arith.muli %parallel_loop3A_438, %parallel_loop3A_523 : i32
        %parallel_loop3A_525 = arith.constant 96 : i32
        %parallel_loop3A_526 = arith.addi %parallel_loop3A_524, %parallel_loop3A_525 : i32
        %parallel_loop3A_527 = arith.index_cast %parallel_loop3A_526 : i32 to index
        %parallel_loop3A_528 = tpu.vector_load %arg5[%parallel_loop3A_527] {strides = array<i32>} : memref<4128xf32, #tpu.memory_space<vmem>>, vector<16xf32>,
        %parallel_loop3A_529 = arith.constant 128 : i32
        %parallel_loop3A_530 = arith.muli %parallel_loop3A_438, %parallel_loop3A_529 : i32
        %parallel_loop3A_531 = arith.constant 0 : i32
        %parallel_loop3A_532 = arith.addi %parallel_loop3A_531, %parallel_loop3A_530 : i32
        %parallel_loop3A_533 = arith.constant 96 : i32
        %parallel_loop3A_534 = arith.addi %parallel_loop3A_532, %parallel_loop3A_533 : i32
        %parallel_loop3A_535 = arith.index_cast %parallel_loop3A_534 : i32 to index
        %parallel_loop3A_536 = tpu.vector_load %arg6[%parallel_loop3A_535] {strides = array<i32>} : memref<8192xf32, #tpu.memory_space<vmem>>, vector<16xf32>,
        tpu.vector_store %arg6[%parallel_loop3A_535], %parallel_loop3A_528 {strides = array<i32>} : memref<8192xf32, #tpu.memory_space<vmem>>, vector<16xf32>,
        %parallel_loop3A_537 = arith.constant 129 : i32
        %parallel_loop3A_538 = arith.muli %parallel_loop3A_438, %parallel_loop3A_537 : i32
        %parallel_loop3A_539 = arith.constant 112 : i32
        %parallel_loop3A_540 = arith.addi %parallel_loop3A_538, %parallel_loop3A_539 : i32
        %parallel_loop3A_541 = arith.index_cast %parallel_loop3A_540 : i32 to index
        %parallel_loop3A_542 = tpu.vector_load %arg5[%parallel_loop3A_541] {strides = array<i32>} : memref<4128xf32, #tpu.memory_space<vmem>>, vector<16xf32>,
        %parallel_loop3A_543 = arith.constant 128 : i32
        %parallel_loop3A_544 = arith.muli %parallel_loop3A_438, %parallel_loop3A_543 : i32
        %parallel_loop3A_545 = arith.constant 0 : i32
        %parallel_loop3A_546 = arith.addi %parallel_loop3A_545, %parallel_loop3A_544 : i32
        %parallel_loop3A_547 = arith.constant 112 : i32
        %parallel_loop3A_548 = arith.addi %parallel_loop3A_546, %parallel_loop3A_547 : i32
        %parallel_loop3A_549 = arith.index_cast %parallel_loop3A_548 : i32 to index
        %parallel_loop3A_550 = tpu.vector_load %arg6[%parallel_loop3A_549] {strides = array<i32>} : memref<8192xf32, #tpu.memory_space<vmem>>, vector<16xf32>,
        tpu.vector_store %arg6[%parallel_loop3A_549], %parallel_loop3A_542 {strides = array<i32>} : memref<8192xf32, #tpu.memory_space<vmem>>, vector<16xf32>,
      } {sc.loop_unroll_factor = 4 : i64, sc.parallel_access}
      %mul3A_335 = arith.constant 512 : i32
      %mul3A_336 = arith.muli %add3A_325, %mul3A_335 : i32
      %add3A_337 = arith.addi %mul3A_336, %add3A_7 : i32
      %add3A_338 = arith.constant 0 : i32
      %add3A_339 = arith.addi %add3A_337, %add3A_338 : i32
      %mul3A_340 = arith.constant 1024 : i32
      %mul3A_341 = arith.muli %add3A_339, %mul3A_340 : i32
      %dma_start3A_342 = arith.constant 0 : i32
      %dma_start3A_343 = tpu.memref_slice %arg6[%dma_start3A_342] : memref<8192xf32, #tpu.memory_space<vmem>> -> memref<1024xf32, #tpu.memory_space<vmem>>
      %dma_start3A_344 = tpu.memref_slice %arg3[%mul3A_341] : memref<13631488xf32, #tpu.memory_space<hbm>> -> memref<1024xf32, #tpu.memory_space<hbm>>
      %dma_start3A_345 = tpu.memref_slice %arg3[%mul3A_341] : memref<13631488xf32, #tpu.memory_space<hbm>> -> memref<1024xf32, #tpu.memory_space<hbm>>
      %dma_start3A_346 = arith.constant 0 : i32
      %dma_start3A_347 = tpu.memref_slice %arg6[%dma_start3A_346] : memref<8192xf32, #tpu.memory_space<vmem>> -> memref<1024xf32, #tpu.memory_space<vmem>>
      tpu.enqueue_dma source(%dma_start3A_347 : memref<1024xf32, #tpu.memory_space<vmem>>) target(%dma_start3A_345 : memref<1024xf32, #tpu.memory_space<hbm>>) target_semaphore(%arg8 : memref<!tpu.dma_semaphore, #tpu.memory_space<semaphore_mem>>)
      %add3A_348 = arith.constant 128 : i32
      %add3A_349 = arith.addi %add3A_337, %add3A_348 : i32
      %mul3A_350 = arith.constant 1024 : i32
      %mul3A_351 = arith.muli %add3A_349, %mul3A_350 : i32
      %dma_start3A_352 = arith.constant 1024 : i32
      %dma_start3A_353 = tpu.memref_slice %arg6[%dma_start3A_352] : memref<8192xf32, #tpu.memory_space<vmem>> -> memref<1024xf32, #tpu.memory_space<vmem>>
      %dma_start3A_354 = tpu.memref_slice %arg3[%mul3A_351] : memref<13631488xf32, #tpu.memory_space<hbm>> -> memref<1024xf32, #tpu.memory_space<hbm>>
      %dma_start3A_355 = tpu.memref_slice %arg3[%mul3A_351] : memref<13631488xf32, #tpu.memory_space<hbm>> -> memref<1024xf32, #tpu.memory_space<hbm>>
      %dma_start3A_356 = arith.constant 1024 : i32
      %dma_start3A_357 = tpu.memref_slice %arg6[%dma_start3A_356] : memref<8192xf32, #tpu.memory_space<vmem>> -> memref<1024xf32, #tpu.memory_space<vmem>>
      tpu.enqueue_dma source(%dma_start3A_357 : memref<1024xf32, #tpu.memory_space<vmem>>) target(%dma_start3A_355 : memref<1024xf32, #tpu.memory_space<hbm>>) target_semaphore(%arg8 : memref<!tpu.dma_semaphore, #tpu.memory_space<semaphore_mem>>)
      %add3A_358 = arith.constant 256 : i32
      %add3A_359 = arith.addi %add3A_337, %add3A_358 : i32
      %mul3A_360 = arith.constant 1024 : i32
      %mul3A_361 = arith.muli %add3A_359, %mul3A_360 : i32
      %dma_start3A_362 = arith.constant 2048 : i32
      %dma_start3A_363 = tpu.memref_slice %arg6[%dma_start3A_362] : memref<8192xf32, #tpu.memory_space<vmem>> -> memref<1024xf32, #tpu.memory_space<vmem>>
      %dma_start3A_364 = tpu.memref_slice %arg3[%mul3A_361] : memref<13631488xf32, #tpu.memory_space<hbm>> -> memref<1024xf32, #tpu.memory_space<hbm>>
      %dma_start3A_365 = tpu.memref_slice %arg3[%mul3A_361] : memref<13631488xf32, #tpu.memory_space<hbm>> -> memref<1024xf32, #tpu.memory_space<hbm>>
      %dma_start3A_366 = arith.constant 2048 : i32
      %dma_start3A_367 = tpu.memref_slice %arg6[%dma_start3A_366] : memref<8192xf32, #tpu.memory_space<vmem>> -> memref<1024xf32, #tpu.memory_space<vmem>>
      tpu.enqueue_dma source(%dma_start3A_367 : memref<1024xf32, #tpu.memory_space<vmem>>) target(%dma_start3A_365 : memref<1024xf32, #tpu.memory_space<hbm>>) target_semaphore(%arg8 : memref<!tpu.dma_semaphore, #tpu.memory_space<semaphore_mem>>)
      %add3A_368 = arith.constant 384 : i32
      %add3A_369 = arith.addi %add3A_337, %add3A_368 : i32
      %mul3A_370 = arith.constant 1024 : i32
      %mul3A_371 = arith.muli %add3A_369, %mul3A_370 : i32
      %dma_start3A_372 = arith.constant 3072 : i32
      %dma_start3A_373 = tpu.memref_slice %arg6[%dma_start3A_372] : memref<8192xf32, #tpu.memory_space<vmem>> -> memref<1024xf32, #tpu.memory_space<vmem>>
      %dma_start3A_374 = tpu.memref_slice %arg3[%mul3A_371] : memref<13631488xf32, #tpu.memory_space<hbm>> -> memref<1024xf32, #tpu.memory_space<hbm>>
      %dma_start3A_375 = tpu.memref_slice %arg3[%mul3A_371] : memref<13631488xf32, #tpu.memory_space<hbm>> -> memref<1024xf32, #tpu.memory_space<hbm>>
      %dma_start3A_376 = arith.constant 3072 : i32
      %dma_start3A_377 = tpu.memref_slice %arg6[%dma_start3A_376] : memref<8192xf32, #tpu.memory_space<vmem>> -> memref<1024xf32, #tpu.memory_space<vmem>>
      tpu.enqueue_dma source(%dma_start3A_377 : memref<1024xf32, #tpu.memory_space<vmem>>) target(%dma_start3A_375 : memref<1024xf32, #tpu.memory_space<hbm>>) target_semaphore(%arg8 : memref<!tpu.dma_semaphore, #tpu.memory_space<semaphore_mem>>)
      %mul3A_378 = arith.constant 2 : i32
      %mul3A_379 = arith.muli %scan3A_321, %mul3A_378 : i32
      %add3A_380 = arith.constant 1 : i32
      %add3A_381 = arith.addi %mul3A_379, %add3A_380 : i32
      %ge3A_382 = arith.constant 2 : i32
      %ge3A_383 = arith.cmpi sge, %add3A_381, %ge3A_382 : i32
      %convert_element_type3A_384 = arith.extui %ge3A_383 : i1 to i32
      %cond3A_385 = arith.constant 0 : i32
      %cond3A_386 = arith.cmpi ne, %convert_element_type3A_384, %cond3A_385 : i32
      scf.if %cond3A_386 {
        %dma_wait3A_438 = arith.constant 0 : i32
        %dma_wait3A_439 = tpu.memref_slice %arg6[%dma_wait3A_438] : memref<8192xf32, #tpu.memory_space<vmem>> -> memref<1024xf32, #tpu.memory_space<vmem>>
        %dma_wait3A_440 = arith.constant 0 : i32
        %dma_wait3A_441 = tpu.memref_slice %arg3[%dma_wait3A_440] : memref<13631488xf32, #tpu.memory_space<hbm>> -> memref<1024xf32, #tpu.memory_space<hbm>>
        %dma_wait3A_442 = arith.constant 0 : i32
        %dma_wait3A_443 = tpu.memref_slice %arg3[%dma_wait3A_442] : memref<13631488xf32, #tpu.memory_space<hbm>> -> memref<1024xf32, #tpu.memory_space<hbm>>
        %dma_wait3A_444 = arith.constant 0 : i32
        %dma_wait3A_445 = tpu.memref_slice %arg6[%dma_wait3A_444] : memref<8192xf32, #tpu.memory_space<vmem>> -> memref<1024xf32, #tpu.memory_space<vmem>>
        tpu.wait_dma2 semaphore(%arg9 : memref<!tpu.dma_semaphore, #tpu.memory_space<semaphore_mem>>) src(%dma_wait3A_445 : memref<1024xf32, #tpu.memory_space<vmem>>) dst(%dma_wait3A_443 : memref<1024xf32, #tpu.memory_space<hbm>>)
        %dma_wait3A_446 = arith.constant 0 : i32
        %dma_wait3A_447 = tpu.memref_slice %arg6[%dma_wait3A_446] : memref<8192xf32, #tpu.memory_space<vmem>> -> memref<1024xf32, #tpu.memory_space<vmem>>
        %dma_wait3A_448 = arith.constant 0 : i32
        %dma_wait3A_449 = tpu.memref_slice %arg3[%dma_wait3A_448] : memref<13631488xf32, #tpu.memory_space<hbm>> -> memref<1024xf32, #tpu.memory_space<hbm>>
        %dma_wait3A_450 = arith.constant 0 : i32
        %dma_wait3A_451 = tpu.memref_slice %arg3[%dma_wait3A_450] : memref<13631488xf32, #tpu.memory_space<hbm>> -> memref<1024xf32, #tpu.memory_space<hbm>>
        %dma_wait3A_452 = arith.constant 0 : i32
        %dma_wait3A_453 = tpu.memref_slice %arg6[%dma_wait3A_452] : memref<8192xf32, #tpu.memory_space<vmem>> -> memref<1024xf32, #tpu.memory_space<vmem>>
        tpu.wait_dma2 semaphore(%arg9 : memref<!tpu.dma_semaphore, #tpu.memory_space<semaphore_mem>>) src(%dma_wait3A_453 : memref<1024xf32, #tpu.memory_space<vmem>>) dst(%dma_wait3A_451 : memref<1024xf32, #tpu.memory_space<hbm>>)
        %dma_wait3A_454 = arith.constant 0 : i32
        %dma_wait3A_455 = tpu.memref_slice %arg6[%dma_wait3A_454] : memref<8192xf32, #tpu.memory_space<vmem>> -> memref<1024xf32, #tpu.memory_space<vmem>>
        %dma_wait3A_456 = arith.constant 0 : i32
        %dma_wait3A_457 = tpu.memref_slice %arg3[%dma_wait3A_456] : memref<13631488xf32, #tpu.memory_space<hbm>> -> memref<1024xf32, #tpu.memory_space<hbm>>
        %dma_wait3A_458 = arith.constant 0 : i32
        %dma_wait3A_459 = tpu.memref_slice %arg3[%dma_wait3A_458] : memref<13631488xf32, #tpu.memory_space<hbm>> -> memref<1024xf32, #tpu.memory_space<hbm>>
        %dma_wait3A_460 = arith.constant 0 : i32
        %dma_wait3A_461 = tpu.memref_slice %arg6[%dma_wait3A_460] : memref<8192xf32, #tpu.memory_space<vmem>> -> memref<1024xf32, #tpu.memory_space<vmem>>
        tpu.wait_dma2 semaphore(%arg9 : memref<!tpu.dma_semaphore, #tpu.memory_space<semaphore_mem>>) src(%dma_wait3A_461 : memref<1024xf32, #tpu.memory_space<vmem>>) dst(%dma_wait3A_459 : memref<1024xf32, #tpu.memory_space<hbm>>)
        %dma_wait3A_462 = arith.constant 0 : i32
        %dma_wait3A_463 = tpu.memref_slice %arg6[%dma_wait3A_462] : memref<8192xf32, #tpu.memory_space<vmem>> -> memref<1024xf32, #tpu.memory_space<vmem>>
        %dma_wait3A_464 = arith.constant 0 : i32
        %dma_wait3A_465 = tpu.memref_slice %arg3[%dma_wait3A_464] : memref<13631488xf32, #tpu.memory_space<hbm>> -> memref<1024xf32, #tpu.memory_space<hbm>>
        %dma_wait3A_466 = arith.constant 0 : i32
        %dma_wait3A_467 = tpu.memref_slice %arg3[%dma_wait3A_466] : memref<13631488xf32, #tpu.memory_space<hbm>> -> memref<1024xf32, #tpu.memory_space<hbm>>
        %dma_wait3A_468 = arith.constant 0 : i32
        %dma_wait3A_469 = tpu.memref_slice %arg6[%dma_wait3A_468] : memref<8192xf32, #tpu.memory_space<vmem>> -> memref<1024xf32, #tpu.memory_space<vmem>>
        tpu.wait_dma2 semaphore(%arg9 : memref<!tpu.dma_semaphore, #tpu.memory_space<semaphore_mem>>) src(%dma_wait3A_469 : memref<1024xf32, #tpu.memory_space<vmem>>) dst(%dma_wait3A_467 : memref<1024xf32, #tpu.memory_space<hbm>>)
      } else {
      }
      %mul3A_387 = arith.constant 32 : i32
      %mul3A_388 = arith.muli %add3A_381, %mul3A_387 : i32
      %parallel_loop3A_389 = arith.constant 0 : i32
      %parallel_loop3A_390 = arith.constant 128 : i32
      %parallel_loop3A_391 = arith.constant 1 : i32
      scf.for %parallel_loop3A_438 = %parallel_loop3A_389 to %parallel_loop3A_390 step %parallel_loop3A_391  : i32 {
        %parallel_loop3A_439 = arith.constant 832 : i32
        %parallel_loop3A_440 = arith.muli %parallel_loop3A_438, %parallel_loop3A_439 : i32
        %parallel_loop3A_441 = arith.addi %mul3A_388, %parallel_loop3A_440 : i32
        %parallel_loop3A_442 = arith.index_cast %parallel_loop3A_441 : i32 to index
        %parallel_loop3A_443 = tpu.vector_load %arg4[%parallel_loop3A_442] {strides = array<i32>} : memref<106496xf32, #tpu.memory_space<vmem>>, vector<16xf32>,
        %parallel_loop3A_444 = arith.constant 16 : i32
        %parallel_loop3A_445 = arith.addi %parallel_loop3A_441, %parallel_loop3A_444 : i32
        %parallel_loop3A_446 = arith.index_cast %parallel_loop3A_445 : i32 to index
        %parallel_loop3A_447 = tpu.vector_load %arg4[%parallel_loop3A_446] {strides = array<i32>} : memref<106496xf32, #tpu.memory_space<vmem>>, vector<16xf32>,
        %parallel_loop3A_448 = vector.broadcast %parallel_loop3A_438 : i32 to vector<16xi32>
        %parallel_loop3A_449 = arith.addi %mul3A_3, %parallel_loop3A_448 : vector<16xi32>
        tpu.vector_store_idx %arg5[%parallel_loop3A_449], %parallel_loop3A_443 : memref<4128xf32, #tpu.memory_space<vmem>>[vector<16xi32>], vector<16xf32>,
        %parallel_loop3A_450 = arith.constant 2064 : i32
        %parallel_loop3A_451 = arith.addi %parallel_loop3A_450, %parallel_loop3A_438 : i32
        %parallel_loop3A_452 = vector.broadcast %parallel_loop3A_451 : i32 to vector<16xi32>
        %parallel_loop3A_453 = arith.addi %mul3A_3, %parallel_loop3A_452 : vector<16xi32>
        tpu.vector_store_idx %arg5[%parallel_loop3A_453], %parallel_loop3A_447 : memref<4128xf32, #tpu.memory_space<vmem>>[vector<16xi32>], vector<16xf32>,
      } {sc.loop_unroll_factor = 8 : i64, sc.parallel_access}
      %parallel_loop3A_392 = arith.constant 0 : i32
      %parallel_loop3A_393 = arith.constant 32 : i32
      %parallel_loop3A_394 = arith.constant 1 : i32
      scf.for %parallel_loop3A_438 = %parallel_loop3A_392 to %parallel_loop3A_393 step %parallel_loop3A_394  : i32 {
        %parallel_loop3A_439 = arith.constant 129 : i32
        %parallel_loop3A_440 = arith.muli %parallel_loop3A_438, %parallel_loop3A_439 : i32
        %parallel_loop3A_441 = arith.constant 0 : i32
        %parallel_loop3A_442 = arith.addi %parallel_loop3A_440, %parallel_loop3A_441 : i32
        %parallel_loop3A_443 = arith.index_cast %parallel_loop3A_442 : i32 to index
        %parallel_loop3A_444 = tpu.vector_load %arg5[%parallel_loop3A_443] {strides = array<i32>} : memref<4128xf32, #tpu.memory_space<vmem>>, vector<16xf32>,
        %parallel_loop3A_445 = arith.constant 128 : i32
        %parallel_loop3A_446 = arith.muli %parallel_loop3A_438, %parallel_loop3A_445 : i32
        %parallel_loop3A_447 = arith.constant 4096 : i32
        %parallel_loop3A_448 = arith.addi %parallel_loop3A_447, %parallel_loop3A_446 : i32
        %parallel_loop3A_449 = arith.constant 0 : i32
        %parallel_loop3A_450 = arith.addi %parallel_loop3A_448, %parallel_loop3A_449 : i32
        %parallel_loop3A_451 = arith.index_cast %parallel_loop3A_450 : i32 to index
        %parallel_loop3A_452 = tpu.vector_load %arg6[%parallel_loop3A_451] {strides = array<i32>} : memref<8192xf32, #tpu.memory_space<vmem>>, vector<16xf32>,
        tpu.vector_store %arg6[%parallel_loop3A_451], %parallel_loop3A_444 {strides = array<i32>} : memref<8192xf32, #tpu.memory_space<vmem>>, vector<16xf32>,
        %parallel_loop3A_453 = arith.constant 129 : i32
        %parallel_loop3A_454 = arith.muli %parallel_loop3A_438, %parallel_loop3A_453 : i32
        %parallel_loop3A_455 = arith.constant 16 : i32
        %parallel_loop3A_456 = arith.addi %parallel_loop3A_454, %parallel_loop3A_455 : i32
        %parallel_loop3A_457 = arith.index_cast %parallel_loop3A_456 : i32 to index
        %parallel_loop3A_458 = tpu.vector_load %arg5[%parallel_loop3A_457] {strides = array<i32>} : memref<4128xf32, #tpu.memory_space<vmem>>, vector<16xf32>,
        %parallel_loop3A_459 = arith.constant 128 : i32
        %parallel_loop3A_460 = arith.muli %parallel_loop3A_438, %parallel_loop3A_459 : i32
        %parallel_loop3A_461 = arith.constant 4096 : i32
        %parallel_loop3A_462 = arith.addi %parallel_loop3A_461, %parallel_loop3A_460 : i32
        %parallel_loop3A_463 = arith.constant 16 : i32
        %parallel_loop3A_464 = arith.addi %parallel_loop3A_462, %parallel_loop3A_463 : i32
        %parallel_loop3A_465 = arith.index_cast %parallel_loop3A_464 : i32 to index
        %parallel_loop3A_466 = tpu.vector_load %arg6[%parallel_loop3A_465] {strides = array<i32>} : memref<8192xf32, #tpu.memory_space<vmem>>, vector<16xf32>,
        tpu.vector_store %arg6[%parallel_loop3A_465], %parallel_loop3A_458 {strides = array<i32>} : memref<8192xf32, #tpu.memory_space<vmem>>, vector<16xf32>,
        %parallel_loop3A_467 = arith.constant 129 : i32
        %parallel_loop3A_468 = arith.muli %parallel_loop3A_438, %parallel_loop3A_467 : i32
        %parallel_loop3A_469 = arith.constant 32 : i32
        %parallel_loop3A_470 = arith.addi %parallel_loop3A_468, %parallel_loop3A_469 : i32
        %parallel_loop3A_471 = arith.index_cast %parallel_loop3A_470 : i32 to index
        %parallel_loop3A_472 = tpu.vector_load %arg5[%parallel_loop3A_471] {strides = array<i32>} : memref<4128xf32, #tpu.memory_space<vmem>>, vector<16xf32>,
        %parallel_loop3A_473 = arith.constant 128 : i32
        %parallel_loop3A_474 = arith.muli %parallel_loop3A_438, %parallel_loop3A_473 : i32
        %parallel_loop3A_475 = arith.constant 4096 : i32
        %parallel_loop3A_476 = arith.addi %parallel_loop3A_475, %parallel_loop3A_474 : i32
        %parallel_loop3A_477 = arith.constant 32 : i32
        %parallel_loop3A_478 = arith.addi %parallel_loop3A_476, %parallel_loop3A_477 : i32
        %parallel_loop3A_479 = arith.index_cast %parallel_loop3A_478 : i32 to index
        %parallel_loop3A_480 = tpu.vector_load %arg6[%parallel_loop3A_479] {strides = array<i32>} : memref<8192xf32, #tpu.memory_space<vmem>>, vector<16xf32>,
        tpu.vector_store %arg6[%parallel_loop3A_479], %parallel_loop3A_472 {strides = array<i32>} : memref<8192xf32, #tpu.memory_space<vmem>>, vector<16xf32>,
        %parallel_loop3A_481 = arith.constant 129 : i32
        %parallel_loop3A_482 = arith.muli %parallel_loop3A_438, %parallel_loop3A_481 : i32
        %parallel_loop3A_483 = arith.constant 48 : i32
        %parallel_loop3A_484 = arith.addi %parallel_loop3A_482, %parallel_loop3A_483 : i32
        %parallel_loop3A_485 = arith.index_cast %parallel_loop3A_484 : i32 to index
        %parallel_loop3A_486 = tpu.vector_load %arg5[%parallel_loop3A_485] {strides = array<i32>} : memref<4128xf32, #tpu.memory_space<vmem>>, vector<16xf32>,
        %parallel_loop3A_487 = arith.constant 128 : i32
        %parallel_loop3A_488 = arith.muli %parallel_loop3A_438, %parallel_loop3A_487 : i32
        %parallel_loop3A_489 = arith.constant 4096 : i32
        %parallel_loop3A_490 = arith.addi %parallel_loop3A_489, %parallel_loop3A_488 : i32
        %parallel_loop3A_491 = arith.constant 48 : i32
        %parallel_loop3A_492 = arith.addi %parallel_loop3A_490, %parallel_loop3A_491 : i32
        %parallel_loop3A_493 = arith.index_cast %parallel_loop3A_492 : i32 to index
        %parallel_loop3A_494 = tpu.vector_load %arg6[%parallel_loop3A_493] {strides = array<i32>} : memref<8192xf32, #tpu.memory_space<vmem>>, vector<16xf32>,
        tpu.vector_store %arg6[%parallel_loop3A_493], %parallel_loop3A_486 {strides = array<i32>} : memref<8192xf32, #tpu.memory_space<vmem>>, vector<16xf32>,
        %parallel_loop3A_495 = arith.constant 129 : i32
        %parallel_loop3A_496 = arith.muli %parallel_loop3A_438, %parallel_loop3A_495 : i32
        %parallel_loop3A_497 = arith.constant 64 : i32
        %parallel_loop3A_498 = arith.addi %parallel_loop3A_496, %parallel_loop3A_497 : i32
        %parallel_loop3A_499 = arith.index_cast %parallel_loop3A_498 : i32 to index
        %parallel_loop3A_500 = tpu.vector_load %arg5[%parallel_loop3A_499] {strides = array<i32>} : memref<4128xf32, #tpu.memory_space<vmem>>, vector<16xf32>,
        %parallel_loop3A_501 = arith.constant 128 : i32
        %parallel_loop3A_502 = arith.muli %parallel_loop3A_438, %parallel_loop3A_501 : i32
        %parallel_loop3A_503 = arith.constant 4096 : i32
        %parallel_loop3A_504 = arith.addi %parallel_loop3A_503, %parallel_loop3A_502 : i32
        %parallel_loop3A_505 = arith.constant 64 : i32
        %parallel_loop3A_506 = arith.addi %parallel_loop3A_504, %parallel_loop3A_505 : i32
        %parallel_loop3A_507 = arith.index_cast %parallel_loop3A_506 : i32 to index
        %parallel_loop3A_508 = tpu.vector_load %arg6[%parallel_loop3A_507] {strides = array<i32>} : memref<8192xf32, #tpu.memory_space<vmem>>, vector<16xf32>,
        tpu.vector_store %arg6[%parallel_loop3A_507], %parallel_loop3A_500 {strides = array<i32>} : memref<8192xf32, #tpu.memory_space<vmem>>, vector<16xf32>,
        %parallel_loop3A_509 = arith.constant 129 : i32
        %parallel_loop3A_510 = arith.muli %parallel_loop3A_438, %parallel_loop3A_509 : i32
        %parallel_loop3A_511 = arith.constant 80 : i32
        %parallel_loop3A_512 = arith.addi %parallel_loop3A_510, %parallel_loop3A_511 : i32
        %parallel_loop3A_513 = arith.index_cast %parallel_loop3A_512 : i32 to index
        %parallel_loop3A_514 = tpu.vector_load %arg5[%parallel_loop3A_513] {strides = array<i32>} : memref<4128xf32, #tpu.memory_space<vmem>>, vector<16xf32>,
        %parallel_loop3A_515 = arith.constant 128 : i32
        %parallel_loop3A_516 = arith.muli %parallel_loop3A_438, %parallel_loop3A_515 : i32
        %parallel_loop3A_517 = arith.constant 4096 : i32
        %parallel_loop3A_518 = arith.addi %parallel_loop3A_517, %parallel_loop3A_516 : i32
        %parallel_loop3A_519 = arith.constant 80 : i32
        %parallel_loop3A_520 = arith.addi %parallel_loop3A_518, %parallel_loop3A_519 : i32
        %parallel_loop3A_521 = arith.index_cast %parallel_loop3A_520 : i32 to index
        %parallel_loop3A_522 = tpu.vector_load %arg6[%parallel_loop3A_521] {strides = array<i32>} : memref<8192xf32, #tpu.memory_space<vmem>>, vector<16xf32>,
        tpu.vector_store %arg6[%parallel_loop3A_521], %parallel_loop3A_514 {strides = array<i32>} : memref<8192xf32, #tpu.memory_space<vmem>>, vector<16xf32>,
        %parallel_loop3A_523 = arith.constant 129 : i32
        %parallel_loop3A_524 = arith.muli %parallel_loop3A_438, %parallel_loop3A_523 : i32
        %parallel_loop3A_525 = arith.constant 96 : i32
        %parallel_loop3A_526 = arith.addi %parallel_loop3A_524, %parallel_loop3A_525 : i32
        %parallel_loop3A_527 = arith.index_cast %parallel_loop3A_526 : i32 to index
        %parallel_loop3A_528 = tpu.vector_load %arg5[%parallel_loop3A_527] {strides = array<i32>} : memref<4128xf32, #tpu.memory_space<vmem>>, vector<16xf32>,
        %parallel_loop3A_529 = arith.constant 128 : i32
        %parallel_loop3A_530 = arith.muli %parallel_loop3A_438, %parallel_loop3A_529 : i32
        %parallel_loop3A_531 = arith.constant 4096 : i32
        %parallel_loop3A_532 = arith.addi %parallel_loop3A_531, %parallel_loop3A_530 : i32
        %parallel_loop3A_533 = arith.constant 96 : i32
        %parallel_loop3A_534 = arith.addi %parallel_loop3A_532, %parallel_loop3A_533 : i32
        %parallel_loop3A_535 = arith.index_cast %parallel_loop3A_534 : i32 to index
        %parallel_loop3A_536 = tpu.vector_load %arg6[%parallel_loop3A_535] {strides = array<i32>} : memref<8192xf32, #tpu.memory_space<vmem>>, vector<16xf32>,
        tpu.vector_store %arg6[%parallel_loop3A_535], %parallel_loop3A_528 {strides = array<i32>} : memref<8192xf32, #tpu.memory_space<vmem>>, vector<16xf32>,
        %parallel_loop3A_537 = arith.constant 129 : i32
        %parallel_loop3A_538 = arith.muli %parallel_loop3A_438, %parallel_loop3A_537 : i32
        %parallel_loop3A_539 = arith.constant 112 : i32
        %parallel_loop3A_540 = arith.addi %parallel_loop3A_538, %parallel_loop3A_539 : i32
        %parallel_loop3A_541 = arith.index_cast %parallel_loop3A_540 : i32 to index
        %parallel_loop3A_542 = tpu.vector_load %arg5[%parallel_loop3A_541] {strides = array<i32>} : memref<4128xf32, #tpu.memory_space<vmem>>, vector<16xf32>,
        %parallel_loop3A_543 = arith.constant 128 : i32
        %parallel_loop3A_544 = arith.muli %parallel_loop3A_438, %parallel_loop3A_543 : i32
        %parallel_loop3A_545 = arith.constant 4096 : i32
        %parallel_loop3A_546 = arith.addi %parallel_loop3A_545, %parallel_loop3A_544 : i32
        %parallel_loop3A_547 = arith.constant 112 : i32
        %parallel_loop3A_548 = arith.addi %parallel_loop3A_546, %parallel_loop3A_547 : i32
        %parallel_loop3A_549 = arith.index_cast %parallel_loop3A_548 : i32 to index
        %parallel_loop3A_550 = tpu.vector_load %arg6[%parallel_loop3A_549] {strides = array<i32>} : memref<8192xf32, #tpu.memory_space<vmem>>, vector<16xf32>,
        tpu.vector_store %arg6[%parallel_loop3A_549], %parallel_loop3A_542 {strides = array<i32>} : memref<8192xf32, #tpu.memory_space<vmem>>, vector<16xf32>,
      } {sc.loop_unroll_factor = 4 : i64, sc.parallel_access}
      %mul3A_395 = arith.constant 512 : i32
      %mul3A_396 = arith.muli %add3A_381, %mul3A_395 : i32
      %add3A_397 = arith.addi %mul3A_396, %add3A_7 : i32
      %add3A_398 = arith.constant 0 : i32
      %add3A_399 = arith.addi %add3A_397, %add3A_398 : i32
      %mul3A_400 = arith.constant 1024 : i32
      %mul3A_401 = arith.muli %add3A_399, %mul3A_400 : i32
      %dma_start3A_402 = arith.constant 4096 : i32
      %dma_start3A_403 = tpu.memref_slice %arg6[%dma_start3A_402] : memref<8192xf32, #tpu.memory_space<vmem>> -> memref<1024xf32, #tpu.memory_space<vmem>>
      %dma_start3A_404 = tpu.memref_slice %arg3[%mul3A_401] : memref<13631488xf32, #tpu.memory_space<hbm>> -> memref<1024xf32, #tpu.memory_space<hbm>>
      %dma_start3A_405 = tpu.memref_slice %arg3[%mul3A_401] : memref<13631488xf32, #tpu.memory_space<hbm>> -> memref<1024xf32, #tpu.memory_space<hbm>>
      %dma_start3A_406 = arith.constant 4096 : i32
      %dma_start3A_407 = tpu.memref_slice %arg6[%dma_start3A_406] : memref<8192xf32, #tpu.memory_space<vmem>> -> memref<1024xf32, #tpu.memory_space<vmem>>
      tpu.enqueue_dma source(%dma_start3A_407 : memref<1024xf32, #tpu.memory_space<vmem>>) target(%dma_start3A_405 : memref<1024xf32, #tpu.memory_space<hbm>>) target_semaphore(%arg9 : memref<!tpu.dma_semaphore, #tpu.memory_space<semaphore_mem>>)
      %add3A_408 = arith.constant 128 : i32
      %add3A_409 = arith.addi %add3A_397, %add3A_408 : i32
      %mul3A_410 = arith.constant 1024 : i32
      %mul3A_411 = arith.muli %add3A_409, %mul3A_410 : i32
      %dma_start3A_412 = arith.constant 5120 : i32
      %dma_start3A_413 = tpu.memref_slice %arg6[%dma_start3A_412] : memref<8192xf32, #tpu.memory_space<vmem>> -> memref<1024xf32, #tpu.memory_space<vmem>>
      %dma_start3A_414 = tpu.memref_slice %arg3[%mul3A_411] : memref<13631488xf32, #tpu.memory_space<hbm>> -> memref<1024xf32, #tpu.memory_space<hbm>>
      %dma_start3A_415 = tpu.memref_slice %arg3[%mul3A_411] : memref<13631488xf32, #tpu.memory_space<hbm>> -> memref<1024xf32, #tpu.memory_space<hbm>>
      %dma_start3A_416 = arith.constant 5120 : i32
      %dma_start3A_417 = tpu.memref_slice %arg6[%dma_start3A_416] : memref<8192xf32, #tpu.memory_space<vmem>> -> memref<1024xf32, #tpu.memory_space<vmem>>
      tpu.enqueue_dma source(%dma_start3A_417 : memref<1024xf32, #tpu.memory_space<vmem>>) target(%dma_start3A_415 : memref<1024xf32, #tpu.memory_space<hbm>>) target_semaphore(%arg9 : memref<!tpu.dma_semaphore, #tpu.memory_space<semaphore_mem>>)
      %add3A_418 = arith.constant 256 : i32
      %add3A_419 = arith.addi %add3A_397, %add3A_418 : i32
      %mul3A_420 = arith.constant 1024 : i32
      %mul3A_421 = arith.muli %add3A_419, %mul3A_420 : i32
      %dma_start3A_422 = arith.constant 6144 : i32
      %dma_start3A_423 = tpu.memref_slice %arg6[%dma_start3A_422] : memref<8192xf32, #tpu.memory_space<vmem>> -> memref<1024xf32, #tpu.memory_space<vmem>>
      %dma_start3A_424 = tpu.memref_slice %arg3[%mul3A_421] : memref<13631488xf32, #tpu.memory_space<hbm>> -> memref<1024xf32, #tpu.memory_space<hbm>>
      %dma_start3A_425 = tpu.memref_slice %arg3[%mul3A_421] : memref<13631488xf32, #tpu.memory_space<hbm>> -> memref<1024xf32, #tpu.memory_space<hbm>>
      %dma_start3A_426 = arith.constant 6144 : i32
      %dma_start3A_427 = tpu.memref_slice %arg6[%dma_start3A_426] : memref<8192xf32, #tpu.memory_space<vmem>> -> memref<1024xf32, #tpu.memory_space<vmem>>
      tpu.enqueue_dma source(%dma_start3A_427 : memref<1024xf32, #tpu.memory_space<vmem>>) target(%dma_start3A_425 : memref<1024xf32, #tpu.memory_space<hbm>>) target_semaphore(%arg9 : memref<!tpu.dma_semaphore, #tpu.memory_space<semaphore_mem>>)
      %add3A_428 = arith.constant 384 : i32
      %add3A_429 = arith.addi %add3A_397, %add3A_428 : i32
      %mul3A_430 = arith.constant 1024 : i32
      %mul3A_431 = arith.muli %add3A_429, %mul3A_430 : i32
      %dma_start3A_432 = arith.constant 7168 : i32
      %dma_start3A_433 = tpu.memref_slice %arg6[%dma_start3A_432] : memref<8192xf32, #tpu.memory_space<vmem>> -> memref<1024xf32, #tpu.memory_space<vmem>>
      %dma_start3A_434 = tpu.memref_slice %arg3[%mul3A_431] : memref<13631488xf32, #tpu.memory_space<hbm>> -> memref<1024xf32, #tpu.memory_space<hbm>>
      %dma_start3A_435 = tpu.memref_slice %arg3[%mul3A_431] : memref<13631488xf32, #tpu.memory_space<hbm>> -> memref<1024xf32, #tpu.memory_space<hbm>>
      %dma_start3A_436 = arith.constant 7168 : i32
      %dma_start3A_437 = tpu.memref_slice %arg6[%dma_start3A_436] : memref<8192xf32, #tpu.memory_space<vmem>> -> memref<1024xf32, #tpu.memory_space<vmem>>
      tpu.enqueue_dma source(%dma_start3A_437 : memref<1024xf32, #tpu.memory_space<vmem>>) target(%dma_start3A_435 : memref<1024xf32, #tpu.memory_space<hbm>>) target_semaphore(%arg9 : memref<!tpu.dma_semaphore, #tpu.memory_space<semaphore_mem>>)
    }
    %scan3A_16 = arith.constant 13 : i32
    %dma_wait3A_17 = arith.constant 0 : i32
    %dma_wait3A_18 = tpu.memref_slice %arg6[%dma_wait3A_17] : memref<8192xf32, #tpu.memory_space<vmem>> -> memref<1024xf32, #tpu.memory_space<vmem>>
    %dma_wait3A_19 = arith.constant 0 : i32
    %dma_wait3A_20 = tpu.memref_slice %arg3[%dma_wait3A_19] : memref<13631488xf32, #tpu.memory_space<hbm>> -> memref<1024xf32, #tpu.memory_space<hbm>>
    %dma_wait3A_21 = arith.constant 0 : i32
    %dma_wait3A_22 = tpu.memref_slice %arg3[%dma_wait3A_21] : memref<13631488xf32, #tpu.memory_space<hbm>> -> memref<1024xf32, #tpu.memory_space<hbm>>
    %dma_wait3A_23 = arith.constant 0 : i32
    %dma_wait3A_24 = tpu.memref_slice %arg6[%dma_wait3A_23] : memref<8192xf32, #tpu.memory_space<vmem>> -> memref<1024xf32, #tpu.memory_space<vmem>>
    tpu.wait_dma2 semaphore(%arg8 : memref<!tpu.dma_semaphore, #tpu.memory_space<semaphore_mem>>) src(%dma_wait3A_24 : memref<1024xf32, #tpu.memory_space<vmem>>) dst(%dma_wait3A_22 : memref<1024xf32, #tpu.memory_space<hbm>>)
    %dma_wait3A_25 = arith.constant 0 : i32
    %dma_wait3A_26 = tpu.memref_slice %arg6[%dma_wait3A_25] : memref<8192xf32, #tpu.memory_space<vmem>> -> memref<1024xf32, #tpu.memory_space<vmem>>
    %dma_wait3A_27 = arith.constant 0 : i32
    %dma_wait3A_28 = tpu.memref_slice %arg3[%dma_wait3A_27] : memref<13631488xf32, #tpu.memory_space<hbm>> -> memref<1024xf32, #tpu.memory_space<hbm>>
    %dma_wait3A_29 = arith.constant 0 : i32
    %dma_wait3A_30 = tpu.memref_slice %arg3[%dma_wait3A_29] : memref<13631488xf32, #tpu.memory_space<hbm>> -> memref<1024xf32, #tpu.memory_space<hbm>>
    %dma_wait3A_31 = arith.constant 0 : i32
    %dma_wait3A_32 = tpu.memref_slice %arg6[%dma_wait3A_31] : memref<8192xf32, #tpu.memory_space<vmem>> -> memref<1024xf32, #tpu.memory_space<vmem>>
    tpu.wait_dma2 semaphore(%arg8 : memref<!tpu.dma_semaphore, #tpu.memory_space<semaphore_mem>>) src(%dma_wait3A_32 : memref<1024xf32, #tpu.memory_space<vmem>>) dst(%dma_wait3A_30 : memref<1024xf32, #tpu.memory_space<hbm>>)
    %dma_wait3A_33 = arith.constant 0 : i32
    %dma_wait3A_34 = tpu.memref_slice %arg6[%dma_wait3A_33] : memref<8192xf32, #tpu.memory_space<vmem>> -> memref<1024xf32, #tpu.memory_space<vmem>>
    %dma_wait3A_35 = arith.constant 0 : i32
    %dma_wait3A_36 = tpu.memref_slice %arg3[%dma_wait3A_35] : memref<13631488xf32, #tpu.memory_space<hbm>> -> memref<1024xf32, #tpu.memory_space<hbm>>
    %dma_wait3A_37 = arith.constant 0 : i32
    %dma_wait3A_38 = tpu.memref_slice %arg3[%dma_wait3A_37] : memref<13631488xf32, #tpu.memory_space<hbm>> -> memref<1024xf32, #tpu.memory_space<hbm>>
    %dma_wait3A_39 = arith.constant 0 : i32
    %dma_wait3A_40 = tpu.memref_slice %arg6[%dma_wait3A_39] : memref<8192xf32, #tpu.memory_space<vmem>> -> memref<1024xf32, #tpu.memory_space<vmem>>
    tpu.wait_dma2 semaphore(%arg8 : memref<!tpu.dma_semaphore, #tpu.memory_space<semaphore_mem>>) src(%dma_wait3A_40 : memref<1024xf32, #tpu.memory_space<vmem>>) dst(%dma_wait3A_38 : memref<1024xf32, #tpu.memory_space<hbm>>)
    %dma_wait3A_41 = arith.constant 0 : i32
    %dma_wait3A_42 = tpu.memref_slice %arg6[%dma_wait3A_41] : memref<8192xf32, #tpu.memory_space<vmem>> -> memref<1024xf32, #tpu.memory_space<vmem>>
    %dma_wait3A_43 = arith.constant 0 : i32
    %dma_wait3A_44 = tpu.memref_slice %arg3[%dma_wait3A_43] : memref<13631488xf32, #tpu.memory_space<hbm>> -> memref<1024xf32, #tpu.memory_space<hbm>>
    %dma_wait3A_45 = arith.constant 0 : i32
    %dma_wait3A_46 = tpu.memref_slice %arg3[%dma_wait3A_45] : memref<13631488xf32, #tpu.memory_space<hbm>> -> memref<1024xf32, #tpu.memory_space<hbm>>
    %dma_wait3A_47 = arith.constant 0 : i32
    %dma_wait3A_48 = tpu.memref_slice %arg6[%dma_wait3A_47] : memref<8192xf32, #tpu.memory_space<vmem>> -> memref<1024xf32, #tpu.memory_space<vmem>>
    tpu.wait_dma2 semaphore(%arg8 : memref<!tpu.dma_semaphore, #tpu.memory_space<semaphore_mem>>) src(%dma_wait3A_48 : memref<1024xf32, #tpu.memory_space<vmem>>) dst(%dma_wait3A_46 : memref<1024xf32, #tpu.memory_space<hbm>>)
    %dma_wait3A_49 = arith.constant 0 : i32
    %dma_wait3A_50 = tpu.memref_slice %arg6[%dma_wait3A_49] : memref<8192xf32, #tpu.memory_space<vmem>> -> memref<1024xf32, #tpu.memory_space<vmem>>
    %dma_wait3A_51 = arith.constant 0 : i32
    %dma_wait3A_52 = tpu.memref_slice %arg3[%dma_wait3A_51] : memref<13631488xf32, #tpu.memory_space<hbm>> -> memref<1024xf32, #tpu.memory_space<hbm>>
    %dma_wait3A_53 = arith.constant 0 : i32
    %dma_wait3A_54 = tpu.memref_slice %arg3[%dma_wait3A_53] : memref<13631488xf32, #tpu.memory_space<hbm>> -> memref<1024xf32, #tpu.memory_space<hbm>>
    %dma_wait3A_55 = arith.constant 0 : i32
    %dma_wait3A_56 = tpu.memref_slice %arg6[%dma_wait3A_55] : memref<8192xf32, #tpu.memory_space<vmem>> -> memref<1024xf32, #tpu.memory_space<vmem>>
    tpu.wait_dma2 semaphore(%arg9 : memref<!tpu.dma_semaphore, #tpu.memory_space<semaphore_mem>>) src(%dma_wait3A_56 : memref<1024xf32, #tpu.memory_space<vmem>>) dst(%dma_wait3A_54 : memref<1024xf32, #tpu.memory_space<hbm>>)
    %dma_wait3A_57 = arith.constant 0 : i32
    %dma_wait3A_58 = tpu.memref_slice %arg6[%dma_wait3A_57] : memref<8192xf32, #tpu.memory_space<vmem>> -> memref<1024xf32, #tpu.memory_space<vmem>>
    %dma_wait3A_59 = arith.constant 0 : i32
    %dma_wait3A_60 = tpu.memref_slice %arg3[%dma_wait3A_59] : memref<13631488xf32, #tpu.memory_space<hbm>> -> memref<1024xf32, #tpu.memory_space<hbm>>
    %dma_wait3A_61 = arith.constant 0 : i32
    %dma_wait3A_62 = tpu.memref_slice %arg3[%dma_wait3A_61] : memref<13631488xf32, #tpu.memory_space<hbm>> -> memref<1024xf32, #tpu.memory_space<hbm>>
    %dma_wait3A_63 = arith.constant 0 : i32
    %dma_wait3A_64 = tpu.memref_slice %arg6[%dma_wait3A_63] : memref<8192xf32, #tpu.memory_space<vmem>> -> memref<1024xf32, #tpu.memory_space<vmem>>
    tpu.wait_dma2 semaphore(%arg9 : memref<!tpu.dma_semaphore, #tpu.memory_space<semaphore_mem>>) src(%dma_wait3A_64 : memref<1024xf32, #tpu.memory_space<vmem>>) dst(%dma_wait3A_62 : memref<1024xf32, #tpu.memory_space<hbm>>)
    %dma_wait3A_65 = arith.constant 0 : i32
    %dma_wait3A_66 = tpu.memref_slice %arg6[%dma_wait3A_65] : memref<8192xf32, #tpu.memory_space<vmem>> -> memref<1024xf32, #tpu.memory_space<vmem>>
    %dma_wait3A_67 = arith.constant 0 : i32
    %dma_wait3A_68 = tpu.memref_slice %arg3[%dma_wait3A_67] : memref<13631488xf32, #tpu.memory_space<hbm>> -> memref<1024xf32, #tpu.memory_space<hbm>>
    %dma_wait3A_69 = arith.constant 0 : i32
    %dma_wait3A_70 = tpu.memref_slice %arg3[%dma_wait3A_69] : memref<13631488xf32, #tpu.memory_space<hbm>> -> memref<1024xf32, #tpu.memory_space<hbm>>
    %dma_wait3A_71 = arith.constant 0 : i32
    %dma_wait3A_72 = tpu.memref_slice %arg6[%dma_wait3A_71] : memref<8192xf32, #tpu.memory_space<vmem>> -> memref<1024xf32, #tpu.memory_space<vmem>>
    tpu.wait_dma2 semaphore(%arg9 : memref<!tpu.dma_semaphore, #tpu.memory_space<semaphore_mem>>) src(%dma_wait3A_72 : memref<1024xf32, #tpu.memory_space<vmem>>) dst(%dma_wait3A_70 : memref<1024xf32, #tpu.memory_space<hbm>>)
    %dma_wait3A_73 = arith.constant 0 : i32
    %dma_wait3A_74 = tpu.memref_slice %arg6[%dma_wait3A_73] : memref<8192xf32, #tpu.memory_space<vmem>> -> memref<1024xf32, #tpu.memory_space<vmem>>
    %dma_wait3A_75 = arith.constant 0 : i32
    %dma_wait3A_76 = tpu.memref_slice %arg3[%dma_wait3A_75] : memref<13631488xf32, #tpu.memory_space<hbm>> -> memref<1024xf32, #tpu.memory_space<hbm>>
    %dma_wait3A_77 = arith.constant 0 : i32
    %dma_wait3A_78 = tpu.memref_slice %arg3[%dma_wait3A_77] : memref<13631488xf32, #tpu.memory_space<hbm>> -> memref<1024xf32, #tpu.memory_space<hbm>>
    %dma_wait3A_79 = arith.constant 0 : i32
    %dma_wait3A_80 = tpu.memref_slice %arg6[%dma_wait3A_79] : memref<8192xf32, #tpu.memory_space<vmem>> -> memref<1024xf32, #tpu.memory_space<vmem>>
    tpu.wait_dma2 semaphore(%arg9 : memref<!tpu.dma_semaphore, #tpu.memory_space<semaphore_mem>>) src(%dma_wait3A_80 : memref<1024xf32, #tpu.memory_space<vmem>>) dst(%dma_wait3A_78 : memref<1024xf32, #tpu.memory_space<hbm>>)
    %mul3A_81 = arith.constant 4 : i32
    %mul3A_82 = arith.muli %add3A, %mul3A_81 : i32
    %add3A_83 = arith.constant 1 : i32
    %add3A_84 = arith.addi %mul3A_82, %add3A_83 : i32
    %mul3A_85 = arith.constant 106496 : i32
    %mul3A_86 = arith.muli %add3A_84, %mul3A_85 : i32
    %dma_start3A_87 = tpu.memref_slice %arg2[%mul3A_86] : memref<13631488xf32, #tpu.memory_space<hbm>> -> memref<106496xf32, #tpu.memory_space<hbm>>
    %dma_start3A_88 = tpu.memref_slice %arg2[%mul3A_86] : memref<13631488xf32, #tpu.memory_space<hbm>> -> memref<106496xf32, #tpu.memory_space<hbm>>
    tpu.enqueue_dma source(%dma_start3A_88 : memref<106496xf32, #tpu.memory_space<hbm>>) target(%arg4 : memref<106496xf32, #tpu.memory_space<vmem>>) target_semaphore(%arg7 : memref<!tpu.dma_semaphore, #tpu.memory_space<semaphore_mem>>)
    %dma_wait3A_89 = tpu.memref_slice %arg2[%mul3A_86] : memref<13631488xf32, #tpu.memory_space<hbm>> -> memref<106496xf32, #tpu.memory_space<hbm>>
    %dma_wait3A_90 = tpu.memref_slice %arg2[%mul3A_86] : memref<13631488xf32, #tpu.memory_space<hbm>> -> memref<106496xf32, #tpu.memory_space<hbm>>
    tpu.wait_dma2 semaphore(%arg7 : memref<!tpu.dma_semaphore, #tpu.memory_space<semaphore_mem>>) src(%dma_wait3A_90 : memref<106496xf32, #tpu.memory_space<hbm>>) dst(%arg4 : memref<106496xf32, #tpu.memory_space<vmem>>)
    %scan3A_91 = arith.constant 0 : i32
    %scan3A_92 = arith.constant 0 : i32
    %scan3A_93 = arith.constant 13 : i32
    %scan3A_94 = arith.addi %scan3A_92, %scan3A_93 : i32
    %scan3A_95 = arith.constant 1 : i32
    scf.for %scan3A_321 = %scan3A_92 to %scan3A_94 step %scan3A_95  : i32 {
      %mul3A_322 = arith.constant 2 : i32
      %mul3A_323 = arith.muli %scan3A_321, %mul3A_322 : i32
      %add3A_324 = arith.constant 0 : i32
      %add3A_325 = arith.addi %mul3A_323, %add3A_324 : i32
      %ge3A = arith.constant 2 : i32
      %ge3A_326 = arith.cmpi sge, %add3A_325, %ge3A : i32
      %convert_element_type3A = arith.extui %ge3A_326 : i1 to i32
      %cond3A = arith.constant 0 : i32
      %cond3A_327 = arith.cmpi ne, %convert_element_type3A, %cond3A : i32
      scf.if %cond3A_327 {
        %dma_wait3A_438 = arith.constant 0 : i32
        %dma_wait3A_439 = tpu.memref_slice %arg6[%dma_wait3A_438] : memref<8192xf32, #tpu.memory_space<vmem>> -> memref<1024xf32, #tpu.memory_space<vmem>>
        %dma_wait3A_440 = arith.constant 0 : i32
        %dma_wait3A_441 = tpu.memref_slice %arg3[%dma_wait3A_440] : memref<13631488xf32, #tpu.memory_space<hbm>> -> memref<1024xf32, #tpu.memory_space<hbm>>
        %dma_wait3A_442 = arith.constant 0 : i32
        %dma_wait3A_443 = tpu.memref_slice %arg3[%dma_wait3A_442] : memref<13631488xf32, #tpu.memory_space<hbm>> -> memref<1024xf32, #tpu.memory_space<hbm>>
        %dma_wait3A_444 = arith.constant 0 : i32
        %dma_wait3A_445 = tpu.memref_slice %arg6[%dma_wait3A_444] : memref<8192xf32, #tpu.memory_space<vmem>> -> memref<1024xf32, #tpu.memory_space<vmem>>
        tpu.wait_dma2 semaphore(%arg8 : memref<!tpu.dma_semaphore, #tpu.memory_space<semaphore_mem>>) src(%dma_wait3A_445 : memref<1024xf32, #tpu.memory_space<vmem>>) dst(%dma_wait3A_443 : memref<1024xf32, #tpu.memory_space<hbm>>)
        %dma_wait3A_446 = arith.constant 0 : i32
        %dma_wait3A_447 = tpu.memref_slice %arg6[%dma_wait3A_446] : memref<8192xf32, #tpu.memory_space<vmem>> -> memref<1024xf32, #tpu.memory_space<vmem>>
        %dma_wait3A_448 = arith.constant 0 : i32
        %dma_wait3A_449 = tpu.memref_slice %arg3[%dma_wait3A_448] : memref<13631488xf32, #tpu.memory_space<hbm>> -> memref<1024xf32, #tpu.memory_space<hbm>>
        %dma_wait3A_450 = arith.constant 0 : i32
        %dma_wait3A_451 = tpu.memref_slice %arg3[%dma_wait3A_450] : memref<13631488xf32, #tpu.memory_space<hbm>> -> memref<1024xf32, #tpu.memory_space<hbm>>
        %dma_wait3A_452 = arith.constant 0 : i32
        %dma_wait3A_453 = tpu.memref_slice %arg6[%dma_wait3A_452] : memref<8192xf32, #tpu.memory_space<vmem>> -> memref<1024xf32, #tpu.memory_space<vmem>>
        tpu.wait_dma2 semaphore(%arg8 : memref<!tpu.dma_semaphore, #tpu.memory_space<semaphore_mem>>) src(%dma_wait3A_453 : memref<1024xf32, #tpu.memory_space<vmem>>) dst(%dma_wait3A_451 : memref<1024xf32, #tpu.memory_space<hbm>>)
        %dma_wait3A_454 = arith.constant 0 : i32
        %dma_wait3A_455 = tpu.memref_slice %arg6[%dma_wait3A_454] : memref<8192xf32, #tpu.memory_space<vmem>> -> memref<1024xf32, #tpu.memory_space<vmem>>
        %dma_wait3A_456 = arith.constant 0 : i32
        %dma_wait3A_457 = tpu.memref_slice %arg3[%dma_wait3A_456] : memref<13631488xf32, #tpu.memory_space<hbm>> -> memref<1024xf32, #tpu.memory_space<hbm>>
        %dma_wait3A_458 = arith.constant 0 : i32
        %dma_wait3A_459 = tpu.memref_slice %arg3[%dma_wait3A_458] : memref<13631488xf32, #tpu.memory_space<hbm>> -> memref<1024xf32, #tpu.memory_space<hbm>>
        %dma_wait3A_460 = arith.constant 0 : i32
        %dma_wait3A_461 = tpu.memref_slice %arg6[%dma_wait3A_460] : memref<8192xf32, #tpu.memory_space<vmem>> -> memref<1024xf32, #tpu.memory_space<vmem>>
        tpu.wait_dma2 semaphore(%arg8 : memref<!tpu.dma_semaphore, #tpu.memory_space<semaphore_mem>>) src(%dma_wait3A_461 : memref<1024xf32, #tpu.memory_space<vmem>>) dst(%dma_wait3A_459 : memref<1024xf32, #tpu.memory_space<hbm>>)
        %dma_wait3A_462 = arith.constant 0 : i32
        %dma_wait3A_463 = tpu.memref_slice %arg6[%dma_wait3A_462] : memref<8192xf32, #tpu.memory_space<vmem>> -> memref<1024xf32, #tpu.memory_space<vmem>>
        %dma_wait3A_464 = arith.constant 0 : i32
        %dma_wait3A_465 = tpu.memref_slice %arg3[%dma_wait3A_464] : memref<13631488xf32, #tpu.memory_space<hbm>> -> memref<1024xf32, #tpu.memory_space<hbm>>
        %dma_wait3A_466 = arith.constant 0 : i32
        %dma_wait3A_467 = tpu.memref_slice %arg3[%dma_wait3A_466] : memref<13631488xf32, #tpu.memory_space<hbm>> -> memref<1024xf32, #tpu.memory_space<hbm>>
        %dma_wait3A_468 = arith.constant 0 : i32
        %dma_wait3A_469 = tpu.memref_slice %arg6[%dma_wait3A_468] : memref<8192xf32, #tpu.memory_space<vmem>> -> memref<1024xf32, #tpu.memory_space<vmem>>
        tpu.wait_dma2 semaphore(%arg8 : memref<!tpu.dma_semaphore, #tpu.memory_space<semaphore_mem>>) src(%dma_wait3A_469 : memref<1024xf32, #tpu.memory_space<vmem>>) dst(%dma_wait3A_467 : memref<1024xf32, #tpu.memory_space<hbm>>)
      } else {
      }
      %mul3A_328 = arith.constant 32 : i32
      %mul3A_329 = arith.muli %add3A_325, %mul3A_328 : i32
      %parallel_loop3A = arith.constant 0 : i32
      %parallel_loop3A_330 = arith.constant 128 : i32
      %parallel_loop3A_331 = arith.constant 1 : i32
      scf.for %parallel_loop3A_438 = %parallel_loop3A to %parallel_loop3A_330 step %parallel_loop3A_331  : i32 {
        %parallel_loop3A_439 = arith.constant 832 : i32
        %parallel_loop3A_440 = arith.muli %parallel_loop3A_438, %parallel_loop3A_439 : i32
        %parallel_loop3A_441 = arith.addi %mul3A_329, %parallel_loop3A_440 : i32
        %parallel_loop3A_442 = arith.index_cast %parallel_loop3A_441 : i32 to index
        %parallel_loop3A_443 = tpu.vector_load %arg4[%parallel_loop3A_442] {strides = array<i32>} : memref<106496xf32, #tpu.memory_space<vmem>>, vector<16xf32>,
        %parallel_loop3A_444 = arith.constant 16 : i32
        %parallel_loop3A_445 = arith.addi %parallel_loop3A_441, %parallel_loop3A_444 : i32
        %parallel_loop3A_446 = arith.index_cast %parallel_loop3A_445 : i32 to index
        %parallel_loop3A_447 = tpu.vector_load %arg4[%parallel_loop3A_446] {strides = array<i32>} : memref<106496xf32, #tpu.memory_space<vmem>>, vector<16xf32>,
        %parallel_loop3A_448 = vector.broadcast %parallel_loop3A_438 : i32 to vector<16xi32>
        %parallel_loop3A_449 = arith.addi %mul3A_3, %parallel_loop3A_448 : vector<16xi32>
        tpu.vector_store_idx %arg5[%parallel_loop3A_449], %parallel_loop3A_443 : memref<4128xf32, #tpu.memory_space<vmem>>[vector<16xi32>], vector<16xf32>,
        %parallel_loop3A_450 = arith.constant 2064 : i32
        %parallel_loop3A_451 = arith.addi %parallel_loop3A_450, %parallel_loop3A_438 : i32
        %parallel_loop3A_452 = vector.broadcast %parallel_loop3A_451 : i32 to vector<16xi32>
        %parallel_loop3A_453 = arith.addi %mul3A_3, %parallel_loop3A_452 : vector<16xi32>
        tpu.vector_store_idx %arg5[%parallel_loop3A_453], %parallel_loop3A_447 : memref<4128xf32, #tpu.memory_space<vmem>>[vector<16xi32>], vector<16xf32>,
      } {sc.loop_unroll_factor = 8 : i64, sc.parallel_access}
      %parallel_loop3A_332 = arith.constant 0 : i32
      %parallel_loop3A_333 = arith.constant 32 : i32
      %parallel_loop3A_334 = arith.constant 1 : i32
      scf.for %parallel_loop3A_438 = %parallel_loop3A_332 to %parallel_loop3A_333 step %parallel_loop3A_334  : i32 {
        %parallel_loop3A_439 = arith.constant 129 : i32
        %parallel_loop3A_440 = arith.muli %parallel_loop3A_438, %parallel_loop3A_439 : i32
        %parallel_loop3A_441 = arith.constant 0 : i32
        %parallel_loop3A_442 = arith.addi %parallel_loop3A_440, %parallel_loop3A_441 : i32
        %parallel_loop3A_443 = arith.index_cast %parallel_loop3A_442 : i32 to index
        %parallel_loop3A_444 = tpu.vector_load %arg5[%parallel_loop3A_443] {strides = array<i32>} : memref<4128xf32, #tpu.memory_space<vmem>>, vector<16xf32>,
        %parallel_loop3A_445 = arith.constant 128 : i32
        %parallel_loop3A_446 = arith.muli %parallel_loop3A_438, %parallel_loop3A_445 : i32
        %parallel_loop3A_447 = arith.constant 0 : i32
        %parallel_loop3A_448 = arith.addi %parallel_loop3A_447, %parallel_loop3A_446 : i32
        %parallel_loop3A_449 = arith.constant 0 : i32
        %parallel_loop3A_450 = arith.addi %parallel_loop3A_448, %parallel_loop3A_449 : i32
        %parallel_loop3A_451 = arith.index_cast %parallel_loop3A_450 : i32 to index
        %parallel_loop3A_452 = tpu.vector_load %arg6[%parallel_loop3A_451] {strides = array<i32>} : memref<8192xf32, #tpu.memory_space<vmem>>, vector<16xf32>,
        tpu.vector_store %arg6[%parallel_loop3A_451], %parallel_loop3A_444 {strides = array<i32>} : memref<8192xf32, #tpu.memory_space<vmem>>, vector<16xf32>,
        %parallel_loop3A_453 = arith.constant 129 : i32
        %parallel_loop3A_454 = arith.muli %parallel_loop3A_438, %parallel_loop3A_453 : i32
        %parallel_loop3A_455 = arith.constant 16 : i32
        %parallel_loop3A_456 = arith.addi %parallel_loop3A_454, %parallel_loop3A_455 : i32
        %parallel_loop3A_457 = arith.index_cast %parallel_loop3A_456 : i32 to index
        %parallel_loop3A_458 = tpu.vector_load %arg5[%parallel_loop3A_457] {strides = array<i32>} : memref<4128xf32, #tpu.memory_space<vmem>>, vector<16xf32>,
        %parallel_loop3A_459 = arith.constant 128 : i32
        %parallel_loop3A_460 = arith.muli %parallel_loop3A_438, %parallel_loop3A_459 : i32
        %parallel_loop3A_461 = arith.constant 0 : i32
        %parallel_loop3A_462 = arith.addi %parallel_loop3A_461, %parallel_loop3A_460 : i32
        %parallel_loop3A_463 = arith.constant 16 : i32
        %parallel_loop3A_464 = arith.addi %parallel_loop3A_462, %parallel_loop3A_463 : i32
        %parallel_loop3A_465 = arith.index_cast %parallel_loop3A_464 : i32 to index
        %parallel_loop3A_466 = tpu.vector_load %arg6[%parallel_loop3A_465] {strides = array<i32>} : memref<8192xf32, #tpu.memory_space<vmem>>, vector<16xf32>,
        tpu.vector_store %arg6[%parallel_loop3A_465], %parallel_loop3A_458 {strides = array<i32>} : memref<8192xf32, #tpu.memory_space<vmem>>, vector<16xf32>,
        %parallel_loop3A_467 = arith.constant 129 : i32
        %parallel_loop3A_468 = arith.muli %parallel_loop3A_438, %parallel_loop3A_467 : i32
        %parallel_loop3A_469 = arith.constant 32 : i32
        %parallel_loop3A_470 = arith.addi %parallel_loop3A_468, %parallel_loop3A_469 : i32
        %parallel_loop3A_471 = arith.index_cast %parallel_loop3A_470 : i32 to index
        %parallel_loop3A_472 = tpu.vector_load %arg5[%parallel_loop3A_471] {strides = array<i32>} : memref<4128xf32, #tpu.memory_space<vmem>>, vector<16xf32>,
        %parallel_loop3A_473 = arith.constant 128 : i32
        %parallel_loop3A_474 = arith.muli %parallel_loop3A_438, %parallel_loop3A_473 : i32
        %parallel_loop3A_475 = arith.constant 0 : i32
        %parallel_loop3A_476 = arith.addi %parallel_loop3A_475, %parallel_loop3A_474 : i32
        %parallel_loop3A_477 = arith.constant 32 : i32
        %parallel_loop3A_478 = arith.addi %parallel_loop3A_476, %parallel_loop3A_477 : i32
        %parallel_loop3A_479 = arith.index_cast %parallel_loop3A_478 : i32 to index
        %parallel_loop3A_480 = tpu.vector_load %arg6[%parallel_loop3A_479] {strides = array<i32>} : memref<8192xf32, #tpu.memory_space<vmem>>, vector<16xf32>,
        tpu.vector_store %arg6[%parallel_loop3A_479], %parallel_loop3A_472 {strides = array<i32>} : memref<8192xf32, #tpu.memory_space<vmem>>, vector<16xf32>,
        %parallel_loop3A_481 = arith.constant 129 : i32
        %parallel_loop3A_482 = arith.muli %parallel_loop3A_438, %parallel_loop3A_481 : i32
        %parallel_loop3A_483 = arith.constant 48 : i32
        %parallel_loop3A_484 = arith.addi %parallel_loop3A_482, %parallel_loop3A_483 : i32
        %parallel_loop3A_485 = arith.index_cast %parallel_loop3A_484 : i32 to index
        %parallel_loop3A_486 = tpu.vector_load %arg5[%parallel_loop3A_485] {strides = array<i32>} : memref<4128xf32, #tpu.memory_space<vmem>>, vector<16xf32>,
        %parallel_loop3A_487 = arith.constant 128 : i32
        %parallel_loop3A_488 = arith.muli %parallel_loop3A_438, %parallel_loop3A_487 : i32
        %parallel_loop3A_489 = arith.constant 0 : i32
        %parallel_loop3A_490 = arith.addi %parallel_loop3A_489, %parallel_loop3A_488 : i32
        %parallel_loop3A_491 = arith.constant 48 : i32
        %parallel_loop3A_492 = arith.addi %parallel_loop3A_490, %parallel_loop3A_491 : i32
        %parallel_loop3A_493 = arith.index_cast %parallel_loop3A_492 : i32 to index
        %parallel_loop3A_494 = tpu.vector_load %arg6[%parallel_loop3A_493] {strides = array<i32>} : memref<8192xf32, #tpu.memory_space<vmem>>, vector<16xf32>,
        tpu.vector_store %arg6[%parallel_loop3A_493], %parallel_loop3A_486 {strides = array<i32>} : memref<8192xf32, #tpu.memory_space<vmem>>, vector<16xf32>,
        %parallel_loop3A_495 = arith.constant 129 : i32
        %parallel_loop3A_496 = arith.muli %parallel_loop3A_438, %parallel_loop3A_495 : i32
        %parallel_loop3A_497 = arith.constant 64 : i32
        %parallel_loop3A_498 = arith.addi %parallel_loop3A_496, %parallel_loop3A_497 : i32
        %parallel_loop3A_499 = arith.index_cast %parallel_loop3A_498 : i32 to index
        %parallel_loop3A_500 = tpu.vector_load %arg5[%parallel_loop3A_499] {strides = array<i32>} : memref<4128xf32, #tpu.memory_space<vmem>>, vector<16xf32>,
        %parallel_loop3A_501 = arith.constant 128 : i32
        %parallel_loop3A_502 = arith.muli %parallel_loop3A_438, %parallel_loop3A_501 : i32
        %parallel_loop3A_503 = arith.constant 0 : i32
        %parallel_loop3A_504 = arith.addi %parallel_loop3A_503, %parallel_loop3A_502 : i32
        %parallel_loop3A_505 = arith.constant 64 : i32
        %parallel_loop3A_506 = arith.addi %parallel_loop3A_504, %parallel_loop3A_505 : i32
        %parallel_loop3A_507 = arith.index_cast %parallel_loop3A_506 : i32 to index
        %parallel_loop3A_508 = tpu.vector_load %arg6[%parallel_loop3A_507] {strides = array<i32>} : memref<8192xf32, #tpu.memory_space<vmem>>, vector<16xf32>,
        tpu.vector_store %arg6[%parallel_loop3A_507], %parallel_loop3A_500 {strides = array<i32>} : memref<8192xf32, #tpu.memory_space<vmem>>, vector<16xf32>,
        %parallel_loop3A_509 = arith.constant 129 : i32
        %parallel_loop3A_510 = arith.muli %parallel_loop3A_438, %parallel_loop3A_509 : i32
        %parallel_loop3A_511 = arith.constant 80 : i32
        %parallel_loop3A_512 = arith.addi %parallel_loop3A_510, %parallel_loop3A_511 : i32
        %parallel_loop3A_513 = arith.index_cast %parallel_loop3A_512 : i32 to index
        %parallel_loop3A_514 = tpu.vector_load %arg5[%parallel_loop3A_513] {strides = array<i32>} : memref<4128xf32, #tpu.memory_space<vmem>>, vector<16xf32>,
        %parallel_loop3A_515 = arith.constant 128 : i32
        %parallel_loop3A_516 = arith.muli %parallel_loop3A_438, %parallel_loop3A_515 : i32
        %parallel_loop3A_517 = arith.constant 0 : i32
        %parallel_loop3A_518 = arith.addi %parallel_loop3A_517, %parallel_loop3A_516 : i32
        %parallel_loop3A_519 = arith.constant 80 : i32
        %parallel_loop3A_520 = arith.addi %parallel_loop3A_518, %parallel_loop3A_519 : i32
        %parallel_loop3A_521 = arith.index_cast %parallel_loop3A_520 : i32 to index
        %parallel_loop3A_522 = tpu.vector_load %arg6[%parallel_loop3A_521] {strides = array<i32>} : memref<8192xf32, #tpu.memory_space<vmem>>, vector<16xf32>,
        tpu.vector_store %arg6[%parallel_loop3A_521], %parallel_loop3A_514 {strides = array<i32>} : memref<8192xf32, #tpu.memory_space<vmem>>, vector<16xf32>,
        %parallel_loop3A_523 = arith.constant 129 : i32
        %parallel_loop3A_524 = arith.muli %parallel_loop3A_438, %parallel_loop3A_523 : i32
        %parallel_loop3A_525 = arith.constant 96 : i32
        %parallel_loop3A_526 = arith.addi %parallel_loop3A_524, %parallel_loop3A_525 : i32
        %parallel_loop3A_527 = arith.index_cast %parallel_loop3A_526 : i32 to index
        %parallel_loop3A_528 = tpu.vector_load %arg5[%parallel_loop3A_527] {strides = array<i32>} : memref<4128xf32, #tpu.memory_space<vmem>>, vector<16xf32>,
        %parallel_loop3A_529 = arith.constant 128 : i32
        %parallel_loop3A_530 = arith.muli %parallel_loop3A_438, %parallel_loop3A_529 : i32
        %parallel_loop3A_531 = arith.constant 0 : i32
        %parallel_loop3A_532 = arith.addi %parallel_loop3A_531, %parallel_loop3A_530 : i32
        %parallel_loop3A_533 = arith.constant 96 : i32
        %parallel_loop3A_534 = arith.addi %parallel_loop3A_532, %parallel_loop3A_533 : i32
        %parallel_loop3A_535 = arith.index_cast %parallel_loop3A_534 : i32 to index
        %parallel_loop3A_536 = tpu.vector_load %arg6[%parallel_loop3A_535] {strides = array<i32>} : memref<8192xf32, #tpu.memory_space<vmem>>, vector<16xf32>,
        tpu.vector_store %arg6[%parallel_loop3A_535], %parallel_loop3A_528 {strides = array<i32>} : memref<8192xf32, #tpu.memory_space<vmem>>, vector<16xf32>,
        %parallel_loop3A_537 = arith.constant 129 : i32
        %parallel_loop3A_538 = arith.muli %parallel_loop3A_438, %parallel_loop3A_537 : i32
        %parallel_loop3A_539 = arith.constant 112 : i32
        %parallel_loop3A_540 = arith.addi %parallel_loop3A_538, %parallel_loop3A_539 : i32
        %parallel_loop3A_541 = arith.index_cast %parallel_loop3A_540 : i32 to index
        %parallel_loop3A_542 = tpu.vector_load %arg5[%parallel_loop3A_541] {strides = array<i32>} : memref<4128xf32, #tpu.memory_space<vmem>>, vector<16xf32>,
        %parallel_loop3A_543 = arith.constant 128 : i32
        %parallel_loop3A_544 = arith.muli %parallel_loop3A_438, %parallel_loop3A_543 : i32
        %parallel_loop3A_545 = arith.constant 0 : i32
        %parallel_loop3A_546 = arith.addi %parallel_loop3A_545, %parallel_loop3A_544 : i32
        %parallel_loop3A_547 = arith.constant 112 : i32
        %parallel_loop3A_548 = arith.addi %parallel_loop3A_546, %parallel_loop3A_547 : i32
        %parallel_loop3A_549 = arith.index_cast %parallel_loop3A_548 : i32 to index
        %parallel_loop3A_550 = tpu.vector_load %arg6[%parallel_loop3A_549] {strides = array<i32>} : memref<8192xf32, #tpu.memory_space<vmem>>, vector<16xf32>,
        tpu.vector_store %arg6[%parallel_loop3A_549], %parallel_loop3A_542 {strides = array<i32>} : memref<8192xf32, #tpu.memory_space<vmem>>, vector<16xf32>,
      } {sc.loop_unroll_factor = 4 : i64, sc.parallel_access}
      %mul3A_335 = arith.constant 512 : i32
      %mul3A_336 = arith.muli %add3A_325, %mul3A_335 : i32
      %add3A_337 = arith.addi %mul3A_336, %add3A_84 : i32
      %add3A_338 = arith.constant 0 : i32
      %add3A_339 = arith.addi %add3A_337, %add3A_338 : i32
      %mul3A_340 = arith.constant 1024 : i32
      %mul3A_341 = arith.muli %add3A_339, %mul3A_340 : i32
      %dma_start3A_342 = arith.constant 0 : i32
      %dma_start3A_343 = tpu.memref_slice %arg6[%dma_start3A_342] : memref<8192xf32, #tpu.memory_space<vmem>> -> memref<1024xf32, #tpu.memory_space<vmem>>
      %dma_start3A_344 = tpu.memref_slice %arg3[%mul3A_341] : memref<13631488xf32, #tpu.memory_space<hbm>> -> memref<1024xf32, #tpu.memory_space<hbm>>
      %dma_start3A_345 = tpu.memref_slice %arg3[%mul3A_341] : memref<13631488xf32, #tpu.memory_space<hbm>> -> memref<1024xf32, #tpu.memory_space<hbm>>
      %dma_start3A_346 = arith.constant 0 : i32
      %dma_start3A_347 = tpu.memref_slice %arg6[%dma_start3A_346] : memref<8192xf32, #tpu.memory_space<vmem>> -> memref<1024xf32, #tpu.memory_space<vmem>>
      tpu.enqueue_dma source(%dma_start3A_347 : memref<1024xf32, #tpu.memory_space<vmem>>) target(%dma_start3A_345 : memref<1024xf32, #tpu.memory_space<hbm>>) target_semaphore(%arg8 : memref<!tpu.dma_semaphore, #tpu.memory_space<semaphore_mem>>)
      %add3A_348 = arith.constant 128 : i32
      %add3A_349 = arith.addi %add3A_337, %add3A_348 : i32
      %mul3A_350 = arith.constant 1024 : i32
      %mul3A_351 = arith.muli %add3A_349, %mul3A_350 : i32
      %dma_start3A_352 = arith.constant 1024 : i32
      %dma_start3A_353 = tpu.memref_slice %arg6[%dma_start3A_352] : memref<8192xf32, #tpu.memory_space<vmem>> -> memref<1024xf32, #tpu.memory_space<vmem>>
      %dma_start3A_354 = tpu.memref_slice %arg3[%mul3A_351] : memref<13631488xf32, #tpu.memory_space<hbm>> -> memref<1024xf32, #tpu.memory_space<hbm>>
      %dma_start3A_355 = tpu.memref_slice %arg3[%mul3A_351] : memref<13631488xf32, #tpu.memory_space<hbm>> -> memref<1024xf32, #tpu.memory_space<hbm>>
      %dma_start3A_356 = arith.constant 1024 : i32
      %dma_start3A_357 = tpu.memref_slice %arg6[%dma_start3A_356] : memref<8192xf32, #tpu.memory_space<vmem>> -> memref<1024xf32, #tpu.memory_space<vmem>>
      tpu.enqueue_dma source(%dma_start3A_357 : memref<1024xf32, #tpu.memory_space<vmem>>) target(%dma_start3A_355 : memref<1024xf32, #tpu.memory_space<hbm>>) target_semaphore(%arg8 : memref<!tpu.dma_semaphore, #tpu.memory_space<semaphore_mem>>)
      %add3A_358 = arith.constant 256 : i32
      %add3A_359 = arith.addi %add3A_337, %add3A_358 : i32
      %mul3A_360 = arith.constant 1024 : i32
      %mul3A_361 = arith.muli %add3A_359, %mul3A_360 : i32
      %dma_start3A_362 = arith.constant 2048 : i32
      %dma_start3A_363 = tpu.memref_slice %arg6[%dma_start3A_362] : memref<8192xf32, #tpu.memory_space<vmem>> -> memref<1024xf32, #tpu.memory_space<vmem>>
      %dma_start3A_364 = tpu.memref_slice %arg3[%mul3A_361] : memref<13631488xf32, #tpu.memory_space<hbm>> -> memref<1024xf32, #tpu.memory_space<hbm>>
      %dma_start3A_365 = tpu.memref_slice %arg3[%mul3A_361] : memref<13631488xf32, #tpu.memory_space<hbm>> -> memref<1024xf32, #tpu.memory_space<hbm>>
      %dma_start3A_366 = arith.constant 2048 : i32
      %dma_start3A_367 = tpu.memref_slice %arg6[%dma_start3A_366] : memref<8192xf32, #tpu.memory_space<vmem>> -> memref<1024xf32, #tpu.memory_space<vmem>>
      tpu.enqueue_dma source(%dma_start3A_367 : memref<1024xf32, #tpu.memory_space<vmem>>) target(%dma_start3A_365 : memref<1024xf32, #tpu.memory_space<hbm>>) target_semaphore(%arg8 : memref<!tpu.dma_semaphore, #tpu.memory_space<semaphore_mem>>)
      %add3A_368 = arith.constant 384 : i32
      %add3A_369 = arith.addi %add3A_337, %add3A_368 : i32
      %mul3A_370 = arith.constant 1024 : i32
      %mul3A_371 = arith.muli %add3A_369, %mul3A_370 : i32
      %dma_start3A_372 = arith.constant 3072 : i32
      %dma_start3A_373 = tpu.memref_slice %arg6[%dma_start3A_372] : memref<8192xf32, #tpu.memory_space<vmem>> -> memref<1024xf32, #tpu.memory_space<vmem>>
      %dma_start3A_374 = tpu.memref_slice %arg3[%mul3A_371] : memref<13631488xf32, #tpu.memory_space<hbm>> -> memref<1024xf32, #tpu.memory_space<hbm>>
      %dma_start3A_375 = tpu.memref_slice %arg3[%mul3A_371] : memref<13631488xf32, #tpu.memory_space<hbm>> -> memref<1024xf32, #tpu.memory_space<hbm>>
      %dma_start3A_376 = arith.constant 3072 : i32
      %dma_start3A_377 = tpu.memref_slice %arg6[%dma_start3A_376] : memref<8192xf32, #tpu.memory_space<vmem>> -> memref<1024xf32, #tpu.memory_space<vmem>>
      tpu.enqueue_dma source(%dma_start3A_377 : memref<1024xf32, #tpu.memory_space<vmem>>) target(%dma_start3A_375 : memref<1024xf32, #tpu.memory_space<hbm>>) target_semaphore(%arg8 : memref<!tpu.dma_semaphore, #tpu.memory_space<semaphore_mem>>)
      %mul3A_378 = arith.constant 2 : i32
      %mul3A_379 = arith.muli %scan3A_321, %mul3A_378 : i32
      %add3A_380 = arith.constant 1 : i32
      %add3A_381 = arith.addi %mul3A_379, %add3A_380 : i32
      %ge3A_382 = arith.constant 2 : i32
      %ge3A_383 = arith.cmpi sge, %add3A_381, %ge3A_382 : i32
      %convert_element_type3A_384 = arith.extui %ge3A_383 : i1 to i32
      %cond3A_385 = arith.constant 0 : i32
      %cond3A_386 = arith.cmpi ne, %convert_element_type3A_384, %cond3A_385 : i32
      scf.if %cond3A_386 {
        %dma_wait3A_438 = arith.constant 0 : i32
        %dma_wait3A_439 = tpu.memref_slice %arg6[%dma_wait3A_438] : memref<8192xf32, #tpu.memory_space<vmem>> -> memref<1024xf32, #tpu.memory_space<vmem>>
        %dma_wait3A_440 = arith.constant 0 : i32
        %dma_wait3A_441 = tpu.memref_slice %arg3[%dma_wait3A_440] : memref<13631488xf32, #tpu.memory_space<hbm>> -> memref<1024xf32, #tpu.memory_space<hbm>>
        %dma_wait3A_442 = arith.constant 0 : i32
        %dma_wait3A_443 = tpu.memref_slice %arg3[%dma_wait3A_442] : memref<13631488xf32, #tpu.memory_space<hbm>> -> memref<1024xf32, #tpu.memory_space<hbm>>
        %dma_wait3A_444 = arith.constant 0 : i32
        %dma_wait3A_445 = tpu.memref_slice %arg6[%dma_wait3A_444] : memref<8192xf32, #tpu.memory_space<vmem>> -> memref<1024xf32, #tpu.memory_space<vmem>>
        tpu.wait_dma2 semaphore(%arg9 : memref<!tpu.dma_semaphore, #tpu.memory_space<semaphore_mem>>) src(%dma_wait3A_445 : memref<1024xf32, #tpu.memory_space<vmem>>) dst(%dma_wait3A_443 : memref<1024xf32, #tpu.memory_space<hbm>>)
        %dma_wait3A_446 = arith.constant 0 : i32
        %dma_wait3A_447 = tpu.memref_slice %arg6[%dma_wait3A_446] : memref<8192xf32, #tpu.memory_space<vmem>> -> memref<1024xf32, #tpu.memory_space<vmem>>
        %dma_wait3A_448 = arith.constant 0 : i32
        %dma_wait3A_449 = tpu.memref_slice %arg3[%dma_wait3A_448] : memref<13631488xf32, #tpu.memory_space<hbm>> -> memref<1024xf32, #tpu.memory_space<hbm>>
        %dma_wait3A_450 = arith.constant 0 : i32
        %dma_wait3A_451 = tpu.memref_slice %arg3[%dma_wait3A_450] : memref<13631488xf32, #tpu.memory_space<hbm>> -> memref<1024xf32, #tpu.memory_space<hbm>>
        %dma_wait3A_452 = arith.constant 0 : i32
        %dma_wait3A_453 = tpu.memref_slice %arg6[%dma_wait3A_452] : memref<8192xf32, #tpu.memory_space<vmem>> -> memref<1024xf32, #tpu.memory_space<vmem>>
        tpu.wait_dma2 semaphore(%arg9 : memref<!tpu.dma_semaphore, #tpu.memory_space<semaphore_mem>>) src(%dma_wait3A_453 : memref<1024xf32, #tpu.memory_space<vmem>>) dst(%dma_wait3A_451 : memref<1024xf32, #tpu.memory_space<hbm>>)
        %dma_wait3A_454 = arith.constant 0 : i32
        %dma_wait3A_455 = tpu.memref_slice %arg6[%dma_wait3A_454] : memref<8192xf32, #tpu.memory_space<vmem>> -> memref<1024xf32, #tpu.memory_space<vmem>>
        %dma_wait3A_456 = arith.constant 0 : i32
        %dma_wait3A_457 = tpu.memref_slice %arg3[%dma_wait3A_456] : memref<13631488xf32, #tpu.memory_space<hbm>> -> memref<1024xf32, #tpu.memory_space<hbm>>
        %dma_wait3A_458 = arith.constant 0 : i32
        %dma_wait3A_459 = tpu.memref_slice %arg3[%dma_wait3A_458] : memref<13631488xf32, #tpu.memory_space<hbm>> -> memref<1024xf32, #tpu.memory_space<hbm>>
        %dma_wait3A_460 = arith.constant 0 : i32
        %dma_wait3A_461 = tpu.memref_slice %arg6[%dma_wait3A_460] : memref<8192xf32, #tpu.memory_space<vmem>> -> memref<1024xf32, #tpu.memory_space<vmem>>
        tpu.wait_dma2 semaphore(%arg9 : memref<!tpu.dma_semaphore, #tpu.memory_space<semaphore_mem>>) src(%dma_wait3A_461 : memref<1024xf32, #tpu.memory_space<vmem>>) dst(%dma_wait3A_459 : memref<1024xf32, #tpu.memory_space<hbm>>)
        %dma_wait3A_462 = arith.constant 0 : i32
        %dma_wait3A_463 = tpu.memref_slice %arg6[%dma_wait3A_462] : memref<8192xf32, #tpu.memory_space<vmem>> -> memref<1024xf32, #tpu.memory_space<vmem>>
        %dma_wait3A_464 = arith.constant 0 : i32
        %dma_wait3A_465 = tpu.memref_slice %arg3[%dma_wait3A_464] : memref<13631488xf32, #tpu.memory_space<hbm>> -> memref<1024xf32, #tpu.memory_space<hbm>>
        %dma_wait3A_466 = arith.constant 0 : i32
        %dma_wait3A_467 = tpu.memref_slice %arg3[%dma_wait3A_466] : memref<13631488xf32, #tpu.memory_space<hbm>> -> memref<1024xf32, #tpu.memory_space<hbm>>
        %dma_wait3A_468 = arith.constant 0 : i32
        %dma_wait3A_469 = tpu.memref_slice %arg6[%dma_wait3A_468] : memref<8192xf32, #tpu.memory_space<vmem>> -> memref<1024xf32, #tpu.memory_space<vmem>>
        tpu.wait_dma2 semaphore(%arg9 : memref<!tpu.dma_semaphore, #tpu.memory_space<semaphore_mem>>) src(%dma_wait3A_469 : memref<1024xf32, #tpu.memory_space<vmem>>) dst(%dma_wait3A_467 : memref<1024xf32, #tpu.memory_space<hbm>>)
      } else {
      }
      %mul3A_387 = arith.constant 32 : i32
      %mul3A_388 = arith.muli %add3A_381, %mul3A_387 : i32
      %parallel_loop3A_389 = arith.constant 0 : i32
      %parallel_loop3A_390 = arith.constant 128 : i32
      %parallel_loop3A_391 = arith.constant 1 : i32
      scf.for %parallel_loop3A_438 = %parallel_loop3A_389 to %parallel_loop3A_390 step %parallel_loop3A_391  : i32 {
        %parallel_loop3A_439 = arith.constant 832 : i32
        %parallel_loop3A_440 = arith.muli %parallel_loop3A_438, %parallel_loop3A_439 : i32
        %parallel_loop3A_441 = arith.addi %mul3A_388, %parallel_loop3A_440 : i32
        %parallel_loop3A_442 = arith.index_cast %parallel_loop3A_441 : i32 to index
        %parallel_loop3A_443 = tpu.vector_load %arg4[%parallel_loop3A_442] {strides = array<i32>} : memref<106496xf32, #tpu.memory_space<vmem>>, vector<16xf32>,
        %parallel_loop3A_444 = arith.constant 16 : i32
        %parallel_loop3A_445 = arith.addi %parallel_loop3A_441, %parallel_loop3A_444 : i32
        %parallel_loop3A_446 = arith.index_cast %parallel_loop3A_445 : i32 to index
        %parallel_loop3A_447 = tpu.vector_load %arg4[%parallel_loop3A_446] {strides = array<i32>} : memref<106496xf32, #tpu.memory_space<vmem>>, vector<16xf32>,
        %parallel_loop3A_448 = vector.broadcast %parallel_loop3A_438 : i32 to vector<16xi32>
        %parallel_loop3A_449 = arith.addi %mul3A_3, %parallel_loop3A_448 : vector<16xi32>
        tpu.vector_store_idx %arg5[%parallel_loop3A_449], %parallel_loop3A_443 : memref<4128xf32, #tpu.memory_space<vmem>>[vector<16xi32>], vector<16xf32>,
        %parallel_loop3A_450 = arith.constant 2064 : i32
        %parallel_loop3A_451 = arith.addi %parallel_loop3A_450, %parallel_loop3A_438 : i32
        %parallel_loop3A_452 = vector.broadcast %parallel_loop3A_451 : i32 to vector<16xi32>
        %parallel_loop3A_453 = arith.addi %mul3A_3, %parallel_loop3A_452 : vector<16xi32>
        tpu.vector_store_idx %arg5[%parallel_loop3A_453], %parallel_loop3A_447 : memref<4128xf32, #tpu.memory_space<vmem>>[vector<16xi32>], vector<16xf32>,
      } {sc.loop_unroll_factor = 8 : i64, sc.parallel_access}
      %parallel_loop3A_392 = arith.constant 0 : i32
      %parallel_loop3A_393 = arith.constant 32 : i32
      %parallel_loop3A_394 = arith.constant 1 : i32
      scf.for %parallel_loop3A_438 = %parallel_loop3A_392 to %parallel_loop3A_393 step %parallel_loop3A_394  : i32 {
        %parallel_loop3A_439 = arith.constant 129 : i32
        %parallel_loop3A_440 = arith.muli %parallel_loop3A_438, %parallel_loop3A_439 : i32
        %parallel_loop3A_441 = arith.constant 0 : i32
        %parallel_loop3A_442 = arith.addi %parallel_loop3A_440, %parallel_loop3A_441 : i32
        %parallel_loop3A_443 = arith.index_cast %parallel_loop3A_442 : i32 to index
        %parallel_loop3A_444 = tpu.vector_load %arg5[%parallel_loop3A_443] {strides = array<i32>} : memref<4128xf32, #tpu.memory_space<vmem>>, vector<16xf32>,
        %parallel_loop3A_445 = arith.constant 128 : i32
        %parallel_loop3A_446 = arith.muli %parallel_loop3A_438, %parallel_loop3A_445 : i32
        %parallel_loop3A_447 = arith.constant 4096 : i32
        %parallel_loop3A_448 = arith.addi %parallel_loop3A_447, %parallel_loop3A_446 : i32
        %parallel_loop3A_449 = arith.constant 0 : i32
        %parallel_loop3A_450 = arith.addi %parallel_loop3A_448, %parallel_loop3A_449 : i32
        %parallel_loop3A_451 = arith.index_cast %parallel_loop3A_450 : i32 to index
        %parallel_loop3A_452 = tpu.vector_load %arg6[%parallel_loop3A_451] {strides = array<i32>} : memref<8192xf32, #tpu.memory_space<vmem>>, vector<16xf32>,
        tpu.vector_store %arg6[%parallel_loop3A_451], %parallel_loop3A_444 {strides = array<i32>} : memref<8192xf32, #tpu.memory_space<vmem>>, vector<16xf32>,
        %parallel_loop3A_453 = arith.constant 129 : i32
        %parallel_loop3A_454 = arith.muli %parallel_loop3A_438, %parallel_loop3A_453 : i32
        %parallel_loop3A_455 = arith.constant 16 : i32
        %parallel_loop3A_456 = arith.addi %parallel_loop3A_454, %parallel_loop3A_455 : i32
        %parallel_loop3A_457 = arith.index_cast %parallel_loop3A_456 : i32 to index
        %parallel_loop3A_458 = tpu.vector_load %arg5[%parallel_loop3A_457] {strides = array<i32>} : memref<4128xf32, #tpu.memory_space<vmem>>, vector<16xf32>,
        %parallel_loop3A_459 = arith.constant 128 : i32
        %parallel_loop3A_460 = arith.muli %parallel_loop3A_438, %parallel_loop3A_459 : i32
        %parallel_loop3A_461 = arith.constant 4096 : i32
        %parallel_loop3A_462 = arith.addi %parallel_loop3A_461, %parallel_loop3A_460 : i32
        %parallel_loop3A_463 = arith.constant 16 : i32
        %parallel_loop3A_464 = arith.addi %parallel_loop3A_462, %parallel_loop3A_463 : i32
        %parallel_loop3A_465 = arith.index_cast %parallel_loop3A_464 : i32 to index
        %parallel_loop3A_466 = tpu.vector_load %arg6[%parallel_loop3A_465] {strides = array<i32>} : memref<8192xf32, #tpu.memory_space<vmem>>, vector<16xf32>,
        tpu.vector_store %arg6[%parallel_loop3A_465], %parallel_loop3A_458 {strides = array<i32>} : memref<8192xf32, #tpu.memory_space<vmem>>, vector<16xf32>,
        %parallel_loop3A_467 = arith.constant 129 : i32
        %parallel_loop3A_468 = arith.muli %parallel_loop3A_438, %parallel_loop3A_467 : i32
        %parallel_loop3A_469 = arith.constant 32 : i32
        %parallel_loop3A_470 = arith.addi %parallel_loop3A_468, %parallel_loop3A_469 : i32
        %parallel_loop3A_471 = arith.index_cast %parallel_loop3A_470 : i32 to index
        %parallel_loop3A_472 = tpu.vector_load %arg5[%parallel_loop3A_471] {strides = array<i32>} : memref<4128xf32, #tpu.memory_space<vmem>>, vector<16xf32>,
        %parallel_loop3A_473 = arith.constant 128 : i32
        %parallel_loop3A_474 = arith.muli %parallel_loop3A_438, %parallel_loop3A_473 : i32
        %parallel_loop3A_475 = arith.constant 4096 : i32
        %parallel_loop3A_476 = arith.addi %parallel_loop3A_475, %parallel_loop3A_474 : i32
        %parallel_loop3A_477 = arith.constant 32 : i32
        %parallel_loop3A_478 = arith.addi %parallel_loop3A_476, %parallel_loop3A_477 : i32
        %parallel_loop3A_479 = arith.index_cast %parallel_loop3A_478 : i32 to index
        %parallel_loop3A_480 = tpu.vector_load %arg6[%parallel_loop3A_479] {strides = array<i32>} : memref<8192xf32, #tpu.memory_space<vmem>>, vector<16xf32>,
        tpu.vector_store %arg6[%parallel_loop3A_479], %parallel_loop3A_472 {strides = array<i32>} : memref<8192xf32, #tpu.memory_space<vmem>>, vector<16xf32>,
        %parallel_loop3A_481 = arith.constant 129 : i32
        %parallel_loop3A_482 = arith.muli %parallel_loop3A_438, %parallel_loop3A_481 : i32
        %parallel_loop3A_483 = arith.constant 48 : i32
        %parallel_loop3A_484 = arith.addi %parallel_loop3A_482, %parallel_loop3A_483 : i32
        %parallel_loop3A_485 = arith.index_cast %parallel_loop3A_484 : i32 to index
        %parallel_loop3A_486 = tpu.vector_load %arg5[%parallel_loop3A_485] {strides = array<i32>} : memref<4128xf32, #tpu.memory_space<vmem>>, vector<16xf32>,
        %parallel_loop3A_487 = arith.constant 128 : i32
        %parallel_loop3A_488 = arith.muli %parallel_loop3A_438, %parallel_loop3A_487 : i32
        %parallel_loop3A_489 = arith.constant 4096 : i32
        %parallel_loop3A_490 = arith.addi %parallel_loop3A_489, %parallel_loop3A_488 : i32
        %parallel_loop3A_491 = arith.constant 48 : i32
        %parallel_loop3A_492 = arith.addi %parallel_loop3A_490, %parallel_loop3A_491 : i32
        %parallel_loop3A_493 = arith.index_cast %parallel_loop3A_492 : i32 to index
        %parallel_loop3A_494 = tpu.vector_load %arg6[%parallel_loop3A_493] {strides = array<i32>} : memref<8192xf32, #tpu.memory_space<vmem>>, vector<16xf32>,
        tpu.vector_store %arg6[%parallel_loop3A_493], %parallel_loop3A_486 {strides = array<i32>} : memref<8192xf32, #tpu.memory_space<vmem>>, vector<16xf32>,
        %parallel_loop3A_495 = arith.constant 129 : i32
        %parallel_loop3A_496 = arith.muli %parallel_loop3A_438, %parallel_loop3A_495 : i32
        %parallel_loop3A_497 = arith.constant 64 : i32
        %parallel_loop3A_498 = arith.addi %parallel_loop3A_496, %parallel_loop3A_497 : i32
        %parallel_loop3A_499 = arith.index_cast %parallel_loop3A_498 : i32 to index
        %parallel_loop3A_500 = tpu.vector_load %arg5[%parallel_loop3A_499] {strides = array<i32>} : memref<4128xf32, #tpu.memory_space<vmem>>, vector<16xf32>,
        %parallel_loop3A_501 = arith.constant 128 : i32
        %parallel_loop3A_502 = arith.muli %parallel_loop3A_438, %parallel_loop3A_501 : i32
        %parallel_loop3A_503 = arith.constant 4096 : i32
        %parallel_loop3A_504 = arith.addi %parallel_loop3A_503, %parallel_loop3A_502 : i32
        %parallel_loop3A_505 = arith.constant 64 : i32
        %parallel_loop3A_506 = arith.addi %parallel_loop3A_504, %parallel_loop3A_505 : i32
        %parallel_loop3A_507 = arith.index_cast %parallel_loop3A_506 : i32 to index
        %parallel_loop3A_508 = tpu.vector_load %arg6[%parallel_loop3A_507] {strides = array<i32>} : memref<8192xf32, #tpu.memory_space<vmem>>, vector<16xf32>,
        tpu.vector_store %arg6[%parallel_loop3A_507], %parallel_loop3A_500 {strides = array<i32>} : memref<8192xf32, #tpu.memory_space<vmem>>, vector<16xf32>,
        %parallel_loop3A_509 = arith.constant 129 : i32
        %parallel_loop3A_510 = arith.muli %parallel_loop3A_438, %parallel_loop3A_509 : i32
        %parallel_loop3A_511 = arith.constant 80 : i32
        %parallel_loop3A_512 = arith.addi %parallel_loop3A_510, %parallel_loop3A_511 : i32
        %parallel_loop3A_513 = arith.index_cast %parallel_loop3A_512 : i32 to index
        %parallel_loop3A_514 = tpu.vector_load %arg5[%parallel_loop3A_513] {strides = array<i32>} : memref<4128xf32, #tpu.memory_space<vmem>>, vector<16xf32>,
        %parallel_loop3A_515 = arith.constant 128 : i32
        %parallel_loop3A_516 = arith.muli %parallel_loop3A_438, %parallel_loop3A_515 : i32
        %parallel_loop3A_517 = arith.constant 4096 : i32
        %parallel_loop3A_518 = arith.addi %parallel_loop3A_517, %parallel_loop3A_516 : i32
        %parallel_loop3A_519 = arith.constant 80 : i32
        %parallel_loop3A_520 = arith.addi %parallel_loop3A_518, %parallel_loop3A_519 : i32
        %parallel_loop3A_521 = arith.index_cast %parallel_loop3A_520 : i32 to index
        %parallel_loop3A_522 = tpu.vector_load %arg6[%parallel_loop3A_521] {strides = array<i32>} : memref<8192xf32, #tpu.memory_space<vmem>>, vector<16xf32>,
        tpu.vector_store %arg6[%parallel_loop3A_521], %parallel_loop3A_514 {strides = array<i32>} : memref<8192xf32, #tpu.memory_space<vmem>>, vector<16xf32>,
        %parallel_loop3A_523 = arith.constant 129 : i32
        %parallel_loop3A_524 = arith.muli %parallel_loop3A_438, %parallel_loop3A_523 : i32
        %parallel_loop3A_525 = arith.constant 96 : i32
        %parallel_loop3A_526 = arith.addi %parallel_loop3A_524, %parallel_loop3A_525 : i32
        %parallel_loop3A_527 = arith.index_cast %parallel_loop3A_526 : i32 to index
        %parallel_loop3A_528 = tpu.vector_load %arg5[%parallel_loop3A_527] {strides = array<i32>} : memref<4128xf32, #tpu.memory_space<vmem>>, vector<16xf32>,
        %parallel_loop3A_529 = arith.constant 128 : i32
        %parallel_loop3A_530 = arith.muli %parallel_loop3A_438, %parallel_loop3A_529 : i32
        %parallel_loop3A_531 = arith.constant 4096 : i32
        %parallel_loop3A_532 = arith.addi %parallel_loop3A_531, %parallel_loop3A_530 : i32
        %parallel_loop3A_533 = arith.constant 96 : i32
        %parallel_loop3A_534 = arith.addi %parallel_loop3A_532, %parallel_loop3A_533 : i32
        %parallel_loop3A_535 = arith.index_cast %parallel_loop3A_534 : i32 to index
        %parallel_loop3A_536 = tpu.vector_load %arg6[%parallel_loop3A_535] {strides = array<i32>} : memref<8192xf32, #tpu.memory_space<vmem>>, vector<16xf32>,
        tpu.vector_store %arg6[%parallel_loop3A_535], %parallel_loop3A_528 {strides = array<i32>} : memref<8192xf32, #tpu.memory_space<vmem>>, vector<16xf32>,
        %parallel_loop3A_537 = arith.constant 129 : i32
        %parallel_loop3A_538 = arith.muli %parallel_loop3A_438, %parallel_loop3A_537 : i32
        %parallel_loop3A_539 = arith.constant 112 : i32
        %parallel_loop3A_540 = arith.addi %parallel_loop3A_538, %parallel_loop3A_539 : i32
        %parallel_loop3A_541 = arith.index_cast %parallel_loop3A_540 : i32 to index
        %parallel_loop3A_542 = tpu.vector_load %arg5[%parallel_loop3A_541] {strides = array<i32>} : memref<4128xf32, #tpu.memory_space<vmem>>, vector<16xf32>,
        %parallel_loop3A_543 = arith.constant 128 : i32
        %parallel_loop3A_544 = arith.muli %parallel_loop3A_438, %parallel_loop3A_543 : i32
        %parallel_loop3A_545 = arith.constant 4096 : i32
        %parallel_loop3A_546 = arith.addi %parallel_loop3A_545, %parallel_loop3A_544 : i32
        %parallel_loop3A_547 = arith.constant 112 : i32
        %parallel_loop3A_548 = arith.addi %parallel_loop3A_546, %parallel_loop3A_547 : i32
        %parallel_loop3A_549 = arith.index_cast %parallel_loop3A_548 : i32 to index
        %parallel_loop3A_550 = tpu.vector_load %arg6[%parallel_loop3A_549] {strides = array<i32>} : memref<8192xf32, #tpu.memory_space<vmem>>, vector<16xf32>,
        tpu.vector_store %arg6[%parallel_loop3A_549], %parallel_loop3A_542 {strides = array<i32>} : memref<8192xf32, #tpu.memory_space<vmem>>, vector<16xf32>,
      } {sc.loop_unroll_factor = 4 : i64, sc.parallel_access}
      %mul3A_395 = arith.constant 512 : i32
      %mul3A_396 = arith.muli %add3A_381, %mul3A_395 : i32
      %add3A_397 = arith.addi %mul3A_396, %add3A_84 : i32
      %add3A_398 = arith.constant 0 : i32
      %add3A_399 = arith.addi %add3A_397, %add3A_398 : i32
      %mul3A_400 = arith.constant 1024 : i32
      %mul3A_401 = arith.muli %add3A_399, %mul3A_400 : i32
      %dma_start3A_402 = arith.constant 4096 : i32
      %dma_start3A_403 = tpu.memref_slice %arg6[%dma_start3A_402] : memref<8192xf32, #tpu.memory_space<vmem>> -> memref<1024xf32, #tpu.memory_space<vmem>>
      %dma_start3A_404 = tpu.memref_slice %arg3[%mul3A_401] : memref<13631488xf32, #tpu.memory_space<hbm>> -> memref<1024xf32, #tpu.memory_space<hbm>>
      %dma_start3A_405 = tpu.memref_slice %arg3[%mul3A_401] : memref<13631488xf32, #tpu.memory_space<hbm>> -> memref<1024xf32, #tpu.memory_space<hbm>>
      %dma_start3A_406 = arith.constant 4096 : i32
      %dma_start3A_407 = tpu.memref_slice %arg6[%dma_start3A_406] : memref<8192xf32, #tpu.memory_space<vmem>> -> memref<1024xf32, #tpu.memory_space<vmem>>
      tpu.enqueue_dma source(%dma_start3A_407 : memref<1024xf32, #tpu.memory_space<vmem>>) target(%dma_start3A_405 : memref<1024xf32, #tpu.memory_space<hbm>>) target_semaphore(%arg9 : memref<!tpu.dma_semaphore, #tpu.memory_space<semaphore_mem>>)
      %add3A_408 = arith.constant 128 : i32
      %add3A_409 = arith.addi %add3A_397, %add3A_408 : i32
      %mul3A_410 = arith.constant 1024 : i32
      %mul3A_411 = arith.muli %add3A_409, %mul3A_410 : i32
      %dma_start3A_412 = arith.constant 5120 : i32
      %dma_start3A_413 = tpu.memref_slice %arg6[%dma_start3A_412] : memref<8192xf32, #tpu.memory_space<vmem>> -> memref<1024xf32, #tpu.memory_space<vmem>>
      %dma_start3A_414 = tpu.memref_slice %arg3[%mul3A_411] : memref<13631488xf32, #tpu.memory_space<hbm>> -> memref<1024xf32, #tpu.memory_space<hbm>>
      %dma_start3A_415 = tpu.memref_slice %arg3[%mul3A_411] : memref<13631488xf32, #tpu.memory_space<hbm>> -> memref<1024xf32, #tpu.memory_space<hbm>>
      %dma_start3A_416 = arith.constant 5120 : i32
      %dma_start3A_417 = tpu.memref_slice %arg6[%dma_start3A_416] : memref<8192xf32, #tpu.memory_space<vmem>> -> memref<1024xf32, #tpu.memory_space<vmem>>
      tpu.enqueue_dma source(%dma_start3A_417 : memref<1024xf32, #tpu.memory_space<vmem>>) target(%dma_start3A_415 : memref<1024xf32, #tpu.memory_space<hbm>>) target_semaphore(%arg9 : memref<!tpu.dma_semaphore, #tpu.memory_space<semaphore_mem>>)
      %add3A_418 = arith.constant 256 : i32
      %add3A_419 = arith.addi %add3A_397, %add3A_418 : i32
      %mul3A_420 = arith.constant 1024 : i32
      %mul3A_421 = arith.muli %add3A_419, %mul3A_420 : i32
      %dma_start3A_422 = arith.constant 6144 : i32
      %dma_start3A_423 = tpu.memref_slice %arg6[%dma_start3A_422] : memref<8192xf32, #tpu.memory_space<vmem>> -> memref<1024xf32, #tpu.memory_space<vmem>>
      %dma_start3A_424 = tpu.memref_slice %arg3[%mul3A_421] : memref<13631488xf32, #tpu.memory_space<hbm>> -> memref<1024xf32, #tpu.memory_space<hbm>>
      %dma_start3A_425 = tpu.memref_slice %arg3[%mul3A_421] : memref<13631488xf32, #tpu.memory_space<hbm>> -> memref<1024xf32, #tpu.memory_space<hbm>>
      %dma_start3A_426 = arith.constant 6144 : i32
      %dma_start3A_427 = tpu.memref_slice %arg6[%dma_start3A_426] : memref<8192xf32, #tpu.memory_space<vmem>> -> memref<1024xf32, #tpu.memory_space<vmem>>
      tpu.enqueue_dma source(%dma_start3A_427 : memref<1024xf32, #tpu.memory_space<vmem>>) target(%dma_start3A_425 : memref<1024xf32, #tpu.memory_space<hbm>>) target_semaphore(%arg9 : memref<!tpu.dma_semaphore, #tpu.memory_space<semaphore_mem>>)
      %add3A_428 = arith.constant 384 : i32
      %add3A_429 = arith.addi %add3A_397, %add3A_428 : i32
      %mul3A_430 = arith.constant 1024 : i32
      %mul3A_431 = arith.muli %add3A_429, %mul3A_430 : i32
      %dma_start3A_432 = arith.constant 7168 : i32
      %dma_start3A_433 = tpu.memref_slice %arg6[%dma_start3A_432] : memref<8192xf32, #tpu.memory_space<vmem>> -> memref<1024xf32, #tpu.memory_space<vmem>>
      %dma_start3A_434 = tpu.memref_slice %arg3[%mul3A_431] : memref<13631488xf32, #tpu.memory_space<hbm>> -> memref<1024xf32, #tpu.memory_space<hbm>>
      %dma_start3A_435 = tpu.memref_slice %arg3[%mul3A_431] : memref<13631488xf32, #tpu.memory_space<hbm>> -> memref<1024xf32, #tpu.memory_space<hbm>>
      %dma_start3A_436 = arith.constant 7168 : i32
      %dma_start3A_437 = tpu.memref_slice %arg6[%dma_start3A_436] : memref<8192xf32, #tpu.memory_space<vmem>> -> memref<1024xf32, #tpu.memory_space<vmem>>
      tpu.enqueue_dma source(%dma_start3A_437 : memref<1024xf32, #tpu.memory_space<vmem>>) target(%dma_start3A_435 : memref<1024xf32, #tpu.memory_space<hbm>>) target_semaphore(%arg9 : memref<!tpu.dma_semaphore, #tpu.memory_space<semaphore_mem>>)
    }
    %scan3A_96 = arith.constant 13 : i32
    %dma_wait3A_97 = arith.constant 0 : i32
    %dma_wait3A_98 = tpu.memref_slice %arg6[%dma_wait3A_97] : memref<8192xf32, #tpu.memory_space<vmem>> -> memref<1024xf32, #tpu.memory_space<vmem>>
    %dma_wait3A_99 = arith.constant 0 : i32
    %dma_wait3A_100 = tpu.memref_slice %arg3[%dma_wait3A_99] : memref<13631488xf32, #tpu.memory_space<hbm>> -> memref<1024xf32, #tpu.memory_space<hbm>>
    %dma_wait3A_101 = arith.constant 0 : i32
    %dma_wait3A_102 = tpu.memref_slice %arg3[%dma_wait3A_101] : memref<13631488xf32, #tpu.memory_space<hbm>> -> memref<1024xf32, #tpu.memory_space<hbm>>
    %dma_wait3A_103 = arith.constant 0 : i32
    %dma_wait3A_104 = tpu.memref_slice %arg6[%dma_wait3A_103] : memref<8192xf32, #tpu.memory_space<vmem>> -> memref<1024xf32, #tpu.memory_space<vmem>>
    tpu.wait_dma2 semaphore(%arg8 : memref<!tpu.dma_semaphore, #tpu.memory_space<semaphore_mem>>) src(%dma_wait3A_104 : memref<1024xf32, #tpu.memory_space<vmem>>) dst(%dma_wait3A_102 : memref<1024xf32, #tpu.memory_space<hbm>>)
    %dma_wait3A_105 = arith.constant 0 : i32
    %dma_wait3A_106 = tpu.memref_slice %arg6[%dma_wait3A_105] : memref<8192xf32, #tpu.memory_space<vmem>> -> memref<1024xf32, #tpu.memory_space<vmem>>
    %dma_wait3A_107 = arith.constant 0 : i32
    %dma_wait3A_108 = tpu.memref_slice %arg3[%dma_wait3A_107] : memref<13631488xf32, #tpu.memory_space<hbm>> -> memref<1024xf32, #tpu.memory_space<hbm>>
    %dma_wait3A_109 = arith.constant 0 : i32
    %dma_wait3A_110 = tpu.memref_slice %arg3[%dma_wait3A_109] : memref<13631488xf32, #tpu.memory_space<hbm>> -> memref<1024xf32, #tpu.memory_space<hbm>>
    %dma_wait3A_111 = arith.constant 0 : i32
    %dma_wait3A_112 = tpu.memref_slice %arg6[%dma_wait3A_111] : memref<8192xf32, #tpu.memory_space<vmem>> -> memref<1024xf32, #tpu.memory_space<vmem>>
    tpu.wait_dma2 semaphore(%arg8 : memref<!tpu.dma_semaphore, #tpu.memory_space<semaphore_mem>>) src(%dma_wait3A_112 : memref<1024xf32, #tpu.memory_space<vmem>>) dst(%dma_wait3A_110 : memref<1024xf32, #tpu.memory_space<hbm>>)
    %dma_wait3A_113 = arith.constant 0 : i32
    %dma_wait3A_114 = tpu.memref_slice %arg6[%dma_wait3A_113] : memref<8192xf32, #tpu.memory_space<vmem>> -> memref<1024xf32, #tpu.memory_space<vmem>>
    %dma_wait3A_115 = arith.constant 0 : i32
    %dma_wait3A_116 = tpu.memref_slice %arg3[%dma_wait3A_115] : memref<13631488xf32, #tpu.memory_space<hbm>> -> memref<1024xf32, #tpu.memory_space<hbm>>
    %dma_wait3A_117 = arith.constant 0 : i32
    %dma_wait3A_118 = tpu.memref_slice %arg3[%dma_wait3A_117] : memref<13631488xf32, #tpu.memory_space<hbm>> -> memref<1024xf32, #tpu.memory_space<hbm>>
    %dma_wait3A_119 = arith.constant 0 : i32
    %dma_wait3A_120 = tpu.memref_slice %arg6[%dma_wait3A_119] : memref<8192xf32, #tpu.memory_space<vmem>> -> memref<1024xf32, #tpu.memory_space<vmem>>
    tpu.wait_dma2 semaphore(%arg8 : memref<!tpu.dma_semaphore, #tpu.memory_space<semaphore_mem>>) src(%dma_wait3A_120 : memref<1024xf32, #tpu.memory_space<vmem>>) dst(%dma_wait3A_118 : memref<1024xf32, #tpu.memory_space<hbm>>)
    %dma_wait3A_121 = arith.constant 0 : i32
    %dma_wait3A_122 = tpu.memref_slice %arg6[%dma_wait3A_121] : memref<8192xf32, #tpu.memory_space<vmem>> -> memref<1024xf32, #tpu.memory_space<vmem>>
    %dma_wait3A_123 = arith.constant 0 : i32
    %dma_wait3A_124 = tpu.memref_slice %arg3[%dma_wait3A_123] : memref<13631488xf32, #tpu.memory_space<hbm>> -> memref<1024xf32, #tpu.memory_space<hbm>>
    %dma_wait3A_125 = arith.constant 0 : i32
    %dma_wait3A_126 = tpu.memref_slice %arg3[%dma_wait3A_125] : memref<13631488xf32, #tpu.memory_space<hbm>> -> memref<1024xf32, #tpu.memory_space<hbm>>
    %dma_wait3A_127 = arith.constant 0 : i32
    %dma_wait3A_128 = tpu.memref_slice %arg6[%dma_wait3A_127] : memref<8192xf32, #tpu.memory_space<vmem>> -> memref<1024xf32, #tpu.memory_space<vmem>>
    tpu.wait_dma2 semaphore(%arg8 : memref<!tpu.dma_semaphore, #tpu.memory_space<semaphore_mem>>) src(%dma_wait3A_128 : memref<1024xf32, #tpu.memory_space<vmem>>) dst(%dma_wait3A_126 : memref<1024xf32, #tpu.memory_space<hbm>>)
    %dma_wait3A_129 = arith.constant 0 : i32
    %dma_wait3A_130 = tpu.memref_slice %arg6[%dma_wait3A_129] : memref<8192xf32, #tpu.memory_space<vmem>> -> memref<1024xf32, #tpu.memory_space<vmem>>
    %dma_wait3A_131 = arith.constant 0 : i32
    %dma_wait3A_132 = tpu.memref_slice %arg3[%dma_wait3A_131] : memref<13631488xf32, #tpu.memory_space<hbm>> -> memref<1024xf32, #tpu.memory_space<hbm>>
    %dma_wait3A_133 = arith.constant 0 : i32
    %dma_wait3A_134 = tpu.memref_slice %arg3[%dma_wait3A_133] : memref<13631488xf32, #tpu.memory_space<hbm>> -> memref<1024xf32, #tpu.memory_space<hbm>>
    %dma_wait3A_135 = arith.constant 0 : i32
    %dma_wait3A_136 = tpu.memref_slice %arg6[%dma_wait3A_135] : memref<8192xf32, #tpu.memory_space<vmem>> -> memref<1024xf32, #tpu.memory_space<vmem>>
    tpu.wait_dma2 semaphore(%arg9 : memref<!tpu.dma_semaphore, #tpu.memory_space<semaphore_mem>>) src(%dma_wait3A_136 : memref<1024xf32, #tpu.memory_space<vmem>>) dst(%dma_wait3A_134 : memref<1024xf32, #tpu.memory_space<hbm>>)
    %dma_wait3A_137 = arith.constant 0 : i32
    %dma_wait3A_138 = tpu.memref_slice %arg6[%dma_wait3A_137] : memref<8192xf32, #tpu.memory_space<vmem>> -> memref<1024xf32, #tpu.memory_space<vmem>>
    %dma_wait3A_139 = arith.constant 0 : i32
    %dma_wait3A_140 = tpu.memref_slice %arg3[%dma_wait3A_139] : memref<13631488xf32, #tpu.memory_space<hbm>> -> memref<1024xf32, #tpu.memory_space<hbm>>
    %dma_wait3A_141 = arith.constant 0 : i32
    %dma_wait3A_142 = tpu.memref_slice %arg3[%dma_wait3A_141] : memref<13631488xf32, #tpu.memory_space<hbm>> -> memref<1024xf32, #tpu.memory_space<hbm>>
    %dma_wait3A_143 = arith.constant 0 : i32
    %dma_wait3A_144 = tpu.memref_slice %arg6[%dma_wait3A_143] : memref<8192xf32, #tpu.memory_space<vmem>> -> memref<1024xf32, #tpu.memory_space<vmem>>
    tpu.wait_dma2 semaphore(%arg9 : memref<!tpu.dma_semaphore, #tpu.memory_space<semaphore_mem>>) src(%dma_wait3A_144 : memref<1024xf32, #tpu.memory_space<vmem>>) dst(%dma_wait3A_142 : memref<1024xf32, #tpu.memory_space<hbm>>)
    %dma_wait3A_145 = arith.constant 0 : i32
    %dma_wait3A_146 = tpu.memref_slice %arg6[%dma_wait3A_145] : memref<8192xf32, #tpu.memory_space<vmem>> -> memref<1024xf32, #tpu.memory_space<vmem>>
    %dma_wait3A_147 = arith.constant 0 : i32
    %dma_wait3A_148 = tpu.memref_slice %arg3[%dma_wait3A_147] : memref<13631488xf32, #tpu.memory_space<hbm>> -> memref<1024xf32, #tpu.memory_space<hbm>>
    %dma_wait3A_149 = arith.constant 0 : i32
    %dma_wait3A_150 = tpu.memref_slice %arg3[%dma_wait3A_149] : memref<13631488xf32, #tpu.memory_space<hbm>> -> memref<1024xf32, #tpu.memory_space<hbm>>
    %dma_wait3A_151 = arith.constant 0 : i32
    %dma_wait3A_152 = tpu.memref_slice %arg6[%dma_wait3A_151] : memref<8192xf32, #tpu.memory_space<vmem>> -> memref<1024xf32, #tpu.memory_space<vmem>>
    tpu.wait_dma2 semaphore(%arg9 : memref<!tpu.dma_semaphore, #tpu.memory_space<semaphore_mem>>) src(%dma_wait3A_152 : memref<1024xf32, #tpu.memory_space<vmem>>) dst(%dma_wait3A_150 : memref<1024xf32, #tpu.memory_space<hbm>>)
    %dma_wait3A_153 = arith.constant 0 : i32
    %dma_wait3A_154 = tpu.memref_slice %arg6[%dma_wait3A_153] : memref<8192xf32, #tpu.memory_space<vmem>> -> memref<1024xf32, #tpu.memory_space<vmem>>
    %dma_wait3A_155 = arith.constant 0 : i32
    %dma_wait3A_156 = tpu.memref_slice %arg3[%dma_wait3A_155] : memref<13631488xf32, #tpu.memory_space<hbm>> -> memref<1024xf32, #tpu.memory_space<hbm>>
    %dma_wait3A_157 = arith.constant 0 : i32
    %dma_wait3A_158 = tpu.memref_slice %arg3[%dma_wait3A_157] : memref<13631488xf32, #tpu.memory_space<hbm>> -> memref<1024xf32, #tpu.memory_space<hbm>>
    %dma_wait3A_159 = arith.constant 0 : i32
    %dma_wait3A_160 = tpu.memref_slice %arg6[%dma_wait3A_159] : memref<8192xf32, #tpu.memory_space<vmem>> -> memref<1024xf32, #tpu.memory_space<vmem>>
    tpu.wait_dma2 semaphore(%arg9 : memref<!tpu.dma_semaphore, #tpu.memory_space<semaphore_mem>>) src(%dma_wait3A_160 : memref<1024xf32, #tpu.memory_space<vmem>>) dst(%dma_wait3A_158 : memref<1024xf32, #tpu.memory_space<hbm>>)
    %mul3A_161 = arith.constant 4 : i32
    %mul3A_162 = arith.muli %add3A, %mul3A_161 : i32
    %add3A_163 = arith.constant 2 : i32
    %add3A_164 = arith.addi %mul3A_162, %add3A_163 : i32
    %mul3A_165 = arith.constant 106496 : i32
    %mul3A_166 = arith.muli %add3A_164, %mul3A_165 : i32
    %dma_start3A_167 = tpu.memref_slice %arg2[%mul3A_166] : memref<13631488xf32, #tpu.memory_space<hbm>> -> memref<106496xf32, #tpu.memory_space<hbm>>
    %dma_start3A_168 = tpu.memref_slice %arg2[%mul3A_166] : memref<13631488xf32, #tpu.memory_space<hbm>> -> memref<106496xf32, #tpu.memory_space<hbm>>
    tpu.enqueue_dma source(%dma_start3A_168 : memref<106496xf32, #tpu.memory_space<hbm>>) target(%arg4 : memref<106496xf32, #tpu.memory_space<vmem>>) target_semaphore(%arg7 : memref<!tpu.dma_semaphore, #tpu.memory_space<semaphore_mem>>)
    %dma_wait3A_169 = tpu.memref_slice %arg2[%mul3A_166] : memref<13631488xf32, #tpu.memory_space<hbm>> -> memref<106496xf32, #tpu.memory_space<hbm>>
    %dma_wait3A_170 = tpu.memref_slice %arg2[%mul3A_166] : memref<13631488xf32, #tpu.memory_space<hbm>> -> memref<106496xf32, #tpu.memory_space<hbm>>
    tpu.wait_dma2 semaphore(%arg7 : memref<!tpu.dma_semaphore, #tpu.memory_space<semaphore_mem>>) src(%dma_wait3A_170 : memref<106496xf32, #tpu.memory_space<hbm>>) dst(%arg4 : memref<106496xf32, #tpu.memory_space<vmem>>)
    %scan3A_171 = arith.constant 0 : i32
    %scan3A_172 = arith.constant 0 : i32
    %scan3A_173 = arith.constant 13 : i32
    %scan3A_174 = arith.addi %scan3A_172, %scan3A_173 : i32
    %scan3A_175 = arith.constant 1 : i32
    scf.for %scan3A_321 = %scan3A_172 to %scan3A_174 step %scan3A_175  : i32 {
      %mul3A_322 = arith.constant 2 : i32
      %mul3A_323 = arith.muli %scan3A_321, %mul3A_322 : i32
      %add3A_324 = arith.constant 0 : i32
      %add3A_325 = arith.addi %mul3A_323, %add3A_324 : i32
      %ge3A = arith.constant 2 : i32
      %ge3A_326 = arith.cmpi sge, %add3A_325, %ge3A : i32
      %convert_element_type3A = arith.extui %ge3A_326 : i1 to i32
      %cond3A = arith.constant 0 : i32
      %cond3A_327 = arith.cmpi ne, %convert_element_type3A, %cond3A : i32
      scf.if %cond3A_327 {
        %dma_wait3A_438 = arith.constant 0 : i32
        %dma_wait3A_439 = tpu.memref_slice %arg6[%dma_wait3A_438] : memref<8192xf32, #tpu.memory_space<vmem>> -> memref<1024xf32, #tpu.memory_space<vmem>>
        %dma_wait3A_440 = arith.constant 0 : i32
        %dma_wait3A_441 = tpu.memref_slice %arg3[%dma_wait3A_440] : memref<13631488xf32, #tpu.memory_space<hbm>> -> memref<1024xf32, #tpu.memory_space<hbm>>
        %dma_wait3A_442 = arith.constant 0 : i32
        %dma_wait3A_443 = tpu.memref_slice %arg3[%dma_wait3A_442] : memref<13631488xf32, #tpu.memory_space<hbm>> -> memref<1024xf32, #tpu.memory_space<hbm>>
        %dma_wait3A_444 = arith.constant 0 : i32
        %dma_wait3A_445 = tpu.memref_slice %arg6[%dma_wait3A_444] : memref<8192xf32, #tpu.memory_space<vmem>> -> memref<1024xf32, #tpu.memory_space<vmem>>
        tpu.wait_dma2 semaphore(%arg8 : memref<!tpu.dma_semaphore, #tpu.memory_space<semaphore_mem>>) src(%dma_wait3A_445 : memref<1024xf32, #tpu.memory_space<vmem>>) dst(%dma_wait3A_443 : memref<1024xf32, #tpu.memory_space<hbm>>)
        %dma_wait3A_446 = arith.constant 0 : i32
        %dma_wait3A_447 = tpu.memref_slice %arg6[%dma_wait3A_446] : memref<8192xf32, #tpu.memory_space<vmem>> -> memref<1024xf32, #tpu.memory_space<vmem>>
        %dma_wait3A_448 = arith.constant 0 : i32
        %dma_wait3A_449 = tpu.memref_slice %arg3[%dma_wait3A_448] : memref<13631488xf32, #tpu.memory_space<hbm>> -> memref<1024xf32, #tpu.memory_space<hbm>>
        %dma_wait3A_450 = arith.constant 0 : i32
        %dma_wait3A_451 = tpu.memref_slice %arg3[%dma_wait3A_450] : memref<13631488xf32, #tpu.memory_space<hbm>> -> memref<1024xf32, #tpu.memory_space<hbm>>
        %dma_wait3A_452 = arith.constant 0 : i32
        %dma_wait3A_453 = tpu.memref_slice %arg6[%dma_wait3A_452] : memref<8192xf32, #tpu.memory_space<vmem>> -> memref<1024xf32, #tpu.memory_space<vmem>>
        tpu.wait_dma2 semaphore(%arg8 : memref<!tpu.dma_semaphore, #tpu.memory_space<semaphore_mem>>) src(%dma_wait3A_453 : memref<1024xf32, #tpu.memory_space<vmem>>) dst(%dma_wait3A_451 : memref<1024xf32, #tpu.memory_space<hbm>>)
        %dma_wait3A_454 = arith.constant 0 : i32
        %dma_wait3A_455 = tpu.memref_slice %arg6[%dma_wait3A_454] : memref<8192xf32, #tpu.memory_space<vmem>> -> memref<1024xf32, #tpu.memory_space<vmem>>
        %dma_wait3A_456 = arith.constant 0 : i32
        %dma_wait3A_457 = tpu.memref_slice %arg3[%dma_wait3A_456] : memref<13631488xf32, #tpu.memory_space<hbm>> -> memref<1024xf32, #tpu.memory_space<hbm>>
        %dma_wait3A_458 = arith.constant 0 : i32
        %dma_wait3A_459 = tpu.memref_slice %arg3[%dma_wait3A_458] : memref<13631488xf32, #tpu.memory_space<hbm>> -> memref<1024xf32, #tpu.memory_space<hbm>>
        %dma_wait3A_460 = arith.constant 0 : i32
        %dma_wait3A_461 = tpu.memref_slice %arg6[%dma_wait3A_460] : memref<8192xf32, #tpu.memory_space<vmem>> -> memref<1024xf32, #tpu.memory_space<vmem>>
        tpu.wait_dma2 semaphore(%arg8 : memref<!tpu.dma_semaphore, #tpu.memory_space<semaphore_mem>>) src(%dma_wait3A_461 : memref<1024xf32, #tpu.memory_space<vmem>>) dst(%dma_wait3A_459 : memref<1024xf32, #tpu.memory_space<hbm>>)
        %dma_wait3A_462 = arith.constant 0 : i32
        %dma_wait3A_463 = tpu.memref_slice %arg6[%dma_wait3A_462] : memref<8192xf32, #tpu.memory_space<vmem>> -> memref<1024xf32, #tpu.memory_space<vmem>>
        %dma_wait3A_464 = arith.constant 0 : i32
        %dma_wait3A_465 = tpu.memref_slice %arg3[%dma_wait3A_464] : memref<13631488xf32, #tpu.memory_space<hbm>> -> memref<1024xf32, #tpu.memory_space<hbm>>
        %dma_wait3A_466 = arith.constant 0 : i32
        %dma_wait3A_467 = tpu.memref_slice %arg3[%dma_wait3A_466] : memref<13631488xf32, #tpu.memory_space<hbm>> -> memref<1024xf32, #tpu.memory_space<hbm>>
        %dma_wait3A_468 = arith.constant 0 : i32
        %dma_wait3A_469 = tpu.memref_slice %arg6[%dma_wait3A_468] : memref<8192xf32, #tpu.memory_space<vmem>> -> memref<1024xf32, #tpu.memory_space<vmem>>
        tpu.wait_dma2 semaphore(%arg8 : memref<!tpu.dma_semaphore, #tpu.memory_space<semaphore_mem>>) src(%dma_wait3A_469 : memref<1024xf32, #tpu.memory_space<vmem>>) dst(%dma_wait3A_467 : memref<1024xf32, #tpu.memory_space<hbm>>)
      } else {
      }
      %mul3A_328 = arith.constant 32 : i32
      %mul3A_329 = arith.muli %add3A_325, %mul3A_328 : i32
      %parallel_loop3A = arith.constant 0 : i32
      %parallel_loop3A_330 = arith.constant 128 : i32
      %parallel_loop3A_331 = arith.constant 1 : i32
      scf.for %parallel_loop3A_438 = %parallel_loop3A to %parallel_loop3A_330 step %parallel_loop3A_331  : i32 {
        %parallel_loop3A_439 = arith.constant 832 : i32
        %parallel_loop3A_440 = arith.muli %parallel_loop3A_438, %parallel_loop3A_439 : i32
        %parallel_loop3A_441 = arith.addi %mul3A_329, %parallel_loop3A_440 : i32
        %parallel_loop3A_442 = arith.index_cast %parallel_loop3A_441 : i32 to index
        %parallel_loop3A_443 = tpu.vector_load %arg4[%parallel_loop3A_442] {strides = array<i32>} : memref<106496xf32, #tpu.memory_space<vmem>>, vector<16xf32>,
        %parallel_loop3A_444 = arith.constant 16 : i32
        %parallel_loop3A_445 = arith.addi %parallel_loop3A_441, %parallel_loop3A_444 : i32
        %parallel_loop3A_446 = arith.index_cast %parallel_loop3A_445 : i32 to index
        %parallel_loop3A_447 = tpu.vector_load %arg4[%parallel_loop3A_446] {strides = array<i32>} : memref<106496xf32, #tpu.memory_space<vmem>>, vector<16xf32>,
        %parallel_loop3A_448 = vector.broadcast %parallel_loop3A_438 : i32 to vector<16xi32>
        %parallel_loop3A_449 = arith.addi %mul3A_3, %parallel_loop3A_448 : vector<16xi32>
        tpu.vector_store_idx %arg5[%parallel_loop3A_449], %parallel_loop3A_443 : memref<4128xf32, #tpu.memory_space<vmem>>[vector<16xi32>], vector<16xf32>,
        %parallel_loop3A_450 = arith.constant 2064 : i32
        %parallel_loop3A_451 = arith.addi %parallel_loop3A_450, %parallel_loop3A_438 : i32
        %parallel_loop3A_452 = vector.broadcast %parallel_loop3A_451 : i32 to vector<16xi32>
        %parallel_loop3A_453 = arith.addi %mul3A_3, %parallel_loop3A_452 : vector<16xi32>
        tpu.vector_store_idx %arg5[%parallel_loop3A_453], %parallel_loop3A_447 : memref<4128xf32, #tpu.memory_space<vmem>>[vector<16xi32>], vector<16xf32>,
      } {sc.loop_unroll_factor = 8 : i64, sc.parallel_access}
      %parallel_loop3A_332 = arith.constant 0 : i32
      %parallel_loop3A_333 = arith.constant 32 : i32
      %parallel_loop3A_334 = arith.constant 1 : i32
      scf.for %parallel_loop3A_438 = %parallel_loop3A_332 to %parallel_loop3A_333 step %parallel_loop3A_334  : i32 {
        %parallel_loop3A_439 = arith.constant 129 : i32
        %parallel_loop3A_440 = arith.muli %parallel_loop3A_438, %parallel_loop3A_439 : i32
        %parallel_loop3A_441 = arith.constant 0 : i32
        %parallel_loop3A_442 = arith.addi %parallel_loop3A_440, %parallel_loop3A_441 : i32
        %parallel_loop3A_443 = arith.index_cast %parallel_loop3A_442 : i32 to index
        %parallel_loop3A_444 = tpu.vector_load %arg5[%parallel_loop3A_443] {strides = array<i32>} : memref<4128xf32, #tpu.memory_space<vmem>>, vector<16xf32>,
        %parallel_loop3A_445 = arith.constant 128 : i32
        %parallel_loop3A_446 = arith.muli %parallel_loop3A_438, %parallel_loop3A_445 : i32
        %parallel_loop3A_447 = arith.constant 0 : i32
        %parallel_loop3A_448 = arith.addi %parallel_loop3A_447, %parallel_loop3A_446 : i32
        %parallel_loop3A_449 = arith.constant 0 : i32
        %parallel_loop3A_450 = arith.addi %parallel_loop3A_448, %parallel_loop3A_449 : i32
        %parallel_loop3A_451 = arith.index_cast %parallel_loop3A_450 : i32 to index
        %parallel_loop3A_452 = tpu.vector_load %arg6[%parallel_loop3A_451] {strides = array<i32>} : memref<8192xf32, #tpu.memory_space<vmem>>, vector<16xf32>,
        tpu.vector_store %arg6[%parallel_loop3A_451], %parallel_loop3A_444 {strides = array<i32>} : memref<8192xf32, #tpu.memory_space<vmem>>, vector<16xf32>,
        %parallel_loop3A_453 = arith.constant 129 : i32
        %parallel_loop3A_454 = arith.muli %parallel_loop3A_438, %parallel_loop3A_453 : i32
        %parallel_loop3A_455 = arith.constant 16 : i32
        %parallel_loop3A_456 = arith.addi %parallel_loop3A_454, %parallel_loop3A_455 : i32
        %parallel_loop3A_457 = arith.index_cast %parallel_loop3A_456 : i32 to index
        %parallel_loop3A_458 = tpu.vector_load %arg5[%parallel_loop3A_457] {strides = array<i32>} : memref<4128xf32, #tpu.memory_space<vmem>>, vector<16xf32>,
        %parallel_loop3A_459 = arith.constant 128 : i32
        %parallel_loop3A_460 = arith.muli %parallel_loop3A_438, %parallel_loop3A_459 : i32
        %parallel_loop3A_461 = arith.constant 0 : i32
        %parallel_loop3A_462 = arith.addi %parallel_loop3A_461, %parallel_loop3A_460 : i32
        %parallel_loop3A_463 = arith.constant 16 : i32
        %parallel_loop3A_464 = arith.addi %parallel_loop3A_462, %parallel_loop3A_463 : i32
        %parallel_loop3A_465 = arith.index_cast %parallel_loop3A_464 : i32 to index
        %parallel_loop3A_466 = tpu.vector_load %arg6[%parallel_loop3A_465] {strides = array<i32>} : memref<8192xf32, #tpu.memory_space<vmem>>, vector<16xf32>,
        tpu.vector_store %arg6[%parallel_loop3A_465], %parallel_loop3A_458 {strides = array<i32>} : memref<8192xf32, #tpu.memory_space<vmem>>, vector<16xf32>,
        %parallel_loop3A_467 = arith.constant 129 : i32
        %parallel_loop3A_468 = arith.muli %parallel_loop3A_438, %parallel_loop3A_467 : i32
        %parallel_loop3A_469 = arith.constant 32 : i32
        %parallel_loop3A_470 = arith.addi %parallel_loop3A_468, %parallel_loop3A_469 : i32
        %parallel_loop3A_471 = arith.index_cast %parallel_loop3A_470 : i32 to index
        %parallel_loop3A_472 = tpu.vector_load %arg5[%parallel_loop3A_471] {strides = array<i32>} : memref<4128xf32, #tpu.memory_space<vmem>>, vector<16xf32>,
        %parallel_loop3A_473 = arith.constant 128 : i32
        %parallel_loop3A_474 = arith.muli %parallel_loop3A_438, %parallel_loop3A_473 : i32
        %parallel_loop3A_475 = arith.constant 0 : i32
        %parallel_loop3A_476 = arith.addi %parallel_loop3A_475, %parallel_loop3A_474 : i32
        %parallel_loop3A_477 = arith.constant 32 : i32
        %parallel_loop3A_478 = arith.addi %parallel_loop3A_476, %parallel_loop3A_477 : i32
        %parallel_loop3A_479 = arith.index_cast %parallel_loop3A_478 : i32 to index
        %parallel_loop3A_480 = tpu.vector_load %arg6[%parallel_loop3A_479] {strides = array<i32>} : memref<8192xf32, #tpu.memory_space<vmem>>, vector<16xf32>,
        tpu.vector_store %arg6[%parallel_loop3A_479], %parallel_loop3A_472 {strides = array<i32>} : memref<8192xf32, #tpu.memory_space<vmem>>, vector<16xf32>,
        %parallel_loop3A_481 = arith.constant 129 : i32
        %parallel_loop3A_482 = arith.muli %parallel_loop3A_438, %parallel_loop3A_481 : i32
        %parallel_loop3A_483 = arith.constant 48 : i32
        %parallel_loop3A_484 = arith.addi %parallel_loop3A_482, %parallel_loop3A_483 : i32
        %parallel_loop3A_485 = arith.index_cast %parallel_loop3A_484 : i32 to index
        %parallel_loop3A_486 = tpu.vector_load %arg5[%parallel_loop3A_485] {strides = array<i32>} : memref<4128xf32, #tpu.memory_space<vmem>>, vector<16xf32>,
        %parallel_loop3A_487 = arith.constant 128 : i32
        %parallel_loop3A_488 = arith.muli %parallel_loop3A_438, %parallel_loop3A_487 : i32
        %parallel_loop3A_489 = arith.constant 0 : i32
        %parallel_loop3A_490 = arith.addi %parallel_loop3A_489, %parallel_loop3A_488 : i32
        %parallel_loop3A_491 = arith.constant 48 : i32
        %parallel_loop3A_492 = arith.addi %parallel_loop3A_490, %parallel_loop3A_491 : i32
        %parallel_loop3A_493 = arith.index_cast %parallel_loop3A_492 : i32 to index
        %parallel_loop3A_494 = tpu.vector_load %arg6[%parallel_loop3A_493] {strides = array<i32>} : memref<8192xf32, #tpu.memory_space<vmem>>, vector<16xf32>,
        tpu.vector_store %arg6[%parallel_loop3A_493], %parallel_loop3A_486 {strides = array<i32>} : memref<8192xf32, #tpu.memory_space<vmem>>, vector<16xf32>,
        %parallel_loop3A_495 = arith.constant 129 : i32
        %parallel_loop3A_496 = arith.muli %parallel_loop3A_438, %parallel_loop3A_495 : i32
        %parallel_loop3A_497 = arith.constant 64 : i32
        %parallel_loop3A_498 = arith.addi %parallel_loop3A_496, %parallel_loop3A_497 : i32
        %parallel_loop3A_499 = arith.index_cast %parallel_loop3A_498 : i32 to index
        %parallel_loop3A_500 = tpu.vector_load %arg5[%parallel_loop3A_499] {strides = array<i32>} : memref<4128xf32, #tpu.memory_space<vmem>>, vector<16xf32>,
        %parallel_loop3A_501 = arith.constant 128 : i32
        %parallel_loop3A_502 = arith.muli %parallel_loop3A_438, %parallel_loop3A_501 : i32
        %parallel_loop3A_503 = arith.constant 0 : i32
        %parallel_loop3A_504 = arith.addi %parallel_loop3A_503, %parallel_loop3A_502 : i32
        %parallel_loop3A_505 = arith.constant 64 : i32
        %parallel_loop3A_506 = arith.addi %parallel_loop3A_504, %parallel_loop3A_505 : i32
        %parallel_loop3A_507 = arith.index_cast %parallel_loop3A_506 : i32 to index
        %parallel_loop3A_508 = tpu.vector_load %arg6[%parallel_loop3A_507] {strides = array<i32>} : memref<8192xf32, #tpu.memory_space<vmem>>, vector<16xf32>,
        tpu.vector_store %arg6[%parallel_loop3A_507], %parallel_loop3A_500 {strides = array<i32>} : memref<8192xf32, #tpu.memory_space<vmem>>, vector<16xf32>,
        %parallel_loop3A_509 = arith.constant 129 : i32
        %parallel_loop3A_510 = arith.muli %parallel_loop3A_438, %parallel_loop3A_509 : i32
        %parallel_loop3A_511 = arith.constant 80 : i32
        %parallel_loop3A_512 = arith.addi %parallel_loop3A_510, %parallel_loop3A_511 : i32
        %parallel_loop3A_513 = arith.index_cast %parallel_loop3A_512 : i32 to index
        %parallel_loop3A_514 = tpu.vector_load %arg5[%parallel_loop3A_513] {strides = array<i32>} : memref<4128xf32, #tpu.memory_space<vmem>>, vector<16xf32>,
        %parallel_loop3A_515 = arith.constant 128 : i32
        %parallel_loop3A_516 = arith.muli %parallel_loop3A_438, %parallel_loop3A_515 : i32
        %parallel_loop3A_517 = arith.constant 0 : i32
        %parallel_loop3A_518 = arith.addi %parallel_loop3A_517, %parallel_loop3A_516 : i32
        %parallel_loop3A_519 = arith.constant 80 : i32
        %parallel_loop3A_520 = arith.addi %parallel_loop3A_518, %parallel_loop3A_519 : i32
        %parallel_loop3A_521 = arith.index_cast %parallel_loop3A_520 : i32 to index
        %parallel_loop3A_522 = tpu.vector_load %arg6[%parallel_loop3A_521] {strides = array<i32>} : memref<8192xf32, #tpu.memory_space<vmem>>, vector<16xf32>,
        tpu.vector_store %arg6[%parallel_loop3A_521], %parallel_loop3A_514 {strides = array<i32>} : memref<8192xf32, #tpu.memory_space<vmem>>, vector<16xf32>,
        %parallel_loop3A_523 = arith.constant 129 : i32
        %parallel_loop3A_524 = arith.muli %parallel_loop3A_438, %parallel_loop3A_523 : i32
        %parallel_loop3A_525 = arith.constant 96 : i32
        %parallel_loop3A_526 = arith.addi %parallel_loop3A_524, %parallel_loop3A_525 : i32
        %parallel_loop3A_527 = arith.index_cast %parallel_loop3A_526 : i32 to index
        %parallel_loop3A_528 = tpu.vector_load %arg5[%parallel_loop3A_527] {strides = array<i32>} : memref<4128xf32, #tpu.memory_space<vmem>>, vector<16xf32>,
        %parallel_loop3A_529 = arith.constant 128 : i32
        %parallel_loop3A_530 = arith.muli %parallel_loop3A_438, %parallel_loop3A_529 : i32
        %parallel_loop3A_531 = arith.constant 0 : i32
        %parallel_loop3A_532 = arith.addi %parallel_loop3A_531, %parallel_loop3A_530 : i32
        %parallel_loop3A_533 = arith.constant 96 : i32
        %parallel_loop3A_534 = arith.addi %parallel_loop3A_532, %parallel_loop3A_533 : i32
        %parallel_loop3A_535 = arith.index_cast %parallel_loop3A_534 : i32 to index
        %parallel_loop3A_536 = tpu.vector_load %arg6[%parallel_loop3A_535] {strides = array<i32>} : memref<8192xf32, #tpu.memory_space<vmem>>, vector<16xf32>,
        tpu.vector_store %arg6[%parallel_loop3A_535], %parallel_loop3A_528 {strides = array<i32>} : memref<8192xf32, #tpu.memory_space<vmem>>, vector<16xf32>,
        %parallel_loop3A_537 = arith.constant 129 : i32
        %parallel_loop3A_538 = arith.muli %parallel_loop3A_438, %parallel_loop3A_537 : i32
        %parallel_loop3A_539 = arith.constant 112 : i32
        %parallel_loop3A_540 = arith.addi %parallel_loop3A_538, %parallel_loop3A_539 : i32
        %parallel_loop3A_541 = arith.index_cast %parallel_loop3A_540 : i32 to index
        %parallel_loop3A_542 = tpu.vector_load %arg5[%parallel_loop3A_541] {strides = array<i32>} : memref<4128xf32, #tpu.memory_space<vmem>>, vector<16xf32>,
        %parallel_loop3A_543 = arith.constant 128 : i32
        %parallel_loop3A_544 = arith.muli %parallel_loop3A_438, %parallel_loop3A_543 : i32
        %parallel_loop3A_545 = arith.constant 0 : i32
        %parallel_loop3A_546 = arith.addi %parallel_loop3A_545, %parallel_loop3A_544 : i32
        %parallel_loop3A_547 = arith.constant 112 : i32
        %parallel_loop3A_548 = arith.addi %parallel_loop3A_546, %parallel_loop3A_547 : i32
        %parallel_loop3A_549 = arith.index_cast %parallel_loop3A_548 : i32 to index
        %parallel_loop3A_550 = tpu.vector_load %arg6[%parallel_loop3A_549] {strides = array<i32>} : memref<8192xf32, #tpu.memory_space<vmem>>, vector<16xf32>,
        tpu.vector_store %arg6[%parallel_loop3A_549], %parallel_loop3A_542 {strides = array<i32>} : memref<8192xf32, #tpu.memory_space<vmem>>, vector<16xf32>,
      } {sc.loop_unroll_factor = 4 : i64, sc.parallel_access}
      %mul3A_335 = arith.constant 512 : i32
      %mul3A_336 = arith.muli %add3A_325, %mul3A_335 : i32
      %add3A_337 = arith.addi %mul3A_336, %add3A_164 : i32
      %add3A_338 = arith.constant 0 : i32
      %add3A_339 = arith.addi %add3A_337, %add3A_338 : i32
      %mul3A_340 = arith.constant 1024 : i32
      %mul3A_341 = arith.muli %add3A_339, %mul3A_340 : i32
      %dma_start3A_342 = arith.constant 0 : i32
      %dma_start3A_343 = tpu.memref_slice %arg6[%dma_start3A_342] : memref<8192xf32, #tpu.memory_space<vmem>> -> memref<1024xf32, #tpu.memory_space<vmem>>
      %dma_start3A_344 = tpu.memref_slice %arg3[%mul3A_341] : memref<13631488xf32, #tpu.memory_space<hbm>> -> memref<1024xf32, #tpu.memory_space<hbm>>
      %dma_start3A_345 = tpu.memref_slice %arg3[%mul3A_341] : memref<13631488xf32, #tpu.memory_space<hbm>> -> memref<1024xf32, #tpu.memory_space<hbm>>
      %dma_start3A_346 = arith.constant 0 : i32
      %dma_start3A_347 = tpu.memref_slice %arg6[%dma_start3A_346] : memref<8192xf32, #tpu.memory_space<vmem>> -> memref<1024xf32, #tpu.memory_space<vmem>>
      tpu.enqueue_dma source(%dma_start3A_347 : memref<1024xf32, #tpu.memory_space<vmem>>) target(%dma_start3A_345 : memref<1024xf32, #tpu.memory_space<hbm>>) target_semaphore(%arg8 : memref<!tpu.dma_semaphore, #tpu.memory_space<semaphore_mem>>)
      %add3A_348 = arith.constant 128 : i32
      %add3A_349 = arith.addi %add3A_337, %add3A_348 : i32
      %mul3A_350 = arith.constant 1024 : i32
      %mul3A_351 = arith.muli %add3A_349, %mul3A_350 : i32
      %dma_start3A_352 = arith.constant 1024 : i32
      %dma_start3A_353 = tpu.memref_slice %arg6[%dma_start3A_352] : memref<8192xf32, #tpu.memory_space<vmem>> -> memref<1024xf32, #tpu.memory_space<vmem>>
      %dma_start3A_354 = tpu.memref_slice %arg3[%mul3A_351] : memref<13631488xf32, #tpu.memory_space<hbm>> -> memref<1024xf32, #tpu.memory_space<hbm>>
      %dma_start3A_355 = tpu.memref_slice %arg3[%mul3A_351] : memref<13631488xf32, #tpu.memory_space<hbm>> -> memref<1024xf32, #tpu.memory_space<hbm>>
      %dma_start3A_356 = arith.constant 1024 : i32
      %dma_start3A_357 = tpu.memref_slice %arg6[%dma_start3A_356] : memref<8192xf32, #tpu.memory_space<vmem>> -> memref<1024xf32, #tpu.memory_space<vmem>>
      tpu.enqueue_dma source(%dma_start3A_357 : memref<1024xf32, #tpu.memory_space<vmem>>) target(%dma_start3A_355 : memref<1024xf32, #tpu.memory_space<hbm>>) target_semaphore(%arg8 : memref<!tpu.dma_semaphore, #tpu.memory_space<semaphore_mem>>)
      %add3A_358 = arith.constant 256 : i32
      %add3A_359 = arith.addi %add3A_337, %add3A_358 : i32
      %mul3A_360 = arith.constant 1024 : i32
      %mul3A_361 = arith.muli %add3A_359, %mul3A_360 : i32
      %dma_start3A_362 = arith.constant 2048 : i32
      %dma_start3A_363 = tpu.memref_slice %arg6[%dma_start3A_362] : memref<8192xf32, #tpu.memory_space<vmem>> -> memref<1024xf32, #tpu.memory_space<vmem>>
      %dma_start3A_364 = tpu.memref_slice %arg3[%mul3A_361] : memref<13631488xf32, #tpu.memory_space<hbm>> -> memref<1024xf32, #tpu.memory_space<hbm>>
      %dma_start3A_365 = tpu.memref_slice %arg3[%mul3A_361] : memref<13631488xf32, #tpu.memory_space<hbm>> -> memref<1024xf32, #tpu.memory_space<hbm>>
      %dma_start3A_366 = arith.constant 2048 : i32
      %dma_start3A_367 = tpu.memref_slice %arg6[%dma_start3A_366] : memref<8192xf32, #tpu.memory_space<vmem>> -> memref<1024xf32, #tpu.memory_space<vmem>>
      tpu.enqueue_dma source(%dma_start3A_367 : memref<1024xf32, #tpu.memory_space<vmem>>) target(%dma_start3A_365 : memref<1024xf32, #tpu.memory_space<hbm>>) target_semaphore(%arg8 : memref<!tpu.dma_semaphore, #tpu.memory_space<semaphore_mem>>)
      %add3A_368 = arith.constant 384 : i32
      %add3A_369 = arith.addi %add3A_337, %add3A_368 : i32
      %mul3A_370 = arith.constant 1024 : i32
      %mul3A_371 = arith.muli %add3A_369, %mul3A_370 : i32
      %dma_start3A_372 = arith.constant 3072 : i32
      %dma_start3A_373 = tpu.memref_slice %arg6[%dma_start3A_372] : memref<8192xf32, #tpu.memory_space<vmem>> -> memref<1024xf32, #tpu.memory_space<vmem>>
      %dma_start3A_374 = tpu.memref_slice %arg3[%mul3A_371] : memref<13631488xf32, #tpu.memory_space<hbm>> -> memref<1024xf32, #tpu.memory_space<hbm>>
      %dma_start3A_375 = tpu.memref_slice %arg3[%mul3A_371] : memref<13631488xf32, #tpu.memory_space<hbm>> -> memref<1024xf32, #tpu.memory_space<hbm>>
      %dma_start3A_376 = arith.constant 3072 : i32
      %dma_start3A_377 = tpu.memref_slice %arg6[%dma_start3A_376] : memref<8192xf32, #tpu.memory_space<vmem>> -> memref<1024xf32, #tpu.memory_space<vmem>>
      tpu.enqueue_dma source(%dma_start3A_377 : memref<1024xf32, #tpu.memory_space<vmem>>) target(%dma_start3A_375 : memref<1024xf32, #tpu.memory_space<hbm>>) target_semaphore(%arg8 : memref<!tpu.dma_semaphore, #tpu.memory_space<semaphore_mem>>)
      %mul3A_378 = arith.constant 2 : i32
      %mul3A_379 = arith.muli %scan3A_321, %mul3A_378 : i32
      %add3A_380 = arith.constant 1 : i32
      %add3A_381 = arith.addi %mul3A_379, %add3A_380 : i32
      %ge3A_382 = arith.constant 2 : i32
      %ge3A_383 = arith.cmpi sge, %add3A_381, %ge3A_382 : i32
      %convert_element_type3A_384 = arith.extui %ge3A_383 : i1 to i32
      %cond3A_385 = arith.constant 0 : i32
      %cond3A_386 = arith.cmpi ne, %convert_element_type3A_384, %cond3A_385 : i32
      scf.if %cond3A_386 {
        %dma_wait3A_438 = arith.constant 0 : i32
        %dma_wait3A_439 = tpu.memref_slice %arg6[%dma_wait3A_438] : memref<8192xf32, #tpu.memory_space<vmem>> -> memref<1024xf32, #tpu.memory_space<vmem>>
        %dma_wait3A_440 = arith.constant 0 : i32
        %dma_wait3A_441 = tpu.memref_slice %arg3[%dma_wait3A_440] : memref<13631488xf32, #tpu.memory_space<hbm>> -> memref<1024xf32, #tpu.memory_space<hbm>>
        %dma_wait3A_442 = arith.constant 0 : i32
        %dma_wait3A_443 = tpu.memref_slice %arg3[%dma_wait3A_442] : memref<13631488xf32, #tpu.memory_space<hbm>> -> memref<1024xf32, #tpu.memory_space<hbm>>
        %dma_wait3A_444 = arith.constant 0 : i32
        %dma_wait3A_445 = tpu.memref_slice %arg6[%dma_wait3A_444] : memref<8192xf32, #tpu.memory_space<vmem>> -> memref<1024xf32, #tpu.memory_space<vmem>>
        tpu.wait_dma2 semaphore(%arg9 : memref<!tpu.dma_semaphore, #tpu.memory_space<semaphore_mem>>) src(%dma_wait3A_445 : memref<1024xf32, #tpu.memory_space<vmem>>) dst(%dma_wait3A_443 : memref<1024xf32, #tpu.memory_space<hbm>>)
        %dma_wait3A_446 = arith.constant 0 : i32
        %dma_wait3A_447 = tpu.memref_slice %arg6[%dma_wait3A_446] : memref<8192xf32, #tpu.memory_space<vmem>> -> memref<1024xf32, #tpu.memory_space<vmem>>
        %dma_wait3A_448 = arith.constant 0 : i32
        %dma_wait3A_449 = tpu.memref_slice %arg3[%dma_wait3A_448] : memref<13631488xf32, #tpu.memory_space<hbm>> -> memref<1024xf32, #tpu.memory_space<hbm>>
        %dma_wait3A_450 = arith.constant 0 : i32
        %dma_wait3A_451 = tpu.memref_slice %arg3[%dma_wait3A_450] : memref<13631488xf32, #tpu.memory_space<hbm>> -> memref<1024xf32, #tpu.memory_space<hbm>>
        %dma_wait3A_452 = arith.constant 0 : i32
        %dma_wait3A_453 = tpu.memref_slice %arg6[%dma_wait3A_452] : memref<8192xf32, #tpu.memory_space<vmem>> -> memref<1024xf32, #tpu.memory_space<vmem>>
        tpu.wait_dma2 semaphore(%arg9 : memref<!tpu.dma_semaphore, #tpu.memory_space<semaphore_mem>>) src(%dma_wait3A_453 : memref<1024xf32, #tpu.memory_space<vmem>>) dst(%dma_wait3A_451 : memref<1024xf32, #tpu.memory_space<hbm>>)
        %dma_wait3A_454 = arith.constant 0 : i32
        %dma_wait3A_455 = tpu.memref_slice %arg6[%dma_wait3A_454] : memref<8192xf32, #tpu.memory_space<vmem>> -> memref<1024xf32, #tpu.memory_space<vmem>>
        %dma_wait3A_456 = arith.constant 0 : i32
        %dma_wait3A_457 = tpu.memref_slice %arg3[%dma_wait3A_456] : memref<13631488xf32, #tpu.memory_space<hbm>> -> memref<1024xf32, #tpu.memory_space<hbm>>
        %dma_wait3A_458 = arith.constant 0 : i32
        %dma_wait3A_459 = tpu.memref_slice %arg3[%dma_wait3A_458] : memref<13631488xf32, #tpu.memory_space<hbm>> -> memref<1024xf32, #tpu.memory_space<hbm>>
        %dma_wait3A_460 = arith.constant 0 : i32
        %dma_wait3A_461 = tpu.memref_slice %arg6[%dma_wait3A_460] : memref<8192xf32, #tpu.memory_space<vmem>> -> memref<1024xf32, #tpu.memory_space<vmem>>
        tpu.wait_dma2 semaphore(%arg9 : memref<!tpu.dma_semaphore, #tpu.memory_space<semaphore_mem>>) src(%dma_wait3A_461 : memref<1024xf32, #tpu.memory_space<vmem>>) dst(%dma_wait3A_459 : memref<1024xf32, #tpu.memory_space<hbm>>)
        %dma_wait3A_462 = arith.constant 0 : i32
        %dma_wait3A_463 = tpu.memref_slice %arg6[%dma_wait3A_462] : memref<8192xf32, #tpu.memory_space<vmem>> -> memref<1024xf32, #tpu.memory_space<vmem>>
        %dma_wait3A_464 = arith.constant 0 : i32
        %dma_wait3A_465 = tpu.memref_slice %arg3[%dma_wait3A_464] : memref<13631488xf32, #tpu.memory_space<hbm>> -> memref<1024xf32, #tpu.memory_space<hbm>>
        %dma_wait3A_466 = arith.constant 0 : i32
        %dma_wait3A_467 = tpu.memref_slice %arg3[%dma_wait3A_466] : memref<13631488xf32, #tpu.memory_space<hbm>> -> memref<1024xf32, #tpu.memory_space<hbm>>
        %dma_wait3A_468 = arith.constant 0 : i32
        %dma_wait3A_469 = tpu.memref_slice %arg6[%dma_wait3A_468] : memref<8192xf32, #tpu.memory_space<vmem>> -> memref<1024xf32, #tpu.memory_space<vmem>>
        tpu.wait_dma2 semaphore(%arg9 : memref<!tpu.dma_semaphore, #tpu.memory_space<semaphore_mem>>) src(%dma_wait3A_469 : memref<1024xf32, #tpu.memory_space<vmem>>) dst(%dma_wait3A_467 : memref<1024xf32, #tpu.memory_space<hbm>>)
      } else {
      }
      %mul3A_387 = arith.constant 32 : i32
      %mul3A_388 = arith.muli %add3A_381, %mul3A_387 : i32
      %parallel_loop3A_389 = arith.constant 0 : i32
      %parallel_loop3A_390 = arith.constant 128 : i32
      %parallel_loop3A_391 = arith.constant 1 : i32
      scf.for %parallel_loop3A_438 = %parallel_loop3A_389 to %parallel_loop3A_390 step %parallel_loop3A_391  : i32 {
        %parallel_loop3A_439 = arith.constant 832 : i32
        %parallel_loop3A_440 = arith.muli %parallel_loop3A_438, %parallel_loop3A_439 : i32
        %parallel_loop3A_441 = arith.addi %mul3A_388, %parallel_loop3A_440 : i32
        %parallel_loop3A_442 = arith.index_cast %parallel_loop3A_441 : i32 to index
        %parallel_loop3A_443 = tpu.vector_load %arg4[%parallel_loop3A_442] {strides = array<i32>} : memref<106496xf32, #tpu.memory_space<vmem>>, vector<16xf32>,
        %parallel_loop3A_444 = arith.constant 16 : i32
        %parallel_loop3A_445 = arith.addi %parallel_loop3A_441, %parallel_loop3A_444 : i32
        %parallel_loop3A_446 = arith.index_cast %parallel_loop3A_445 : i32 to index
        %parallel_loop3A_447 = tpu.vector_load %arg4[%parallel_loop3A_446] {strides = array<i32>} : memref<106496xf32, #tpu.memory_space<vmem>>, vector<16xf32>,
        %parallel_loop3A_448 = vector.broadcast %parallel_loop3A_438 : i32 to vector<16xi32>
        %parallel_loop3A_449 = arith.addi %mul3A_3, %parallel_loop3A_448 : vector<16xi32>
        tpu.vector_store_idx %arg5[%parallel_loop3A_449], %parallel_loop3A_443 : memref<4128xf32, #tpu.memory_space<vmem>>[vector<16xi32>], vector<16xf32>,
        %parallel_loop3A_450 = arith.constant 2064 : i32
        %parallel_loop3A_451 = arith.addi %parallel_loop3A_450, %parallel_loop3A_438 : i32
        %parallel_loop3A_452 = vector.broadcast %parallel_loop3A_451 : i32 to vector<16xi32>
        %parallel_loop3A_453 = arith.addi %mul3A_3, %parallel_loop3A_452 : vector<16xi32>
        tpu.vector_store_idx %arg5[%parallel_loop3A_453], %parallel_loop3A_447 : memref<4128xf32, #tpu.memory_space<vmem>>[vector<16xi32>], vector<16xf32>,
      } {sc.loop_unroll_factor = 8 : i64, sc.parallel_access}
      %parallel_loop3A_392 = arith.constant 0 : i32
      %parallel_loop3A_393 = arith.constant 32 : i32
      %parallel_loop3A_394 = arith.constant 1 : i32
      scf.for %parallel_loop3A_438 = %parallel_loop3A_392 to %parallel_loop3A_393 step %parallel_loop3A_394  : i32 {
        %parallel_loop3A_439 = arith.constant 129 : i32
        %parallel_loop3A_440 = arith.muli %parallel_loop3A_438, %parallel_loop3A_439 : i32
        %parallel_loop3A_441 = arith.constant 0 : i32
        %parallel_loop3A_442 = arith.addi %parallel_loop3A_440, %parallel_loop3A_441 : i32
        %parallel_loop3A_443 = arith.index_cast %parallel_loop3A_442 : i32 to index
        %parallel_loop3A_444 = tpu.vector_load %arg5[%parallel_loop3A_443] {strides = array<i32>} : memref<4128xf32, #tpu.memory_space<vmem>>, vector<16xf32>,
        %parallel_loop3A_445 = arith.constant 128 : i32
        %parallel_loop3A_446 = arith.muli %parallel_loop3A_438, %parallel_loop3A_445 : i32
        %parallel_loop3A_447 = arith.constant 4096 : i32
        %parallel_loop3A_448 = arith.addi %parallel_loop3A_447, %parallel_loop3A_446 : i32
        %parallel_loop3A_449 = arith.constant 0 : i32
        %parallel_loop3A_450 = arith.addi %parallel_loop3A_448, %parallel_loop3A_449 : i32
        %parallel_loop3A_451 = arith.index_cast %parallel_loop3A_450 : i32 to index
        %parallel_loop3A_452 = tpu.vector_load %arg6[%parallel_loop3A_451] {strides = array<i32>} : memref<8192xf32, #tpu.memory_space<vmem>>, vector<16xf32>,
        tpu.vector_store %arg6[%parallel_loop3A_451], %parallel_loop3A_444 {strides = array<i32>} : memref<8192xf32, #tpu.memory_space<vmem>>, vector<16xf32>,
        %parallel_loop3A_453 = arith.constant 129 : i32
        %parallel_loop3A_454 = arith.muli %parallel_loop3A_438, %parallel_loop3A_453 : i32
        %parallel_loop3A_455 = arith.constant 16 : i32
        %parallel_loop3A_456 = arith.addi %parallel_loop3A_454, %parallel_loop3A_455 : i32
        %parallel_loop3A_457 = arith.index_cast %parallel_loop3A_456 : i32 to index
        %parallel_loop3A_458 = tpu.vector_load %arg5[%parallel_loop3A_457] {strides = array<i32>} : memref<4128xf32, #tpu.memory_space<vmem>>, vector<16xf32>,
        %parallel_loop3A_459 = arith.constant 128 : i32
        %parallel_loop3A_460 = arith.muli %parallel_loop3A_438, %parallel_loop3A_459 : i32
        %parallel_loop3A_461 = arith.constant 4096 : i32
        %parallel_loop3A_462 = arith.addi %parallel_loop3A_461, %parallel_loop3A_460 : i32
        %parallel_loop3A_463 = arith.constant 16 : i32
        %parallel_loop3A_464 = arith.addi %parallel_loop3A_462, %parallel_loop3A_463 : i32
        %parallel_loop3A_465 = arith.index_cast %parallel_loop3A_464 : i32 to index
        %parallel_loop3A_466 = tpu.vector_load %arg6[%parallel_loop3A_465] {strides = array<i32>} : memref<8192xf32, #tpu.memory_space<vmem>>, vector<16xf32>,
        tpu.vector_store %arg6[%parallel_loop3A_465], %parallel_loop3A_458 {strides = array<i32>} : memref<8192xf32, #tpu.memory_space<vmem>>, vector<16xf32>,
        %parallel_loop3A_467 = arith.constant 129 : i32
        %parallel_loop3A_468 = arith.muli %parallel_loop3A_438, %parallel_loop3A_467 : i32
        %parallel_loop3A_469 = arith.constant 32 : i32
        %parallel_loop3A_470 = arith.addi %parallel_loop3A_468, %parallel_loop3A_469 : i32
        %parallel_loop3A_471 = arith.index_cast %parallel_loop3A_470 : i32 to index
        %parallel_loop3A_472 = tpu.vector_load %arg5[%parallel_loop3A_471] {strides = array<i32>} : memref<4128xf32, #tpu.memory_space<vmem>>, vector<16xf32>,
        %parallel_loop3A_473 = arith.constant 128 : i32
        %parallel_loop3A_474 = arith.muli %parallel_loop3A_438, %parallel_loop3A_473 : i32
        %parallel_loop3A_475 = arith.constant 4096 : i32
        %parallel_loop3A_476 = arith.addi %parallel_loop3A_475, %parallel_loop3A_474 : i32
        %parallel_loop3A_477 = arith.constant 32 : i32
        %parallel_loop3A_478 = arith.addi %parallel_loop3A_476, %parallel_loop3A_477 : i32
        %parallel_loop3A_479 = arith.index_cast %parallel_loop3A_478 : i32 to index
        %parallel_loop3A_480 = tpu.vector_load %arg6[%parallel_loop3A_479] {strides = array<i32>} : memref<8192xf32, #tpu.memory_space<vmem>>, vector<16xf32>,
        tpu.vector_store %arg6[%parallel_loop3A_479], %parallel_loop3A_472 {strides = array<i32>} : memref<8192xf32, #tpu.memory_space<vmem>>, vector<16xf32>,
        %parallel_loop3A_481 = arith.constant 129 : i32
        %parallel_loop3A_482 = arith.muli %parallel_loop3A_438, %parallel_loop3A_481 : i32
        %parallel_loop3A_483 = arith.constant 48 : i32
        %parallel_loop3A_484 = arith.addi %parallel_loop3A_482, %parallel_loop3A_483 : i32
        %parallel_loop3A_485 = arith.index_cast %parallel_loop3A_484 : i32 to index
        %parallel_loop3A_486 = tpu.vector_load %arg5[%parallel_loop3A_485] {strides = array<i32>} : memref<4128xf32, #tpu.memory_space<vmem>>, vector<16xf32>,
        %parallel_loop3A_487 = arith.constant 128 : i32
        %parallel_loop3A_488 = arith.muli %parallel_loop3A_438, %parallel_loop3A_487 : i32
        %parallel_loop3A_489 = arith.constant 4096 : i32
        %parallel_loop3A_490 = arith.addi %parallel_loop3A_489, %parallel_loop3A_488 : i32
        %parallel_loop3A_491 = arith.constant 48 : i32
        %parallel_loop3A_492 = arith.addi %parallel_loop3A_490, %parallel_loop3A_491 : i32
        %parallel_loop3A_493 = arith.index_cast %parallel_loop3A_492 : i32 to index
        %parallel_loop3A_494 = tpu.vector_load %arg6[%parallel_loop3A_493] {strides = array<i32>} : memref<8192xf32, #tpu.memory_space<vmem>>, vector<16xf32>,
        tpu.vector_store %arg6[%parallel_loop3A_493], %parallel_loop3A_486 {strides = array<i32>} : memref<8192xf32, #tpu.memory_space<vmem>>, vector<16xf32>,
        %parallel_loop3A_495 = arith.constant 129 : i32
        %parallel_loop3A_496 = arith.muli %parallel_loop3A_438, %parallel_loop3A_495 : i32
        %parallel_loop3A_497 = arith.constant 64 : i32
        %parallel_loop3A_498 = arith.addi %parallel_loop3A_496, %parallel_loop3A_497 : i32
        %parallel_loop3A_499 = arith.index_cast %parallel_loop3A_498 : i32 to index
        %parallel_loop3A_500 = tpu.vector_load %arg5[%parallel_loop3A_499] {strides = array<i32>} : memref<4128xf32, #tpu.memory_space<vmem>>, vector<16xf32>,
        %parallel_loop3A_501 = arith.constant 128 : i32
        %parallel_loop3A_502 = arith.muli %parallel_loop3A_438, %parallel_loop3A_501 : i32
        %parallel_loop3A_503 = arith.constant 4096 : i32
        %parallel_loop3A_504 = arith.addi %parallel_loop3A_503, %parallel_loop3A_502 : i32
        %parallel_loop3A_505 = arith.constant 64 : i32
        %parallel_loop3A_506 = arith.addi %parallel_loop3A_504, %parallel_loop3A_505 : i32
        %parallel_loop3A_507 = arith.index_cast %parallel_loop3A_506 : i32 to index
        %parallel_loop3A_508 = tpu.vector_load %arg6[%parallel_loop3A_507] {strides = array<i32>} : memref<8192xf32, #tpu.memory_space<vmem>>, vector<16xf32>,
        tpu.vector_store %arg6[%parallel_loop3A_507], %parallel_loop3A_500 {strides = array<i32>} : memref<8192xf32, #tpu.memory_space<vmem>>, vector<16xf32>,
        %parallel_loop3A_509 = arith.constant 129 : i32
        %parallel_loop3A_510 = arith.muli %parallel_loop3A_438, %parallel_loop3A_509 : i32
        %parallel_loop3A_511 = arith.constant 80 : i32
        %parallel_loop3A_512 = arith.addi %parallel_loop3A_510, %parallel_loop3A_511 : i32
        %parallel_loop3A_513 = arith.index_cast %parallel_loop3A_512 : i32 to index
        %parallel_loop3A_514 = tpu.vector_load %arg5[%parallel_loop3A_513] {strides = array<i32>} : memref<4128xf32, #tpu.memory_space<vmem>>, vector<16xf32>,
        %parallel_loop3A_515 = arith.constant 128 : i32
        %parallel_loop3A_516 = arith.muli %parallel_loop3A_438, %parallel_loop3A_515 : i32
        %parallel_loop3A_517 = arith.constant 4096 : i32
        %parallel_loop3A_518 = arith.addi %parallel_loop3A_517, %parallel_loop3A_516 : i32
        %parallel_loop3A_519 = arith.constant 80 : i32
        %parallel_loop3A_520 = arith.addi %parallel_loop3A_518, %parallel_loop3A_519 : i32
        %parallel_loop3A_521 = arith.index_cast %parallel_loop3A_520 : i32 to index
        %parallel_loop3A_522 = tpu.vector_load %arg6[%parallel_loop3A_521] {strides = array<i32>} : memref<8192xf32, #tpu.memory_space<vmem>>, vector<16xf32>,
        tpu.vector_store %arg6[%parallel_loop3A_521], %parallel_loop3A_514 {strides = array<i32>} : memref<8192xf32, #tpu.memory_space<vmem>>, vector<16xf32>,
        %parallel_loop3A_523 = arith.constant 129 : i32
        %parallel_loop3A_524 = arith.muli %parallel_loop3A_438, %parallel_loop3A_523 : i32
        %parallel_loop3A_525 = arith.constant 96 : i32
        %parallel_loop3A_526 = arith.addi %parallel_loop3A_524, %parallel_loop3A_525 : i32
        %parallel_loop3A_527 = arith.index_cast %parallel_loop3A_526 : i32 to index
        %parallel_loop3A_528 = tpu.vector_load %arg5[%parallel_loop3A_527] {strides = array<i32>} : memref<4128xf32, #tpu.memory_space<vmem>>, vector<16xf32>,
        %parallel_loop3A_529 = arith.constant 128 : i32
        %parallel_loop3A_530 = arith.muli %parallel_loop3A_438, %parallel_loop3A_529 : i32
        %parallel_loop3A_531 = arith.constant 4096 : i32
        %parallel_loop3A_532 = arith.addi %parallel_loop3A_531, %parallel_loop3A_530 : i32
        %parallel_loop3A_533 = arith.constant 96 : i32
        %parallel_loop3A_534 = arith.addi %parallel_loop3A_532, %parallel_loop3A_533 : i32
        %parallel_loop3A_535 = arith.index_cast %parallel_loop3A_534 : i32 to index
        %parallel_loop3A_536 = tpu.vector_load %arg6[%parallel_loop3A_535] {strides = array<i32>} : memref<8192xf32, #tpu.memory_space<vmem>>, vector<16xf32>,
        tpu.vector_store %arg6[%parallel_loop3A_535], %parallel_loop3A_528 {strides = array<i32>} : memref<8192xf32, #tpu.memory_space<vmem>>, vector<16xf32>,
        %parallel_loop3A_537 = arith.constant 129 : i32
        %parallel_loop3A_538 = arith.muli %parallel_loop3A_438, %parallel_loop3A_537 : i32
        %parallel_loop3A_539 = arith.constant 112 : i32
        %parallel_loop3A_540 = arith.addi %parallel_loop3A_538, %parallel_loop3A_539 : i32
        %parallel_loop3A_541 = arith.index_cast %parallel_loop3A_540 : i32 to index
        %parallel_loop3A_542 = tpu.vector_load %arg5[%parallel_loop3A_541] {strides = array<i32>} : memref<4128xf32, #tpu.memory_space<vmem>>, vector<16xf32>,
        %parallel_loop3A_543 = arith.constant 128 : i32
        %parallel_loop3A_544 = arith.muli %parallel_loop3A_438, %parallel_loop3A_543 : i32
        %parallel_loop3A_545 = arith.constant 4096 : i32
        %parallel_loop3A_546 = arith.addi %parallel_loop3A_545, %parallel_loop3A_544 : i32
        %parallel_loop3A_547 = arith.constant 112 : i32
        %parallel_loop3A_548 = arith.addi %parallel_loop3A_546, %parallel_loop3A_547 : i32
        %parallel_loop3A_549 = arith.index_cast %parallel_loop3A_548 : i32 to index
        %parallel_loop3A_550 = tpu.vector_load %arg6[%parallel_loop3A_549] {strides = array<i32>} : memref<8192xf32, #tpu.memory_space<vmem>>, vector<16xf32>,
        tpu.vector_store %arg6[%parallel_loop3A_549], %parallel_loop3A_542 {strides = array<i32>} : memref<8192xf32, #tpu.memory_space<vmem>>, vector<16xf32>,
      } {sc.loop_unroll_factor = 4 : i64, sc.parallel_access}
      %mul3A_395 = arith.constant 512 : i32
      %mul3A_396 = arith.muli %add3A_381, %mul3A_395 : i32
      %add3A_397 = arith.addi %mul3A_396, %add3A_164 : i32
      %add3A_398 = arith.constant 0 : i32
      %add3A_399 = arith.addi %add3A_397, %add3A_398 : i32
      %mul3A_400 = arith.constant 1024 : i32
      %mul3A_401 = arith.muli %add3A_399, %mul3A_400 : i32
      %dma_start3A_402 = arith.constant 4096 : i32
      %dma_start3A_403 = tpu.memref_slice %arg6[%dma_start3A_402] : memref<8192xf32, #tpu.memory_space<vmem>> -> memref<1024xf32, #tpu.memory_space<vmem>>
      %dma_start3A_404 = tpu.memref_slice %arg3[%mul3A_401] : memref<13631488xf32, #tpu.memory_space<hbm>> -> memref<1024xf32, #tpu.memory_space<hbm>>
      %dma_start3A_405 = tpu.memref_slice %arg3[%mul3A_401] : memref<13631488xf32, #tpu.memory_space<hbm>> -> memref<1024xf32, #tpu.memory_space<hbm>>
      %dma_start3A_406 = arith.constant 4096 : i32
      %dma_start3A_407 = tpu.memref_slice %arg6[%dma_start3A_406] : memref<8192xf32, #tpu.memory_space<vmem>> -> memref<1024xf32, #tpu.memory_space<vmem>>
      tpu.enqueue_dma source(%dma_start3A_407 : memref<1024xf32, #tpu.memory_space<vmem>>) target(%dma_start3A_405 : memref<1024xf32, #tpu.memory_space<hbm>>) target_semaphore(%arg9 : memref<!tpu.dma_semaphore, #tpu.memory_space<semaphore_mem>>)
      %add3A_408 = arith.constant 128 : i32
      %add3A_409 = arith.addi %add3A_397, %add3A_408 : i32
      %mul3A_410 = arith.constant 1024 : i32
      %mul3A_411 = arith.muli %add3A_409, %mul3A_410 : i32
      %dma_start3A_412 = arith.constant 5120 : i32
      %dma_start3A_413 = tpu.memref_slice %arg6[%dma_start3A_412] : memref<8192xf32, #tpu.memory_space<vmem>> -> memref<1024xf32, #tpu.memory_space<vmem>>
      %dma_start3A_414 = tpu.memref_slice %arg3[%mul3A_411] : memref<13631488xf32, #tpu.memory_space<hbm>> -> memref<1024xf32, #tpu.memory_space<hbm>>
      %dma_start3A_415 = tpu.memref_slice %arg3[%mul3A_411] : memref<13631488xf32, #tpu.memory_space<hbm>> -> memref<1024xf32, #tpu.memory_space<hbm>>
      %dma_start3A_416 = arith.constant 5120 : i32
      %dma_start3A_417 = tpu.memref_slice %arg6[%dma_start3A_416] : memref<8192xf32, #tpu.memory_space<vmem>> -> memref<1024xf32, #tpu.memory_space<vmem>>
      tpu.enqueue_dma source(%dma_start3A_417 : memref<1024xf32, #tpu.memory_space<vmem>>) target(%dma_start3A_415 : memref<1024xf32, #tpu.memory_space<hbm>>) target_semaphore(%arg9 : memref<!tpu.dma_semaphore, #tpu.memory_space<semaphore_mem>>)
      %add3A_418 = arith.constant 256 : i32
      %add3A_419 = arith.addi %add3A_397, %add3A_418 : i32
      %mul3A_420 = arith.constant 1024 : i32
      %mul3A_421 = arith.muli %add3A_419, %mul3A_420 : i32
      %dma_start3A_422 = arith.constant 6144 : i32
      %dma_start3A_423 = tpu.memref_slice %arg6[%dma_start3A_422] : memref<8192xf32, #tpu.memory_space<vmem>> -> memref<1024xf32, #tpu.memory_space<vmem>>
      %dma_start3A_424 = tpu.memref_slice %arg3[%mul3A_421] : memref<13631488xf32, #tpu.memory_space<hbm>> -> memref<1024xf32, #tpu.memory_space<hbm>>
      %dma_start3A_425 = tpu.memref_slice %arg3[%mul3A_421] : memref<13631488xf32, #tpu.memory_space<hbm>> -> memref<1024xf32, #tpu.memory_space<hbm>>
      %dma_start3A_426 = arith.constant 6144 : i32
      %dma_start3A_427 = tpu.memref_slice %arg6[%dma_start3A_426] : memref<8192xf32, #tpu.memory_space<vmem>> -> memref<1024xf32, #tpu.memory_space<vmem>>
      tpu.enqueue_dma source(%dma_start3A_427 : memref<1024xf32, #tpu.memory_space<vmem>>) target(%dma_start3A_425 : memref<1024xf32, #tpu.memory_space<hbm>>) target_semaphore(%arg9 : memref<!tpu.dma_semaphore, #tpu.memory_space<semaphore_mem>>)
      %add3A_428 = arith.constant 384 : i32
      %add3A_429 = arith.addi %add3A_397, %add3A_428 : i32
      %mul3A_430 = arith.constant 1024 : i32
      %mul3A_431 = arith.muli %add3A_429, %mul3A_430 : i32
      %dma_start3A_432 = arith.constant 7168 : i32
      %dma_start3A_433 = tpu.memref_slice %arg6[%dma_start3A_432] : memref<8192xf32, #tpu.memory_space<vmem>> -> memref<1024xf32, #tpu.memory_space<vmem>>
      %dma_start3A_434 = tpu.memref_slice %arg3[%mul3A_431] : memref<13631488xf32, #tpu.memory_space<hbm>> -> memref<1024xf32, #tpu.memory_space<hbm>>
      %dma_start3A_435 = tpu.memref_slice %arg3[%mul3A_431] : memref<13631488xf32, #tpu.memory_space<hbm>> -> memref<1024xf32, #tpu.memory_space<hbm>>
      %dma_start3A_436 = arith.constant 7168 : i32
      %dma_start3A_437 = tpu.memref_slice %arg6[%dma_start3A_436] : memref<8192xf32, #tpu.memory_space<vmem>> -> memref<1024xf32, #tpu.memory_space<vmem>>
      tpu.enqueue_dma source(%dma_start3A_437 : memref<1024xf32, #tpu.memory_space<vmem>>) target(%dma_start3A_435 : memref<1024xf32, #tpu.memory_space<hbm>>) target_semaphore(%arg9 : memref<!tpu.dma_semaphore, #tpu.memory_space<semaphore_mem>>)
    }
    %scan3A_176 = arith.constant 13 : i32
    %dma_wait3A_177 = arith.constant 0 : i32
    %dma_wait3A_178 = tpu.memref_slice %arg6[%dma_wait3A_177] : memref<8192xf32, #tpu.memory_space<vmem>> -> memref<1024xf32, #tpu.memory_space<vmem>>
    %dma_wait3A_179 = arith.constant 0 : i32
    %dma_wait3A_180 = tpu.memref_slice %arg3[%dma_wait3A_179] : memref<13631488xf32, #tpu.memory_space<hbm>> -> memref<1024xf32, #tpu.memory_space<hbm>>
    %dma_wait3A_181 = arith.constant 0 : i32
    %dma_wait3A_182 = tpu.memref_slice %arg3[%dma_wait3A_181] : memref<13631488xf32, #tpu.memory_space<hbm>> -> memref<1024xf32, #tpu.memory_space<hbm>>
    %dma_wait3A_183 = arith.constant 0 : i32
    %dma_wait3A_184 = tpu.memref_slice %arg6[%dma_wait3A_183] : memref<8192xf32, #tpu.memory_space<vmem>> -> memref<1024xf32, #tpu.memory_space<vmem>>
    tpu.wait_dma2 semaphore(%arg8 : memref<!tpu.dma_semaphore, #tpu.memory_space<semaphore_mem>>) src(%dma_wait3A_184 : memref<1024xf32, #tpu.memory_space<vmem>>) dst(%dma_wait3A_182 : memref<1024xf32, #tpu.memory_space<hbm>>)
    %dma_wait3A_185 = arith.constant 0 : i32
    %dma_wait3A_186 = tpu.memref_slice %arg6[%dma_wait3A_185] : memref<8192xf32, #tpu.memory_space<vmem>> -> memref<1024xf32, #tpu.memory_space<vmem>>
    %dma_wait3A_187 = arith.constant 0 : i32
    %dma_wait3A_188 = tpu.memref_slice %arg3[%dma_wait3A_187] : memref<13631488xf32, #tpu.memory_space<hbm>> -> memref<1024xf32, #tpu.memory_space<hbm>>
    %dma_wait3A_189 = arith.constant 0 : i32
    %dma_wait3A_190 = tpu.memref_slice %arg3[%dma_wait3A_189] : memref<13631488xf32, #tpu.memory_space<hbm>> -> memref<1024xf32, #tpu.memory_space<hbm>>
    %dma_wait3A_191 = arith.constant 0 : i32
    %dma_wait3A_192 = tpu.memref_slice %arg6[%dma_wait3A_191] : memref<8192xf32, #tpu.memory_space<vmem>> -> memref<1024xf32, #tpu.memory_space<vmem>>
    tpu.wait_dma2 semaphore(%arg8 : memref<!tpu.dma_semaphore, #tpu.memory_space<semaphore_mem>>) src(%dma_wait3A_192 : memref<1024xf32, #tpu.memory_space<vmem>>) dst(%dma_wait3A_190 : memref<1024xf32, #tpu.memory_space<hbm>>)
    %dma_wait3A_193 = arith.constant 0 : i32
    %dma_wait3A_194 = tpu.memref_slice %arg6[%dma_wait3A_193] : memref<8192xf32, #tpu.memory_space<vmem>> -> memref<1024xf32, #tpu.memory_space<vmem>>
    %dma_wait3A_195 = arith.constant 0 : i32
    %dma_wait3A_196 = tpu.memref_slice %arg3[%dma_wait3A_195] : memref<13631488xf32, #tpu.memory_space<hbm>> -> memref<1024xf32, #tpu.memory_space<hbm>>
    %dma_wait3A_197 = arith.constant 0 : i32
    %dma_wait3A_198 = tpu.memref_slice %arg3[%dma_wait3A_197] : memref<13631488xf32, #tpu.memory_space<hbm>> -> memref<1024xf32, #tpu.memory_space<hbm>>
    %dma_wait3A_199 = arith.constant 0 : i32
    %dma_wait3A_200 = tpu.memref_slice %arg6[%dma_wait3A_199] : memref<8192xf32, #tpu.memory_space<vmem>> -> memref<1024xf32, #tpu.memory_space<vmem>>
    tpu.wait_dma2 semaphore(%arg8 : memref<!tpu.dma_semaphore, #tpu.memory_space<semaphore_mem>>) src(%dma_wait3A_200 : memref<1024xf32, #tpu.memory_space<vmem>>) dst(%dma_wait3A_198 : memref<1024xf32, #tpu.memory_space<hbm>>)
    %dma_wait3A_201 = arith.constant 0 : i32
    %dma_wait3A_202 = tpu.memref_slice %arg6[%dma_wait3A_201] : memref<8192xf32, #tpu.memory_space<vmem>> -> memref<1024xf32, #tpu.memory_space<vmem>>
    %dma_wait3A_203 = arith.constant 0 : i32
    %dma_wait3A_204 = tpu.memref_slice %arg3[%dma_wait3A_203] : memref<13631488xf32, #tpu.memory_space<hbm>> -> memref<1024xf32, #tpu.memory_space<hbm>>
    %dma_wait3A_205 = arith.constant 0 : i32
    %dma_wait3A_206 = tpu.memref_slice %arg3[%dma_wait3A_205] : memref<13631488xf32, #tpu.memory_space<hbm>> -> memref<1024xf32, #tpu.memory_space<hbm>>
    %dma_wait3A_207 = arith.constant 0 : i32
    %dma_wait3A_208 = tpu.memref_slice %arg6[%dma_wait3A_207] : memref<8192xf32, #tpu.memory_space<vmem>> -> memref<1024xf32, #tpu.memory_space<vmem>>
    tpu.wait_dma2 semaphore(%arg8 : memref<!tpu.dma_semaphore, #tpu.memory_space<semaphore_mem>>) src(%dma_wait3A_208 : memref<1024xf32, #tpu.memory_space<vmem>>) dst(%dma_wait3A_206 : memref<1024xf32, #tpu.memory_space<hbm>>)
    %dma_wait3A_209 = arith.constant 0 : i32
    %dma_wait3A_210 = tpu.memref_slice %arg6[%dma_wait3A_209] : memref<8192xf32, #tpu.memory_space<vmem>> -> memref<1024xf32, #tpu.memory_space<vmem>>
    %dma_wait3A_211 = arith.constant 0 : i32
    %dma_wait3A_212 = tpu.memref_slice %arg3[%dma_wait3A_211] : memref<13631488xf32, #tpu.memory_space<hbm>> -> memref<1024xf32, #tpu.memory_space<hbm>>
    %dma_wait3A_213 = arith.constant 0 : i32
    %dma_wait3A_214 = tpu.memref_slice %arg3[%dma_wait3A_213] : memref<13631488xf32, #tpu.memory_space<hbm>> -> memref<1024xf32, #tpu.memory_space<hbm>>
    %dma_wait3A_215 = arith.constant 0 : i32
    %dma_wait3A_216 = tpu.memref_slice %arg6[%dma_wait3A_215] : memref<8192xf32, #tpu.memory_space<vmem>> -> memref<1024xf32, #tpu.memory_space<vmem>>
    tpu.wait_dma2 semaphore(%arg9 : memref<!tpu.dma_semaphore, #tpu.memory_space<semaphore_mem>>) src(%dma_wait3A_216 : memref<1024xf32, #tpu.memory_space<vmem>>) dst(%dma_wait3A_214 : memref<1024xf32, #tpu.memory_space<hbm>>)
    %dma_wait3A_217 = arith.constant 0 : i32
    %dma_wait3A_218 = tpu.memref_slice %arg6[%dma_wait3A_217] : memref<8192xf32, #tpu.memory_space<vmem>> -> memref<1024xf32, #tpu.memory_space<vmem>>
    %dma_wait3A_219 = arith.constant 0 : i32
    %dma_wait3A_220 = tpu.memref_slice %arg3[%dma_wait3A_219] : memref<13631488xf32, #tpu.memory_space<hbm>> -> memref<1024xf32, #tpu.memory_space<hbm>>
    %dma_wait3A_221 = arith.constant 0 : i32
    %dma_wait3A_222 = tpu.memref_slice %arg3[%dma_wait3A_221] : memref<13631488xf32, #tpu.memory_space<hbm>> -> memref<1024xf32, #tpu.memory_space<hbm>>
    %dma_wait3A_223 = arith.constant 0 : i32
    %dma_wait3A_224 = tpu.memref_slice %arg6[%dma_wait3A_223] : memref<8192xf32, #tpu.memory_space<vmem>> -> memref<1024xf32, #tpu.memory_space<vmem>>
    tpu.wait_dma2 semaphore(%arg9 : memref<!tpu.dma_semaphore, #tpu.memory_space<semaphore_mem>>) src(%dma_wait3A_224 : memref<1024xf32, #tpu.memory_space<vmem>>) dst(%dma_wait3A_222 : memref<1024xf32, #tpu.memory_space<hbm>>)
    %dma_wait3A_225 = arith.constant 0 : i32
    %dma_wait3A_226 = tpu.memref_slice %arg6[%dma_wait3A_225] : memref<8192xf32, #tpu.memory_space<vmem>> -> memref<1024xf32, #tpu.memory_space<vmem>>
    %dma_wait3A_227 = arith.constant 0 : i32
    %dma_wait3A_228 = tpu.memref_slice %arg3[%dma_wait3A_227] : memref<13631488xf32, #tpu.memory_space<hbm>> -> memref<1024xf32, #tpu.memory_space<hbm>>
    %dma_wait3A_229 = arith.constant 0 : i32
    %dma_wait3A_230 = tpu.memref_slice %arg3[%dma_wait3A_229] : memref<13631488xf32, #tpu.memory_space<hbm>> -> memref<1024xf32, #tpu.memory_space<hbm>>
    %dma_wait3A_231 = arith.constant 0 : i32
    %dma_wait3A_232 = tpu.memref_slice %arg6[%dma_wait3A_231] : memref<8192xf32, #tpu.memory_space<vmem>> -> memref<1024xf32, #tpu.memory_space<vmem>>
    tpu.wait_dma2 semaphore(%arg9 : memref<!tpu.dma_semaphore, #tpu.memory_space<semaphore_mem>>) src(%dma_wait3A_232 : memref<1024xf32, #tpu.memory_space<vmem>>) dst(%dma_wait3A_230 : memref<1024xf32, #tpu.memory_space<hbm>>)
    %dma_wait3A_233 = arith.constant 0 : i32
    %dma_wait3A_234 = tpu.memref_slice %arg6[%dma_wait3A_233] : memref<8192xf32, #tpu.memory_space<vmem>> -> memref<1024xf32, #tpu.memory_space<vmem>>
    %dma_wait3A_235 = arith.constant 0 : i32
    %dma_wait3A_236 = tpu.memref_slice %arg3[%dma_wait3A_235] : memref<13631488xf32, #tpu.memory_space<hbm>> -> memref<1024xf32, #tpu.memory_space<hbm>>
    %dma_wait3A_237 = arith.constant 0 : i32
    %dma_wait3A_238 = tpu.memref_slice %arg3[%dma_wait3A_237] : memref<13631488xf32, #tpu.memory_space<hbm>> -> memref<1024xf32, #tpu.memory_space<hbm>>
    %dma_wait3A_239 = arith.constant 0 : i32
    %dma_wait3A_240 = tpu.memref_slice %arg6[%dma_wait3A_239] : memref<8192xf32, #tpu.memory_space<vmem>> -> memref<1024xf32, #tpu.memory_space<vmem>>
    tpu.wait_dma2 semaphore(%arg9 : memref<!tpu.dma_semaphore, #tpu.memory_space<semaphore_mem>>) src(%dma_wait3A_240 : memref<1024xf32, #tpu.memory_space<vmem>>) dst(%dma_wait3A_238 : memref<1024xf32, #tpu.memory_space<hbm>>)
    %mul3A_241 = arith.constant 4 : i32
    %mul3A_242 = arith.muli %add3A, %mul3A_241 : i32
    %add3A_243 = arith.constant 3 : i32
    %add3A_244 = arith.addi %mul3A_242, %add3A_243 : i32
    %mul3A_245 = arith.constant 106496 : i32
    %mul3A_246 = arith.muli %add3A_244, %mul3A_245 : i32
    %dma_start3A_247 = tpu.memref_slice %arg2[%mul3A_246] : memref<13631488xf32, #tpu.memory_space<hbm>> -> memref<106496xf32, #tpu.memory_space<hbm>>
    %dma_start3A_248 = tpu.memref_slice %arg2[%mul3A_246] : memref<13631488xf32, #tpu.memory_space<hbm>> -> memref<106496xf32, #tpu.memory_space<hbm>>
    tpu.enqueue_dma source(%dma_start3A_248 : memref<106496xf32, #tpu.memory_space<hbm>>) target(%arg4 : memref<106496xf32, #tpu.memory_space<vmem>>) target_semaphore(%arg7 : memref<!tpu.dma_semaphore, #tpu.memory_space<semaphore_mem>>)
    %dma_wait3A_249 = tpu.memref_slice %arg2[%mul3A_246] : memref<13631488xf32, #tpu.memory_space<hbm>> -> memref<106496xf32, #tpu.memory_space<hbm>>
    %dma_wait3A_250 = tpu.memref_slice %arg2[%mul3A_246] : memref<13631488xf32, #tpu.memory_space<hbm>> -> memref<106496xf32, #tpu.memory_space<hbm>>
    tpu.wait_dma2 semaphore(%arg7 : memref<!tpu.dma_semaphore, #tpu.memory_space<semaphore_mem>>) src(%dma_wait3A_250 : memref<106496xf32, #tpu.memory_space<hbm>>) dst(%arg4 : memref<106496xf32, #tpu.memory_space<vmem>>)
    %scan3A_251 = arith.constant 0 : i32
    %scan3A_252 = arith.constant 0 : i32
    %scan3A_253 = arith.constant 13 : i32
    %scan3A_254 = arith.addi %scan3A_252, %scan3A_253 : i32
    %scan3A_255 = arith.constant 1 : i32
    scf.for %scan3A_321 = %scan3A_252 to %scan3A_254 step %scan3A_255  : i32 {
      %mul3A_322 = arith.constant 2 : i32
      %mul3A_323 = arith.muli %scan3A_321, %mul3A_322 : i32
      %add3A_324 = arith.constant 0 : i32
      %add3A_325 = arith.addi %mul3A_323, %add3A_324 : i32
      %ge3A = arith.constant 2 : i32
      %ge3A_326 = arith.cmpi sge, %add3A_325, %ge3A : i32
      %convert_element_type3A = arith.extui %ge3A_326 : i1 to i32
      %cond3A = arith.constant 0 : i32
      %cond3A_327 = arith.cmpi ne, %convert_element_type3A, %cond3A : i32
      scf.if %cond3A_327 {
        %dma_wait3A_438 = arith.constant 0 : i32
        %dma_wait3A_439 = tpu.memref_slice %arg6[%dma_wait3A_438] : memref<8192xf32, #tpu.memory_space<vmem>> -> memref<1024xf32, #tpu.memory_space<vmem>>
        %dma_wait3A_440 = arith.constant 0 : i32
        %dma_wait3A_441 = tpu.memref_slice %arg3[%dma_wait3A_440] : memref<13631488xf32, #tpu.memory_space<hbm>> -> memref<1024xf32, #tpu.memory_space<hbm>>
        %dma_wait3A_442 = arith.constant 0 : i32
        %dma_wait3A_443 = tpu.memref_slice %arg3[%dma_wait3A_442] : memref<13631488xf32, #tpu.memory_space<hbm>> -> memref<1024xf32, #tpu.memory_space<hbm>>
        %dma_wait3A_444 = arith.constant 0 : i32
        %dma_wait3A_445 = tpu.memref_slice %arg6[%dma_wait3A_444] : memref<8192xf32, #tpu.memory_space<vmem>> -> memref<1024xf32, #tpu.memory_space<vmem>>
        tpu.wait_dma2 semaphore(%arg8 : memref<!tpu.dma_semaphore, #tpu.memory_space<semaphore_mem>>) src(%dma_wait3A_445 : memref<1024xf32, #tpu.memory_space<vmem>>) dst(%dma_wait3A_443 : memref<1024xf32, #tpu.memory_space<hbm>>)
        %dma_wait3A_446 = arith.constant 0 : i32
        %dma_wait3A_447 = tpu.memref_slice %arg6[%dma_wait3A_446] : memref<8192xf32, #tpu.memory_space<vmem>> -> memref<1024xf32, #tpu.memory_space<vmem>>
        %dma_wait3A_448 = arith.constant 0 : i32
        %dma_wait3A_449 = tpu.memref_slice %arg3[%dma_wait3A_448] : memref<13631488xf32, #tpu.memory_space<hbm>> -> memref<1024xf32, #tpu.memory_space<hbm>>
        %dma_wait3A_450 = arith.constant 0 : i32
        %dma_wait3A_451 = tpu.memref_slice %arg3[%dma_wait3A_450] : memref<13631488xf32, #tpu.memory_space<hbm>> -> memref<1024xf32, #tpu.memory_space<hbm>>
        %dma_wait3A_452 = arith.constant 0 : i32
        %dma_wait3A_453 = tpu.memref_slice %arg6[%dma_wait3A_452] : memref<8192xf32, #tpu.memory_space<vmem>> -> memref<1024xf32, #tpu.memory_space<vmem>>
        tpu.wait_dma2 semaphore(%arg8 : memref<!tpu.dma_semaphore, #tpu.memory_space<semaphore_mem>>) src(%dma_wait3A_453 : memref<1024xf32, #tpu.memory_space<vmem>>) dst(%dma_wait3A_451 : memref<1024xf32, #tpu.memory_space<hbm>>)
        %dma_wait3A_454 = arith.constant 0 : i32
        %dma_wait3A_455 = tpu.memref_slice %arg6[%dma_wait3A_454] : memref<8192xf32, #tpu.memory_space<vmem>> -> memref<1024xf32, #tpu.memory_space<vmem>>
        %dma_wait3A_456 = arith.constant 0 : i32
        %dma_wait3A_457 = tpu.memref_slice %arg3[%dma_wait3A_456] : memref<13631488xf32, #tpu.memory_space<hbm>> -> memref<1024xf32, #tpu.memory_space<hbm>>
        %dma_wait3A_458 = arith.constant 0 : i32
        %dma_wait3A_459 = tpu.memref_slice %arg3[%dma_wait3A_458] : memref<13631488xf32, #tpu.memory_space<hbm>> -> memref<1024xf32, #tpu.memory_space<hbm>>
        %dma_wait3A_460 = arith.constant 0 : i32
        %dma_wait3A_461 = tpu.memref_slice %arg6[%dma_wait3A_460] : memref<8192xf32, #tpu.memory_space<vmem>> -> memref<1024xf32, #tpu.memory_space<vmem>>
        tpu.wait_dma2 semaphore(%arg8 : memref<!tpu.dma_semaphore, #tpu.memory_space<semaphore_mem>>) src(%dma_wait3A_461 : memref<1024xf32, #tpu.memory_space<vmem>>) dst(%dma_wait3A_459 : memref<1024xf32, #tpu.memory_space<hbm>>)
        %dma_wait3A_462 = arith.constant 0 : i32
        %dma_wait3A_463 = tpu.memref_slice %arg6[%dma_wait3A_462] : memref<8192xf32, #tpu.memory_space<vmem>> -> memref<1024xf32, #tpu.memory_space<vmem>>
        %dma_wait3A_464 = arith.constant 0 : i32
        %dma_wait3A_465 = tpu.memref_slice %arg3[%dma_wait3A_464] : memref<13631488xf32, #tpu.memory_space<hbm>> -> memref<1024xf32, #tpu.memory_space<hbm>>
        %dma_wait3A_466 = arith.constant 0 : i32
        %dma_wait3A_467 = tpu.memref_slice %arg3[%dma_wait3A_466] : memref<13631488xf32, #tpu.memory_space<hbm>> -> memref<1024xf32, #tpu.memory_space<hbm>>
        %dma_wait3A_468 = arith.constant 0 : i32
        %dma_wait3A_469 = tpu.memref_slice %arg6[%dma_wait3A_468] : memref<8192xf32, #tpu.memory_space<vmem>> -> memref<1024xf32, #tpu.memory_space<vmem>>
        tpu.wait_dma2 semaphore(%arg8 : memref<!tpu.dma_semaphore, #tpu.memory_space<semaphore_mem>>) src(%dma_wait3A_469 : memref<1024xf32, #tpu.memory_space<vmem>>) dst(%dma_wait3A_467 : memref<1024xf32, #tpu.memory_space<hbm>>)
      } else {
      }
      %mul3A_328 = arith.constant 32 : i32
      %mul3A_329 = arith.muli %add3A_325, %mul3A_328 : i32
      %parallel_loop3A = arith.constant 0 : i32
      %parallel_loop3A_330 = arith.constant 128 : i32
      %parallel_loop3A_331 = arith.constant 1 : i32
      scf.for %parallel_loop3A_438 = %parallel_loop3A to %parallel_loop3A_330 step %parallel_loop3A_331  : i32 {
        %parallel_loop3A_439 = arith.constant 832 : i32
        %parallel_loop3A_440 = arith.muli %parallel_loop3A_438, %parallel_loop3A_439 : i32
        %parallel_loop3A_441 = arith.addi %mul3A_329, %parallel_loop3A_440 : i32
        %parallel_loop3A_442 = arith.index_cast %parallel_loop3A_441 : i32 to index
        %parallel_loop3A_443 = tpu.vector_load %arg4[%parallel_loop3A_442] {strides = array<i32>} : memref<106496xf32, #tpu.memory_space<vmem>>, vector<16xf32>,
        %parallel_loop3A_444 = arith.constant 16 : i32
        %parallel_loop3A_445 = arith.addi %parallel_loop3A_441, %parallel_loop3A_444 : i32
        %parallel_loop3A_446 = arith.index_cast %parallel_loop3A_445 : i32 to index
        %parallel_loop3A_447 = tpu.vector_load %arg4[%parallel_loop3A_446] {strides = array<i32>} : memref<106496xf32, #tpu.memory_space<vmem>>, vector<16xf32>,
        %parallel_loop3A_448 = vector.broadcast %parallel_loop3A_438 : i32 to vector<16xi32>
        %parallel_loop3A_449 = arith.addi %mul3A_3, %parallel_loop3A_448 : vector<16xi32>
        tpu.vector_store_idx %arg5[%parallel_loop3A_449], %parallel_loop3A_443 : memref<4128xf32, #tpu.memory_space<vmem>>[vector<16xi32>], vector<16xf32>,
        %parallel_loop3A_450 = arith.constant 2064 : i32
        %parallel_loop3A_451 = arith.addi %parallel_loop3A_450, %parallel_loop3A_438 : i32
        %parallel_loop3A_452 = vector.broadcast %parallel_loop3A_451 : i32 to vector<16xi32>
        %parallel_loop3A_453 = arith.addi %mul3A_3, %parallel_loop3A_452 : vector<16xi32>
        tpu.vector_store_idx %arg5[%parallel_loop3A_453], %parallel_loop3A_447 : memref<4128xf32, #tpu.memory_space<vmem>>[vector<16xi32>], vector<16xf32>,
      } {sc.loop_unroll_factor = 8 : i64, sc.parallel_access}
      %parallel_loop3A_332 = arith.constant 0 : i32
      %parallel_loop3A_333 = arith.constant 32 : i32
      %parallel_loop3A_334 = arith.constant 1 : i32
      scf.for %parallel_loop3A_438 = %parallel_loop3A_332 to %parallel_loop3A_333 step %parallel_loop3A_334  : i32 {
        %parallel_loop3A_439 = arith.constant 129 : i32
        %parallel_loop3A_440 = arith.muli %parallel_loop3A_438, %parallel_loop3A_439 : i32
        %parallel_loop3A_441 = arith.constant 0 : i32
        %parallel_loop3A_442 = arith.addi %parallel_loop3A_440, %parallel_loop3A_441 : i32
        %parallel_loop3A_443 = arith.index_cast %parallel_loop3A_442 : i32 to index
        %parallel_loop3A_444 = tpu.vector_load %arg5[%parallel_loop3A_443] {strides = array<i32>} : memref<4128xf32, #tpu.memory_space<vmem>>, vector<16xf32>,
        %parallel_loop3A_445 = arith.constant 128 : i32
        %parallel_loop3A_446 = arith.muli %parallel_loop3A_438, %parallel_loop3A_445 : i32
        %parallel_loop3A_447 = arith.constant 0 : i32
        %parallel_loop3A_448 = arith.addi %parallel_loop3A_447, %parallel_loop3A_446 : i32
        %parallel_loop3A_449 = arith.constant 0 : i32
        %parallel_loop3A_450 = arith.addi %parallel_loop3A_448, %parallel_loop3A_449 : i32
        %parallel_loop3A_451 = arith.index_cast %parallel_loop3A_450 : i32 to index
        %parallel_loop3A_452 = tpu.vector_load %arg6[%parallel_loop3A_451] {strides = array<i32>} : memref<8192xf32, #tpu.memory_space<vmem>>, vector<16xf32>,
        tpu.vector_store %arg6[%parallel_loop3A_451], %parallel_loop3A_444 {strides = array<i32>} : memref<8192xf32, #tpu.memory_space<vmem>>, vector<16xf32>,
        %parallel_loop3A_453 = arith.constant 129 : i32
        %parallel_loop3A_454 = arith.muli %parallel_loop3A_438, %parallel_loop3A_453 : i32
        %parallel_loop3A_455 = arith.constant 16 : i32
        %parallel_loop3A_456 = arith.addi %parallel_loop3A_454, %parallel_loop3A_455 : i32
        %parallel_loop3A_457 = arith.index_cast %parallel_loop3A_456 : i32 to index
        %parallel_loop3A_458 = tpu.vector_load %arg5[%parallel_loop3A_457] {strides = array<i32>} : memref<4128xf32, #tpu.memory_space<vmem>>, vector<16xf32>,
        %parallel_loop3A_459 = arith.constant 128 : i32
        %parallel_loop3A_460 = arith.muli %parallel_loop3A_438, %parallel_loop3A_459 : i32
        %parallel_loop3A_461 = arith.constant 0 : i32
        %parallel_loop3A_462 = arith.addi %parallel_loop3A_461, %parallel_loop3A_460 : i32
        %parallel_loop3A_463 = arith.constant 16 : i32
        %parallel_loop3A_464 = arith.addi %parallel_loop3A_462, %parallel_loop3A_463 : i32
        %parallel_loop3A_465 = arith.index_cast %parallel_loop3A_464 : i32 to index
        %parallel_loop3A_466 = tpu.vector_load %arg6[%parallel_loop3A_465] {strides = array<i32>} : memref<8192xf32, #tpu.memory_space<vmem>>, vector<16xf32>,
        tpu.vector_store %arg6[%parallel_loop3A_465], %parallel_loop3A_458 {strides = array<i32>} : memref<8192xf32, #tpu.memory_space<vmem>>, vector<16xf32>,
        %parallel_loop3A_467 = arith.constant 129 : i32
        %parallel_loop3A_468 = arith.muli %parallel_loop3A_438, %parallel_loop3A_467 : i32
        %parallel_loop3A_469 = arith.constant 32 : i32
        %parallel_loop3A_470 = arith.addi %parallel_loop3A_468, %parallel_loop3A_469 : i32
        %parallel_loop3A_471 = arith.index_cast %parallel_loop3A_470 : i32 to index
        %parallel_loop3A_472 = tpu.vector_load %arg5[%parallel_loop3A_471] {strides = array<i32>} : memref<4128xf32, #tpu.memory_space<vmem>>, vector<16xf32>,
        %parallel_loop3A_473 = arith.constant 128 : i32
        %parallel_loop3A_474 = arith.muli %parallel_loop3A_438, %parallel_loop3A_473 : i32
        %parallel_loop3A_475 = arith.constant 0 : i32
        %parallel_loop3A_476 = arith.addi %parallel_loop3A_475, %parallel_loop3A_474 : i32
        %parallel_loop3A_477 = arith.constant 32 : i32
        %parallel_loop3A_478 = arith.addi %parallel_loop3A_476, %parallel_loop3A_477 : i32
        %parallel_loop3A_479 = arith.index_cast %parallel_loop3A_478 : i32 to index
        %parallel_loop3A_480 = tpu.vector_load %arg6[%parallel_loop3A_479] {strides = array<i32>} : memref<8192xf32, #tpu.memory_space<vmem>>, vector<16xf32>,
        tpu.vector_store %arg6[%parallel_loop3A_479], %parallel_loop3A_472 {strides = array<i32>} : memref<8192xf32, #tpu.memory_space<vmem>>, vector<16xf32>,
        %parallel_loop3A_481 = arith.constant 129 : i32
        %parallel_loop3A_482 = arith.muli %parallel_loop3A_438, %parallel_loop3A_481 : i32
        %parallel_loop3A_483 = arith.constant 48 : i32
        %parallel_loop3A_484 = arith.addi %parallel_loop3A_482, %parallel_loop3A_483 : i32
        %parallel_loop3A_485 = arith.index_cast %parallel_loop3A_484 : i32 to index
        %parallel_loop3A_486 = tpu.vector_load %arg5[%parallel_loop3A_485] {strides = array<i32>} : memref<4128xf32, #tpu.memory_space<vmem>>, vector<16xf32>,
        %parallel_loop3A_487 = arith.constant 128 : i32
        %parallel_loop3A_488 = arith.muli %parallel_loop3A_438, %parallel_loop3A_487 : i32
        %parallel_loop3A_489 = arith.constant 0 : i32
        %parallel_loop3A_490 = arith.addi %parallel_loop3A_489, %parallel_loop3A_488 : i32
        %parallel_loop3A_491 = arith.constant 48 : i32
        %parallel_loop3A_492 = arith.addi %parallel_loop3A_490, %parallel_loop3A_491 : i32
        %parallel_loop3A_493 = arith.index_cast %parallel_loop3A_492 : i32 to index
        %parallel_loop3A_494 = tpu.vector_load %arg6[%parallel_loop3A_493] {strides = array<i32>} : memref<8192xf32, #tpu.memory_space<vmem>>, vector<16xf32>,
        tpu.vector_store %arg6[%parallel_loop3A_493], %parallel_loop3A_486 {strides = array<i32>} : memref<8192xf32, #tpu.memory_space<vmem>>, vector<16xf32>,
        %parallel_loop3A_495 = arith.constant 129 : i32
        %parallel_loop3A_496 = arith.muli %parallel_loop3A_438, %parallel_loop3A_495 : i32
        %parallel_loop3A_497 = arith.constant 64 : i32
        %parallel_loop3A_498 = arith.addi %parallel_loop3A_496, %parallel_loop3A_497 : i32
        %parallel_loop3A_499 = arith.index_cast %parallel_loop3A_498 : i32 to index
        %parallel_loop3A_500 = tpu.vector_load %arg5[%parallel_loop3A_499] {strides = array<i32>} : memref<4128xf32, #tpu.memory_space<vmem>>, vector<16xf32>,
        %parallel_loop3A_501 = arith.constant 128 : i32
        %parallel_loop3A_502 = arith.muli %parallel_loop3A_438, %parallel_loop3A_501 : i32
        %parallel_loop3A_503 = arith.constant 0 : i32
        %parallel_loop3A_504 = arith.addi %parallel_loop3A_503, %parallel_loop3A_502 : i32
        %parallel_loop3A_505 = arith.constant 64 : i32
        %parallel_loop3A_506 = arith.addi %parallel_loop3A_504, %parallel_loop3A_505 : i32
        %parallel_loop3A_507 = arith.index_cast %parallel_loop3A_506 : i32 to index
        %parallel_loop3A_508 = tpu.vector_load %arg6[%parallel_loop3A_507] {strides = array<i32>} : memref<8192xf32, #tpu.memory_space<vmem>>, vector<16xf32>,
        tpu.vector_store %arg6[%parallel_loop3A_507], %parallel_loop3A_500 {strides = array<i32>} : memref<8192xf32, #tpu.memory_space<vmem>>, vector<16xf32>,
        %parallel_loop3A_509 = arith.constant 129 : i32
        %parallel_loop3A_510 = arith.muli %parallel_loop3A_438, %parallel_loop3A_509 : i32
        %parallel_loop3A_511 = arith.constant 80 : i32
        %parallel_loop3A_512 = arith.addi %parallel_loop3A_510, %parallel_loop3A_511 : i32
        %parallel_loop3A_513 = arith.index_cast %parallel_loop3A_512 : i32 to index
        %parallel_loop3A_514 = tpu.vector_load %arg5[%parallel_loop3A_513] {strides = array<i32>} : memref<4128xf32, #tpu.memory_space<vmem>>, vector<16xf32>,
        %parallel_loop3A_515 = arith.constant 128 : i32
        %parallel_loop3A_516 = arith.muli %parallel_loop3A_438, %parallel_loop3A_515 : i32
        %parallel_loop3A_517 = arith.constant 0 : i32
        %parallel_loop3A_518 = arith.addi %parallel_loop3A_517, %parallel_loop3A_516 : i32
        %parallel_loop3A_519 = arith.constant 80 : i32
        %parallel_loop3A_520 = arith.addi %parallel_loop3A_518, %parallel_loop3A_519 : i32
        %parallel_loop3A_521 = arith.index_cast %parallel_loop3A_520 : i32 to index
        %parallel_loop3A_522 = tpu.vector_load %arg6[%parallel_loop3A_521] {strides = array<i32>} : memref<8192xf32, #tpu.memory_space<vmem>>, vector<16xf32>,
        tpu.vector_store %arg6[%parallel_loop3A_521], %parallel_loop3A_514 {strides = array<i32>} : memref<8192xf32, #tpu.memory_space<vmem>>, vector<16xf32>,
        %parallel_loop3A_523 = arith.constant 129 : i32
        %parallel_loop3A_524 = arith.muli %parallel_loop3A_438, %parallel_loop3A_523 : i32
        %parallel_loop3A_525 = arith.constant 96 : i32
        %parallel_loop3A_526 = arith.addi %parallel_loop3A_524, %parallel_loop3A_525 : i32
        %parallel_loop3A_527 = arith.index_cast %parallel_loop3A_526 : i32 to index
        %parallel_loop3A_528 = tpu.vector_load %arg5[%parallel_loop3A_527] {strides = array<i32>} : memref<4128xf32, #tpu.memory_space<vmem>>, vector<16xf32>,
        %parallel_loop3A_529 = arith.constant 128 : i32
        %parallel_loop3A_530 = arith.muli %parallel_loop3A_438, %parallel_loop3A_529 : i32
        %parallel_loop3A_531 = arith.constant 0 : i32
        %parallel_loop3A_532 = arith.addi %parallel_loop3A_531, %parallel_loop3A_530 : i32
        %parallel_loop3A_533 = arith.constant 96 : i32
        %parallel_loop3A_534 = arith.addi %parallel_loop3A_532, %parallel_loop3A_533 : i32
        %parallel_loop3A_535 = arith.index_cast %parallel_loop3A_534 : i32 to index
        %parallel_loop3A_536 = tpu.vector_load %arg6[%parallel_loop3A_535] {strides = array<i32>} : memref<8192xf32, #tpu.memory_space<vmem>>, vector<16xf32>,
        tpu.vector_store %arg6[%parallel_loop3A_535], %parallel_loop3A_528 {strides = array<i32>} : memref<8192xf32, #tpu.memory_space<vmem>>, vector<16xf32>,
        %parallel_loop3A_537 = arith.constant 129 : i32
        %parallel_loop3A_538 = arith.muli %parallel_loop3A_438, %parallel_loop3A_537 : i32
        %parallel_loop3A_539 = arith.constant 112 : i32
        %parallel_loop3A_540 = arith.addi %parallel_loop3A_538, %parallel_loop3A_539 : i32
        %parallel_loop3A_541 = arith.index_cast %parallel_loop3A_540 : i32 to index
        %parallel_loop3A_542 = tpu.vector_load %arg5[%parallel_loop3A_541] {strides = array<i32>} : memref<4128xf32, #tpu.memory_space<vmem>>, vector<16xf32>,
        %parallel_loop3A_543 = arith.constant 128 : i32
        %parallel_loop3A_544 = arith.muli %parallel_loop3A_438, %parallel_loop3A_543 : i32
        %parallel_loop3A_545 = arith.constant 0 : i32
        %parallel_loop3A_546 = arith.addi %parallel_loop3A_545, %parallel_loop3A_544 : i32
        %parallel_loop3A_547 = arith.constant 112 : i32
        %parallel_loop3A_548 = arith.addi %parallel_loop3A_546, %parallel_loop3A_547 : i32
        %parallel_loop3A_549 = arith.index_cast %parallel_loop3A_548 : i32 to index
        %parallel_loop3A_550 = tpu.vector_load %arg6[%parallel_loop3A_549] {strides = array<i32>} : memref<8192xf32, #tpu.memory_space<vmem>>, vector<16xf32>,
        tpu.vector_store %arg6[%parallel_loop3A_549], %parallel_loop3A_542 {strides = array<i32>} : memref<8192xf32, #tpu.memory_space<vmem>>, vector<16xf32>,
      } {sc.loop_unroll_factor = 4 : i64, sc.parallel_access}
      %mul3A_335 = arith.constant 512 : i32
      %mul3A_336 = arith.muli %add3A_325, %mul3A_335 : i32
      %add3A_337 = arith.addi %mul3A_336, %add3A_244 : i32
      %add3A_338 = arith.constant 0 : i32
      %add3A_339 = arith.addi %add3A_337, %add3A_338 : i32
      %mul3A_340 = arith.constant 1024 : i32
      %mul3A_341 = arith.muli %add3A_339, %mul3A_340 : i32
      %dma_start3A_342 = arith.constant 0 : i32
      %dma_start3A_343 = tpu.memref_slice %arg6[%dma_start3A_342] : memref<8192xf32, #tpu.memory_space<vmem>> -> memref<1024xf32, #tpu.memory_space<vmem>>
      %dma_start3A_344 = tpu.memref_slice %arg3[%mul3A_341] : memref<13631488xf32, #tpu.memory_space<hbm>> -> memref<1024xf32, #tpu.memory_space<hbm>>
      %dma_start3A_345 = tpu.memref_slice %arg3[%mul3A_341] : memref<13631488xf32, #tpu.memory_space<hbm>> -> memref<1024xf32, #tpu.memory_space<hbm>>
      %dma_start3A_346 = arith.constant 0 : i32
      %dma_start3A_347 = tpu.memref_slice %arg6[%dma_start3A_346] : memref<8192xf32, #tpu.memory_space<vmem>> -> memref<1024xf32, #tpu.memory_space<vmem>>
      tpu.enqueue_dma source(%dma_start3A_347 : memref<1024xf32, #tpu.memory_space<vmem>>) target(%dma_start3A_345 : memref<1024xf32, #tpu.memory_space<hbm>>) target_semaphore(%arg8 : memref<!tpu.dma_semaphore, #tpu.memory_space<semaphore_mem>>)
      %add3A_348 = arith.constant 128 : i32
      %add3A_349 = arith.addi %add3A_337, %add3A_348 : i32
      %mul3A_350 = arith.constant 1024 : i32
      %mul3A_351 = arith.muli %add3A_349, %mul3A_350 : i32
      %dma_start3A_352 = arith.constant 1024 : i32
      %dma_start3A_353 = tpu.memref_slice %arg6[%dma_start3A_352] : memref<8192xf32, #tpu.memory_space<vmem>> -> memref<1024xf32, #tpu.memory_space<vmem>>
      %dma_start3A_354 = tpu.memref_slice %arg3[%mul3A_351] : memref<13631488xf32, #tpu.memory_space<hbm>> -> memref<1024xf32, #tpu.memory_space<hbm>>
      %dma_start3A_355 = tpu.memref_slice %arg3[%mul3A_351] : memref<13631488xf32, #tpu.memory_space<hbm>> -> memref<1024xf32, #tpu.memory_space<hbm>>
      %dma_start3A_356 = arith.constant 1024 : i32
      %dma_start3A_357 = tpu.memref_slice %arg6[%dma_start3A_356] : memref<8192xf32, #tpu.memory_space<vmem>> -> memref<1024xf32, #tpu.memory_space<vmem>>
      tpu.enqueue_dma source(%dma_start3A_357 : memref<1024xf32, #tpu.memory_space<vmem>>) target(%dma_start3A_355 : memref<1024xf32, #tpu.memory_space<hbm>>) target_semaphore(%arg8 : memref<!tpu.dma_semaphore, #tpu.memory_space<semaphore_mem>>)
      %add3A_358 = arith.constant 256 : i32
      %add3A_359 = arith.addi %add3A_337, %add3A_358 : i32
      %mul3A_360 = arith.constant 1024 : i32
      %mul3A_361 = arith.muli %add3A_359, %mul3A_360 : i32
      %dma_start3A_362 = arith.constant 2048 : i32
      %dma_start3A_363 = tpu.memref_slice %arg6[%dma_start3A_362] : memref<8192xf32, #tpu.memory_space<vmem>> -> memref<1024xf32, #tpu.memory_space<vmem>>
      %dma_start3A_364 = tpu.memref_slice %arg3[%mul3A_361] : memref<13631488xf32, #tpu.memory_space<hbm>> -> memref<1024xf32, #tpu.memory_space<hbm>>
      %dma_start3A_365 = tpu.memref_slice %arg3[%mul3A_361] : memref<13631488xf32, #tpu.memory_space<hbm>> -> memref<1024xf32, #tpu.memory_space<hbm>>
      %dma_start3A_366 = arith.constant 2048 : i32
      %dma_start3A_367 = tpu.memref_slice %arg6[%dma_start3A_366] : memref<8192xf32, #tpu.memory_space<vmem>> -> memref<1024xf32, #tpu.memory_space<vmem>>
      tpu.enqueue_dma source(%dma_start3A_367 : memref<1024xf32, #tpu.memory_space<vmem>>) target(%dma_start3A_365 : memref<1024xf32, #tpu.memory_space<hbm>>) target_semaphore(%arg8 : memref<!tpu.dma_semaphore, #tpu.memory_space<semaphore_mem>>)
      %add3A_368 = arith.constant 384 : i32
      %add3A_369 = arith.addi %add3A_337, %add3A_368 : i32
      %mul3A_370 = arith.constant 1024 : i32
      %mul3A_371 = arith.muli %add3A_369, %mul3A_370 : i32
      %dma_start3A_372 = arith.constant 3072 : i32
      %dma_start3A_373 = tpu.memref_slice %arg6[%dma_start3A_372] : memref<8192xf32, #tpu.memory_space<vmem>> -> memref<1024xf32, #tpu.memory_space<vmem>>
      %dma_start3A_374 = tpu.memref_slice %arg3[%mul3A_371] : memref<13631488xf32, #tpu.memory_space<hbm>> -> memref<1024xf32, #tpu.memory_space<hbm>>
      %dma_start3A_375 = tpu.memref_slice %arg3[%mul3A_371] : memref<13631488xf32, #tpu.memory_space<hbm>> -> memref<1024xf32, #tpu.memory_space<hbm>>
      %dma_start3A_376 = arith.constant 3072 : i32
      %dma_start3A_377 = tpu.memref_slice %arg6[%dma_start3A_376] : memref<8192xf32, #tpu.memory_space<vmem>> -> memref<1024xf32, #tpu.memory_space<vmem>>
      tpu.enqueue_dma source(%dma_start3A_377 : memref<1024xf32, #tpu.memory_space<vmem>>) target(%dma_start3A_375 : memref<1024xf32, #tpu.memory_space<hbm>>) target_semaphore(%arg8 : memref<!tpu.dma_semaphore, #tpu.memory_space<semaphore_mem>>)
      %mul3A_378 = arith.constant 2 : i32
      %mul3A_379 = arith.muli %scan3A_321, %mul3A_378 : i32
      %add3A_380 = arith.constant 1 : i32
      %add3A_381 = arith.addi %mul3A_379, %add3A_380 : i32
      %ge3A_382 = arith.constant 2 : i32
      %ge3A_383 = arith.cmpi sge, %add3A_381, %ge3A_382 : i32
      %convert_element_type3A_384 = arith.extui %ge3A_383 : i1 to i32
      %cond3A_385 = arith.constant 0 : i32
      %cond3A_386 = arith.cmpi ne, %convert_element_type3A_384, %cond3A_385 : i32
      scf.if %cond3A_386 {
        %dma_wait3A_438 = arith.constant 0 : i32
        %dma_wait3A_439 = tpu.memref_slice %arg6[%dma_wait3A_438] : memref<8192xf32, #tpu.memory_space<vmem>> -> memref<1024xf32, #tpu.memory_space<vmem>>
        %dma_wait3A_440 = arith.constant 0 : i32
        %dma_wait3A_441 = tpu.memref_slice %arg3[%dma_wait3A_440] : memref<13631488xf32, #tpu.memory_space<hbm>> -> memref<1024xf32, #tpu.memory_space<hbm>>
        %dma_wait3A_442 = arith.constant 0 : i32
        %dma_wait3A_443 = tpu.memref_slice %arg3[%dma_wait3A_442] : memref<13631488xf32, #tpu.memory_space<hbm>> -> memref<1024xf32, #tpu.memory_space<hbm>>
        %dma_wait3A_444 = arith.constant 0 : i32
        %dma_wait3A_445 = tpu.memref_slice %arg6[%dma_wait3A_444] : memref<8192xf32, #tpu.memory_space<vmem>> -> memref<1024xf32, #tpu.memory_space<vmem>>
        tpu.wait_dma2 semaphore(%arg9 : memref<!tpu.dma_semaphore, #tpu.memory_space<semaphore_mem>>) src(%dma_wait3A_445 : memref<1024xf32, #tpu.memory_space<vmem>>) dst(%dma_wait3A_443 : memref<1024xf32, #tpu.memory_space<hbm>>)
        %dma_wait3A_446 = arith.constant 0 : i32
        %dma_wait3A_447 = tpu.memref_slice %arg6[%dma_wait3A_446] : memref<8192xf32, #tpu.memory_space<vmem>> -> memref<1024xf32, #tpu.memory_space<vmem>>
        %dma_wait3A_448 = arith.constant 0 : i32
        %dma_wait3A_449 = tpu.memref_slice %arg3[%dma_wait3A_448] : memref<13631488xf32, #tpu.memory_space<hbm>> -> memref<1024xf32, #tpu.memory_space<hbm>>
        %dma_wait3A_450 = arith.constant 0 : i32
        %dma_wait3A_451 = tpu.memref_slice %arg3[%dma_wait3A_450] : memref<13631488xf32, #tpu.memory_space<hbm>> -> memref<1024xf32, #tpu.memory_space<hbm>>
        %dma_wait3A_452 = arith.constant 0 : i32
        %dma_wait3A_453 = tpu.memref_slice %arg6[%dma_wait3A_452] : memref<8192xf32, #tpu.memory_space<vmem>> -> memref<1024xf32, #tpu.memory_space<vmem>>
        tpu.wait_dma2 semaphore(%arg9 : memref<!tpu.dma_semaphore, #tpu.memory_space<semaphore_mem>>) src(%dma_wait3A_453 : memref<1024xf32, #tpu.memory_space<vmem>>) dst(%dma_wait3A_451 : memref<1024xf32, #tpu.memory_space<hbm>>)
        %dma_wait3A_454 = arith.constant 0 : i32
        %dma_wait3A_455 = tpu.memref_slice %arg6[%dma_wait3A_454] : memref<8192xf32, #tpu.memory_space<vmem>> -> memref<1024xf32, #tpu.memory_space<vmem>>
        %dma_wait3A_456 = arith.constant 0 : i32
        %dma_wait3A_457 = tpu.memref_slice %arg3[%dma_wait3A_456] : memref<13631488xf32, #tpu.memory_space<hbm>> -> memref<1024xf32, #tpu.memory_space<hbm>>
        %dma_wait3A_458 = arith.constant 0 : i32
        %dma_wait3A_459 = tpu.memref_slice %arg3[%dma_wait3A_458] : memref<13631488xf32, #tpu.memory_space<hbm>> -> memref<1024xf32, #tpu.memory_space<hbm>>
        %dma_wait3A_460 = arith.constant 0 : i32
        %dma_wait3A_461 = tpu.memref_slice %arg6[%dma_wait3A_460] : memref<8192xf32, #tpu.memory_space<vmem>> -> memref<1024xf32, #tpu.memory_space<vmem>>
        tpu.wait_dma2 semaphore(%arg9 : memref<!tpu.dma_semaphore, #tpu.memory_space<semaphore_mem>>) src(%dma_wait3A_461 : memref<1024xf32, #tpu.memory_space<vmem>>) dst(%dma_wait3A_459 : memref<1024xf32, #tpu.memory_space<hbm>>)
        %dma_wait3A_462 = arith.constant 0 : i32
        %dma_wait3A_463 = tpu.memref_slice %arg6[%dma_wait3A_462] : memref<8192xf32, #tpu.memory_space<vmem>> -> memref<1024xf32, #tpu.memory_space<vmem>>
        %dma_wait3A_464 = arith.constant 0 : i32
        %dma_wait3A_465 = tpu.memref_slice %arg3[%dma_wait3A_464] : memref<13631488xf32, #tpu.memory_space<hbm>> -> memref<1024xf32, #tpu.memory_space<hbm>>
        %dma_wait3A_466 = arith.constant 0 : i32
        %dma_wait3A_467 = tpu.memref_slice %arg3[%dma_wait3A_466] : memref<13631488xf32, #tpu.memory_space<hbm>> -> memref<1024xf32, #tpu.memory_space<hbm>>
        %dma_wait3A_468 = arith.constant 0 : i32
        %dma_wait3A_469 = tpu.memref_slice %arg6[%dma_wait3A_468] : memref<8192xf32, #tpu.memory_space<vmem>> -> memref<1024xf32, #tpu.memory_space<vmem>>
        tpu.wait_dma2 semaphore(%arg9 : memref<!tpu.dma_semaphore, #tpu.memory_space<semaphore_mem>>) src(%dma_wait3A_469 : memref<1024xf32, #tpu.memory_space<vmem>>) dst(%dma_wait3A_467 : memref<1024xf32, #tpu.memory_space<hbm>>)
      } else {
      }
      %mul3A_387 = arith.constant 32 : i32
      %mul3A_388 = arith.muli %add3A_381, %mul3A_387 : i32
      %parallel_loop3A_389 = arith.constant 0 : i32
      %parallel_loop3A_390 = arith.constant 128 : i32
      %parallel_loop3A_391 = arith.constant 1 : i32
      scf.for %parallel_loop3A_438 = %parallel_loop3A_389 to %parallel_loop3A_390 step %parallel_loop3A_391  : i32 {
        %parallel_loop3A_439 = arith.constant 832 : i32
        %parallel_loop3A_440 = arith.muli %parallel_loop3A_438, %parallel_loop3A_439 : i32
        %parallel_loop3A_441 = arith.addi %mul3A_388, %parallel_loop3A_440 : i32
        %parallel_loop3A_442 = arith.index_cast %parallel_loop3A_441 : i32 to index
        %parallel_loop3A_443 = tpu.vector_load %arg4[%parallel_loop3A_442] {strides = array<i32>} : memref<106496xf32, #tpu.memory_space<vmem>>, vector<16xf32>,
        %parallel_loop3A_444 = arith.constant 16 : i32
        %parallel_loop3A_445 = arith.addi %parallel_loop3A_441, %parallel_loop3A_444 : i32
        %parallel_loop3A_446 = arith.index_cast %parallel_loop3A_445 : i32 to index
        %parallel_loop3A_447 = tpu.vector_load %arg4[%parallel_loop3A_446] {strides = array<i32>} : memref<106496xf32, #tpu.memory_space<vmem>>, vector<16xf32>,
        %parallel_loop3A_448 = vector.broadcast %parallel_loop3A_438 : i32 to vector<16xi32>
        %parallel_loop3A_449 = arith.addi %mul3A_3, %parallel_loop3A_448 : vector<16xi32>
        tpu.vector_store_idx %arg5[%parallel_loop3A_449], %parallel_loop3A_443 : memref<4128xf32, #tpu.memory_space<vmem>>[vector<16xi32>], vector<16xf32>,
        %parallel_loop3A_450 = arith.constant 2064 : i32
        %parallel_loop3A_451 = arith.addi %parallel_loop3A_450, %parallel_loop3A_438 : i32
        %parallel_loop3A_452 = vector.broadcast %parallel_loop3A_451 : i32 to vector<16xi32>
        %parallel_loop3A_453 = arith.addi %mul3A_3, %parallel_loop3A_452 : vector<16xi32>
        tpu.vector_store_idx %arg5[%parallel_loop3A_453], %parallel_loop3A_447 : memref<4128xf32, #tpu.memory_space<vmem>>[vector<16xi32>], vector<16xf32>,
      } {sc.loop_unroll_factor = 8 : i64, sc.parallel_access}
      %parallel_loop3A_392 = arith.constant 0 : i32
      %parallel_loop3A_393 = arith.constant 32 : i32
      %parallel_loop3A_394 = arith.constant 1 : i32
      scf.for %parallel_loop3A_438 = %parallel_loop3A_392 to %parallel_loop3A_393 step %parallel_loop3A_394  : i32 {
        %parallel_loop3A_439 = arith.constant 129 : i32
        %parallel_loop3A_440 = arith.muli %parallel_loop3A_438, %parallel_loop3A_439 : i32
        %parallel_loop3A_441 = arith.constant 0 : i32
        %parallel_loop3A_442 = arith.addi %parallel_loop3A_440, %parallel_loop3A_441 : i32
        %parallel_loop3A_443 = arith.index_cast %parallel_loop3A_442 : i32 to index
        %parallel_loop3A_444 = tpu.vector_load %arg5[%parallel_loop3A_443] {strides = array<i32>} : memref<4128xf32, #tpu.memory_space<vmem>>, vector<16xf32>,
        %parallel_loop3A_445 = arith.constant 128 : i32
        %parallel_loop3A_446 = arith.muli %parallel_loop3A_438, %parallel_loop3A_445 : i32
        %parallel_loop3A_447 = arith.constant 4096 : i32
        %parallel_loop3A_448 = arith.addi %parallel_loop3A_447, %parallel_loop3A_446 : i32
        %parallel_loop3A_449 = arith.constant 0 : i32
        %parallel_loop3A_450 = arith.addi %parallel_loop3A_448, %parallel_loop3A_449 : i32
        %parallel_loop3A_451 = arith.index_cast %parallel_loop3A_450 : i32 to index
        %parallel_loop3A_452 = tpu.vector_load %arg6[%parallel_loop3A_451] {strides = array<i32>} : memref<8192xf32, #tpu.memory_space<vmem>>, vector<16xf32>,
        tpu.vector_store %arg6[%parallel_loop3A_451], %parallel_loop3A_444 {strides = array<i32>} : memref<8192xf32, #tpu.memory_space<vmem>>, vector<16xf32>,
        %parallel_loop3A_453 = arith.constant 129 : i32
        %parallel_loop3A_454 = arith.muli %parallel_loop3A_438, %parallel_loop3A_453 : i32
        %parallel_loop3A_455 = arith.constant 16 : i32
        %parallel_loop3A_456 = arith.addi %parallel_loop3A_454, %parallel_loop3A_455 : i32
        %parallel_loop3A_457 = arith.index_cast %parallel_loop3A_456 : i32 to index
        %parallel_loop3A_458 = tpu.vector_load %arg5[%parallel_loop3A_457] {strides = array<i32>} : memref<4128xf32, #tpu.memory_space<vmem>>, vector<16xf32>,
        %parallel_loop3A_459 = arith.constant 128 : i32
        %parallel_loop3A_460 = arith.muli %parallel_loop3A_438, %parallel_loop3A_459 : i32
        %parallel_loop3A_461 = arith.constant 4096 : i32
        %parallel_loop3A_462 = arith.addi %parallel_loop3A_461, %parallel_loop3A_460 : i32
        %parallel_loop3A_463 = arith.constant 16 : i32
        %parallel_loop3A_464 = arith.addi %parallel_loop3A_462, %parallel_loop3A_463 : i32
        %parallel_loop3A_465 = arith.index_cast %parallel_loop3A_464 : i32 to index
        %parallel_loop3A_466 = tpu.vector_load %arg6[%parallel_loop3A_465] {strides = array<i32>} : memref<8192xf32, #tpu.memory_space<vmem>>, vector<16xf32>,
        tpu.vector_store %arg6[%parallel_loop3A_465], %parallel_loop3A_458 {strides = array<i32>} : memref<8192xf32, #tpu.memory_space<vmem>>, vector<16xf32>,
        %parallel_loop3A_467 = arith.constant 129 : i32
        %parallel_loop3A_468 = arith.muli %parallel_loop3A_438, %parallel_loop3A_467 : i32
        %parallel_loop3A_469 = arith.constant 32 : i32
        %parallel_loop3A_470 = arith.addi %parallel_loop3A_468, %parallel_loop3A_469 : i32
        %parallel_loop3A_471 = arith.index_cast %parallel_loop3A_470 : i32 to index
        %parallel_loop3A_472 = tpu.vector_load %arg5[%parallel_loop3A_471] {strides = array<i32>} : memref<4128xf32, #tpu.memory_space<vmem>>, vector<16xf32>,
        %parallel_loop3A_473 = arith.constant 128 : i32
        %parallel_loop3A_474 = arith.muli %parallel_loop3A_438, %parallel_loop3A_473 : i32
        %parallel_loop3A_475 = arith.constant 4096 : i32
        %parallel_loop3A_476 = arith.addi %parallel_loop3A_475, %parallel_loop3A_474 : i32
        %parallel_loop3A_477 = arith.constant 32 : i32
        %parallel_loop3A_478 = arith.addi %parallel_loop3A_476, %parallel_loop3A_477 : i32
        %parallel_loop3A_479 = arith.index_cast %parallel_loop3A_478 : i32 to index
        %parallel_loop3A_480 = tpu.vector_load %arg6[%parallel_loop3A_479] {strides = array<i32>} : memref<8192xf32, #tpu.memory_space<vmem>>, vector<16xf32>,
        tpu.vector_store %arg6[%parallel_loop3A_479], %parallel_loop3A_472 {strides = array<i32>} : memref<8192xf32, #tpu.memory_space<vmem>>, vector<16xf32>,
        %parallel_loop3A_481 = arith.constant 129 : i32
        %parallel_loop3A_482 = arith.muli %parallel_loop3A_438, %parallel_loop3A_481 : i32
        %parallel_loop3A_483 = arith.constant 48 : i32
        %parallel_loop3A_484 = arith.addi %parallel_loop3A_482, %parallel_loop3A_483 : i32
        %parallel_loop3A_485 = arith.index_cast %parallel_loop3A_484 : i32 to index
        %parallel_loop3A_486 = tpu.vector_load %arg5[%parallel_loop3A_485] {strides = array<i32>} : memref<4128xf32, #tpu.memory_space<vmem>>, vector<16xf32>,
        %parallel_loop3A_487 = arith.constant 128 : i32
        %parallel_loop3A_488 = arith.muli %parallel_loop3A_438, %parallel_loop3A_487 : i32
        %parallel_loop3A_489 = arith.constant 4096 : i32
        %parallel_loop3A_490 = arith.addi %parallel_loop3A_489, %parallel_loop3A_488 : i32
        %parallel_loop3A_491 = arith.constant 48 : i32
        %parallel_loop3A_492 = arith.addi %parallel_loop3A_490, %parallel_loop3A_491 : i32
        %parallel_loop3A_493 = arith.index_cast %parallel_loop3A_492 : i32 to index
        %parallel_loop3A_494 = tpu.vector_load %arg6[%parallel_loop3A_493] {strides = array<i32>} : memref<8192xf32, #tpu.memory_space<vmem>>, vector<16xf32>,
        tpu.vector_store %arg6[%parallel_loop3A_493], %parallel_loop3A_486 {strides = array<i32>} : memref<8192xf32, #tpu.memory_space<vmem>>, vector<16xf32>,
        %parallel_loop3A_495 = arith.constant 129 : i32
        %parallel_loop3A_496 = arith.muli %parallel_loop3A_438, %parallel_loop3A_495 : i32
        %parallel_loop3A_497 = arith.constant 64 : i32
        %parallel_loop3A_498 = arith.addi %parallel_loop3A_496, %parallel_loop3A_497 : i32
        %parallel_loop3A_499 = arith.index_cast %parallel_loop3A_498 : i32 to index
        %parallel_loop3A_500 = tpu.vector_load %arg5[%parallel_loop3A_499] {strides = array<i32>} : memref<4128xf32, #tpu.memory_space<vmem>>, vector<16xf32>,
        %parallel_loop3A_501 = arith.constant 128 : i32
        %parallel_loop3A_502 = arith.muli %parallel_loop3A_438, %parallel_loop3A_501 : i32
        %parallel_loop3A_503 = arith.constant 4096 : i32
        %parallel_loop3A_504 = arith.addi %parallel_loop3A_503, %parallel_loop3A_502 : i32
        %parallel_loop3A_505 = arith.constant 64 : i32
        %parallel_loop3A_506 = arith.addi %parallel_loop3A_504, %parallel_loop3A_505 : i32
        %parallel_loop3A_507 = arith.index_cast %parallel_loop3A_506 : i32 to index
        %parallel_loop3A_508 = tpu.vector_load %arg6[%parallel_loop3A_507] {strides = array<i32>} : memref<8192xf32, #tpu.memory_space<vmem>>, vector<16xf32>,
        tpu.vector_store %arg6[%parallel_loop3A_507], %parallel_loop3A_500 {strides = array<i32>} : memref<8192xf32, #tpu.memory_space<vmem>>, vector<16xf32>,
        %parallel_loop3A_509 = arith.constant 129 : i32
        %parallel_loop3A_510 = arith.muli %parallel_loop3A_438, %parallel_loop3A_509 : i32
        %parallel_loop3A_511 = arith.constant 80 : i32
        %parallel_loop3A_512 = arith.addi %parallel_loop3A_510, %parallel_loop3A_511 : i32
        %parallel_loop3A_513 = arith.index_cast %parallel_loop3A_512 : i32 to index
        %parallel_loop3A_514 = tpu.vector_load %arg5[%parallel_loop3A_513] {strides = array<i32>} : memref<4128xf32, #tpu.memory_space<vmem>>, vector<16xf32>,
        %parallel_loop3A_515 = arith.constant 128 : i32
        %parallel_loop3A_516 = arith.muli %parallel_loop3A_438, %parallel_loop3A_515 : i32
        %parallel_loop3A_517 = arith.constant 4096 : i32
        %parallel_loop3A_518 = arith.addi %parallel_loop3A_517, %parallel_loop3A_516 : i32
        %parallel_loop3A_519 = arith.constant 80 : i32
        %parallel_loop3A_520 = arith.addi %parallel_loop3A_518, %parallel_loop3A_519 : i32
        %parallel_loop3A_521 = arith.index_cast %parallel_loop3A_520 : i32 to index
        %parallel_loop3A_522 = tpu.vector_load %arg6[%parallel_loop3A_521] {strides = array<i32>} : memref<8192xf32, #tpu.memory_space<vmem>>, vector<16xf32>,
        tpu.vector_store %arg6[%parallel_loop3A_521], %parallel_loop3A_514 {strides = array<i32>} : memref<8192xf32, #tpu.memory_space<vmem>>, vector<16xf32>,
        %parallel_loop3A_523 = arith.constant 129 : i32
        %parallel_loop3A_524 = arith.muli %parallel_loop3A_438, %parallel_loop3A_523 : i32
        %parallel_loop3A_525 = arith.constant 96 : i32
        %parallel_loop3A_526 = arith.addi %parallel_loop3A_524, %parallel_loop3A_525 : i32
        %parallel_loop3A_527 = arith.index_cast %parallel_loop3A_526 : i32 to index
        %parallel_loop3A_528 = tpu.vector_load %arg5[%parallel_loop3A_527] {strides = array<i32>} : memref<4128xf32, #tpu.memory_space<vmem>>, vector<16xf32>,
        %parallel_loop3A_529 = arith.constant 128 : i32
        %parallel_loop3A_530 = arith.muli %parallel_loop3A_438, %parallel_loop3A_529 : i32
        %parallel_loop3A_531 = arith.constant 4096 : i32
        %parallel_loop3A_532 = arith.addi %parallel_loop3A_531, %parallel_loop3A_530 : i32
        %parallel_loop3A_533 = arith.constant 96 : i32
        %parallel_loop3A_534 = arith.addi %parallel_loop3A_532, %parallel_loop3A_533 : i32
        %parallel_loop3A_535 = arith.index_cast %parallel_loop3A_534 : i32 to index
        %parallel_loop3A_536 = tpu.vector_load %arg6[%parallel_loop3A_535] {strides = array<i32>} : memref<8192xf32, #tpu.memory_space<vmem>>, vector<16xf32>,
        tpu.vector_store %arg6[%parallel_loop3A_535], %parallel_loop3A_528 {strides = array<i32>} : memref<8192xf32, #tpu.memory_space<vmem>>, vector<16xf32>,
        %parallel_loop3A_537 = arith.constant 129 : i32
        %parallel_loop3A_538 = arith.muli %parallel_loop3A_438, %parallel_loop3A_537 : i32
        %parallel_loop3A_539 = arith.constant 112 : i32
        %parallel_loop3A_540 = arith.addi %parallel_loop3A_538, %parallel_loop3A_539 : i32
        %parallel_loop3A_541 = arith.index_cast %parallel_loop3A_540 : i32 to index
        %parallel_loop3A_542 = tpu.vector_load %arg5[%parallel_loop3A_541] {strides = array<i32>} : memref<4128xf32, #tpu.memory_space<vmem>>, vector<16xf32>,
        %parallel_loop3A_543 = arith.constant 128 : i32
        %parallel_loop3A_544 = arith.muli %parallel_loop3A_438, %parallel_loop3A_543 : i32
        %parallel_loop3A_545 = arith.constant 4096 : i32
        %parallel_loop3A_546 = arith.addi %parallel_loop3A_545, %parallel_loop3A_544 : i32
        %parallel_loop3A_547 = arith.constant 112 : i32
        %parallel_loop3A_548 = arith.addi %parallel_loop3A_546, %parallel_loop3A_547 : i32
        %parallel_loop3A_549 = arith.index_cast %parallel_loop3A_548 : i32 to index
        %parallel_loop3A_550 = tpu.vector_load %arg6[%parallel_loop3A_549] {strides = array<i32>} : memref<8192xf32, #tpu.memory_space<vmem>>, vector<16xf32>,
        tpu.vector_store %arg6[%parallel_loop3A_549], %parallel_loop3A_542 {strides = array<i32>} : memref<8192xf32, #tpu.memory_space<vmem>>, vector<16xf32>,
      } {sc.loop_unroll_factor = 4 : i64, sc.parallel_access}
      %mul3A_395 = arith.constant 512 : i32
      %mul3A_396 = arith.muli %add3A_381, %mul3A_395 : i32
      %add3A_397 = arith.addi %mul3A_396, %add3A_244 : i32
      %add3A_398 = arith.constant 0 : i32
      %add3A_399 = arith.addi %add3A_397, %add3A_398 : i32
      %mul3A_400 = arith.constant 1024 : i32
      %mul3A_401 = arith.muli %add3A_399, %mul3A_400 : i32
      %dma_start3A_402 = arith.constant 4096 : i32
      %dma_start3A_403 = tpu.memref_slice %arg6[%dma_start3A_402] : memref<8192xf32, #tpu.memory_space<vmem>> -> memref<1024xf32, #tpu.memory_space<vmem>>
      %dma_start3A_404 = tpu.memref_slice %arg3[%mul3A_401] : memref<13631488xf32, #tpu.memory_space<hbm>> -> memref<1024xf32, #tpu.memory_space<hbm>>
      %dma_start3A_405 = tpu.memref_slice %arg3[%mul3A_401] : memref<13631488xf32, #tpu.memory_space<hbm>> -> memref<1024xf32, #tpu.memory_space<hbm>>
      %dma_start3A_406 = arith.constant 4096 : i32
      %dma_start3A_407 = tpu.memref_slice %arg6[%dma_start3A_406] : memref<8192xf32, #tpu.memory_space<vmem>> -> memref<1024xf32, #tpu.memory_space<vmem>>
      tpu.enqueue_dma source(%dma_start3A_407 : memref<1024xf32, #tpu.memory_space<vmem>>) target(%dma_start3A_405 : memref<1024xf32, #tpu.memory_space<hbm>>) target_semaphore(%arg9 : memref<!tpu.dma_semaphore, #tpu.memory_space<semaphore_mem>>)
      %add3A_408 = arith.constant 128 : i32
      %add3A_409 = arith.addi %add3A_397, %add3A_408 : i32
      %mul3A_410 = arith.constant 1024 : i32
      %mul3A_411 = arith.muli %add3A_409, %mul3A_410 : i32
      %dma_start3A_412 = arith.constant 5120 : i32
      %dma_start3A_413 = tpu.memref_slice %arg6[%dma_start3A_412] : memref<8192xf32, #tpu.memory_space<vmem>> -> memref<1024xf32, #tpu.memory_space<vmem>>
      %dma_start3A_414 = tpu.memref_slice %arg3[%mul3A_411] : memref<13631488xf32, #tpu.memory_space<hbm>> -> memref<1024xf32, #tpu.memory_space<hbm>>
      %dma_start3A_415 = tpu.memref_slice %arg3[%mul3A_411] : memref<13631488xf32, #tpu.memory_space<hbm>> -> memref<1024xf32, #tpu.memory_space<hbm>>
      %dma_start3A_416 = arith.constant 5120 : i32
      %dma_start3A_417 = tpu.memref_slice %arg6[%dma_start3A_416] : memref<8192xf32, #tpu.memory_space<vmem>> -> memref<1024xf32, #tpu.memory_space<vmem>>
      tpu.enqueue_dma source(%dma_start3A_417 : memref<1024xf32, #tpu.memory_space<vmem>>) target(%dma_start3A_415 : memref<1024xf32, #tpu.memory_space<hbm>>) target_semaphore(%arg9 : memref<!tpu.dma_semaphore, #tpu.memory_space<semaphore_mem>>)
      %add3A_418 = arith.constant 256 : i32
      %add3A_419 = arith.addi %add3A_397, %add3A_418 : i32
      %mul3A_420 = arith.constant 1024 : i32
      %mul3A_421 = arith.muli %add3A_419, %mul3A_420 : i32
      %dma_start3A_422 = arith.constant 6144 : i32
      %dma_start3A_423 = tpu.memref_slice %arg6[%dma_start3A_422] : memref<8192xf32, #tpu.memory_space<vmem>> -> memref<1024xf32, #tpu.memory_space<vmem>>
      %dma_start3A_424 = tpu.memref_slice %arg3[%mul3A_421] : memref<13631488xf32, #tpu.memory_space<hbm>> -> memref<1024xf32, #tpu.memory_space<hbm>>
      %dma_start3A_425 = tpu.memref_slice %arg3[%mul3A_421] : memref<13631488xf32, #tpu.memory_space<hbm>> -> memref<1024xf32, #tpu.memory_space<hbm>>
      %dma_start3A_426 = arith.constant 6144 : i32
      %dma_start3A_427 = tpu.memref_slice %arg6[%dma_start3A_426] : memref<8192xf32, #tpu.memory_space<vmem>> -> memref<1024xf32, #tpu.memory_space<vmem>>
      tpu.enqueue_dma source(%dma_start3A_427 : memref<1024xf32, #tpu.memory_space<vmem>>) target(%dma_start3A_425 : memref<1024xf32, #tpu.memory_space<hbm>>) target_semaphore(%arg9 : memref<!tpu.dma_semaphore, #tpu.memory_space<semaphore_mem>>)
      %add3A_428 = arith.constant 384 : i32
      %add3A_429 = arith.addi %add3A_397, %add3A_428 : i32
      %mul3A_430 = arith.constant 1024 : i32
      %mul3A_431 = arith.muli %add3A_429, %mul3A_430 : i32
      %dma_start3A_432 = arith.constant 7168 : i32
      %dma_start3A_433 = tpu.memref_slice %arg6[%dma_start3A_432] : memref<8192xf32, #tpu.memory_space<vmem>> -> memref<1024xf32, #tpu.memory_space<vmem>>
      %dma_start3A_434 = tpu.memref_slice %arg3[%mul3A_431] : memref<13631488xf32, #tpu.memory_space<hbm>> -> memref<1024xf32, #tpu.memory_space<hbm>>
      %dma_start3A_435 = tpu.memref_slice %arg3[%mul3A_431] : memref<13631488xf32, #tpu.memory_space<hbm>> -> memref<1024xf32, #tpu.memory_space<hbm>>
      %dma_start3A_436 = arith.constant 7168 : i32
      %dma_start3A_437 = tpu.memref_slice %arg6[%dma_start3A_436] : memref<8192xf32, #tpu.memory_space<vmem>> -> memref<1024xf32, #tpu.memory_space<vmem>>
      tpu.enqueue_dma source(%dma_start3A_437 : memref<1024xf32, #tpu.memory_space<vmem>>) target(%dma_start3A_435 : memref<1024xf32, #tpu.memory_space<hbm>>) target_semaphore(%arg9 : memref<!tpu.dma_semaphore, #tpu.memory_space<semaphore_mem>>)
    }
    %scan3A_256 = arith.constant 13 : i32
    %dma_wait3A_257 = arith.constant 0 : i32
    %dma_wait3A_258 = tpu.memref_slice %arg6[%dma_wait3A_257] : memref<8192xf32, #tpu.memory_space<vmem>> -> memref<1024xf32, #tpu.memory_space<vmem>>
    %dma_wait3A_259 = arith.constant 0 : i32
    %dma_wait3A_260 = tpu.memref_slice %arg3[%dma_wait3A_259] : memref<13631488xf32, #tpu.memory_space<hbm>> -> memref<1024xf32, #tpu.memory_space<hbm>>
    %dma_wait3A_261 = arith.constant 0 : i32
    %dma_wait3A_262 = tpu.memref_slice %arg3[%dma_wait3A_261] : memref<13631488xf32, #tpu.memory_space<hbm>> -> memref<1024xf32, #tpu.memory_space<hbm>>
    %dma_wait3A_263 = arith.constant 0 : i32
    %dma_wait3A_264 = tpu.memref_slice %arg6[%dma_wait3A_263] : memref<8192xf32, #tpu.memory_space<vmem>> -> memref<1024xf32, #tpu.memory_space<vmem>>
    tpu.wait_dma2 semaphore(%arg8 : memref<!tpu.dma_semaphore, #tpu.memory_space<semaphore_mem>>) src(%dma_wait3A_264 : memref<1024xf32, #tpu.memory_space<vmem>>) dst(%dma_wait3A_262 : memref<1024xf32, #tpu.memory_space<hbm>>)
    %dma_wait3A_265 = arith.constant 0 : i32
    %dma_wait3A_266 = tpu.memref_slice %arg6[%dma_wait3A_265] : memref<8192xf32, #tpu.memory_space<vmem>> -> memref<1024xf32, #tpu.memory_space<vmem>>
    %dma_wait3A_267 = arith.constant 0 : i32
    %dma_wait3A_268 = tpu.memref_slice %arg3[%dma_wait3A_267] : memref<13631488xf32, #tpu.memory_space<hbm>> -> memref<1024xf32, #tpu.memory_space<hbm>>
    %dma_wait3A_269 = arith.constant 0 : i32
    %dma_wait3A_270 = tpu.memref_slice %arg3[%dma_wait3A_269] : memref<13631488xf32, #tpu.memory_space<hbm>> -> memref<1024xf32, #tpu.memory_space<hbm>>
    %dma_wait3A_271 = arith.constant 0 : i32
    %dma_wait3A_272 = tpu.memref_slice %arg6[%dma_wait3A_271] : memref<8192xf32, #tpu.memory_space<vmem>> -> memref<1024xf32, #tpu.memory_space<vmem>>
    tpu.wait_dma2 semaphore(%arg8 : memref<!tpu.dma_semaphore, #tpu.memory_space<semaphore_mem>>) src(%dma_wait3A_272 : memref<1024xf32, #tpu.memory_space<vmem>>) dst(%dma_wait3A_270 : memref<1024xf32, #tpu.memory_space<hbm>>)
    %dma_wait3A_273 = arith.constant 0 : i32
    %dma_wait3A_274 = tpu.memref_slice %arg6[%dma_wait3A_273] : memref<8192xf32, #tpu.memory_space<vmem>> -> memref<1024xf32, #tpu.memory_space<vmem>>
    %dma_wait3A_275 = arith.constant 0 : i32
    %dma_wait3A_276 = tpu.memref_slice %arg3[%dma_wait3A_275] : memref<13631488xf32, #tpu.memory_space<hbm>> -> memref<1024xf32, #tpu.memory_space<hbm>>
    %dma_wait3A_277 = arith.constant 0 : i32
    %dma_wait3A_278 = tpu.memref_slice %arg3[%dma_wait3A_277] : memref<13631488xf32, #tpu.memory_space<hbm>> -> memref<1024xf32, #tpu.memory_space<hbm>>
    %dma_wait3A_279 = arith.constant 0 : i32
    %dma_wait3A_280 = tpu.memref_slice %arg6[%dma_wait3A_279] : memref<8192xf32, #tpu.memory_space<vmem>> -> memref<1024xf32, #tpu.memory_space<vmem>>
    tpu.wait_dma2 semaphore(%arg8 : memref<!tpu.dma_semaphore, #tpu.memory_space<semaphore_mem>>) src(%dma_wait3A_280 : memref<1024xf32, #tpu.memory_space<vmem>>) dst(%dma_wait3A_278 : memref<1024xf32, #tpu.memory_space<hbm>>)
    %dma_wait3A_281 = arith.constant 0 : i32
    %dma_wait3A_282 = tpu.memref_slice %arg6[%dma_wait3A_281] : memref<8192xf32, #tpu.memory_space<vmem>> -> memref<1024xf32, #tpu.memory_space<vmem>>
    %dma_wait3A_283 = arith.constant 0 : i32
    %dma_wait3A_284 = tpu.memref_slice %arg3[%dma_wait3A_283] : memref<13631488xf32, #tpu.memory_space<hbm>> -> memref<1024xf32, #tpu.memory_space<hbm>>
    %dma_wait3A_285 = arith.constant 0 : i32
    %dma_wait3A_286 = tpu.memref_slice %arg3[%dma_wait3A_285] : memref<13631488xf32, #tpu.memory_space<hbm>> -> memref<1024xf32, #tpu.memory_space<hbm>>
    %dma_wait3A_287 = arith.constant 0 : i32
    %dma_wait3A_288 = tpu.memref_slice %arg6[%dma_wait3A_287] : memref<8192xf32, #tpu.memory_space<vmem>> -> memref<1024xf32, #tpu.memory_space<vmem>>
    tpu.wait_dma2 semaphore(%arg8 : memref<!tpu.dma_semaphore, #tpu.memory_space<semaphore_mem>>) src(%dma_wait3A_288 : memref<1024xf32, #tpu.memory_space<vmem>>) dst(%dma_wait3A_286 : memref<1024xf32, #tpu.memory_space<hbm>>)
    %dma_wait3A_289 = arith.constant 0 : i32
    %dma_wait3A_290 = tpu.memref_slice %arg6[%dma_wait3A_289] : memref<8192xf32, #tpu.memory_space<vmem>> -> memref<1024xf32, #tpu.memory_space<vmem>>
    %dma_wait3A_291 = arith.constant 0 : i32
    %dma_wait3A_292 = tpu.memref_slice %arg3[%dma_wait3A_291] : memref<13631488xf32, #tpu.memory_space<hbm>> -> memref<1024xf32, #tpu.memory_space<hbm>>
    %dma_wait3A_293 = arith.constant 0 : i32
    %dma_wait3A_294 = tpu.memref_slice %arg3[%dma_wait3A_293] : memref<13631488xf32, #tpu.memory_space<hbm>> -> memref<1024xf32, #tpu.memory_space<hbm>>
    %dma_wait3A_295 = arith.constant 0 : i32
    %dma_wait3A_296 = tpu.memref_slice %arg6[%dma_wait3A_295] : memref<8192xf32, #tpu.memory_space<vmem>> -> memref<1024xf32, #tpu.memory_space<vmem>>
    tpu.wait_dma2 semaphore(%arg9 : memref<!tpu.dma_semaphore, #tpu.memory_space<semaphore_mem>>) src(%dma_wait3A_296 : memref<1024xf32, #tpu.memory_space<vmem>>) dst(%dma_wait3A_294 : memref<1024xf32, #tpu.memory_space<hbm>>)
    %dma_wait3A_297 = arith.constant 0 : i32
    %dma_wait3A_298 = tpu.memref_slice %arg6[%dma_wait3A_297] : memref<8192xf32, #tpu.memory_space<vmem>> -> memref<1024xf32, #tpu.memory_space<vmem>>
    %dma_wait3A_299 = arith.constant 0 : i32
    %dma_wait3A_300 = tpu.memref_slice %arg3[%dma_wait3A_299] : memref<13631488xf32, #tpu.memory_space<hbm>> -> memref<1024xf32, #tpu.memory_space<hbm>>
    %dma_wait3A_301 = arith.constant 0 : i32
    %dma_wait3A_302 = tpu.memref_slice %arg3[%dma_wait3A_301] : memref<13631488xf32, #tpu.memory_space<hbm>> -> memref<1024xf32, #tpu.memory_space<hbm>>
    %dma_wait3A_303 = arith.constant 0 : i32
    %dma_wait3A_304 = tpu.memref_slice %arg6[%dma_wait3A_303] : memref<8192xf32, #tpu.memory_space<vmem>> -> memref<1024xf32, #tpu.memory_space<vmem>>
    tpu.wait_dma2 semaphore(%arg9 : memref<!tpu.dma_semaphore, #tpu.memory_space<semaphore_mem>>) src(%dma_wait3A_304 : memref<1024xf32, #tpu.memory_space<vmem>>) dst(%dma_wait3A_302 : memref<1024xf32, #tpu.memory_space<hbm>>)
    %dma_wait3A_305 = arith.constant 0 : i32
    %dma_wait3A_306 = tpu.memref_slice %arg6[%dma_wait3A_305] : memref<8192xf32, #tpu.memory_space<vmem>> -> memref<1024xf32, #tpu.memory_space<vmem>>
    %dma_wait3A_307 = arith.constant 0 : i32
    %dma_wait3A_308 = tpu.memref_slice %arg3[%dma_wait3A_307] : memref<13631488xf32, #tpu.memory_space<hbm>> -> memref<1024xf32, #tpu.memory_space<hbm>>
    %dma_wait3A_309 = arith.constant 0 : i32
    %dma_wait3A_310 = tpu.memref_slice %arg3[%dma_wait3A_309] : memref<13631488xf32, #tpu.memory_space<hbm>> -> memref<1024xf32, #tpu.memory_space<hbm>>
    %dma_wait3A_311 = arith.constant 0 : i32
    %dma_wait3A_312 = tpu.memref_slice %arg6[%dma_wait3A_311] : memref<8192xf32, #tpu.memory_space<vmem>> -> memref<1024xf32, #tpu.memory_space<vmem>>
    tpu.wait_dma2 semaphore(%arg9 : memref<!tpu.dma_semaphore, #tpu.memory_space<semaphore_mem>>) src(%dma_wait3A_312 : memref<1024xf32, #tpu.memory_space<vmem>>) dst(%dma_wait3A_310 : memref<1024xf32, #tpu.memory_space<hbm>>)
    %dma_wait3A_313 = arith.constant 0 : i32
    %dma_wait3A_314 = tpu.memref_slice %arg6[%dma_wait3A_313] : memref<8192xf32, #tpu.memory_space<vmem>> -> memref<1024xf32, #tpu.memory_space<vmem>>
    %dma_wait3A_315 = arith.constant 0 : i32
    %dma_wait3A_316 = tpu.memref_slice %arg3[%dma_wait3A_315] : memref<13631488xf32, #tpu.memory_space<hbm>> -> memref<1024xf32, #tpu.memory_space<hbm>>
    %dma_wait3A_317 = arith.constant 0 : i32
    %dma_wait3A_318 = tpu.memref_slice %arg3[%dma_wait3A_317] : memref<13631488xf32, #tpu.memory_space<hbm>> -> memref<1024xf32, #tpu.memory_space<hbm>>
    %dma_wait3A_319 = arith.constant 0 : i32
    %dma_wait3A_320 = tpu.memref_slice %arg6[%dma_wait3A_319] : memref<8192xf32, #tpu.memory_space<vmem>> -> memref<1024xf32, #tpu.memory_space<vmem>>
    tpu.wait_dma2 semaphore(%arg9 : memref<!tpu.dma_semaphore, #tpu.memory_space<semaphore_mem>>) src(%dma_wait3A_320 : memref<1024xf32, #tpu.memory_space<vmem>>) dst(%dma_wait3A_318 : memref<1024xf32, #tpu.memory_space<hbm>>)
    return
  }
}

#map = affine_map<(d0, d1) -> (0, 0)>
#map1 = affine_map<(d0, d1) -> (0)>
module attributes {stable_mosaic.version = 14 : i64} {
  func.func @k_gather(%arg0: i32, %arg1: i32, %arg2: memref<1000000x32xf32, #tpu.memory_space<hbm>>, %arg3: memref<425984xi32, #tpu.memory_space<hbm>>, %arg4: memref<425984x32xf32, #tpu.memory_space<hbm>>, %arg5: memref<13312xi32, #tpu.memory_space<vmem>>, %arg6: memref<4x128x32xf32, #tpu.memory_space<vmem>>, %arg7: memref<!tpu.dma_semaphore, #tpu.memory_space<semaphore_mem>>, %arg8: memref<!tpu.dma_semaphore, #tpu.memory_space<semaphore_mem>>, %arg9: memref<!tpu.dma_semaphore, #tpu.memory_space<semaphore_mem>>, %arg10: memref<!tpu.dma_semaphore, #tpu.memory_space<semaphore_mem>>, %arg11: memref<!tpu.dma_semaphore, #tpu.memory_space<semaphore_mem>>, %arg12: memref<!tpu.dma_semaphore, #tpu.memory_space<semaphore_mem>>, %arg13: memref<!tpu.dma_semaphore, #tpu.memory_space<semaphore_mem>>, %arg14: memref<!tpu.dma_semaphore, #tpu.memory_space<semaphore_mem>>) attributes {dimension_semantics = [#tpu.dimension_semantics<core_parallel>, #tpu.dimension_semantics<subcore_parallel>], iteration_bounds = array<i64: 2, 16>, scalar_prefetch = 0 : i64, scratch_operands = 10 : i64, tpu.core_type = #tpu.core_type<sc_vector_subcore>, window_params = [{transform_indices = #map}, {transform_indices = #map1}, {transform_indices = #map}]} {
    %mul3A = arith.constant 2 : i32
    %mul3A_0 = arith.muli %arg1, %mul3A : i32
    %add3A = arith.addi %mul3A_0, %arg0 : i32
    %mul3A_1 = arith.constant 13312 : i32
    %mul3A_2 = arith.muli %add3A, %mul3A_1 : i32
    "tpu.region"() ({
      %run_scoped3A = tpu.sem_alloc : memref<!tpu.dma_semaphore, #tpu.memory_space<semaphore_mem>>
      %dma_start3A_96 = tpu.memref_slice %arg3[%mul3A_2] : memref<425984xi32, #tpu.memory_space<hbm>> -> memref<13312xi32, #tpu.memory_space<hbm>>
      %dma_start3A_97 = tpu.memref_slice %arg3[%mul3A_2] : memref<425984xi32, #tpu.memory_space<hbm>> -> memref<13312xi32, #tpu.memory_space<hbm>>
      tpu.enqueue_dma source(%dma_start3A_97 : memref<13312xi32, #tpu.memory_space<hbm>>) target(%arg5 : memref<13312xi32, #tpu.memory_space<vmem>>) target_semaphore(%run_scoped3A : memref<!tpu.dma_semaphore, #tpu.memory_space<semaphore_mem>>)
      %dma_wait3A_98 = tpu.memref_slice %arg3[%mul3A_2] : memref<425984xi32, #tpu.memory_space<hbm>> -> memref<13312xi32, #tpu.memory_space<hbm>>
      %dma_wait3A_99 = tpu.memref_slice %arg3[%mul3A_2] : memref<425984xi32, #tpu.memory_space<hbm>> -> memref<13312xi32, #tpu.memory_space<hbm>>
      tpu.wait_dma2 semaphore(%run_scoped3A : memref<!tpu.dma_semaphore, #tpu.memory_space<semaphore_mem>>) src(%dma_wait3A_99 : memref<13312xi32, #tpu.memory_space<hbm>>) dst(%arg5 : memref<13312xi32, #tpu.memory_space<vmem>>)
      tpu.yield
    }) : () -> ()
    %dma_start3A = arith.constant 0 : i32
    %dma_start3A_3 = arith.constant 0 : i32
    %dma_start3A_4 = arith.constant 0 : i32
    %dma_start3A_5 = tpu.memref_slice %arg6[%dma_start3A, %dma_start3A_3, %dma_start3A_4] : memref<4x128x32xf32, #tpu.memory_space<vmem>> -> memref<1x128x32xf32, #tpu.memory_space<vmem>>
    %dma_start3A_6 = tpu.memref_squeeze %dma_start3A_5 : memref<1x128x32xf32, #tpu.memory_space<vmem>> -> memref<128x32xf32, #tpu.memory_space<vmem>>
    %dma_start3A_7 = arith.constant 0 : i32
    %dma_start3A_8 = tpu.memref_slice %arg5[%dma_start3A_7] : memref<13312xi32, #tpu.memory_space<vmem>> -> memref<128xi32, #tpu.memory_space<vmem>>
    %dma_start3A_9 = arith.constant 0 : i32
    %dma_start3A_10 = arith.constant 0 : i32
    %dma_start3A_11 = tpu.memref_slice %arg2[%dma_start3A_9, %dma_start3A_10] : memref<1000000x32xf32, #tpu.memory_space<hbm>> -> memref<1000000x32xf32, #tpu.memory_space<hbm>>
    tpu.enqueue_indirect_dma source(%dma_start3A_11 : memref<1000000x32xf32, #tpu.memory_space<hbm>>) target(%dma_start3A_6 : memref<128x32xf32, #tpu.memory_space<vmem>>) offsets(%dma_start3A_8 : memref<128xi32, #tpu.memory_space<vmem>>) semaphore(%arg7 : memref<!tpu.dma_semaphore, #tpu.memory_space<semaphore_mem>>)
    %dma_start3A_12 = arith.constant 1 : i32
    %dma_start3A_13 = arith.constant 0 : i32
    %dma_start3A_14 = arith.constant 0 : i32
    %dma_start3A_15 = tpu.memref_slice %arg6[%dma_start3A_12, %dma_start3A_13, %dma_start3A_14] : memref<4x128x32xf32, #tpu.memory_space<vmem>> -> memref<1x128x32xf32, #tpu.memory_space<vmem>>
    %dma_start3A_16 = tpu.memref_squeeze %dma_start3A_15 : memref<1x128x32xf32, #tpu.memory_space<vmem>> -> memref<128x32xf32, #tpu.memory_space<vmem>>
    %dma_start3A_17 = arith.constant 128 : i32
    %dma_start3A_18 = tpu.memref_slice %arg5[%dma_start3A_17] : memref<13312xi32, #tpu.memory_space<vmem>> -> memref<128xi32, #tpu.memory_space<vmem>>
    %dma_start3A_19 = arith.constant 0 : i32
    %dma_start3A_20 = arith.constant 0 : i32
    %dma_start3A_21 = tpu.memref_slice %arg2[%dma_start3A_19, %dma_start3A_20] : memref<1000000x32xf32, #tpu.memory_space<hbm>> -> memref<1000000x32xf32, #tpu.memory_space<hbm>>
    tpu.enqueue_indirect_dma source(%dma_start3A_21 : memref<1000000x32xf32, #tpu.memory_space<hbm>>) target(%dma_start3A_16 : memref<128x32xf32, #tpu.memory_space<vmem>>) offsets(%dma_start3A_18 : memref<128xi32, #tpu.memory_space<vmem>>) semaphore(%arg8 : memref<!tpu.dma_semaphore, #tpu.memory_space<semaphore_mem>>)
    %dma_start3A_22 = arith.constant 2 : i32
    %dma_start3A_23 = arith.constant 0 : i32
    %dma_start3A_24 = arith.constant 0 : i32
    %dma_start3A_25 = tpu.memref_slice %arg6[%dma_start3A_22, %dma_start3A_23, %dma_start3A_24] : memref<4x128x32xf32, #tpu.memory_space<vmem>> -> memref<1x128x32xf32, #tpu.memory_space<vmem>>
    %dma_start3A_26 = tpu.memref_squeeze %dma_start3A_25 : memref<1x128x32xf32, #tpu.memory_space<vmem>> -> memref<128x32xf32, #tpu.memory_space<vmem>>
    %dma_start3A_27 = arith.constant 256 : i32
    %dma_start3A_28 = tpu.memref_slice %arg5[%dma_start3A_27] : memref<13312xi32, #tpu.memory_space<vmem>> -> memref<128xi32, #tpu.memory_space<vmem>>
    %dma_start3A_29 = arith.constant 0 : i32
    %dma_start3A_30 = arith.constant 0 : i32
    %dma_start3A_31 = tpu.memref_slice %arg2[%dma_start3A_29, %dma_start3A_30] : memref<1000000x32xf32, #tpu.memory_space<hbm>> -> memref<1000000x32xf32, #tpu.memory_space<hbm>>
    tpu.enqueue_indirect_dma source(%dma_start3A_31 : memref<1000000x32xf32, #tpu.memory_space<hbm>>) target(%dma_start3A_26 : memref<128x32xf32, #tpu.memory_space<vmem>>) offsets(%dma_start3A_28 : memref<128xi32, #tpu.memory_space<vmem>>) semaphore(%arg9 : memref<!tpu.dma_semaphore, #tpu.memory_space<semaphore_mem>>)
    %scan3A = arith.constant 0 : i32
    %scan3A_32 = arith.constant 0 : i32
    %scan3A_33 = arith.constant 26 : i32
    %scan3A_34 = arith.addi %scan3A_32, %scan3A_33 : i32
    %scan3A_35 = arith.constant 1 : i32
    scf.for %scan3A_96 = %scan3A_32 to %scan3A_34 step %scan3A_35  : i32 {
      %mul3A_97 = arith.constant 4 : i32
      %mul3A_98 = arith.muli %scan3A_96, %mul3A_97 : i32
      %add3A_99 = arith.constant 0 : i32
      %add3A_100 = arith.addi %mul3A_98, %add3A_99 : i32
      %dma_wait3A_101 = arith.constant 0 : i32
      %dma_wait3A_102 = arith.constant 0 : i32
      %dma_wait3A_103 = arith.constant 0 : i32
      %dma_wait3A_104 = tpu.memref_slice %arg6[%dma_wait3A_101, %dma_wait3A_102, %dma_wait3A_103] : memref<4x128x32xf32, #tpu.memory_space<vmem>> -> memref<1x128x32xf32, #tpu.memory_space<vmem>>
      %dma_wait3A_105 = tpu.memref_squeeze %dma_wait3A_104 : memref<1x128x32xf32, #tpu.memory_space<vmem>> -> memref<128x32xf32, #tpu.memory_space<vmem>>
      %dma_wait3A_106 = arith.constant 0 : i32
      %dma_wait3A_107 = arith.constant 0 : i32
      %dma_wait3A_108 = tpu.memref_slice %arg2[%dma_wait3A_106, %dma_wait3A_107] : memref<1000000x32xf32, #tpu.memory_space<hbm>> -> memref<128x32xf32, #tpu.memory_space<hbm>>
      %dma_wait3A_109 = arith.constant 0 : i32
      %dma_wait3A_110 = arith.constant 0 : i32
      %dma_wait3A_111 = tpu.memref_slice %arg6[%dma_wait3A_101, %dma_wait3A_109, %dma_wait3A_110] : memref<4x128x32xf32, #tpu.memory_space<vmem>> -> memref<1x128x32xf32, #tpu.memory_space<vmem>>
      %dma_wait3A_112 = tpu.memref_squeeze %dma_wait3A_111 : memref<1x128x32xf32, #tpu.memory_space<vmem>> -> memref<128x32xf32, #tpu.memory_space<vmem>>
      %dma_wait3A_113 = arith.constant 0 : i32
      %dma_wait3A_114 = arith.constant 0 : i32
      %dma_wait3A_115 = tpu.memref_slice %arg2[%dma_wait3A_113, %dma_wait3A_114] : memref<1000000x32xf32, #tpu.memory_space<hbm>> -> memref<128x32xf32, #tpu.memory_space<hbm>>
      tpu.wait_dma2 semaphore(%arg7 : memref<!tpu.dma_semaphore, #tpu.memory_space<semaphore_mem>>) src(%dma_wait3A_115 : memref<128x32xf32, #tpu.memory_space<hbm>>) dst(%dma_wait3A_112 : memref<128x32xf32, #tpu.memory_space<vmem>>)
      %mul3A_116 = arith.constant 128 : i32
      %mul3A_117 = arith.muli %add3A_100, %mul3A_116 : i32
      %add3A_118 = arith.addi %mul3A_2, %mul3A_117 : i32
      %dma_start3A_119 = arith.constant 0 : i32
      %dma_start3A_120 = arith.constant 0 : i32
      %dma_start3A_121 = arith.constant 0 : i32
      %dma_start3A_122 = tpu.memref_slice %arg6[%dma_start3A_119, %dma_start3A_120, %dma_start3A_121] : memref<4x128x32xf32, #tpu.memory_space<vmem>> -> memref<1x128x32xf32, #tpu.memory_space<vmem>>
      %dma_start3A_123 = tpu.memref_squeeze %dma_start3A_122 : memref<1x128x32xf32, #tpu.memory_space<vmem>> -> memref<128x32xf32, #tpu.memory_space<vmem>>
      %dma_start3A_124 = arith.constant 0 : i32
      %dma_start3A_125 = tpu.memref_slice %arg4[%add3A_118, %dma_start3A_124] : memref<425984x32xf32, #tpu.memory_space<hbm>> -> memref<128x32xf32, #tpu.memory_space<hbm>>
      %dma_start3A_126 = arith.constant 0 : i32
      %dma_start3A_127 = tpu.memref_slice %arg4[%add3A_118, %dma_start3A_126] : memref<425984x32xf32, #tpu.memory_space<hbm>> -> memref<128x32xf32, #tpu.memory_space<hbm>>
      %dma_start3A_128 = arith.constant 0 : i32
      %dma_start3A_129 = arith.constant 0 : i32
      %dma_start3A_130 = tpu.memref_slice %arg6[%dma_start3A_119, %dma_start3A_128, %dma_start3A_129] : memref<4x128x32xf32, #tpu.memory_space<vmem>> -> memref<1x128x32xf32, #tpu.memory_space<vmem>>
      %dma_start3A_131 = tpu.memref_squeeze %dma_start3A_130 : memref<1x128x32xf32, #tpu.memory_space<vmem>> -> memref<128x32xf32, #tpu.memory_space<vmem>>
      tpu.enqueue_dma source(%dma_start3A_131 : memref<128x32xf32, #tpu.memory_space<vmem>>) target(%dma_start3A_127 : memref<128x32xf32, #tpu.memory_space<hbm>>) target_semaphore(%arg11 : memref<!tpu.dma_semaphore, #tpu.memory_space<semaphore_mem>>)
      %add3A_132 = arith.constant 4 : i32
      %add3A_133 = arith.addi %add3A_100, %add3A_132 : i32
      %sub3A = arith.constant 1 : i32
      %sub3A_134 = arith.subi %add3A_133, %sub3A : i32
      %lt3A = arith.constant 104 : i32
      %lt3A_135 = arith.cmpi slt, %sub3A_134, %lt3A : i32
      %convert_element_type3A = arith.extui %lt3A_135 : i1 to i32
      %cond3A = arith.constant 0 : i32
      %cond3A_136 = arith.cmpi ne, %convert_element_type3A, %cond3A : i32
      scf.if %cond3A_136 {
        %ge3A = arith.constant 1 : i32
        %ge3A_269 = arith.cmpi sge, %add3A_100, %ge3A : i32
        %convert_element_type3A_270 = arith.extui %ge3A_269 : i1 to i32
        %cond3A_271 = arith.constant 0 : i32
        %cond3A_272 = arith.cmpi ne, %convert_element_type3A_270, %cond3A_271 : i32
        scf.if %cond3A_272 {
          %dma_wait3A_288 = arith.constant 3 : i32
          %dma_wait3A_289 = arith.constant 0 : i32
          %dma_wait3A_290 = arith.constant 0 : i32
          %dma_wait3A_291 = tpu.memref_slice %arg6[%dma_wait3A_288, %dma_wait3A_289, %dma_wait3A_290] : memref<4x128x32xf32, #tpu.memory_space<vmem>> -> memref<1x128x32xf32, #tpu.memory_space<vmem>>
          %dma_wait3A_292 = tpu.memref_squeeze %dma_wait3A_291 : memref<1x128x32xf32, #tpu.memory_space<vmem>> -> memref<128x32xf32, #tpu.memory_space<vmem>>
          %dma_wait3A_293 = arith.constant 0 : i32
          %dma_wait3A_294 = arith.constant 0 : i32
          %dma_wait3A_295 = tpu.memref_slice %arg4[%dma_wait3A_293, %dma_wait3A_294] : memref<425984x32xf32, #tpu.memory_space<hbm>> -> memref<128x32xf32, #tpu.memory_space<hbm>>
          %dma_wait3A_296 = arith.constant 0 : i32
          %dma_wait3A_297 = arith.constant 0 : i32
          %dma_wait3A_298 = tpu.memref_slice %arg4[%dma_wait3A_296, %dma_wait3A_297] : memref<425984x32xf32, #tpu.memory_space<hbm>> -> memref<128x32xf32, #tpu.memory_space<hbm>>
          %dma_wait3A_299 = arith.constant 0 : i32
          %dma_wait3A_300 = arith.constant 0 : i32
          %dma_wait3A_301 = tpu.memref_slice %arg6[%dma_wait3A_288, %dma_wait3A_299, %dma_wait3A_300] : memref<4x128x32xf32, #tpu.memory_space<vmem>> -> memref<1x128x32xf32, #tpu.memory_space<vmem>>
          %dma_wait3A_302 = tpu.memref_squeeze %dma_wait3A_301 : memref<1x128x32xf32, #tpu.memory_space<vmem>> -> memref<128x32xf32, #tpu.memory_space<vmem>>
          tpu.wait_dma2 semaphore(%arg14 : memref<!tpu.dma_semaphore, #tpu.memory_space<semaphore_mem>>) src(%dma_wait3A_302 : memref<128x32xf32, #tpu.memory_space<vmem>>) dst(%dma_wait3A_298 : memref<128x32xf32, #tpu.memory_space<hbm>>)
        } else {
        }
        %add3A_273 = arith.constant 4 : i32
        %add3A_274 = arith.addi %add3A_100, %add3A_273 : i32
        %sub3A_275 = arith.constant 1 : i32
        %sub3A_276 = arith.subi %add3A_274, %sub3A_275 : i32
        %mul3A_277 = arith.constant 128 : i32
        %mul3A_278 = arith.muli %sub3A_276, %mul3A_277 : i32
        %dma_start3A_279 = arith.constant 3 : i32
        %dma_start3A_280 = arith.constant 0 : i32
        %dma_start3A_281 = arith.constant 0 : i32
        %dma_start3A_282 = tpu.memref_slice %arg6[%dma_start3A_279, %dma_start3A_280, %dma_start3A_281] : memref<4x128x32xf32, #tpu.memory_space<vmem>> -> memref<1x128x32xf32, #tpu.memory_space<vmem>>
        %dma_start3A_283 = tpu.memref_squeeze %dma_start3A_282 : memref<1x128x32xf32, #tpu.memory_space<vmem>> -> memref<128x32xf32, #tpu.memory_space<vmem>>
        %dma_start3A_284 = tpu.memref_slice %arg5[%mul3A_278] : memref<13312xi32, #tpu.memory_space<vmem>> -> memref<128xi32, #tpu.memory_space<vmem>>
        %dma_start3A_285 = arith.constant 0 : i32
        %dma_start3A_286 = arith.constant 0 : i32
        %dma_start3A_287 = tpu.memref_slice %arg2[%dma_start3A_285, %dma_start3A_286] : memref<1000000x32xf32, #tpu.memory_space<hbm>> -> memref<1000000x32xf32, #tpu.memory_space<hbm>>
        tpu.enqueue_indirect_dma source(%dma_start3A_287 : memref<1000000x32xf32, #tpu.memory_space<hbm>>) target(%dma_start3A_283 : memref<128x32xf32, #tpu.memory_space<vmem>>) offsets(%dma_start3A_284 : memref<128xi32, #tpu.memory_space<vmem>>) semaphore(%arg10 : memref<!tpu.dma_semaphore, #tpu.memory_space<semaphore_mem>>)
      } else {
      }
      %mul3A_137 = arith.constant 4 : i32
      %mul3A_138 = arith.muli %scan3A_96, %mul3A_137 : i32
      %add3A_139 = arith.constant 1 : i32
      %add3A_140 = arith.addi %mul3A_138, %add3A_139 : i32
      %dma_wait3A_141 = arith.constant 1 : i32
      %dma_wait3A_142 = arith.constant 0 : i32
      %dma_wait3A_143 = arith.constant 0 : i32
      %dma_wait3A_144 = tpu.memref_slice %arg6[%dma_wait3A_141, %dma_wait3A_142, %dma_wait3A_143] : memref<4x128x32xf32, #tpu.memory_space<vmem>> -> memref<1x128x32xf32, #tpu.memory_space<vmem>>
      %dma_wait3A_145 = tpu.memref_squeeze %dma_wait3A_144 : memref<1x128x32xf32, #tpu.memory_space<vmem>> -> memref<128x32xf32, #tpu.memory_space<vmem>>
      %dma_wait3A_146 = arith.constant 0 : i32
      %dma_wait3A_147 = arith.constant 0 : i32
      %dma_wait3A_148 = tpu.memref_slice %arg2[%dma_wait3A_146, %dma_wait3A_147] : memref<1000000x32xf32, #tpu.memory_space<hbm>> -> memref<128x32xf32, #tpu.memory_space<hbm>>
      %dma_wait3A_149 = arith.constant 0 : i32
      %dma_wait3A_150 = arith.constant 0 : i32
      %dma_wait3A_151 = tpu.memref_slice %arg6[%dma_wait3A_141, %dma_wait3A_149, %dma_wait3A_150] : memref<4x128x32xf32, #tpu.memory_space<vmem>> -> memref<1x128x32xf32, #tpu.memory_space<vmem>>
      %dma_wait3A_152 = tpu.memref_squeeze %dma_wait3A_151 : memref<1x128x32xf32, #tpu.memory_space<vmem>> -> memref<128x32xf32, #tpu.memory_space<vmem>>
      %dma_wait3A_153 = arith.constant 0 : i32
      %dma_wait3A_154 = arith.constant 0 : i32
      %dma_wait3A_155 = tpu.memref_slice %arg2[%dma_wait3A_153, %dma_wait3A_154] : memref<1000000x32xf32, #tpu.memory_space<hbm>> -> memref<128x32xf32, #tpu.memory_space<hbm>>
      tpu.wait_dma2 semaphore(%arg8 : memref<!tpu.dma_semaphore, #tpu.memory_space<semaphore_mem>>) src(%dma_wait3A_155 : memref<128x32xf32, #tpu.memory_space<hbm>>) dst(%dma_wait3A_152 : memref<128x32xf32, #tpu.memory_space<vmem>>)
      %mul3A_156 = arith.constant 128 : i32
      %mul3A_157 = arith.muli %add3A_140, %mul3A_156 : i32
      %add3A_158 = arith.addi %mul3A_2, %mul3A_157 : i32
      %dma_start3A_159 = arith.constant 1 : i32
      %dma_start3A_160 = arith.constant 0 : i32
      %dma_start3A_161 = arith.constant 0 : i32
      %dma_start3A_162 = tpu.memref_slice %arg6[%dma_start3A_159, %dma_start3A_160, %dma_start3A_161] : memref<4x128x32xf32, #tpu.memory_space<vmem>> -> memref<1x128x32xf32, #tpu.memory_space<vmem>>
      %dma_start3A_163 = tpu.memref_squeeze %dma_start3A_162 : memref<1x128x32xf32, #tpu.memory_space<vmem>> -> memref<128x32xf32, #tpu.memory_space<vmem>>
      %dma_start3A_164 = arith.constant 0 : i32
      %dma_start3A_165 = tpu.memref_slice %arg4[%add3A_158, %dma_start3A_164] : memref<425984x32xf32, #tpu.memory_space<hbm>> -> memref<128x32xf32, #tpu.memory_space<hbm>>
      %dma_start3A_166 = arith.constant 0 : i32
      %dma_start3A_167 = tpu.memref_slice %arg4[%add3A_158, %dma_start3A_166] : memref<425984x32xf32, #tpu.memory_space<hbm>> -> memref<128x32xf32, #tpu.memory_space<hbm>>
      %dma_start3A_168 = arith.constant 0 : i32
      %dma_start3A_169 = arith.constant 0 : i32
      %dma_start3A_170 = tpu.memref_slice %arg6[%dma_start3A_159, %dma_start3A_168, %dma_start3A_169] : memref<4x128x32xf32, #tpu.memory_space<vmem>> -> memref<1x128x32xf32, #tpu.memory_space<vmem>>
      %dma_start3A_171 = tpu.memref_squeeze %dma_start3A_170 : memref<1x128x32xf32, #tpu.memory_space<vmem>> -> memref<128x32xf32, #tpu.memory_space<vmem>>
      tpu.enqueue_dma source(%dma_start3A_171 : memref<128x32xf32, #tpu.memory_space<vmem>>) target(%dma_start3A_167 : memref<128x32xf32, #tpu.memory_space<hbm>>) target_semaphore(%arg12 : memref<!tpu.dma_semaphore, #tpu.memory_space<semaphore_mem>>)
      %add3A_172 = arith.constant 4 : i32
      %add3A_173 = arith.addi %add3A_140, %add3A_172 : i32
      %sub3A_174 = arith.constant 1 : i32
      %sub3A_175 = arith.subi %add3A_173, %sub3A_174 : i32
      %lt3A_176 = arith.constant 104 : i32
      %lt3A_177 = arith.cmpi slt, %sub3A_175, %lt3A_176 : i32
      %convert_element_type3A_178 = arith.extui %lt3A_177 : i1 to i32
      %cond3A_179 = arith.constant 0 : i32
      %cond3A_180 = arith.cmpi ne, %convert_element_type3A_178, %cond3A_179 : i32
      scf.if %cond3A_180 {
        %ge3A = arith.constant 1 : i32
        %ge3A_269 = arith.cmpi sge, %add3A_140, %ge3A : i32
        %convert_element_type3A_270 = arith.extui %ge3A_269 : i1 to i32
        %cond3A_271 = arith.constant 0 : i32
        %cond3A_272 = arith.cmpi ne, %convert_element_type3A_270, %cond3A_271 : i32
        scf.if %cond3A_272 {
          %dma_wait3A_288 = arith.constant 0 : i32
          %dma_wait3A_289 = arith.constant 0 : i32
          %dma_wait3A_290 = arith.constant 0 : i32
          %dma_wait3A_291 = tpu.memref_slice %arg6[%dma_wait3A_288, %dma_wait3A_289, %dma_wait3A_290] : memref<4x128x32xf32, #tpu.memory_space<vmem>> -> memref<1x128x32xf32, #tpu.memory_space<vmem>>
          %dma_wait3A_292 = tpu.memref_squeeze %dma_wait3A_291 : memref<1x128x32xf32, #tpu.memory_space<vmem>> -> memref<128x32xf32, #tpu.memory_space<vmem>>
          %dma_wait3A_293 = arith.constant 0 : i32
          %dma_wait3A_294 = arith.constant 0 : i32
          %dma_wait3A_295 = tpu.memref_slice %arg4[%dma_wait3A_293, %dma_wait3A_294] : memref<425984x32xf32, #tpu.memory_space<hbm>> -> memref<128x32xf32, #tpu.memory_space<hbm>>
          %dma_wait3A_296 = arith.constant 0 : i32
          %dma_wait3A_297 = arith.constant 0 : i32
          %dma_wait3A_298 = tpu.memref_slice %arg4[%dma_wait3A_296, %dma_wait3A_297] : memref<425984x32xf32, #tpu.memory_space<hbm>> -> memref<128x32xf32, #tpu.memory_space<hbm>>
          %dma_wait3A_299 = arith.constant 0 : i32
          %dma_wait3A_300 = arith.constant 0 : i32
          %dma_wait3A_301 = tpu.memref_slice %arg6[%dma_wait3A_288, %dma_wait3A_299, %dma_wait3A_300] : memref<4x128x32xf32, #tpu.memory_space<vmem>> -> memref<1x128x32xf32, #tpu.memory_space<vmem>>
          %dma_wait3A_302 = tpu.memref_squeeze %dma_wait3A_301 : memref<1x128x32xf32, #tpu.memory_space<vmem>> -> memref<128x32xf32, #tpu.memory_space<vmem>>
          tpu.wait_dma2 semaphore(%arg11 : memref<!tpu.dma_semaphore, #tpu.memory_space<semaphore_mem>>) src(%dma_wait3A_302 : memref<128x32xf32, #tpu.memory_space<vmem>>) dst(%dma_wait3A_298 : memref<128x32xf32, #tpu.memory_space<hbm>>)
        } else {
        }
        %add3A_273 = arith.constant 4 : i32
        %add3A_274 = arith.addi %add3A_140, %add3A_273 : i32
        %sub3A_275 = arith.constant 1 : i32
        %sub3A_276 = arith.subi %add3A_274, %sub3A_275 : i32
        %mul3A_277 = arith.constant 128 : i32
        %mul3A_278 = arith.muli %sub3A_276, %mul3A_277 : i32
        %dma_start3A_279 = arith.constant 0 : i32
        %dma_start3A_280 = arith.constant 0 : i32
        %dma_start3A_281 = arith.constant 0 : i32
        %dma_start3A_282 = tpu.memref_slice %arg6[%dma_start3A_279, %dma_start3A_280, %dma_start3A_281] : memref<4x128x32xf32, #tpu.memory_space<vmem>> -> memref<1x128x32xf32, #tpu.memory_space<vmem>>
        %dma_start3A_283 = tpu.memref_squeeze %dma_start3A_282 : memref<1x128x32xf32, #tpu.memory_space<vmem>> -> memref<128x32xf32, #tpu.memory_space<vmem>>
        %dma_start3A_284 = tpu.memref_slice %arg5[%mul3A_278] : memref<13312xi32, #tpu.memory_space<vmem>> -> memref<128xi32, #tpu.memory_space<vmem>>
        %dma_start3A_285 = arith.constant 0 : i32
        %dma_start3A_286 = arith.constant 0 : i32
        %dma_start3A_287 = tpu.memref_slice %arg2[%dma_start3A_285, %dma_start3A_286] : memref<1000000x32xf32, #tpu.memory_space<hbm>> -> memref<1000000x32xf32, #tpu.memory_space<hbm>>
        tpu.enqueue_indirect_dma source(%dma_start3A_287 : memref<1000000x32xf32, #tpu.memory_space<hbm>>) target(%dma_start3A_283 : memref<128x32xf32, #tpu.memory_space<vmem>>) offsets(%dma_start3A_284 : memref<128xi32, #tpu.memory_space<vmem>>) semaphore(%arg7 : memref<!tpu.dma_semaphore, #tpu.memory_space<semaphore_mem>>)
      } else {
      }
      %mul3A_181 = arith.constant 4 : i32
      %mul3A_182 = arith.muli %scan3A_96, %mul3A_181 : i32
      %add3A_183 = arith.constant 2 : i32
      %add3A_184 = arith.addi %mul3A_182, %add3A_183 : i32
      %dma_wait3A_185 = arith.constant 2 : i32
      %dma_wait3A_186 = arith.constant 0 : i32
      %dma_wait3A_187 = arith.constant 0 : i32
      %dma_wait3A_188 = tpu.memref_slice %arg6[%dma_wait3A_185, %dma_wait3A_186, %dma_wait3A_187] : memref<4x128x32xf32, #tpu.memory_space<vmem>> -> memref<1x128x32xf32, #tpu.memory_space<vmem>>
      %dma_wait3A_189 = tpu.memref_squeeze %dma_wait3A_188 : memref<1x128x32xf32, #tpu.memory_space<vmem>> -> memref<128x32xf32, #tpu.memory_space<vmem>>
      %dma_wait3A_190 = arith.constant 0 : i32
      %dma_wait3A_191 = arith.constant 0 : i32
      %dma_wait3A_192 = tpu.memref_slice %arg2[%dma_wait3A_190, %dma_wait3A_191] : memref<1000000x32xf32, #tpu.memory_space<hbm>> -> memref<128x32xf32, #tpu.memory_space<hbm>>
      %dma_wait3A_193 = arith.constant 0 : i32
      %dma_wait3A_194 = arith.constant 0 : i32
      %dma_wait3A_195 = tpu.memref_slice %arg6[%dma_wait3A_185, %dma_wait3A_193, %dma_wait3A_194] : memref<4x128x32xf32, #tpu.memory_space<vmem>> -> memref<1x128x32xf32, #tpu.memory_space<vmem>>
      %dma_wait3A_196 = tpu.memref_squeeze %dma_wait3A_195 : memref<1x128x32xf32, #tpu.memory_space<vmem>> -> memref<128x32xf32, #tpu.memory_space<vmem>>
      %dma_wait3A_197 = arith.constant 0 : i32
      %dma_wait3A_198 = arith.constant 0 : i32
      %dma_wait3A_199 = tpu.memref_slice %arg2[%dma_wait3A_197, %dma_wait3A_198] : memref<1000000x32xf32, #tpu.memory_space<hbm>> -> memref<128x32xf32, #tpu.memory_space<hbm>>
      tpu.wait_dma2 semaphore(%arg9 : memref<!tpu.dma_semaphore, #tpu.memory_space<semaphore_mem>>) src(%dma_wait3A_199 : memref<128x32xf32, #tpu.memory_space<hbm>>) dst(%dma_wait3A_196 : memref<128x32xf32, #tpu.memory_space<vmem>>)
      %mul3A_200 = arith.constant 128 : i32
      %mul3A_201 = arith.muli %add3A_184, %mul3A_200 : i32
      %add3A_202 = arith.addi %mul3A_2, %mul3A_201 : i32
      %dma_start3A_203 = arith.constant 2 : i32
      %dma_start3A_204 = arith.constant 0 : i32
      %dma_start3A_205 = arith.constant 0 : i32
      %dma_start3A_206 = tpu.memref_slice %arg6[%dma_start3A_203, %dma_start3A_204, %dma_start3A_205] : memref<4x128x32xf32, #tpu.memory_space<vmem>> -> memref<1x128x32xf32, #tpu.memory_space<vmem>>
      %dma_start3A_207 = tpu.memref_squeeze %dma_start3A_206 : memref<1x128x32xf32, #tpu.memory_space<vmem>> -> memref<128x32xf32, #tpu.memory_space<vmem>>
      %dma_start3A_208 = arith.constant 0 : i32
      %dma_start3A_209 = tpu.memref_slice %arg4[%add3A_202, %dma_start3A_208] : memref<425984x32xf32, #tpu.memory_space<hbm>> -> memref<128x32xf32, #tpu.memory_space<hbm>>
      %dma_start3A_210 = arith.constant 0 : i32
      %dma_start3A_211 = tpu.memref_slice %arg4[%add3A_202, %dma_start3A_210] : memref<425984x32xf32, #tpu.memory_space<hbm>> -> memref<128x32xf32, #tpu.memory_space<hbm>>
      %dma_start3A_212 = arith.constant 0 : i32
      %dma_start3A_213 = arith.constant 0 : i32
      %dma_start3A_214 = tpu.memref_slice %arg6[%dma_start3A_203, %dma_start3A_212, %dma_start3A_213] : memref<4x128x32xf32, #tpu.memory_space<vmem>> -> memref<1x128x32xf32, #tpu.memory_space<vmem>>
      %dma_start3A_215 = tpu.memref_squeeze %dma_start3A_214 : memref<1x128x32xf32, #tpu.memory_space<vmem>> -> memref<128x32xf32, #tpu.memory_space<vmem>>
      tpu.enqueue_dma source(%dma_start3A_215 : memref<128x32xf32, #tpu.memory_space<vmem>>) target(%dma_start3A_211 : memref<128x32xf32, #tpu.memory_space<hbm>>) target_semaphore(%arg13 : memref<!tpu.dma_semaphore, #tpu.memory_space<semaphore_mem>>)
      %add3A_216 = arith.constant 4 : i32
      %add3A_217 = arith.addi %add3A_184, %add3A_216 : i32
      %sub3A_218 = arith.constant 1 : i32
      %sub3A_219 = arith.subi %add3A_217, %sub3A_218 : i32
      %lt3A_220 = arith.constant 104 : i32
      %lt3A_221 = arith.cmpi slt, %sub3A_219, %lt3A_220 : i32
      %convert_element_type3A_222 = arith.extui %lt3A_221 : i1 to i32
      %cond3A_223 = arith.constant 0 : i32
      %cond3A_224 = arith.cmpi ne, %convert_element_type3A_222, %cond3A_223 : i32
      scf.if %cond3A_224 {
        %ge3A = arith.constant 1 : i32
        %ge3A_269 = arith.cmpi sge, %add3A_184, %ge3A : i32
        %convert_element_type3A_270 = arith.extui %ge3A_269 : i1 to i32
        %cond3A_271 = arith.constant 0 : i32
        %cond3A_272 = arith.cmpi ne, %convert_element_type3A_270, %cond3A_271 : i32
        scf.if %cond3A_272 {
          %dma_wait3A_288 = arith.constant 1 : i32
          %dma_wait3A_289 = arith.constant 0 : i32
          %dma_wait3A_290 = arith.constant 0 : i32
          %dma_wait3A_291 = tpu.memref_slice %arg6[%dma_wait3A_288, %dma_wait3A_289, %dma_wait3A_290] : memref<4x128x32xf32, #tpu.memory_space<vmem>> -> memref<1x128x32xf32, #tpu.memory_space<vmem>>
          %dma_wait3A_292 = tpu.memref_squeeze %dma_wait3A_291 : memref<1x128x32xf32, #tpu.memory_space<vmem>> -> memref<128x32xf32, #tpu.memory_space<vmem>>
          %dma_wait3A_293 = arith.constant 0 : i32
          %dma_wait3A_294 = arith.constant 0 : i32
          %dma_wait3A_295 = tpu.memref_slice %arg4[%dma_wait3A_293, %dma_wait3A_294] : memref<425984x32xf32, #tpu.memory_space<hbm>> -> memref<128x32xf32, #tpu.memory_space<hbm>>
          %dma_wait3A_296 = arith.constant 0 : i32
          %dma_wait3A_297 = arith.constant 0 : i32
          %dma_wait3A_298 = tpu.memref_slice %arg4[%dma_wait3A_296, %dma_wait3A_297] : memref<425984x32xf32, #tpu.memory_space<hbm>> -> memref<128x32xf32, #tpu.memory_space<hbm>>
          %dma_wait3A_299 = arith.constant 0 : i32
          %dma_wait3A_300 = arith.constant 0 : i32
          %dma_wait3A_301 = tpu.memref_slice %arg6[%dma_wait3A_288, %dma_wait3A_299, %dma_wait3A_300] : memref<4x128x32xf32, #tpu.memory_space<vmem>> -> memref<1x128x32xf32, #tpu.memory_space<vmem>>
          %dma_wait3A_302 = tpu.memref_squeeze %dma_wait3A_301 : memref<1x128x32xf32, #tpu.memory_space<vmem>> -> memref<128x32xf32, #tpu.memory_space<vmem>>
          tpu.wait_dma2 semaphore(%arg12 : memref<!tpu.dma_semaphore, #tpu.memory_space<semaphore_mem>>) src(%dma_wait3A_302 : memref<128x32xf32, #tpu.memory_space<vmem>>) dst(%dma_wait3A_298 : memref<128x32xf32, #tpu.memory_space<hbm>>)
        } else {
        }
        %add3A_273 = arith.constant 4 : i32
        %add3A_274 = arith.addi %add3A_184, %add3A_273 : i32
        %sub3A_275 = arith.constant 1 : i32
        %sub3A_276 = arith.subi %add3A_274, %sub3A_275 : i32
        %mul3A_277 = arith.constant 128 : i32
        %mul3A_278 = arith.muli %sub3A_276, %mul3A_277 : i32
        %dma_start3A_279 = arith.constant 1 : i32
        %dma_start3A_280 = arith.constant 0 : i32
        %dma_start3A_281 = arith.constant 0 : i32
        %dma_start3A_282 = tpu.memref_slice %arg6[%dma_start3A_279, %dma_start3A_280, %dma_start3A_281] : memref<4x128x32xf32, #tpu.memory_space<vmem>> -> memref<1x128x32xf32, #tpu.memory_space<vmem>>
        %dma_start3A_283 = tpu.memref_squeeze %dma_start3A_282 : memref<1x128x32xf32, #tpu.memory_space<vmem>> -> memref<128x32xf32, #tpu.memory_space<vmem>>
        %dma_start3A_284 = tpu.memref_slice %arg5[%mul3A_278] : memref<13312xi32, #tpu.memory_space<vmem>> -> memref<128xi32, #tpu.memory_space<vmem>>
        %dma_start3A_285 = arith.constant 0 : i32
        %dma_start3A_286 = arith.constant 0 : i32
        %dma_start3A_287 = tpu.memref_slice %arg2[%dma_start3A_285, %dma_start3A_286] : memref<1000000x32xf32, #tpu.memory_space<hbm>> -> memref<1000000x32xf32, #tpu.memory_space<hbm>>
        tpu.enqueue_indirect_dma source(%dma_start3A_287 : memref<1000000x32xf32, #tpu.memory_space<hbm>>) target(%dma_start3A_283 : memref<128x32xf32, #tpu.memory_space<vmem>>) offsets(%dma_start3A_284 : memref<128xi32, #tpu.memory_space<vmem>>) semaphore(%arg8 : memref<!tpu.dma_semaphore, #tpu.memory_space<semaphore_mem>>)
      } else {
      }
      %mul3A_225 = arith.constant 4 : i32
      %mul3A_226 = arith.muli %scan3A_96, %mul3A_225 : i32
      %add3A_227 = arith.constant 3 : i32
      %add3A_228 = arith.addi %mul3A_226, %add3A_227 : i32
      %dma_wait3A_229 = arith.constant 3 : i32
      %dma_wait3A_230 = arith.constant 0 : i32
      %dma_wait3A_231 = arith.constant 0 : i32
      %dma_wait3A_232 = tpu.memref_slice %arg6[%dma_wait3A_229, %dma_wait3A_230, %dma_wait3A_231] : memref<4x128x32xf32, #tpu.memory_space<vmem>> -> memref<1x128x32xf32, #tpu.memory_space<vmem>>
      %dma_wait3A_233 = tpu.memref_squeeze %dma_wait3A_232 : memref<1x128x32xf32, #tpu.memory_space<vmem>> -> memref<128x32xf32, #tpu.memory_space<vmem>>
      %dma_wait3A_234 = arith.constant 0 : i32
      %dma_wait3A_235 = arith.constant 0 : i32
      %dma_wait3A_236 = tpu.memref_slice %arg2[%dma_wait3A_234, %dma_wait3A_235] : memref<1000000x32xf32, #tpu.memory_space<hbm>> -> memref<128x32xf32, #tpu.memory_space<hbm>>
      %dma_wait3A_237 = arith.constant 0 : i32
      %dma_wait3A_238 = arith.constant 0 : i32
      %dma_wait3A_239 = tpu.memref_slice %arg6[%dma_wait3A_229, %dma_wait3A_237, %dma_wait3A_238] : memref<4x128x32xf32, #tpu.memory_space<vmem>> -> memref<1x128x32xf32, #tpu.memory_space<vmem>>
      %dma_wait3A_240 = tpu.memref_squeeze %dma_wait3A_239 : memref<1x128x32xf32, #tpu.memory_space<vmem>> -> memref<128x32xf32, #tpu.memory_space<vmem>>
      %dma_wait3A_241 = arith.constant 0 : i32
      %dma_wait3A_242 = arith.constant 0 : i32
      %dma_wait3A_243 = tpu.memref_slice %arg2[%dma_wait3A_241, %dma_wait3A_242] : memref<1000000x32xf32, #tpu.memory_space<hbm>> -> memref<128x32xf32, #tpu.memory_space<hbm>>
      tpu.wait_dma2 semaphore(%arg10 : memref<!tpu.dma_semaphore, #tpu.memory_space<semaphore_mem>>) src(%dma_wait3A_243 : memref<128x32xf32, #tpu.memory_space<hbm>>) dst(%dma_wait3A_240 : memref<128x32xf32, #tpu.memory_space<vmem>>)
      %mul3A_244 = arith.constant 128 : i32
      %mul3A_245 = arith.muli %add3A_228, %mul3A_244 : i32
      %add3A_246 = arith.addi %mul3A_2, %mul3A_245 : i32
      %dma_start3A_247 = arith.constant 3 : i32
      %dma_start3A_248 = arith.constant 0 : i32
      %dma_start3A_249 = arith.constant 0 : i32
      %dma_start3A_250 = tpu.memref_slice %arg6[%dma_start3A_247, %dma_start3A_248, %dma_start3A_249] : memref<4x128x32xf32, #tpu.memory_space<vmem>> -> memref<1x128x32xf32, #tpu.memory_space<vmem>>
      %dma_start3A_251 = tpu.memref_squeeze %dma_start3A_250 : memref<1x128x32xf32, #tpu.memory_space<vmem>> -> memref<128x32xf32, #tpu.memory_space<vmem>>
      %dma_start3A_252 = arith.constant 0 : i32
      %dma_start3A_253 = tpu.memref_slice %arg4[%add3A_246, %dma_start3A_252] : memref<425984x32xf32, #tpu.memory_space<hbm>> -> memref<128x32xf32, #tpu.memory_space<hbm>>
      %dma_start3A_254 = arith.constant 0 : i32
      %dma_start3A_255 = tpu.memref_slice %arg4[%add3A_246, %dma_start3A_254] : memref<425984x32xf32, #tpu.memory_space<hbm>> -> memref<128x32xf32, #tpu.memory_space<hbm>>
      %dma_start3A_256 = arith.constant 0 : i32
      %dma_start3A_257 = arith.constant 0 : i32
      %dma_start3A_258 = tpu.memref_slice %arg6[%dma_start3A_247, %dma_start3A_256, %dma_start3A_257] : memref<4x128x32xf32, #tpu.memory_space<vmem>> -> memref<1x128x32xf32, #tpu.memory_space<vmem>>
      %dma_start3A_259 = tpu.memref_squeeze %dma_start3A_258 : memref<1x128x32xf32, #tpu.memory_space<vmem>> -> memref<128x32xf32, #tpu.memory_space<vmem>>
      tpu.enqueue_dma source(%dma_start3A_259 : memref<128x32xf32, #tpu.memory_space<vmem>>) target(%dma_start3A_255 : memref<128x32xf32, #tpu.memory_space<hbm>>) target_semaphore(%arg14 : memref<!tpu.dma_semaphore, #tpu.memory_space<semaphore_mem>>)
      %add3A_260 = arith.constant 4 : i32
      %add3A_261 = arith.addi %add3A_228, %add3A_260 : i32
      %sub3A_262 = arith.constant 1 : i32
      %sub3A_263 = arith.subi %add3A_261, %sub3A_262 : i32
      %lt3A_264 = arith.constant 104 : i32
      %lt3A_265 = arith.cmpi slt, %sub3A_263, %lt3A_264 : i32
      %convert_element_type3A_266 = arith.extui %lt3A_265 : i1 to i32
      %cond3A_267 = arith.constant 0 : i32
      %cond3A_268 = arith.cmpi ne, %convert_element_type3A_266, %cond3A_267 : i32
      scf.if %cond3A_268 {
        %ge3A = arith.constant 1 : i32
        %ge3A_269 = arith.cmpi sge, %add3A_228, %ge3A : i32
        %convert_element_type3A_270 = arith.extui %ge3A_269 : i1 to i32
        %cond3A_271 = arith.constant 0 : i32
        %cond3A_272 = arith.cmpi ne, %convert_element_type3A_270, %cond3A_271 : i32
        scf.if %cond3A_272 {
          %dma_wait3A_288 = arith.constant 2 : i32
          %dma_wait3A_289 = arith.constant 0 : i32
          %dma_wait3A_290 = arith.constant 0 : i32
          %dma_wait3A_291 = tpu.memref_slice %arg6[%dma_wait3A_288, %dma_wait3A_289, %dma_wait3A_290] : memref<4x128x32xf32, #tpu.memory_space<vmem>> -> memref<1x128x32xf32, #tpu.memory_space<vmem>>
          %dma_wait3A_292 = tpu.memref_squeeze %dma_wait3A_291 : memref<1x128x32xf32, #tpu.memory_space<vmem>> -> memref<128x32xf32, #tpu.memory_space<vmem>>
          %dma_wait3A_293 = arith.constant 0 : i32
          %dma_wait3A_294 = arith.constant 0 : i32
          %dma_wait3A_295 = tpu.memref_slice %arg4[%dma_wait3A_293, %dma_wait3A_294] : memref<425984x32xf32, #tpu.memory_space<hbm>> -> memref<128x32xf32, #tpu.memory_space<hbm>>
          %dma_wait3A_296 = arith.constant 0 : i32
          %dma_wait3A_297 = arith.constant 0 : i32
          %dma_wait3A_298 = tpu.memref_slice %arg4[%dma_wait3A_296, %dma_wait3A_297] : memref<425984x32xf32, #tpu.memory_space<hbm>> -> memref<128x32xf32, #tpu.memory_space<hbm>>
          %dma_wait3A_299 = arith.constant 0 : i32
          %dma_wait3A_300 = arith.constant 0 : i32
          %dma_wait3A_301 = tpu.memref_slice %arg6[%dma_wait3A_288, %dma_wait3A_299, %dma_wait3A_300] : memref<4x128x32xf32, #tpu.memory_space<vmem>> -> memref<1x128x32xf32, #tpu.memory_space<vmem>>
          %dma_wait3A_302 = tpu.memref_squeeze %dma_wait3A_301 : memref<1x128x32xf32, #tpu.memory_space<vmem>> -> memref<128x32xf32, #tpu.memory_space<vmem>>
          tpu.wait_dma2 semaphore(%arg13 : memref<!tpu.dma_semaphore, #tpu.memory_space<semaphore_mem>>) src(%dma_wait3A_302 : memref<128x32xf32, #tpu.memory_space<vmem>>) dst(%dma_wait3A_298 : memref<128x32xf32, #tpu.memory_space<hbm>>)
        } else {
        }
        %add3A_273 = arith.constant 4 : i32
        %add3A_274 = arith.addi %add3A_228, %add3A_273 : i32
        %sub3A_275 = arith.constant 1 : i32
        %sub3A_276 = arith.subi %add3A_274, %sub3A_275 : i32
        %mul3A_277 = arith.constant 128 : i32
        %mul3A_278 = arith.muli %sub3A_276, %mul3A_277 : i32
        %dma_start3A_279 = arith.constant 2 : i32
        %dma_start3A_280 = arith.constant 0 : i32
        %dma_start3A_281 = arith.constant 0 : i32
        %dma_start3A_282 = tpu.memref_slice %arg6[%dma_start3A_279, %dma_start3A_280, %dma_start3A_281] : memref<4x128x32xf32, #tpu.memory_space<vmem>> -> memref<1x128x32xf32, #tpu.memory_space<vmem>>
        %dma_start3A_283 = tpu.memref_squeeze %dma_start3A_282 : memref<1x128x32xf32, #tpu.memory_space<vmem>> -> memref<128x32xf32, #tpu.memory_space<vmem>>
        %dma_start3A_284 = tpu.memref_slice %arg5[%mul3A_278] : memref<13312xi32, #tpu.memory_space<vmem>> -> memref<128xi32, #tpu.memory_space<vmem>>
        %dma_start3A_285 = arith.constant 0 : i32
        %dma_start3A_286 = arith.constant 0 : i32
        %dma_start3A_287 = tpu.memref_slice %arg2[%dma_start3A_285, %dma_start3A_286] : memref<1000000x32xf32, #tpu.memory_space<hbm>> -> memref<1000000x32xf32, #tpu.memory_space<hbm>>
        tpu.enqueue_indirect_dma source(%dma_start3A_287 : memref<1000000x32xf32, #tpu.memory_space<hbm>>) target(%dma_start3A_283 : memref<128x32xf32, #tpu.memory_space<vmem>>) offsets(%dma_start3A_284 : memref<128xi32, #tpu.memory_space<vmem>>) semaphore(%arg9 : memref<!tpu.dma_semaphore, #tpu.memory_space<semaphore_mem>>)
      } else {
      }
    }
    %scan3A_36 = arith.constant 26 : i32
    %dma_wait3A = arith.constant 0 : i32
    %dma_wait3A_37 = arith.constant 0 : i32
    %dma_wait3A_38 = arith.constant 0 : i32
    %dma_wait3A_39 = tpu.memref_slice %arg6[%dma_wait3A, %dma_wait3A_37, %dma_wait3A_38] : memref<4x128x32xf32, #tpu.memory_space<vmem>> -> memref<1x128x32xf32, #tpu.memory_space<vmem>>
    %dma_wait3A_40 = tpu.memref_squeeze %dma_wait3A_39 : memref<1x128x32xf32, #tpu.memory_space<vmem>> -> memref<128x32xf32, #tpu.memory_space<vmem>>
    %dma_wait3A_41 = arith.constant 0 : i32
    %dma_wait3A_42 = arith.constant 0 : i32
    %dma_wait3A_43 = tpu.memref_slice %arg4[%dma_wait3A_41, %dma_wait3A_42] : memref<425984x32xf32, #tpu.memory_space<hbm>> -> memref<128x32xf32, #tpu.memory_space<hbm>>
    %dma_wait3A_44 = arith.constant 0 : i32
    %dma_wait3A_45 = arith.constant 0 : i32
    %dma_wait3A_46 = tpu.memref_slice %arg4[%dma_wait3A_44, %dma_wait3A_45] : memref<425984x32xf32, #tpu.memory_space<hbm>> -> memref<128x32xf32, #tpu.memory_space<hbm>>
    %dma_wait3A_47 = arith.constant 0 : i32
    %dma_wait3A_48 = arith.constant 0 : i32
    %dma_wait3A_49 = tpu.memref_slice %arg6[%dma_wait3A, %dma_wait3A_47, %dma_wait3A_48] : memref<4x128x32xf32, #tpu.memory_space<vmem>> -> memref<1x128x32xf32, #tpu.memory_space<vmem>>
    %dma_wait3A_50 = tpu.memref_squeeze %dma_wait3A_49 : memref<1x128x32xf32, #tpu.memory_space<vmem>> -> memref<128x32xf32, #tpu.memory_space<vmem>>
    tpu.wait_dma2 semaphore(%arg11 : memref<!tpu.dma_semaphore, #tpu.memory_space<semaphore_mem>>) src(%dma_wait3A_50 : memref<128x32xf32, #tpu.memory_space<vmem>>) dst(%dma_wait3A_46 : memref<128x32xf32, #tpu.memory_space<hbm>>)
    %dma_wait3A_51 = arith.constant 1 : i32
    %dma_wait3A_52 = arith.constant 0 : i32
    %dma_wait3A_53 = arith.constant 0 : i32
    %dma_wait3A_54 = tpu.memref_slice %arg6[%dma_wait3A_51, %dma_wait3A_52, %dma_wait3A_53] : memref<4x128x32xf32, #tpu.memory_space<vmem>> -> memref<1x128x32xf32, #tpu.memory_space<vmem>>
    %dma_wait3A_55 = tpu.memref_squeeze %dma_wait3A_54 : memref<1x128x32xf32, #tpu.memory_space<vmem>> -> memref<128x32xf32, #tpu.memory_space<vmem>>
    %dma_wait3A_56 = arith.constant 0 : i32
    %dma_wait3A_57 = arith.constant 0 : i32
    %dma_wait3A_58 = tpu.memref_slice %arg4[%dma_wait3A_56, %dma_wait3A_57] : memref<425984x32xf32, #tpu.memory_space<hbm>> -> memref<128x32xf32, #tpu.memory_space<hbm>>
    %dma_wait3A_59 = arith.constant 0 : i32
    %dma_wait3A_60 = arith.constant 0 : i32
    %dma_wait3A_61 = tpu.memref_slice %arg4[%dma_wait3A_59, %dma_wait3A_60] : memref<425984x32xf32, #tpu.memory_space<hbm>> -> memref<128x32xf32, #tpu.memory_space<hbm>>
    %dma_wait3A_62 = arith.constant 0 : i32
    %dma_wait3A_63 = arith.constant 0 : i32
    %dma_wait3A_64 = tpu.memref_slice %arg6[%dma_wait3A_51, %dma_wait3A_62, %dma_wait3A_63] : memref<4x128x32xf32, #tpu.memory_space<vmem>> -> memref<1x128x32xf32, #tpu.memory_space<vmem>>
    %dma_wait3A_65 = tpu.memref_squeeze %dma_wait3A_64 : memref<1x128x32xf32, #tpu.memory_space<vmem>> -> memref<128x32xf32, #tpu.memory_space<vmem>>
    tpu.wait_dma2 semaphore(%arg12 : memref<!tpu.dma_semaphore, #tpu.memory_space<semaphore_mem>>) src(%dma_wait3A_65 : memref<128x32xf32, #tpu.memory_space<vmem>>) dst(%dma_wait3A_61 : memref<128x32xf32, #tpu.memory_space<hbm>>)
    %dma_wait3A_66 = arith.constant 2 : i32
    %dma_wait3A_67 = arith.constant 0 : i32
    %dma_wait3A_68 = arith.constant 0 : i32
    %dma_wait3A_69 = tpu.memref_slice %arg6[%dma_wait3A_66, %dma_wait3A_67, %dma_wait3A_68] : memref<4x128x32xf32, #tpu.memory_space<vmem>> -> memref<1x128x32xf32, #tpu.memory_space<vmem>>
    %dma_wait3A_70 = tpu.memref_squeeze %dma_wait3A_69 : memref<1x128x32xf32, #tpu.memory_space<vmem>> -> memref<128x32xf32, #tpu.memory_space<vmem>>
    %dma_wait3A_71 = arith.constant 0 : i32
    %dma_wait3A_72 = arith.constant 0 : i32
    %dma_wait3A_73 = tpu.memref_slice %arg4[%dma_wait3A_71, %dma_wait3A_72] : memref<425984x32xf32, #tpu.memory_space<hbm>> -> memref<128x32xf32, #tpu.memory_space<hbm>>
    %dma_wait3A_74 = arith.constant 0 : i32
    %dma_wait3A_75 = arith.constant 0 : i32
    %dma_wait3A_76 = tpu.memref_slice %arg4[%dma_wait3A_74, %dma_wait3A_75] : memref<425984x32xf32, #tpu.memory_space<hbm>> -> memref<128x32xf32, #tpu.memory_space<hbm>>
    %dma_wait3A_77 = arith.constant 0 : i32
    %dma_wait3A_78 = arith.constant 0 : i32
    %dma_wait3A_79 = tpu.memref_slice %arg6[%dma_wait3A_66, %dma_wait3A_77, %dma_wait3A_78] : memref<4x128x32xf32, #tpu.memory_space<vmem>> -> memref<1x128x32xf32, #tpu.memory_space<vmem>>
    %dma_wait3A_80 = tpu.memref_squeeze %dma_wait3A_79 : memref<1x128x32xf32, #tpu.memory_space<vmem>> -> memref<128x32xf32, #tpu.memory_space<vmem>>
    tpu.wait_dma2 semaphore(%arg13 : memref<!tpu.dma_semaphore, #tpu.memory_space<semaphore_mem>>) src(%dma_wait3A_80 : memref<128x32xf32, #tpu.memory_space<vmem>>) dst(%dma_wait3A_76 : memref<128x32xf32, #tpu.memory_space<hbm>>)
    %dma_wait3A_81 = arith.constant 3 : i32
    %dma_wait3A_82 = arith.constant 0 : i32
    %dma_wait3A_83 = arith.constant 0 : i32
    %dma_wait3A_84 = tpu.memref_slice %arg6[%dma_wait3A_81, %dma_wait3A_82, %dma_wait3A_83] : memref<4x128x32xf32, #tpu.memory_space<vmem>> -> memref<1x128x32xf32, #tpu.memory_space<vmem>>
    %dma_wait3A_85 = tpu.memref_squeeze %dma_wait3A_84 : memref<1x128x32xf32, #tpu.memory_space<vmem>> -> memref<128x32xf32, #tpu.memory_space<vmem>>
    %dma_wait3A_86 = arith.constant 0 : i32
    %dma_wait3A_87 = arith.constant 0 : i32
    %dma_wait3A_88 = tpu.memref_slice %arg4[%dma_wait3A_86, %dma_wait3A_87] : memref<425984x32xf32, #tpu.memory_space<hbm>> -> memref<128x32xf32, #tpu.memory_space<hbm>>
    %dma_wait3A_89 = arith.constant 0 : i32
    %dma_wait3A_90 = arith.constant 0 : i32
    %dma_wait3A_91 = tpu.memref_slice %arg4[%dma_wait3A_89, %dma_wait3A_90] : memref<425984x32xf32, #tpu.memory_space<hbm>> -> memref<128x32xf32, #tpu.memory_space<hbm>>
    %dma_wait3A_92 = arith.constant 0 : i32
    %dma_wait3A_93 = arith.constant 0 : i32
    %dma_wait3A_94 = tpu.memref_slice %arg6[%dma_wait3A_81, %dma_wait3A_92, %dma_wait3A_93] : memref<4x128x32xf32, #tpu.memory_space<vmem>> -> memref<1x128x32xf32, #tpu.memory_space<vmem>>
    %dma_wait3A_95 = tpu.memref_squeeze %dma_wait3A_94 : memref<1x128x32xf32, #tpu.memory_space<vmem>> -> memref<128x32xf32, #tpu.memory_space<vmem>>
    tpu.wait_dma2 semaphore(%arg14 : memref<!tpu.dma_semaphore, #tpu.memory_space<semaphore_mem>>) src(%dma_wait3A_95 : memref<128x32xf32, #tpu.memory_space<vmem>>) dst(%dma_wait3A_91 : memref<128x32xf32, #tpu.memory_space<hbm>>)
    return
  }
}

</mosaic_0001>

<sc_bundles>
// kernel: kernel.4.cloned.1.call-start
scs
__scs_entry_jumppad:
0x0: {  	(pc) =	sbr.rel $0x88, $3  }
0x1: {  	(tag) =	ssettag $0x0;
	lr =	simm.s32 $0x1  }
0x2: {  	[smem:$0x3F9F] =	sst lr;
	_ =	strace $0xD0000000  }
0x3: {  	_ = 	snop  }
0x4: {  	_ = 	snop  }
0x5: {  	_ = 	snop  }
0x6: {  	_ = 	snop  }
0x7: {  	_ = 	snop  }
__scs_overlays_trampoline_lowered:
0x8: {  	[smem:$0x3FAE] =	sst s0  }
0x9: {  	[smem:$0x3FAF] =	sst s1  }
0xa: {  	[smem:$0x3FB0] =	sst s2  }
0xb: {  	[smem:$0x3FB1] =	sst s3  }
0xc: {  	[smem:$0x3FB2] =	sst s4  }
0xd: {  	[smem:$0x3FB3] =	sst s5  }
0xe: {  	[smem:$0x3FB4] =	sst s6  }
0xf: {  	[smem:$0x3FB5] =	sst s7  }
0x10: {  	[smem:$0x3FB6] =	sst s8  }
0x11: {  	[smem:$0x3FB7] =	sst s9;
	s0 =	simm.s32 @!p0 $0x0  }
0x12: {  	s1 =	sld [smem:$0x3F9D];
	s0 =	simm.s32 @p0 $0x1  }
0x13: {  	[smem:$0x3FB8] =	sst s0;
	s0 =	simm.s32 @!p1 $0x0  }
0x14: {  	s2 =	sld [smem:$0x3F9C];
	s0 =	simm.s32 @p1 $0x1  }
0x15: {  	[smem:$0x3FB9] =	sst s0;
	s0 =	simm.s32 @!p2 $0x0  }
0x16: {  	s3 =	sld [smem:$0x3FDB];
	s0 =	simm.s32 @p2 $0x1  }
0x17: {  	s4 =	simm.s32 $0x1BF5;
	[smem:$0x3FBB] =	sst s0  }
0x18: {  	s0 =	sld [smem:$0x3F9E];
	_ =	swait.ge [sflag:s4], $0x0  }
0x19: {  	s7 =	sld [smem:$0x3F9F]  }
0x1a: {  	s8 =	sadd.s32 $0xFFFFE003, lr  }
0x1b: {  	s9 =	sadd.s32 $0xFFFFFEF7, lr;
	s5 =	simm.s32 $0xFFFFFFFF;
	p2 =	slt.u32 s8, $0xFFFFF086  }
0x1c: {  	p1 =	slt.u32 s9, $0xF7A;
	s5 =	simm.s32 @!p2 $0x0  }
0x1d: {  	s5 =	simm.s32 @p1 $0x1;
	p0 =	seq.s32 s7, s2  }
0x1e: {  	s7 =	smul.u32 @!p0 $0xF7A, s2;
	p2 =	seq.s32 @!p0 s5, $0x0  }
0x1f: {  	s9 =	smul.u32 $0xF7A, s1;
	s8 =	simm.s32 @!p0 $0x1BF5;
	p2 =	por !p2, p0  }
0x20: {  	[sflag:s8] =	ssyncset.s32 @!p0 $0xFFFFF086;
	s6 =	sadd.s32 @!p0 s3, s7;
	s7 =	simm.s32 @!p0 $0x108  }
0x21: {  	s3 =	sadd.s32 s3, s9;
	s6 =	sadd.s32 @!p0 $0x88, s6;
	s7 =	simm.s32 @p2 $0x1082  }
0x22: {  	[simem:s7], [sflag:s8] =	dma.local @!p0 [hbm:s6], $0xF7A  }
0x23: {  	s9 =	sor.u32 $0xD0000000, s2;
	s6 =	simm.s32 $0x108;
	_ =	swait.ge @!p0 [sflag:s8], $0x0  }
0x24: {  	s3 =	sadd.s32 $0x88, s3;
	s6 =	simm.s32 @!p1 $0x1082;
	[sflag:s4] =	ssyncset.s32 $0xFFFFF086  }
0x25: {  	[simem:s6], [sflag:s4] =	dma.local [hbm:s3], $0xF7A  }
0x26: {  	[smem:$0x3F9F] =	sst s1;
	(tag) =	ssettag s2;
	_ =	strace s9  }
0x27: {  	s1 =	sld [smem:$0x3FAF]  }
0x28: {  	s2 =	sld [smem:$0x3FB0]  }
0x29: {  	s4 =	sld [smem:$0x3FB2]  }
0x2a: {  	p0 =	seq.s32 s5, $0x0;
	s5 =	sld [smem:$0x3FB3]  }
0x2b: {  	s6 =	sld [smem:$0x3FB4]  }
0x2c: {  	s7 =	sld [smem:$0x3FB5]  }
0x2d: {  	s3 =	simm.s32 $0x108;
	s8 =	sld [smem:$0x3FB6]  }
0x2e: {  	s3 =	simm.s32 @!p0 $0x1082;
	s9 =	sld [smem:$0x3FB7]  }
0x2f: {  	lr =	sadd.s32 s0, s3;
	s0 =	sld [smem:$0x3FAE]  }
0x30: {  	s3 =	sld [smem:$0x3FB1]  }
0x31: {  	[smem:$0x3FBA] =	sst s10  }
0x32: {  	s10 =	sld [smem:$0x3FB8];
	_ =	sdelay $0x3  }
0x33: {  	p0 =	seq.s32 s10, $0x1;
	s10 =	sld [smem:$0x3FBA];
	_ =	sdelay $0x3  }
0x34: {  	[smem:$0x3FBA] =	sst s10  }
0x35: {  	s10 =	sld [smem:$0x3FB9];
	_ =	sdelay $0x3  }
0x36: {  	p1 =	seq.s32 s10, $0x1;
	s10 =	sld [smem:$0x3FBA];
	_ =	sdelay $0x3  }
0x37: {  	[smem:$0x3FBA] =	sst s10  }
0x38: {  	s10 =	sld [smem:$0x3FBB]  }
0x39: {  	_ = 	snop;
	(pc) =	sbr.ind lr, $3  }
0x3a: {  	_ = 	snop  }
0x3b: {  	_ = 	snop  }
0x3c: {  	p2 =	seq.s32 s10, $0x1;
	s10 =	sld [smem:$0x3FBA]  }
0x3d: {  	_ =	shalt  }
0x3e: {  	_ =	shalt  }
0x3f: {  	_ =	shalt  }
0x40: {  	_ =	shalt  }
0x41: {  	_ =	shalt  }
0x42: {  	_ =	shalt  }
0x43: {  	_ =	shalt  }
0x44: {  	_ =	shalt  }
0x45: {  	_ =	shalt  }
0x46: {  	_ =	shalt  }
0x47: {  	_ =	shalt  }
0x48: {  	_ =	shalt  }
0x49: {  	_ =	shalt  }
0x4a: {  	_ =	shalt  }
0x4b: {  	_ =	shalt  }
0x4c: {  	_ =	shalt  }
0x4d: {  	_ =	shalt  }
0x4e: {  	_ =	shalt  }
0x4f: {  	_ =	shalt  }
0x50: {  	_ =	shalt  }
0x51: {  	_ =	shalt  }
0x52: {  	_ =	shalt  }
0x53: {  	_ =	shalt  }
0x54: {  	_ =	shalt  }
0x55: {  	_ =	shalt  }
0x56: {  	_ =	shalt  }
0x57: {  	_ =	shalt  }
0x58: {  	_ =	shalt  }
0x59: {  	_ =	shalt  }
0x5a: {  	_ =	shalt  }
0x5b: {  	_ =	shalt  }
0x5c: {  	_ =	shalt  }
0x5d: {  	_ =	shalt  }
0x5e: {  	_ =	shalt  }
0x5f: {  	_ =	shalt  }
0x60: {  	_ =	shalt  }
0x61: {  	_ =	shalt  }
0x62: {  	_ =	shalt  }
0x63: {  	_ =	shalt  }
0x64: {  	_ =	shalt  }
0x65: {  	_ =	shalt  }
0x66: {  	_ =	shalt  }
0x67: {  	_ =	shalt  }
0x68: {  	_ =	shalt  }
0x69: {  	_ =	shalt  }
0x6a: {  	_ =	shalt  }
0x6b: {  	_ =	shalt  }
0x6c: {  	_ =	shalt  }
0x6d: {  	_ =	shalt  }
0x6e: {  	_ =	shalt  }
0x6f: {  	_ =	shalt  }
0x70: {  	_ =	shalt  }
0x71: {  	_ =	shalt  }
0x72: {  	_ =	shalt  }
0x73: {  	_ =	shalt  }
0x74: {  	_ =	shalt  }
0x75: {  	_ =	shalt  }
0x76: {  	_ =	shalt  }
0x77: {  	_ =	shalt  }
0x78: {  	_ =	shalt  }
0x79: {  	_ =	shalt  }
0x7a: {  	_ =	shalt  }
0x7b: {  	_ =	shalt  }
0x7c: {  	_ =	shalt  }
0x7d: {  	_ =	shalt  }
0x7e: {  	_ =	shalt  }
0x7f: {  	_ =	shalt  }
0x80: {  	_ =	shalt  }
0x81: {  	_ =	shalt  }
0x82: {  	_ =	shalt  }
0x83: {  	_ =	shalt  }
0x84: {  	_ =	shalt  }
0x85: {  	_ =	shalt  }
0x86: {  	_ =	shalt  }
0x87: {  	_ =	shalt  }
.Lfunc_end0:
.L_simem_size_0:
called_computation_lowered:
.L_overlay_start_0:
0x88: {  	s2 =	sld [smem:$0x3FD9]  }
0x89: {  	s3 =	sld [smem:$0x3FFE];
	_ =	sdelay $0x1  }
0x8a: {  	s1 =	srdreg.scid  }
0x8b: {  	s0 =	sand.u32 $0x1, s1  }
0x8c: {  	s17 =	sshll.u32 s0, $0xA;
	s2 =	sadd.s32 s3, s2  }
0x8d: {  	s2 =	sadd.s32 s2, s17  }
0x8e: {  	[smem:$0x3FC6] =	sst s2  }
0x8f: {  	_ = 	snop  }
0x90: {  	s2 =	sld [smem:$0x3FD0];
	(tm) =	ssettm $0x1  }
0x91: {  	s18 =	sld [smem:$0x3FFB];
	_ =	sdelay $0x3  }
0x92: {  	_ =	strace s18  }
0x93: {  	s3 =	sld [smem:$0x3FFC];
	_ =	sdelay $0x3  }
0x94: {  	_ =	strace s3  }
0x95: {  	s3 =	sld [smem:$0x3FFD];
	_ =	sdelay $0x3  }
0x96: {  	_ =	strace s3  }
0x97: {  	_ =	strace $0x8FFFFFFF  }
0x98: {  	s19 =	sld [smem:$0x3FDB];
	_ =	sdelay $0x1  }
0x99: {  	s4 =	simm.s32 $_scs_section_size  }
0x9a: {  	s5 =	simm.s32 $_size__tile_overlayer_lowered;
	s6 =	simm.s32 $_tile_overlayer_lowered  }
0x9b: {  	s22 =	simm.s32 $0x1BFF;
	s21 =	sshll.u32 s6, $0x1;
	s3 =	sadd.s32 s4, s19  }
0x9c: {  	s7 =	simm.s32 $0x0;
	s20 =	sshll.u32 s5, $0x1;
	s5 =	sadd.s32 s21, s3  }
0x9d: {  	[timem:s7], [sflag:s22] =	dma.local [hbm:s5], s20  }
0x9e: {  	_ =	swait.ge [sflag:s22], s20  }
0x9f: {  	s4 =	ssub.s32 $0x0, s20;
	[sflag:s22] =	ssyncset.done $0x0  }
0xa0: {  	[sflag:s22] =	ssyncadd.s32 s4;
	_ =	sdelay $0x1  }
0xa1: {  	s23 =	simm.s32 $0x1B8B  }
0xa2: {  	_ =	swait.ge [sflag:s23], $0x1  }
0xa3: {  	[sflag:s23] =	ssyncset.done $0x0  }
0xa4: {  	s25 =	simm.s32 $0x1B8E;
	s24 =	sld [smem:$0x3FFE];
	[sflag:s23] =	ssyncadd.s32 $0xFFFFFFFF  }
0xa5: {  	s26 =	simm.s32 $execute0_lowered;
	[smem:$0x3FD2] =	sst s25  }
0xa6: {  	s5 =	sshll.u32 s26, $0x1;
	_ =	strace $0x80000046;
	[dreg:$0x1] =	wrdreg $0xFFFFFFFF  }
0xa7: {  	s28 =	simm.s32 $_size_execute0_lowered;
	s3 =	sadd.s32 s3, s5;
	[dreg:$0x0] =	wrdreg $0x0  }
0xa8: {  	s5 =	sshll.u32 s28, $0x1;
	[dreg:$0x2] =	wrdreg s3  }
0xa9: {  	[dreg:$0x3] =	wrdreg s5  }
0xaa: {  	[dreg:$0x4] =	wrdreg $0xC0  }
0xab: {  	_ =	task [dreg:s7], $0x5FFFF  }
0xac: {  	[dreg:$0x1] =	wrdreg $0xFFFFFFFF  }
0xad: {  	[dreg:$0x0] =	wrdreg $0x60  }
0xae: {  	[dreg:$0x2] =	wrdreg s24  }
0xaf: {  	[dreg:$0x3] =	wrdreg s2  }
0xb0: {  	[dreg:$0x4] =	wrdreg $0x9  }
0xb1: {  	_ =	task.clear_ibuf [dreg:s7], $0x5FFFF;
	_ =	strace $0x90000046  }
0xb2: {  	s29 =	simm.s32 $0x9;
	_ =	strace $0x80000048  }
0xb3: {  	_ =	swait.ge [sflag:s29], $0x1  }
0xb4: {  	[sflag:s29] =	ssyncadd.s32 $0xFFFFFFFF  }
0xb5: {  	_ =	strace $0x90000048  }
0xb6: {  	_ =	sfence  }
0xb7: {  	s30 =	sld [smem:$0x0];
	_ =	sdelay $0x2  }
0xb8: {  	s31 =	sshll.u32 s1, $0xD;
	s1 =	sshrl.u32 s1, $0x2  }
0xb9: {  	s3 =	sand.u32 $0x4000, s31;
	s1 =	sadd.s32 s1, s30  }
0xba: {  	s0 =	sor.u32 s3, s0;
	s1 =	sshll.u32 s1, $0x11  }
0xbb: {  	s0 =	sor.u32 s1, s0  }
0xbc: {  	s0 =	sadd.s32 $0x8F2B, s0  }
0xbd: {  	[sflag:s0] =	ssyncadd.remote.s32 $0x1  }
0xbe: {  	_ =	sfence.sel $0xFFFF  }
0xbf: {  	[dreg:$0x0] =	wrdreg $0xFFFFFFFF;
	(pc) =	sbr.abs _section_cstart, $3  }
0xc0: {  	[dreg:$0x1] =	wrdreg $0xFFFFFFFF  }
0xc1: {  	_ =	task.clear_ibuf [dreg:s7], $0x2FFFF;
	_ =	strace $0x9FFFFFFF  }
0xc2: {  	(tm) =	ssettm $0x7FFFFFFF  }
0xc3: {  	_ =	shalt  }
tec
execute0_lowered:
.L_overlay_start_1:
0x0: {  	(tag) =	ssettag $0x1  }
0x1: {  	s4 =	rddreg [dreg:$0x0];
	s1 =	srdreg.scid  }
0x2: {  	s0 =	stileid.u32;
	s5 =	rddreg [dreg:$0x1]  }
0x3: {  	s2 =	simm.s32 $0x0;
	s12 =	simm.s32 $0x80;
	s13 =	simm.s32 $0x3400  }
0x4: {  	s14 =	simm.s32 $0x4400;
	s15 =	simm.s32 $0x100;
	s16 =	simm.s32 $0x5400  }
0x5: {  	s17 =	simm.s32 $0x1;
	s18 =	simm.s32 $0x6400;
	s19 =	simm.s32 $0x2  }
0x6: {  	s20 =	simm.s32 $0x4;
	s21 =	simm.s32 $0x5;
	s22 =	simm.s32 $0x6  }
0x7: {  	s23 =	simm.s32 $0x7;
	s24 =	simm.s32 $0x8;
	s25 =	simm.s32 $0x0  }
0x8: {  	s6 =	sand.u32 $0x1, s1;
	s3 =	sshll.u32 s0, $0x1;
	s9 =	smul.u32 $0xD0000, s0  }
0x9: {  	s7 =	sor.u32 s6, s3;
	s10 =	ssub.s32 $0x2, s6;
	s6 =	smul.u32 $0x68000, s6  }
0xa: {  	[smem:$0x7FF] =	sst s2;
	s11 =	sadd.s32 $0xA00, s4;
	s8 =	smul.u32 $0x68000, s7  }
0xb: {  	_ =	strace $0x80000047;
	s26 =	sshrl.u32 s10, $0x1;
	s7 =	smul.u32 $0x680, s7  }
0xc: {  	s3 =	sadd.s32 $0xF42E00, s4;
	s10 =	ssub.s32 s10, s26;
	s9 =	sadd.s32 s6, s9  }
0xd: {  	s8 =	sshrl.u32 s8, $0x3;
	s4 =	sadd.s32 s5, s7;
	s29 =	sor.u32 $0x2000, s9  }
.Ltmp0:
0xe: {  	s5 =	smax.u32 s10, $0x1;
	s30 =	sor.u32 $0x1000, s9;
	(pc) =	sbr.rel .LBB2_1-.Ltmp0, $4  }
0xf: {  	s31 =	sor.u32 $0x3000, s9;
	s9 =	sshrl.u32 s9, $0x3;
	s28 =	sadd.s32 s11, s8  }
0x10: {  	s7 =	sshrl.u32 s29, $0x3;
	s8 =	sshrl.u32 s30, $0x3;
	s10 =	sshrl.u32 s31, $0x3  }
0x11: {  	s9 =	sadd.s32 s9, s11;
	s6 =	sadd.s32 $0xCC00, s28;
	s7 =	sadd.s32 s7, s11  }
0x12: {  	s8 =	sadd.s32 s8, s11;
	s10 =	sadd.s32 s10, s11;
	s11 =	simm.s32 $0x9  }
.LBB2_4:
0x13: {  	_ =	swait.ge [sflag:s21], $0x1000  }
0x14: {  	[sflag:s21] =	ssyncset.done $0x0  }
0x15: {  	[sflag:s21] =	ssyncadd.s32 $0xFFFFF000  }
0x16: {  	_ =	swait.ge [sflag:s22], $0x1000  }
0x17: {  	[sflag:s22] =	ssyncset.done $0x0  }
0x18: {  	s25 =	sadd.s32 $0x1, s25;
	[sflag:s22] =	ssyncadd.s32 $0xFFFFF000  }
0x19: {  	p0 =	sne.s32 s25, s5;
	_ =	swait.ge [sflag:s23], $0x1000  }
.Ltmp1:
0x1a: {  	[sflag:s23] =	ssyncset.done $0x0;
	(pc) =	sbr.rel @!p0 .LBB2_5-.Ltmp1, $4  }
0x1b: {  	[sflag:s23] =	ssyncadd.s32 $0xFFFFF000  }
0x1c: {  	_ =	swait.ge [sflag:s24], $0x1000  }
0x1d: {  	[sflag:s24] =	ssyncset.done $0x0  }
0x1e: {  	[sflag:s24] =	ssyncadd.s32 $0xFFFFF000  }
.LBB2_1:
0x1f: {  	[tilespmem:s2], [sflag:$0x9] =	stream.linear.gather [hbm4b:s4+s2], $0x3400, $0x38;
	[tilespmem:$0x7400] =	vst v63  }
0x20: {  	_ =	swait.ge [sflag:s11], $0x3400  }
0x21: {  	[sflag:s11] =	ssyncset.done $0x0  }
0x22: {  	[sflag:s11] =	ssyncadd.s32 $0xFFFFCC00  }
0x23: {  	[tilespmem:s13], [sflag:$0x1] =	stream.indirect.gather [hbm4b:s3+s12], $0x20, s2, s12, $0xb8;
	[tilespmem:$0x7400] =	vst v63  }
0x24: {  	_ = 	snop  }
0x25: {  	[tilespmem:s14], [sflag:$0x2] =	stream.indirect.gather [hbm4b:s3+s12], $0x20, s12, s12, $0xb8;
	[tilespmem:$0x7400] =	vst v63  }
0x26: {  	s26 =	simm.s32 $0x0  }
0x27: {  	[tilespmem:s16], [sflag:$0x3] =	stream.indirect.gather [hbm4b:s3+s12], $0x20, s15, s12, $0xb8;
	[tilespmem:$0x7400] =	vst v63  }
.LBB2_2:
0x28: {  	_ =	swait.ge [sflag:s17], $0x1000  }
0x29: {  	p0 =	seq.s32 s26, $0x0;
	[sflag:s17] =	ssyncset.done $0x0  }
0x2a: {  	s28 =	sadd.s32 s26, s9;
	s29 =	simm.s32 @!p0 $0x8;
	[sflag:s17] =	ssyncadd.s32 $0xFFFFF000  }
0x2b: {  	[hbm4b:s28+s2] =	stream.linear.scatter [tilespmem:s13], [sflag:$0x5], $0x1000, $0x38;
	[tilespmem:$0x7400] =	vst v63  }
0x2c: {  	_ =	swait.ge @!p0 [sflag:s29], $0x1000  }
0x2d: {  	s28 =	sshra.s32 s26, $0x2;
	[sflag:s29] =	ssyncset.done @!p0 $0x0  }
0x2e: {  	s1 =	sadd.s32 $0x180, s28;
	[sflag:s29] =	ssyncadd.s32 @!p0 $0xFFFFF000  }
0x2f: {  	[tilespmem:s18], [sflag:$0x4] =	stream.indirect.gather [hbm4b:s3+s12], $0x20, s1, s12, $0xb8;
	[tilespmem:$0x7400] =	vst v63  }
0x30: {  	_ =	swait.ge [sflag:s19], $0x1000  }
0x31: {  	p0 =	seq.s32 s26, $0xC800;
	[sflag:s19] =	ssyncset.done $0x0  }
0x32: {  	s30 =	sadd.s32 s26, s8;
	s29 =	simm.s32 @p0 $0x3;
	[sflag:s19] =	ssyncadd.s32 $0xFFFFF000  }
0x33: {  	[hbm4b:s30+s2] =	stream.linear.scatter [tilespmem:s14], [sflag:$0x6], $0x1000, $0x38;
	[tilespmem:$0x7400] =	vst v63  }
0x34: {  	_ =	swait.ge @p0 [sflag:s29], $0x1000  }
0x35: {  	[sflag:s29] =	ssyncset.done @p0 $0x0  }
0x36: {  	s30 =	simm.s32 @p0 $0x5400;
	[sflag:s29] =	ssyncadd.s32 @p0 $0xFFFFF000;
	s29 =	simm.s32 @p0 $0x0  }
0x37: {  	[hbm4b:s6+s29] =	stream.linear.scatter @p0 [tilespmem:s30], [sflag:$0x7], $0x1000, $0x38;
	[tilespmem:$0x7400] =	vst v63  }
0x38: {  	s29 =	simm.s32 @!p0 $0x5  }
0x39: {  	_ =	swait.ge @!p0 [sflag:s29], $0x1000  }
0x3a: {  	[sflag:s29] =	ssyncset.done @!p0 $0x0  }
0x3b: {  	[sflag:s29] =	ssyncadd.s32 @!p0 $0xFFFFF000;
	s29 =	sshra.s32 @!p0 s26, $0x2  }
0x3c: {  	s31 =	simm.s32 @!p0 $0x80;
	s1 =	simm.s32 @!p0 $0x3400;
	s30 =	sadd.s32 @!p0 $0x200, s29  }
0x3d: {  	[tilespmem:s1], [sflag:$0x1] =	stream.indirect.gather @!p0 [hbm4b:s3+s31], $0x20, s30, s31, $0xb8;
	[tilespmem:$0x7400] =	vst v63  }
0x3e: {  	s1 =	simm.s32 @!p0 $0x3  }
0x3f: {  	_ =	swait.ge @!p0 [sflag:s1], $0x1000  }
0x40: {  	s0 =	simm.s32 @!p0 $0x5400;
	[sflag:s1] =	ssyncset.done @!p0 $0x0  }
0x41: {  	s30 =	simm.s32 @!p0 $0x0;
	[sflag:s1] =	ssyncadd.s32 @!p0 $0xFFFFF000;
	s1 =	sadd.s32 @!p0 s26, s7  }
0x42: {  	[hbm4b:s1+s30] =	stream.linear.scatter @!p0 [tilespmem:s0], [sflag:$0x7], $0x1000, $0x38;
	[tilespmem:$0x7400] =	vst v63  }
0x43: {  	s0 =	simm.s32 @!p0 $0x6  }
0x44: {  	_ =	swait.ge @!p0 [sflag:s0], $0x1000  }
0x45: {  	[sflag:s0] =	ssyncset.done @!p0 $0x0  }
0x46: {  	s1 =	simm.s32 @!p0 $0x4400;
	[sflag:s0] =	ssyncadd.s32 @!p0 $0xFFFFF000;
	s0 =	sadd.s32 @!p0 $0x280, s29  }
0x47: {  	[tilespmem:s1], [sflag:$0x2] =	stream.indirect.gather @!p0 [hbm4b:s3+s31], $0x20, s0, s31, $0xb8;
	[tilespmem:$0x7400] =	vst v63  }
.Ltmp2:
0x48: {  	_ = 	snop;
	(pc) =	sbr.rel @p0 .LBB2_4-.Ltmp2, $4  }
0x49: {  	_ =	swait.ge [sflag:s20], $0x1000  }
0x4a: {  	[sflag:s20] =	ssyncset.done $0x0  }
0x4b: {  	s31 =	sadd.s32 s26, s10;
	[sflag:s20] =	ssyncadd.s32 $0xFFFFF000  }
0x4c: {  	[hbm4b:s31+s2] =	stream.linear.scatter [tilespmem:s18], [sflag:$0x8], $0x1000, $0x38;
	[tilespmem:$0x7400] =	vst v63  }
.Ltmp3:
0x4d: {  	(pc) =	sbr.rel .LBB2_2-.Ltmp3, $4  }
0x4e: {  	_ =	swait.ge [sflag:s23], $0x1000  }
0x4f: {  	[sflag:s23] =	ssyncset.done $0x0  }
0x50: {  	s0 =	sadd.s32 $0x300, s28;
	s26 =	sadd.s32 $0x800, s26;
	[sflag:s23] =	ssyncadd.s32 $0xFFFFF000  }
0x51: {  	[tilespmem:s16], [sflag:$0x3] =	stream.indirect.gather [hbm4b:s3+s12], $0x20, s0, s12, $0xb8;
	[tilespmem:$0x7400] =	vst v63  }
.LBB2_5:
0x52: {  	_ =	sfence.sel $0x180000  }
0x53: {  	[bflag:$0x0] =	sbarrier.arrive $0xFFFF  }
0x54: {  	_ =	strace $0x90000047  }
0x55: {  	s0 =	stileid.u32;
	[bflag:$0x2] =	sbarrier.arrive $0xFFFF  }
0x56: {  	p0 =	sne.s32 s0, $0x0;
	s0 =	rddreg [dreg:$0x2]  }
0x57: {  	s0 =	sadd.s32 @!p0 $0x100000, s0  }
0x58: {  	[sflag:s0] =	ssyncadd.tile.s32 @!p0 $0x1;
	_ =	shalt  }
.Lfunc_end2:
_tile_overlayer_lowered:
.L_overlay_start_2:
0x59: {  	(tag) =	ssettag $0x2  }
0x5a: {  	s0 =	rddreg [dreg:$0x0];
	s2 =	stileid.u32  }
0x5b: {  	s1 =	rddreg [dreg:$0x1];
	p0 =	sne.s32 s2, $0x0  }
0x5c: {  	s3 =	rddreg [dreg:$0x2];
	[bflag:$0x3] =	sbarrier.arrive $0xFFFF;
	s2 =	simm.s32 @!p0 $0x1C09  }
0x5d: {  	[timem:s3], [sflag:s2] =	dma.local @!p0 [hbm:s0], s1  }
0x5e: {  	s0 =	simm.s32 @!p0 $0x9  }
0x5f: {  	_ =	swait.ge @!p0 [sflag:s0], s1  }
0x60: {  	s1 =	ssub.s32 @!p0 $0x0, s1;
	[sflag:s0] =	ssyncset.done @!p0 $0x0  }
0x61: {  	[sflag:s0] =	ssyncadd.s32 @!p0 s1  }
0x62: {  	[bflag:$0x3] =	sbarrier.arrive $0xFFFF  }
0x63: {  	_ =	shalt  }

// kernel: kernel.7.cloned.1.call-start
scs
__scs_entry_jumppad:
0x0: {  	(pc) =	sbr.rel $0x88, $3  }
0x1: {  	(tag) =	ssettag $0x0;
	lr =	simm.s32 $0x1  }
0x2: {  	[smem:$0x3F9F] =	sst lr;
	_ =	strace $0xD0000000  }
0x3: {  	_ = 	snop  }
0x4: {  	_ = 	snop  }
0x5: {  	_ = 	snop  }
0x6: {  	_ = 	snop  }
0x7: {  	_ = 	snop  }
__scs_overlays_trampoline_lowered:
0x8: {  	[smem:$0x3FAE] =	sst s0  }
0x9: {  	[smem:$0x3FAF] =	sst s1  }
0xa: {  	[smem:$0x3FB0] =	sst s2  }
0xb: {  	[smem:$0x3FB1] =	sst s3  }
0xc: {  	[smem:$0x3FB2] =	sst s4  }
0xd: {  	[smem:$0x3FB3] =	sst s5  }
0xe: {  	[smem:$0x3FB4] =	sst s6  }
0xf: {  	[smem:$0x3FB5] =	sst s7  }
0x10: {  	[smem:$0x3FB6] =	sst s8  }
0x11: {  	[smem:$0x3FB7] =	sst s9;
	s0 =	simm.s32 @!p0 $0x0  }
0x12: {  	s1 =	sld [smem:$0x3F9D];
	s0 =	simm.s32 @p0 $0x1  }
0x13: {  	[smem:$0x3FB8] =	sst s0;
	s0 =	simm.s32 @!p1 $0x0  }
0x14: {  	s2 =	sld [smem:$0x3F9C];
	s0 =	simm.s32 @p1 $0x1  }
0x15: {  	[smem:$0x3FB9] =	sst s0;
	s0 =	simm.s32 @!p2 $0x0  }
0x16: {  	s3 =	sld [smem:$0x3FDB];
	s0 =	simm.s32 @p2 $0x1  }
0x17: {  	s4 =	simm.s32 $0x1BF5;
	[smem:$0x3FBB] =	sst s0  }
0x18: {  	s0 =	sld [smem:$0x3F9E];
	_ =	swait.ge [sflag:s4], $0x0  }
0x19: {  	s7 =	sld [smem:$0x3F9F]  }
0x1a: {  	s8 =	sadd.s32 $0xFFFFE003, lr  }
0x1b: {  	s9 =	sadd.s32 $0xFFFFFEF7, lr;
	s5 =	simm.s32 $0xFFFFFFFF;
	p2 =	slt.u32 s8, $0xFFFFF086  }
0x1c: {  	p1 =	slt.u32 s9, $0xF7A;
	s5 =	simm.s32 @!p2 $0x0  }
0x1d: {  	s5 =	simm.s32 @p1 $0x1;
	p0 =	seq.s32 s7, s2  }
0x1e: {  	s7 =	smul.u32 @!p0 $0xF7A, s2;
	p2 =	seq.s32 @!p0 s5, $0x0  }
0x1f: {  	s9 =	smul.u32 $0xF7A, s1;
	s8 =	simm.s32 @!p0 $0x1BF5;
	p2 =	por !p2, p0  }
0x20: {  	[sflag:s8] =	ssyncset.s32 @!p0 $0xFFFFF086;
	s6 =	sadd.s32 @!p0 s3, s7;
	s7 =	simm.s32 @!p0 $0x108  }
0x21: {  	s3 =	sadd.s32 s3, s9;
	s6 =	sadd.s32 @!p0 $0x88, s6;
	s7 =	simm.s32 @p2 $0x1082  }
0x22: {  	[simem:s7], [sflag:s8] =	dma.local @!p0 [hbm:s6], $0xF7A  }
0x23: {  	s9 =	sor.u32 $0xD0000000, s2;
	s6 =	simm.s32 $0x108;
	_ =	swait.ge @!p0 [sflag:s8], $0x0  }
0x24: {  	s3 =	sadd.s32 $0x88, s3;
	s6 =	simm.s32 @!p1 $0x1082;
	[sflag:s4] =	ssyncset.s32 $0xFFFFF086  }
0x25: {  	[simem:s6], [sflag:s4] =	dma.local [hbm:s3], $0xF7A  }
0x26: {  	[smem:$0x3F9F] =	sst s1;
	(tag) =	ssettag s2;
	_ =	strace s9  }
0x27: {  	s1 =	sld [smem:$0x3FAF]  }
0x28: {  	s2 =	sld [smem:$0x3FB0]  }
0x29: {  	s4 =	sld [smem:$0x3FB2]  }
0x2a: {  	p0 =	seq.s32 s5, $0x0;
	s5 =	sld [smem:$0x3FB3]  }
0x2b: {  	s6 =	sld [smem:$0x3FB4]  }
0x2c: {  	s7 =	sld [smem:$0x3FB5]  }
0x2d: {  	s3 =	simm.s32 $0x108;
	s8 =	sld [smem:$0x3FB6]  }
0x2e: {  	s3 =	simm.s32 @!p0 $0x1082;
	s9 =	sld [smem:$0x3FB7]  }
0x2f: {  	lr =	sadd.s32 s0, s3;
	s0 =	sld [smem:$0x3FAE]  }
0x30: {  	s3 =	sld [smem:$0x3FB1]  }
0x31: {  	[smem:$0x3FBA] =	sst s10  }
0x32: {  	s10 =	sld [smem:$0x3FB8];
	_ =	sdelay $0x3  }
0x33: {  	p0 =	seq.s32 s10, $0x1;
	s10 =	sld [smem:$0x3FBA];
	_ =	sdelay $0x3  }
0x34: {  	[smem:$0x3FBA] =	sst s10  }
0x35: {  	s10 =	sld [smem:$0x3FB9];
	_ =	sdelay $0x3  }
0x36: {  	p1 =	seq.s32 s10, $0x1;
	s10 =	sld [smem:$0x3FBA];
	_ =	sdelay $0x3  }
0x37: {  	[smem:$0x3FBA] =	sst s10  }
0x38: {  	s10 =	sld [smem:$0x3FBB]  }
0x39: {  	_ = 	snop;
	(pc) =	sbr.ind lr, $3  }
0x3a: {  	_ = 	snop  }
0x3b: {  	_ = 	snop  }
0x3c: {  	p2 =	seq.s32 s10, $0x1;
	s10 =	sld [smem:$0x3FBA]  }
0x3d: {  	_ =	shalt  }
0x3e: {  	_ =	shalt  }
0x3f: {  	_ =	shalt  }
0x40: {  	_ =	shalt  }
0x41: {  	_ =	shalt  }
0x42: {  	_ =	shalt  }
0x43: {  	_ =	shalt  }
0x44: {  	_ =	shalt  }
0x45: {  	_ =	shalt  }
0x46: {  	_ =	shalt  }
0x47: {  	_ =	shalt  }
0x48: {  	_ =	shalt  }
0x49: {  	_ =	shalt  }
0x4a: {  	_ =	shalt  }
0x4b: {  	_ =	shalt  }
0x4c: {  	_ =	shalt  }
0x4d: {  	_ =	shalt  }
0x4e: {  	_ =	shalt  }
0x4f: {  	_ =	shalt  }
0x50: {  	_ =	shalt  }
0x51: {  	_ =	shalt  }
0x52: {  	_ =	shalt  }
0x53: {  	_ =	shalt  }
0x54: {  	_ =	shalt  }
0x55: {  	_ =	shalt  }
0x56: {  	_ =	shalt  }
0x57: {  	_ =	shalt  }
0x58: {  	_ =	shalt  }
0x59: {  	_ =	shalt  }
0x5a: {  	_ =	shalt  }
0x5b: {  	_ =	shalt  }
0x5c: {  	_ =	shalt  }
0x5d: {  	_ =	shalt  }
0x5e: {  	_ =	shalt  }
0x5f: {  	_ =	shalt  }
0x60: {  	_ =	shalt  }
0x61: {  	_ =	shalt  }
0x62: {  	_ =	shalt  }
0x63: {  	_ =	shalt  }
0x64: {  	_ =	shalt  }
0x65: {  	_ =	shalt  }
0x66: {  	_ =	shalt  }
0x67: {  	_ =	shalt  }
0x68: {  	_ =	shalt  }
0x69: {  	_ =	shalt  }
0x6a: {  	_ =	shalt  }
0x6b: {  	_ =	shalt  }
0x6c: {  	_ =	shalt  }
0x6d: {  	_ =	shalt  }
0x6e: {  	_ =	shalt  }
0x6f: {  	_ =	shalt  }
0x70: {  	_ =	shalt  }
0x71: {  	_ =	shalt  }
0x72: {  	_ =	shalt  }
0x73: {  	_ =	shalt  }
0x74: {  	_ =	shalt  }
0x75: {  	_ =	shalt  }
0x76: {  	_ =	shalt  }
0x77: {  	_ =	shalt  }
0x78: {  	_ =	shalt  }
0x79: {  	_ =	shalt  }
0x7a: {  	_ =	shalt  }
0x7b: {  	_ =	shalt  }
0x7c: {  	_ =	shalt  }
0x7d: {  	_ =	shalt  }
0x7e: {  	_ =	shalt  }
0x7f: {  	_ =	shalt  }
0x80: {  	_ =	shalt  }
0x81: {  	_ =	shalt  }
0x82: {  	_ =	shalt  }
0x83: {  	_ =	shalt  }
0x84: {  	_ =	shalt  }
0x85: {  	_ =	shalt  }
0x86: {  	_ =	shalt  }
0x87: {  	_ =	shalt  }
.Lfunc_end0:
.L_simem_size_0:
called_computation.1_lowered:
.L_overlay_start_0:
0x88: {  	s2 =	sld [smem:$0x3FD9]  }
0x89: {  	s3 =	sld [smem:$0x3FFE];
	_ =	sdelay $0x1  }
0x8a: {  	s1 =	srdreg.scid  }
0x8b: {  	s0 =	sand.u32 $0x1, s1  }
0x8c: {  	s17 =	sshll.u32 s0, $0xA;
	s2 =	sadd.s32 s3, s2  }
0x8d: {  	s2 =	sadd.s32 s2, s17  }
0x8e: {  	[smem:$0x3FC6] =	sst s2  }
0x8f: {  	_ = 	snop  }
0x90: {  	s2 =	sld [smem:$0x3FD0];
	(tm) =	ssettm $0x1  }
0x91: {  	s18 =	sld [smem:$0x3FFB];
	_ =	sdelay $0x3  }
0x92: {  	_ =	strace s18  }
0x93: {  	s3 =	sld [smem:$0x3FFC];
	_ =	sdelay $0x3  }
0x94: {  	_ =	strace s3  }
0x95: {  	s3 =	sld [smem:$0x3FFD];
	_ =	sdelay $0x3  }
0x96: {  	_ =	strace s3  }
0x97: {  	_ =	strace $0x8FFFFFFF  }
0x98: {  	s19 =	sld [smem:$0x3FDB];
	_ =	sdelay $0x1  }
0x99: {  	s4 =	simm.s32 $_scs_section_size  }
0x9a: {  	s5 =	simm.s32 $_size__tile_overlayer_lowered;
	s6 =	simm.s32 $_tile_overlayer_lowered  }
0x9b: {  	s22 =	simm.s32 $0x1BFF;
	s21 =	sshll.u32 s6, $0x1;
	s3 =	sadd.s32 s4, s19  }
0x9c: {  	s7 =	simm.s32 $0x0;
	s20 =	sshll.u32 s5, $0x1;
	s5 =	sadd.s32 s21, s3  }
0x9d: {  	[timem:s7], [sflag:s22] =	dma.local [hbm:s5], s20  }
0x9e: {  	_ =	swait.ge [sflag:s22], s20  }
0x9f: {  	s4 =	ssub.s32 $0x0, s20;
	[sflag:s22] =	ssyncset.done $0x0  }
0xa0: {  	[sflag:s22] =	ssyncadd.s32 s4;
	_ =	sdelay $0x1  }
0xa1: {  	s23 =	simm.s32 $0x1B8B  }
0xa2: {  	_ =	swait.ge [sflag:s23], $0x1  }
0xa3: {  	[sflag:s23] =	ssyncset.done $0x0  }
0xa4: {  	s25 =	simm.s32 $0x1B8E;
	s24 =	sld [smem:$0x3FFE];
	[sflag:s23] =	ssyncadd.s32 $0xFFFFFFFF  }
0xa5: {  	s26 =	simm.s32 $execute0_lowered;
	[smem:$0x3FD2] =	sst s25  }
0xa6: {  	s5 =	sshll.u32 s26, $0x1;
	_ =	strace $0x80000049;
	[dreg:$0x1] =	wrdreg $0xFFFFFFFF  }
0xa7: {  	s28 =	simm.s32 $_size_execute0_lowered;
	s3 =	sadd.s32 s3, s5;
	[dreg:$0x0] =	wrdreg $0x0  }
0xa8: {  	s5 =	sshll.u32 s28, $0x1;
	[dreg:$0x2] =	wrdreg s3  }
0xa9: {  	[dreg:$0x3] =	wrdreg s5  }
0xaa: {  	[dreg:$0x4] =	wrdreg $0xC0  }
0xab: {  	_ =	task [dreg:s7], $0x5FFFF  }
0xac: {  	[dreg:$0x1] =	wrdreg $0xFFFFFFFF  }
0xad: {  	[dreg:$0x0] =	wrdreg $0x60  }
0xae: {  	[dreg:$0x2] =	wrdreg s24  }
0xaf: {  	[dreg:$0x3] =	wrdreg s2  }
0xb0: {  	[dreg:$0x4] =	wrdreg $0x9  }
0xb1: {  	_ =	task.clear_ibuf [dreg:s7], $0x5FFFF;
	_ =	strace $0x90000049  }
0xb2: {  	s29 =	simm.s32 $0x9;
	_ =	strace $0x8000004B  }
0xb3: {  	_ =	swait.ge [sflag:s29], $0x1  }
0xb4: {  	[sflag:s29] =	ssyncadd.s32 $0xFFFFFFFF  }
0xb5: {  	_ =	strace $0x9000004B  }
0xb6: {  	_ =	sfence  }
0xb7: {  	s30 =	sld [smem:$0x0];
	_ =	sdelay $0x2  }
0xb8: {  	s31 =	sshll.u32 s1, $0xD;
	s1 =	sshrl.u32 s1, $0x2  }
0xb9: {  	s3 =	sand.u32 $0x4000, s31;
	s1 =	sadd.s32 s1, s30  }
0xba: {  	s0 =	sor.u32 s3, s0;
	s1 =	sshll.u32 s1, $0x11  }
0xbb: {  	s0 =	sor.u32 s1, s0  }
0xbc: {  	s0 =	sadd.s32 $0x8F2B, s0  }
0xbd: {  	[sflag:s0] =	ssyncadd.remote.s32 $0x1  }
0xbe: {  	_ =	sfence.sel $0xFFFF  }
0xbf: {  	[dreg:$0x0] =	wrdreg $0xFFFFFFFF;
	(pc) =	sbr.abs _section_cstart, $3  }
0xc0: {  	[dreg:$0x1] =	wrdreg $0xFFFFFFFF  }
0xc1: {  	_ =	task.clear_ibuf [dreg:s7], $0x2FFFF;
	_ =	strace $0x9FFFFFFF  }
0xc2: {  	(tm) =	ssettm $0x7FFFFFFF  }
0xc3: {  	_ =	shalt  }
tec
execute0_lowered:
.L_overlay_start_1:
0x0: {  	(tag) =	ssettag $0x1  }
0x1: {  	s0 =	rddreg [dreg:$0x0]  }
0x2: {  	s2 =	rddreg [dreg:$0x1]  }
0x3: {  	s3 =	simm.s32 $0x0;
	s1 =	srdreg.scid;
	s4 =	stileid.u32  }
0x4: {  	s17 =	simm.s32 $0x1A000;
	[smem:$0x7FF] =	sst s3;
	s1 =	sand.u32 $0x1, s1  }
0x5: {  	s4 =	sshll.u32 s4, $0x1;
	s0 =	sadd.s32 $0xA00, s0;
	s8 =	sadd.s32 $0xC000, s2  }
0x6: {  	_ =	strace $0x8000004A;
	s5 =	ssub.s32 $0x2, s1;
	s1 =	sor.u32 s1, s4  }
0x7: {  	s25 =	sshrl.u32 s5, $0x1;
	s6 =	sshll.u32 s1, $0x2;
	s7 =	smul.u32 $0xD000, s1  }
0x8: {  	s22 =	sshll.u32 s1, $0x9;
	s1 =	sshllo.u32 s1, $0x2;
	s4 =	ssub.s32 s5, s25  }
0x9: {  	s26 =	sor.u32 $0x1, s6;
	s30 =	sshll.u32 s1, $0x7;
	[dreg:$0x4] =	wrdreg s22  }
0xa: {  	s10 =	sor.u32 $0x2, s6;
	s7 =	sadd.s32 s0, s7;
	[dreg:$0xa] =	wrdreg s30  }
0xb: {  	s9 =	smul.u32 $0x3400, s26;
	s5 =	sshll.u32 s26, $0x7;
	[dreg:$0x3] =	wrdreg s7  }
0xc: {  	s11 =	smul.u32 $0x3400, s10;
	s29 =	sshll.u32 s10, $0x7;
	[dreg:$0x6] =	wrdreg s5  }
.Ltmp0:
0xd: {  	s31 =	smax.u32 s4, $0x1;
	[dreg:$0x8] =	wrdreg s29;
	(pc) =	sbr.rel .LBB2_1-.Ltmp0, $4  }
0xe: {  	s12 =	smul.u32 $0x3400, s1;
	[dreg:$0xb] =	wrdreg s31;
	s9 =	sadd.s32 s0, s9  }
0xf: {  	v1 =	vlaneseq.u32;
	s6 =	sadd.s32 $0x4000, s2;
	s28 =	sadd.s32 s0, s11;
	[dreg:$0x5] =	wrdreg s9  }
0x10: {  	v0 =	vmul.u32 $0x81, v1;
	s25 =	simm.s32 $0x1CC20;
	s0 =	sadd.s32 s0, s12;
	[dreg:$0x7] =	wrdreg s28  }
0x11: {  	v1 =	vand.u32 $0x7, v1;
	s4 =	simm.s32 $0x0;
	s7 =	sadd.s32 $0x8000, s2;
	[dreg:$0x9] =	wrdreg s0  }
.LBB2_67:
0x12: {  	s0 =	simm.s32 $0x2  }
0x13: {  	_ =	swait.ge [sflag:s0], $0x400  }
0x14: {  	[sflag:s0] =	ssyncset.done $0x0  }
0x15: {  	[sflag:s0] =	ssyncadd.s32 $0xFFFFFC00  }
0x16: {  	_ =	swait.ge [sflag:s0], $0x400  }
0x17: {  	[sflag:s0] =	ssyncset.done $0x0  }
0x18: {  	[sflag:s0] =	ssyncadd.s32 $0xFFFFFC00  }
0x19: {  	_ =	swait.ge [sflag:s0], $0x400  }
0x1a: {  	[sflag:s0] =	ssyncset.done $0x0  }
0x1b: {  	[sflag:s0] =	ssyncadd.s32 $0xFFFFFC00  }
0x1c: {  	_ =	swait.ge [sflag:s0], $0x400  }
0x1d: {  	[sflag:s0] =	ssyncset.done $0x0  }
0x1e: {  	s1 =	simm.s32 $0x3;
	[sflag:s0] =	ssyncadd.s32 $0xFFFFFC00  }
0x1f: {  	_ =	swait.ge [sflag:s1], $0x400  }
0x20: {  	[sflag:s1] =	ssyncset.done $0x0  }
0x21: {  	[sflag:s1] =	ssyncadd.s32 $0xFFFFFC00  }
0x22: {  	_ =	swait.ge [sflag:s1], $0x400  }
0x23: {  	[sflag:s1] =	ssyncset.done $0x0  }
0x24: {  	[sflag:s1] =	ssyncadd.s32 $0xFFFFFC00  }
0x25: {  	_ =	swait.ge [sflag:s1], $0x400  }
0x26: {  	[sflag:s1] =	ssyncset.done $0x0  }
0x27: {  	[sflag:s1] =	ssyncadd.s32 $0xFFFFFC00  }
0x28: {  	_ =	swait.ge [sflag:s1], $0x400  }
0x29: {  	s4 =	rddreg [dreg:$0xc]  }
0x2a: {  	s31 =	rddreg [dreg:$0xb];
	s4 =	sadd.s32 $0x1, s4  }
0x2b: {  	p0 =	sne.s32 s4, s31  }
.Ltmp1:
0x2c: {  	_ = 	snop;
	(pc) =	sbr.rel @!p0 .LBB2_68-.Ltmp1, $3  }
0x2d: {  	_ =	sdelay $0x1  }
0x2e: {  	[sflag:s1] =	ssyncset.done $0x0  }
0x2f: {  	s22 =	rddreg [dreg:$0x4];
	[sflag:s1] =	ssyncadd.s32 $0xFFFFFC00  }
.LBB2_1:
0x30: {  	[dreg:$0xc] =	wrdreg s4  }
0x31: {  	s0 =	rddreg [dreg:$0x3];
	s29 =	simm.s32 $0x1  }
0x32: {  	[tilespmem:s3], [sflag:$0x1] =	stream.linear.gather [hbm4b:s0+s3], $0x1A000, $0x38;
	[tilespmem:$0x1D020] =	vst v63  }
0x33: {  	_ =	swait.ge [sflag:s29], $0x1A000  }
0x34: {  	s30 =	simm.s32 $0xD00;
	[sflag:s29] =	ssyncset.done $0x0  }
0x35: {  	s31 =	simm.s32 $0xD20;
	s0 =	simm.s32 $0x0;
	[sflag:s29] =	ssyncadd.s32 $0xFFFE6000  }
.LBB2_2:
0x36: {  	p0 =	seq.s32 s0, $0x0  }
0x37: {  	s1 =	simm.s32 @!p0 $0x2  }
0x38: {  	_ =	swait.ge @!p0 [sflag:s1], $0x400  }
0x39: {  	[sflag:s1] =	ssyncset.done @!p0 $0x0  }
0x3a: {  	[sflag:s1] =	ssyncadd.s32 @!p0 $0xFFFFFC00  }
0x3b: {  	_ =	swait.ge @!p0 [sflag:s1], $0x400  }
0x3c: {  	[sflag:s1] =	ssyncset.done @!p0 $0x0  }
0x3d: {  	[sflag:s1] =	ssyncadd.s32 @!p0 $0xFFFFFC00  }
0x3e: {  	_ =	swait.ge @!p0 [sflag:s1], $0x400  }
0x3f: {  	[sflag:s1] =	ssyncset.done @!p0 $0x0  }
0x40: {  	[sflag:s1] =	ssyncadd.s32 @!p0 $0xFFFFFC00  }
0x41: {  	s9 =	simm.s32 $0x0;
	_ =	swait.ge @!p0 [sflag:s1], $0x400  }
0x42: {  	s4 =	simm.s32 $0x810;
	v2 =	vadd.s32 s9, v0;
	[sflag:s1] =	ssyncset.done @!p0 $0x0  }
0x43: {  	v3 =	vadd.s32 s4, v0;
	v2 =	vand.u32 $0xFF8, v2;
	[sflag:s1] =	ssyncadd.s32 @!p0 $0xFFFFFC00  }
0x44: {  	v3 =	vand.u32 $0x1FF8, v3;
	v2 =	vor.u32 v1, v2;
	v4 =	vld [tilespmem:s30+$0xFFFFF300]  }
0x45: {  	s15 =	simm.s32 $0x1;
	v3 =	vor.u32 v1, v3;
	v5 =	vld [tilespmem:s30+$0xFFFFF310]  }
0x46: {  	s16 =	simm.s32 $0x811;
	v7 =	vadd.s32 s15, v0;
	v6 =	vld [tilespmem:s30+$0xFFFFF640]  }
0x47: {  	s18 =	simm.s32 $0x2;
	v9 =	vadd.s32 s16, v0;
	v8 =	vld [tilespmem:s30+$0xFFFFF650]  }
0x48: {  	s19 =	simm.s32 $0x812;
	v11 =	vadd.s32 s18, v0;
	v10 =	vld [tilespmem:s30+$0xFFFFF980]  }
0x49: {  	s20 =	simm.s32 $0x3;
	[tilespmem:v2+s17+$0x0] =	vst.idx.msk $0xffff, v4;
	v2 =	vld [tilespmem:s30+$0xFFFFF990];
	v4 =	vadd.s32 s19, v0  }
0x4a: {  	s21 =	simm.s32 $0x813;
	[tilespmem:v3+s17+$0x0] =	vst.idx.msk $0xffff, v5;
	v3 =	vld [tilespmem:s30+$0xFFFFFCC0];
	v5 =	vadd.s32 s20, v0  }
0x4b: {  	s23 =	simm.s32 $0x4;
	[tilespmem:v7+s17+$0x0] =	vst.idx.msk $0xffff, v6;
	v6 =	vld [tilespmem:s30+$0xFFFFFCD0];
	v7 =	vadd.s32 s21, v0  }
0x4c: {  	s24 =	simm.s32 $0x814;
	v12 =	vadd.s32 s23, v0;
	[tilespmem:v9+s17+$0x0] =	vst.idx.msk $0xffff, v8;
	v9 =	vld [tilespmem:s30+$0x0]  }
0x4d: {  	s26 =	simm.s32 $0x5;
	v13 =	vadd.s32 s24, v0;
	[tilespmem:v11+s17+$0x0] =	vst.idx.msk $0xffff, v10;
	v10 =	vld [tilespmem:s30+$0x10]  }
0x4e: {  	s28 =	simm.s32 $0x815;
	v11 =	vadd.s32 s26, v0;
	v8 =	vld [tilespmem:s30+$0x340];
	[tilespmem:v4+s17+$0x0] =	vst.idx.msk $0xffff, v2  }
0x4f: {  	s5 =	simm.s32 $0x6;
	v2 =	vld [tilespmem:s30+$0x350];
	[tilespmem:v5+s17+$0x0] =	vst.idx.msk $0xffff, v3;
	v5 =	vadd.s32 s28, v0  }
0x50: {  	s10 =	simm.s32 $0x816;
	s29 =	simm.s32 $0x7;
	v3 =	vld [tilespmem:s30+$0x680];
	[tilespmem:v7+s17+$0x0] =	vst.idx.msk $0xffff, v6;
	v7 =	vadd.s32 s5, v0  }
0x51: {  	s12 =	simm.s32 $0x818;
	s11 =	simm.s32 $0x817;
	s4 =	simm.s32 $0x8;
	v4 =	vld [tilespmem:s30+$0x690];
	[tilespmem:v12+s17+$0x0] =	vst.idx.msk $0xffff, v9;
	v6 =	vadd.s32 s10, v0  }
0x52: {  	s1 =	sshll.u32 s0, $0x1;
	v12 =	vadd.s32 s4, v0;
	v9 =	vld [tilespmem:s30+$0x9C0];
	s10 =	simm.s32 $0x10;
	[tilespmem:v13+s17+$0x0] =	vst.idx.msk $0xffff, v10;
	v10 =	vadd.s32 s29, v0;
	s5 =	smov.u32 s30  }
.LBB2_3:
0x53: {  	p1 =	slt.u32 s10, $0x78;
	v12 =	vand.u32 $0xFF8, v12;
	v13 =	vadd.s32 s12, v0;
	[tilespmem:v11+s17+$0x0] =	vst.idx.msk $0xffff, v8;
	v8 =	vld [tilespmem:s5+$0x9D0];
	v11 =	vadd.s32 s11, v0;
	s5 =	sadd.s32 $0x1A00, s5;
	s11 =	smov.u32 s4  }
0x54: {  	s4 =	smov.u32 s10;
	v14 =	vld [tilespmem:s5+$0xFFFFF300];
	v12 =	vor.u32 v1, v12;
	v13 =	vand.u32 $0x1FF8, v13;
	[tilespmem:v5+s17+$0x0] =	vst.idx.msk $0xffff, v2  }
0x55: {  	s12 =	sadd.s32 $0x1, s11;
	v2 =	vld [tilespmem:s5+$0xFFFFF310];
	v5 =	vor.u32 v1, v13;
	[tilespmem:v7+s17+$0x0] =	vst.idx.msk $0xffff, v3  }
0x56: {  	v7 =	vadd.s32 s12, v0;
	s12 =	sadd.s32 $0x811, s11;
	v3 =	vld [tilespmem:s5+$0xFFFFF640];
	[tilespmem:v6+s17+$0x0] =	vst.idx.msk $0xffff, v4  }
0x57: {  	v6 =	vadd.s32 s12, v0;
	s12 =	sadd.s32 $0x2, s11;
	v4 =	vld [tilespmem:s5+$0xFFFFF650];
	[tilespmem:v10+s17+$0x0] =	vst.idx.msk $0xffff, v9  }
0x58: {  	v10 =	vadd.s32 s12, v0;
	s12 =	sadd.s32 $0x812, s11;
	v9 =	vld [tilespmem:s5+$0xFFFFF980];
	[tilespmem:v11+s17+$0x0] =	vst.idx.msk $0xffff, v8  }
0x59: {  	v11 =	vadd.s32 s12, v0;
	s12 =	sadd.s32 $0x3, s11;
	[tilespmem:v12+s17+$0x0] =	vst.idx.msk $0xffff, v14;
	v8 =	vld [tilespmem:s5+$0xFFFFF990]  }
0x5a: {  	[tilespmem:v5+s17+$0x0] =	vst.idx.msk $0xffff, v2;
	v2 =	vld [tilespmem:s5+$0xFFFFFCC0];
	v5 =	vadd.s32 s12, v0;
	s12 =	sadd.s32 $0x813, s11  }
0x5b: {  	[tilespmem:v7+s17+$0x0] =	vst.idx.msk $0xffff, v3;
	v3 =	vld [tilespmem:s5+$0xFFFFFCD0];
	v7 =	vadd.s32 s12, v0;
	s12 =	sadd.s32 $0x4, s11  }
0x5c: {  	[tilespmem:v6+s17+$0x0] =	vst.idx.msk $0xffff, v4;
	v4 =	vld [tilespmem:s5+$0x0];
	v6 =	vadd.s32 s12, v0;
	s12 =	sadd.s32 $0x814, s11  }
0x5d: {  	[tilespmem:v10+s17+$0x0] =	vst.idx.msk $0xffff, v9;
	v9 =	vld [tilespmem:s5+$0x10];
	v10 =	vadd.s32 s12, v0;
	s12 =	sadd.s32 $0x5, s11  }
.Ltmp2:
0x5e: {  	[tilespmem:v11+s17+$0x0] =	vst.idx.msk $0xffff, v8;
	v8 =	vld [tilespmem:s5+$0x340];
	v11 =	vadd.s32 s12, v0;
	s12 =	sadd.s32 $0x815, s11;
	(pc) =	sbr.rel @p1 .LBB2_3-.Ltmp2, $4  }
0x5f: {  	[tilespmem:v5+s17+$0x0] =	vst.idx.msk $0xffff, v2;
	v2 =	vld [tilespmem:s5+$0x350];
	v5 =	vadd.s32 s12, v0;
	s12 =	sadd.s32 $0x6, s11  }
0x60: {  	[tilespmem:v7+s17+$0x0] =	vst.idx.msk $0xffff, v3;
	v3 =	vld [tilespmem:s5+$0x680];
	v7 =	vadd.s32 s12, v0;
	s12 =	sadd.s32 $0x816, s11  }
0x61: {  	s13 =	sadd.s32 $0x7, s11;
	[tilespmem:v6+s17+$0x0] =	vst.idx.msk $0xffff, v4;
	v4 =	vld [tilespmem:s5+$0x690];
	v6 =	vadd.s32 s12, v0  }
0x62: {  	s10 =	sadd.s32 $0x8, s10;
	v12 =	vadd.s32 s4, v0;
	s11 =	sadd.s32 $0x817, s11;
	s12 =	sadd.s32 $0x810, s4;
	[tilespmem:v10+s17+$0x0] =	vst.idx.msk $0xffff, v9;
	v9 =	vld [tilespmem:s5+$0x9C0];
	v10 =	vadd.s32 s13, v0  }
0x63: {  	_ =	sdelay $0x3  }
0x64: {  	v12 =	vand.u32 $0xFF8, v12;
	v13 =	vadd.s32 s12, v0;
	[tilespmem:v11+s17+$0x0] =	vst.idx.msk $0xffff, v8;
	v8 =	vld [tilespmem:s5+$0x9D0];
	v54 =	vadd.s32 s11, v0;
	s26 =	sadd.s32 $0x1A00, s5  }
0x65: {  	v14 =	vld [tilespmem:s26+$0xFFFFF300];
	v12 =	vor.u32 v1, v12;
	v13 =	vand.u32 $0x1FF8, v13;
	[tilespmem:v5+s17+$0x0] =	vst.idx.msk $0xffff, v2  }
0x66: {  	s10 =	sadd.s32 $0x1, s4;
	v2 =	vld [tilespmem:s26+$0xFFFFF310];
	v5 =	vor.u32 v1, v13;
	[tilespmem:v7+s17+$0x0] =	vst.idx.msk $0xffff, v3  }
0x67: {  	s28 =	sadd.s32 $0x811, s4;
	v3 =	vld [tilespmem:s26+$0xFFFFF640];
	v7 =	vadd.s32 s10, v0;
	[tilespmem:v6+s17+$0x0] =	vst.idx.msk $0xffff, v4  }
0x68: {  	s29 =	sadd.s32 $0x2, s4;
	v4 =	vld [tilespmem:s26+$0xFFFFF650];
	v6 =	vadd.s32 s28, v0;
	[tilespmem:v10+s17+$0x0] =	vst.idx.msk $0xffff, v9  }
0x69: {  	s11 =	sadd.s32 $0x812, s4;
	v55 =	vld [tilespmem:s26+$0xFFFFF980];
	v56 =	vadd.s32 s29, v0;
	[tilespmem:v54+s17+$0x0] =	vst.idx.msk $0xffff, v8  }
0x6a: {  	s12 =	sadd.s32 $0x3, s4;
	v57 =	vadd.s32 s11, v0;
	v8 =	vld [tilespmem:s26+$0xFFFFF990];
	[tilespmem:v12+s17+$0x0] =	vst.idx.msk $0xffff, v14  }
0x6b: {  	s13 =	sadd.s32 $0x813, s4;
	[tilespmem:v5+s17+$0x0] =	vst.idx.msk $0xffff, v2;
	v2 =	vld [tilespmem:s26+$0xFFFFFCC0];
	v5 =	vadd.s32 s12, v0  }
0x6c: {  	s14 =	sadd.s32 $0x4, s4;
	[tilespmem:v7+s17+$0x0] =	vst.idx.msk $0xffff, v3;
	v3 =	vld [tilespmem:s26+$0xFFFFFCD0];
	v7 =	vadd.s32 s13, v0  }
0x6d: {  	s15 =	sadd.s32 $0x814, s4;
	[tilespmem:v6+s17+$0x0] =	vst.idx.msk $0xffff, v4;
	v4 =	vld [tilespmem:s26+$0x0];
	v6 =	vadd.s32 s14, v0  }
0x6e: {  	s16 =	sadd.s32 $0x5, s4;
	v58 =	vld [tilespmem:s26+$0x10];
	v59 =	vadd.s32 s15, v0;
	[tilespmem:v56+s17+$0x0] =	vst.idx.msk $0xffff, v55  }
0x6f: {  	s21 =	sadd.s32 $0x7, s4;
	v60 =	vadd.s32 s16, v0;
	[tilespmem:v57+s17+$0x0] =	vst.idx.msk $0xffff, v8;
	v8 =	vld [tilespmem:s26+$0x340]  }
0x70: {  	s18 =	sadd.s32 $0x815, s4;
	v61 =	vld [tilespmem:s26+$0x9C0];
	v62 =	vadd.s32 s21, v0;
	[tilespmem:v5+s17+$0x0] =	vst.idx.msk $0xffff, v2  }
0x71: {  	s19 =	sadd.s32 $0x6, s4;
	v2 =	vld [tilespmem:s26+$0x350];
	v5 =	vadd.s32 s18, v0;
	[tilespmem:v7+s17+$0x0] =	vst.idx.msk $0xffff, v3  }
0x72: {  	s20 =	sadd.s32 $0x816, s4;
	v3 =	vld [tilespmem:s26+$0x680];
	v7 =	vadd.s32 s19, v0;
	[tilespmem:v6+s17+$0x0] =	vst.idx.msk $0xffff, v4  }
0x73: {  	s23 =	sadd.s32 $0x817, s4;
	v4 =	vld [tilespmem:s26+$0x690];
	v6 =	vadd.s32 s20, v0;
	[tilespmem:v59+s17+$0x0] =	vst.idx.msk $0xffff, v58  }
0x74: {  	v63 =	vadd.s32 s23, v0;
	[tilespmem:v60+s17+$0x0] =	vst.idx.msk $0xffff, v8;
	v8 =	vld [tilespmem:s26+$0x9D0]  }
0x75: {  	[tilespmem:v62+s17+$0x0] =	vst.idx.msk $0xffff, v61  }
0x76: {  	[tilespmem:v5+s17+$0x0] =	vst.idx.msk $0xffff, v2  }
0x77: {  	[tilespmem:v7+s17+$0x0] =	vst.idx.msk $0xffff, v3  }
0x78: {  	[tilespmem:v6+s17+$0x0] =	vst.idx.msk $0xffff, v4  }
0x79: {  	s24 =	simm.s32 $0x1A102;
	[tilespmem:v63+s17+$0x0] =	vst.idx.msk $0xffff, v8  }
0x7a: {  	v2 =	vld [tilespmem:s24+$0x81]  }
0x7b: {  	v3 =	vld [tilespmem:s24+$0xFFFFFF7F]  }
0x7c: {  	v4 =	vld [tilespmem:s24+$0x0];
	_ =	sdelay $0x1  }
0x7d: {  	s4 =	simm.s32 $0x1B120;
	s26 =	simm.s32 $0x183  }
0x7e: {  	s28 =	simm.s32 $0x81;
	s18 =	sand.u32 $0xFFF, s26;
	v5 =	vld [tilespmem:s24+$0xFFFFFEFE];
	[tilespmem:s4+$0x80] =	vst v2  }
0x7f: {  	s29 =	simm.s32 $0x102;
	s15 =	sand.u32 $0xFFD, s28;
	[tilespmem:s4+$0xFFFFFF80] =	vst v3;
	v2 =	vld [tilespmem:s18+$0x1A010]  }
0x80: {  	s14 =	sand.u32 $0xFFE, s29;
	[tilespmem:s4+$0x0] =	vst v4;
	v3 =	vld [tilespmem:s15+$0x1A010]  }
0x81: {  	v4 =	vld [tilespmem:s14+$0x1A010];
	_ =	sdelay $0x1  }
0x82: {  	s16 =	sand.u32 $0xFFC, s9;
	[tilespmem:s4+$0xFFFFFF00] =	vst v5  }
0x83: {  	v5 =	vld [tilespmem:s16+$0x1A010];
	[tilespmem:s4+$0x90] =	vst v2  }
0x84: {  	[tilespmem:s4+$0xFFFFFF90] =	vst v3;
	v2 =	vld [tilespmem:s18+$0x1A020]  }
0x85: {  	[tilespmem:s4+$0x10] =	vst v4;
	v3 =	vld [tilespmem:s15+$0x1A020]  }
0x86: {  	v4 =	vld [tilespmem:s14+$0x1A020];
	_ =	sdelay $0x1  }
0x87: {  	[tilespmem:s4+$0xFFFFFF10] =	vst v5  }
0x88: {  	v5 =	vld [tilespmem:s16+$0x1A020];
	[tilespmem:s4+$0xA0] =	vst v2  }
0x89: {  	[tilespmem:s4+$0xFFFFFFA0] =	vst v3;
	v2 =	vld [tilespmem:s18+$0x1A030]  }
0x8a: {  	[tilespmem:s4+$0x20] =	vst v4;
	v3 =	vld [tilespmem:s15+$0x1A030]  }
0x8b: {  	v4 =	vld [tilespmem:s14+$0x1A030];
	_ =	sdelay $0x1  }
0x8c: {  	[tilespmem:s4+$0xFFFFFF20] =	vst v5  }
0x8d: {  	v5 =	vld [tilespmem:s16+$0x1A030];
	[tilespmem:s4+$0xB0] =	vst v2  }
0x8e: {  	[tilespmem:s4+$0xFFFFFFB0] =	vst v3;
	v3 =	vld [tilespmem:s18+$0x1A040]  }
0x8f: {  	[tilespmem:s4+$0x30] =	vst v4;
	v6 =	vld [tilespmem:s15+$0x1A040]  }
0x90: {  	p2 =	por $0x1, $0x1;
	v7 =	vld [tilespmem:s14+$0x1A040]  }
.Ltmp3:
0x91: {  	_ = 	snop;
	(pc) =	sbr.rel @!p2 .LBB2_5-.Ltmp3, $4  }
0x92: {  	[tilespmem:s4+$0xFFFFFF30] =	vst v5  }
0x93: {  	v2 =	vld [tilespmem:s16+$0x1A040];
	[tilespmem:s4+$0xC0] =	vst v3  }
0x94: {  	[tilespmem:s4+$0xFFFFFFC0] =	vst v6;
	v6 =	vld [tilespmem:s18+$0x1A050]  }
0x95: {  	s5 =	simm.s32 $0x1A306;
	p1 =	por $0x0, $0x0;
	[tilespmem:s4+$0x40] =	vst v7;
	v4 =	vld [tilespmem:s15+$0x1A050]  }
0x96: {  	v3 =	vld [tilespmem:s5+$0x81]  }
0x97: {  	v5 =	vld [tilespmem:s5+$0xFFFFFF7F]  }
0x98: {  	[tilespmem:s4+$0xFFFFFF40] =	vst v2;
	v2 =	vld [tilespmem:s5+$0x0]  }
0x99: {  	v7 =	vld [tilespmem:s5+$0xFFFFFEFE];
	[tilespmem:s4+$0xD0] =	vst v6  }
0x9a: {  	s28 =	simm.s32 $0x387;
	s9 =	simm.s32 $0x1B320;
	[tilespmem:s4+$0xFFFFFFD0] =	vst v4;
	v4 =	vld [tilespmem:s18+$0x1A060]  }
0x9b: {  	s11 =	simm.s32 $0x285;
	s10 =	sand.u32 $0xFFF, s28;
	[tilespmem:s9+$0x80] =	vst v3;
	v3 =	vld [tilespmem:s16+$0x1A050]  }
0x9c: {  	s29 =	simm.s32 $0x306;
	s5 =	sand.u32 $0xFFD, s11;
	[tilespmem:s9+$0xFFFFFF80] =	vst v5;
	v5 =	vld [tilespmem:s10+$0x1A010]  }
0x9d: {  	s12 =	simm.s32 $0x204;
	s11 =	sand.u32 $0xFFE, s29;
	v6 =	vld [tilespmem:s5+$0x1A010];
	[tilespmem:s9+$0x0] =	vst v2  }
0x9e: {  	s13 =	sand.u32 $0xFFC, s12;
	[tilespmem:s9+$0xFFFFFF00] =	vst v7;
	v2 =	vld [tilespmem:s11+$0x1A010]  }
0x9f: {  	v7 =	vld [tilespmem:s13+$0x1A010];
	[tilespmem:s4+$0xE0] =	vst v4  }
0xa0: {  	v4 =	vld [tilespmem:s14+$0x1A050];
	[tilespmem:s4+$0xFFFFFF50] =	vst v3  }
0xa1: {  	v3 =	vld [tilespmem:s18+$0x1A070];
	[tilespmem:s9+$0x90] =	vst v5  }
0xa2: {  	[tilespmem:s9+$0xFFFFFF90] =	vst v6;
	v5 =	vld [tilespmem:s10+$0x1A020]  }
0xa3: {  	v6 =	vld [tilespmem:s5+$0x1A020];
	[tilespmem:s9+$0x10] =	vst v2  }
0xa4: {  	[tilespmem:s9+$0xFFFFFF10] =	vst v7;
	v2 =	vld [tilespmem:s11+$0x1A020]  }
0xa5: {  	v7 =	vld [tilespmem:s13+$0x1A020];
	[tilespmem:s4+$0x50] =	vst v4  }
0xa6: {  	v4 =	vld [tilespmem:s15+$0x1A060];
	[tilespmem:s4+$0xF0] =	vst v3  }
0xa7: {  	v3 =	vld [tilespmem:s16+$0x1A060];
	[tilespmem:s9+$0xA0] =	vst v5  }
0xa8: {  	[tilespmem:s9+$0xFFFFFFA0] =	vst v6;
	v5 =	vld [tilespmem:s10+$0x1A030]  }
0xa9: {  	v6 =	vld [tilespmem:s5+$0x1A030];
	[tilespmem:s9+$0x20] =	vst v2  }
0xaa: {  	[tilespmem:s9+$0xFFFFFF20] =	vst v7;
	v2 =	vld [tilespmem:s11+$0x1A030]  }
0xab: {  	v7 =	vld [tilespmem:s13+$0x1A030];
	[tilespmem:s4+$0xFFFFFFE0] =	vst v4  }
0xac: {  	[tilespmem:s4+$0xFFFFFF60] =	vst v3;
	v3 =	vld [tilespmem:s14+$0x1A060]  }
0xad: {  	v4 =	vld [tilespmem:s16+$0x1A070];
	[tilespmem:s9+$0xB0] =	vst v5  }
0xae: {  	[tilespmem:s9+$0xFFFFFFB0] =	vst v6;
	v5 =	vld [tilespmem:s10+$0x1A040]  }
0xaf: {  	v6 =	vld [tilespmem:s5+$0x1A040];
	[tilespmem:s9+$0x30] =	vst v2  }
0xb0: {  	p2 =	por $0x1, $0x1;
	[tilespmem:s9+$0xFFFFFF30] =	vst v7;
	v7 =	vld [tilespmem:s11+$0x1A040]  }
.Ltmp4:
0xb1: {  	v2 =	vld [tilespmem:s13+$0x1A040];
	[tilespmem:s4+$0x60] =	vst v3;
	(pc) =	sbr.rel @!p2 .LBB2_7-.Ltmp4, $4  }
0xb2: {  	v3 =	vld [tilespmem:s15+$0x1A070];
	[tilespmem:s4+$0xFFFFFF70] =	vst v4  }
0xb3: {  	[tilespmem:s9+$0xC0] =	vst v5;
	v5 =	vld [tilespmem:s14+$0x1A070]  }
0xb4: {  	[tilespmem:s9+$0xFFFFFFC0] =	vst v6;
	v6 =	vld [tilespmem:s10+$0x1A050]  }
0xb5: {  	p1 =	por $0x1, $0x1;
	s15 =	simm.s32 $0x1A50A;
	s14 =	simm.s32 $0x4;
	v4 =	vld [tilespmem:s5+$0x1A050];
	[tilespmem:s9+$0x40] =	vst v7  }
.LBB2_8:
0xb6: {  	v7 =	vld [tilespmem:s15+$0x81];
	s14 =	sadd.s32 $0x4, s14;
	[tilespmem:s9+$0xFFFFFF40] =	vst v2  }
0xb7: {  	v2 =	vld [tilespmem:s15+$0xFFFFFF7F];
	p2 =	slt.u32 s14, $0x1C;
	[tilespmem:s4+$0xFFFFFFF0] =	vst v3  }
0xb8: {  	v3 =	vld [tilespmem:s15+$0x0];
	[tilespmem:s4+$0x70] =	vst v5;
	s4 =	smov.u32 s9  }
0xb9: {  	s12 =	sadd.s32 $0x204, s12;
	v5 =	vld [tilespmem:s15+$0xFFFFFEFE];
	[tilespmem:s9+$0xD0] =	vst v6  }
0xba: {  	s16 =	sadd.s32 $0x81, s12;
	s18 =	sadd.s32 $0x183, s12;
	s9 =	sadd.s32 $0x200, s9;
	[tilespmem:s4+$0xFFFFFFD0] =	vst v4;
	v4 =	vld [tilespmem:s10+$0x1A060]  }
0xbb: {  	s19 =	sadd.s32 $0x102, s12;
	s16 =	sand.u32 $0xFFD, s16;
	s20 =	sand.u32 $0xFFF, s18;
	[tilespmem:s9+$0x80] =	vst v7;
	v6 =	vld [tilespmem:s13+$0x1A050]  }
0xbc: {  	s21 =	sand.u32 $0xFFC, s12;
	s18 =	sand.u32 $0xFFE, s19;
	[tilespmem:s9+$0xFFFFFF80] =	vst v2;
	v2 =	vld [tilespmem:s20+$0x1A010]  }
0xbd: {  	v7 =	vld [tilespmem:s16+$0x1A010];
	[tilespmem:s9+$0x0] =	vst v3  }
0xbe: {  	[tilespmem:s9+$0xFFFFFF00] =	vst v5;
	v3 =	vld [tilespmem:s18+$0x1A010]  }
0xbf: {  	v5 =	vld [tilespmem:s21+$0x1A010];
	[tilespmem:s4+$0xE0] =	vst v4  }
0xc0: {  	[tilespmem:s4+$0xFFFFFF50] =	vst v6;
	v4 =	vld [tilespmem:s10+$0x1A070];
	s10 =	smov.u32 s20  }
0xc1: {  	[tilespmem:s9+$0x90] =	vst v2;
	v2 =	vld [tilespmem:s11+$0x1A050]  }
0xc2: {  	[tilespmem:s9+$0xFFFFFF90] =	vst v7;
	v6 =	vld [tilespmem:s10+$0x1A020]  }
0xc3: {  	v7 =	vld [tilespmem:s16+$0x1A020];
	[tilespmem:s9+$0x10] =	vst v3  }
0xc4: {  	[tilespmem:s9+$0xFFFFFF10] =	vst v5;
	v3 =	vld [tilespmem:s18+$0x1A020]  }
0xc5: {  	v5 =	vld [tilespmem:s21+$0x1A020];
	[tilespmem:s4+$0xF0] =	vst v4  }
0xc6: {  	v4 =	vld [tilespmem:s13+$0x1A060];
	[tilespmem:s4+$0x50] =	vst v2  }
0xc7: {  	[tilespmem:s9+$0xA0] =	vst v6;
	v2 =	vld [tilespmem:s5+$0x1A060]  }
0xc8: {  	[tilespmem:s9+$0xFFFFFFA0] =	vst v7;
	v6 =	vld [tilespmem:s10+$0x1A030]  }
0xc9: {  	v7 =	vld [tilespmem:s16+$0x1A030];
	[tilespmem:s9+$0x20] =	vst v3  }
0xca: {  	[tilespmem:s9+$0xFFFFFF20] =	vst v5;
	v3 =	vld [tilespmem:s18+$0x1A030]  }
0xcb: {  	v5 =	vld [tilespmem:s21+$0x1A030];
	[tilespmem:s4+$0xFFFFFF60] =	vst v4  }
0xcc: {  	[tilespmem:s4+$0xFFFFFFE0] =	vst v2;
	v4 =	vld [tilespmem:s11+$0x1A060]  }
0xcd: {  	[tilespmem:s9+$0xB0] =	vst v6;
	v6 =	vld [tilespmem:s13+$0x1A070];
	s13 =	smov.u32 s21  }
0xce: {  	[tilespmem:s9+$0xFFFFFFB0] =	vst v7;
	v7 =	vld [tilespmem:s10+$0x1A040]  }
0xcf: {  	v8 =	vld [tilespmem:s16+$0x1A040];
	[tilespmem:s9+$0x30] =	vst v3  }
0xd0: {  	[tilespmem:s9+$0xFFFFFF30] =	vst v5;
	v9 =	vld [tilespmem:s18+$0x1A040]  }
.Ltmp5:
0xd1: {  	v2 =	vld [tilespmem:s13+$0x1A040];
	[tilespmem:s4+$0x60] =	vst v4;
	(pc) =	sbr.rel @p2 .LBB2_8-.Ltmp5, $4  }
0xd2: {  	[tilespmem:s4+$0xFFFFFF70] =	vst v6;
	v3 =	vld [tilespmem:s5+$0x1A070];
	s5 =	smov.u32 s16  }
0xd3: {  	[tilespmem:s9+$0xC0] =	vst v7;
	v5 =	vld [tilespmem:s11+$0x1A070];
	s11 =	smov.u32 s18  }
0xd4: {  	[tilespmem:s9+$0xFFFFFFC0] =	vst v8;
	v6 =	vld [tilespmem:s10+$0x1A050]  }
0xd5: {  	s15 =	sadd.s32 $0x204, s15;
	v4 =	vld [tilespmem:s5+$0x1A050];
	[tilespmem:s9+$0x40] =	vst v9  }
0xd6: {  	s18 =	smov.u32 s10  }
0xd7: {  	s16 =	smov.u32 s13;
	s14 =	smov.u32 s11;
	s15 =	smov.u32 s5  }
.LBB2_10:
0xd8: {  	[tilespmem:s9+$0xFFFFFF40] =	vst v2;
	v7 =	vld [tilespmem:s14+$0x1A050]  }
0xd9: {  	v2 =	vld [tilespmem:s16+$0x1A050];
	_ =	sdelay $0x1  }
0xda: {  	[tilespmem:s9+$0xD0] =	vst v6  }
0xdb: {  	v6 =	vld [tilespmem:s18+$0x1A060];
	[tilespmem:s9+$0xFFFFFFD0] =	vst v4  }
0xdc: {  	v4 =	vld [tilespmem:s15+$0x1A060];
	[tilespmem:s9+$0x50] =	vst v7  }
0xdd: {  	[tilespmem:s9+$0xFFFFFF50] =	vst v2;
	v7 =	vld [tilespmem:s14+$0x1A060]  }
0xde: {  	v2 =	vld [tilespmem:s16+$0x1A060]  }
0xdf: {  	[tilespmem:s4+$0xFFFFFFF0] =	vst @p1 v3  }
0xe0: {  	[tilespmem:s9+$0xE0] =	vst v6  }
0xe1: {  	v6 =	vld [tilespmem:s18+$0x1A070];
	[tilespmem:s9+$0xFFFFFFE0] =	vst v4  }
0xe2: {  	v4 =	vld [tilespmem:s15+$0x1A070];
	[tilespmem:s9+$0x60] =	vst v7  }
0xe3: {  	[tilespmem:s9+$0xFFFFFF60] =	vst v2;
	v3 =	vld [tilespmem:s14+$0x1A070]  }
0xe4: {  	v2 =	vld [tilespmem:s16+$0x1A070]  }
0xe5: {  	[tilespmem:s4+$0x70] =	vst @p1 v5  }
0xe6: {  	[tilespmem:s9+$0xF0] =	vst v6  }
0xe7: {  	s24 =	sshll.u32 s0, $0x11;
	[tilespmem:s9+$0xFFFFFFF0] =	vst v4  }
0xe8: {  	s4 =	sor.u32 s22, s24;
	[tilespmem:s9+$0x70] =	vst v3  }
0xe9: {  	s26 =	simm.s32 $0x1B020;
	s5 =	sadd.s32 s2, s4;
	[tilespmem:s9+$0xFFFFFF70] =	vst v2  }
0xea: {  	[hbm4b:s5+s3] =	stream.linear.scatter [tilespmem:s26], [sflag:$0x2], $0x400, $0x38;
	[tilespmem:$0x1D020] =	vst v63  }
0xeb: {  	s29 =	simm.s32 $0x1B420;
	s28 =	sadd.s32 s4, s6  }
0xec: {  	[hbm4b:s28+s3] =	stream.linear.scatter [tilespmem:s29], [sflag:$0x2], $0x400, $0x38;
	[tilespmem:$0x1D020] =	vst v63  }
0xed: {  	s11 =	simm.s32 $0x1B820;
	s10 =	sadd.s32 s4, s7  }
0xee: {  	[hbm4b:s10+s3] =	stream.linear.scatter [tilespmem:s11], [sflag:$0x2], $0x400, $0x38;
	[tilespmem:$0x1D020] =	vst v63  }
0xef: {  	s12 =	simm.s32 $0x1BC20;
	s4 =	sadd.s32 s4, s8  }
0xf0: {  	[hbm4b:s4+s3] =	stream.linear.scatter [tilespmem:s12], [sflag:$0x2], $0x400, $0x38;
	[tilespmem:$0x1D020] =	vst v63  }
0xf1: {  	s4 =	simm.s32 @!p0 $0x3  }
0xf2: {  	_ =	swait.ge @!p0 [sflag:s4], $0x400  }
0xf3: {  	[sflag:s4] =	ssyncset.done @!p0 $0x0  }
0xf4: {  	[sflag:s4] =	ssyncadd.s32 @!p0 $0xFFFFFC00  }
0xf5: {  	_ =	swait.ge @!p0 [sflag:s4], $0x400  }
0xf6: {  	[sflag:s4] =	ssyncset.done @!p0 $0x0  }
0xf7: {  	[sflag:s4] =	ssyncadd.s32 @!p0 $0xFFFFFC00  }
0xf8: {  	_ =	swait.ge @!p0 [sflag:s4], $0x400  }
0xf9: {  	[sflag:s4] =	ssyncset.done @!p0 $0x0  }
0xfa: {  	[sflag:s4] =	ssyncadd.s32 @!p0 $0xFFFFFC00  }
0xfb: {  	s9 =	simm.s32 $0x0;
	_ =	swait.ge @!p0 [sflag:s4], $0x400  }
0xfc: {  	s13 =	simm.s32 $0x810;
	v2 =	vadd.s32 s9, v0;
	[sflag:s4] =	ssyncset.done @!p0 $0x0  }
0xfd: {  	v3 =	vadd.s32 s13, v0;
	v2 =	vand.u32 $0xFF8, v2;
	[sflag:s4] =	ssyncadd.s32 @!p0 $0xFFFFFC00  }
0xfe: {  	v3 =	vand.u32 $0x1FF8, v3;
	v2 =	vor.u32 v1, v2;
	v4 =	vld [tilespmem:s31+$0xFFFFF300]  }
0xff: {  	s14 =	simm.s32 $0x1;
	v3 =	vor.u32 v1, v3;
	v5 =	vld [tilespmem:s31+$0xFFFFF310]  }
0x100: {  	s15 =	simm.s32 $0x811;
	v7 =	vadd.s32 s14, v0;
	v6 =	vld [tilespmem:s31+$0xFFFFF640]  }
0x101: {  	v9 =	vadd.s32 s15, v0;
	s16 =	simm.s32 $0x2;
	v8 =	vld [tilespmem:s31+$0xFFFFF650]  }
0x102: {  	s18 =	simm.s32 $0x812;
	v11 =	vadd.s32 s16, v0;
	v10 =	vld [tilespmem:s31+$0xFFFFF980]  }
0x103: {  	s19 =	simm.s32 $0x3;
	[tilespmem:v2+s17+$0x0] =	vst.idx.msk $0xffff, v4;
	v2 =	vld [tilespmem:s31+$0xFFFFF990];
	v4 =	vadd.s32 s18, v0  }
0x104: {  	s20 =	simm.s32 $0x813;
	[tilespmem:v3+s17+$0x0] =	vst.idx.msk $0xffff, v5;
	v3 =	vld [tilespmem:s31+$0xFFFFFCC0];
	v5 =	vadd.s32 s19, v0  }
0x105: {  	s21 =	simm.s32 $0x4;
	[tilespmem:v7+s17+$0x0] =	vst.idx.msk $0xffff, v6;
	v6 =	vld [tilespmem:s31+$0xFFFFFCD0];
	v7 =	vadd.s32 s20, v0  }
0x106: {  	s23 =	simm.s32 $0x814;
	v12 =	vadd.s32 s21, v0;
	[tilespmem:v9+s17+$0x0] =	vst.idx.msk $0xffff, v8;
	v9 =	vld [tilespmem:s31+$0x0]  }
0x107: {  	v13 =	vadd.s32 s23, v0;
	s24 =	simm.s32 $0x5;
	[tilespmem:v11+s17+$0x0] =	vst.idx.msk $0xffff, v10;
	v10 =	vld [tilespmem:s31+$0x10]  }
0x108: {  	s26 =	simm.s32 $0x815;
	v11 =	vadd.s32 s24, v0;
	v8 =	vld [tilespmem:s31+$0x340];
	[tilespmem:v4+s17+$0x0] =	vst.idx.msk $0xffff, v2  }
0x109: {  	s28 =	simm.s32 $0x6;
	v2 =	vld [tilespmem:s31+$0x350];
	[tilespmem:v5+s17+$0x0] =	vst.idx.msk $0xffff, v3;
	v5 =	vadd.s32 s26, v0  }
0x10a: {  	s1 =	sor.u32 $0x1, s1;
	s10 =	simm.s32 $0x816;
	v3 =	vld [tilespmem:s31+$0x680];
	[tilespmem:v7+s17+$0x0] =	vst.idx.msk $0xffff, v6;
	v7 =	vadd.s32 s28, v0  }
0x10b: {  	s5 =	smov.u32 s31;
	s29 =	simm.s32 $0x7;
	s4 =	simm.s32 $0x8;
	v4 =	vld [tilespmem:s31+$0x690];
	[tilespmem:v12+s17+$0x0] =	vst.idx.msk $0xffff, v9;
	v6 =	vadd.s32 s10, v0  }
0x10c: {  	s11 =	simm.s32 $0x817;
	s12 =	simm.s32 $0x818;
	v12 =	vadd.s32 s4, v0;
	v9 =	vld [tilespmem:s31+$0x9C0];
	s10 =	simm.s32 $0x10;
	[tilespmem:v13+s17+$0x0] =	vst.idx.msk $0xffff, v10;
	v10 =	vadd.s32 s29, v0  }
.LBB2_11:
0x10d: {  	p0 =	slt.u32 s10, $0x78;
	v12 =	vand.u32 $0xFF8, v12;
	v13 =	vadd.s32 s12, v0;
	[tilespmem:v11+s17+$0x0] =	vst.idx.msk $0xffff, v8;
	v8 =	vld [tilespmem:s5+$0x9D0];
	v11 =	vadd.s32 s11, v0;
	s5 =	sadd.s32 $0x1A00, s5;
	s11 =	smov.u32 s4  }
0x10e: {  	s4 =	smov.u32 s10;
	v14 =	vld [tilespmem:s5+$0xFFFFF300];
	v12 =	vor.u32 v1, v12;
	v13 =	vand.u32 $0x1FF8, v13;
	[tilespmem:v5+s17+$0x0] =	vst.idx.msk $0xffff, v2  }
0x10f: {  	s12 =	sadd.s32 $0x1, s11;
	v2 =	vld [tilespmem:s5+$0xFFFFF310];
	v5 =	vor.u32 v1, v13;
	[tilespmem:v7+s17+$0x0] =	vst.idx.msk $0xffff, v3  }
0x110: {  	v7 =	vadd.s32 s12, v0;
	s12 =	sadd.s32 $0x811, s11;
	v3 =	vld [tilespmem:s5+$0xFFFFF640];
	[tilespmem:v6+s17+$0x0] =	vst.idx.msk $0xffff, v4  }
0x111: {  	v6 =	vadd.s32 s12, v0;
	s12 =	sadd.s32 $0x2, s11;
	v4 =	vld [tilespmem:s5+$0xFFFFF650];
	[tilespmem:v10+s17+$0x0] =	vst.idx.msk $0xffff, v9  }
0x112: {  	v10 =	vadd.s32 s12, v0;
	s12 =	sadd.s32 $0x812, s11;
	v9 =	vld [tilespmem:s5+$0xFFFFF980];
	[tilespmem:v11+s17+$0x0] =	vst.idx.msk $0xffff, v8  }
0x113: {  	v11 =	vadd.s32 s12, v0;
	s12 =	sadd.s32 $0x3, s11;
	[tilespmem:v12+s17+$0x0] =	vst.idx.msk $0xffff, v14;
	v8 =	vld [tilespmem:s5+$0xFFFFF990]  }
0x114: {  	[tilespmem:v5+s17+$0x0] =	vst.idx.msk $0xffff, v2;
	v2 =	vld [tilespmem:s5+$0xFFFFFCC0];
	v5 =	vadd.s32 s12, v0;
	s12 =	sadd.s32 $0x813, s11  }
0x115: {  	[tilespmem:v7+s17+$0x0] =	vst.idx.msk $0xffff, v3;
	v3 =	vld [tilespmem:s5+$0xFFFFFCD0];
	v7 =	vadd.s32 s12, v0;
	s12 =	sadd.s32 $0x4, s11  }
0x116: {  	[tilespmem:v6+s17+$0x0] =	vst.idx.msk $0xffff, v4;
	v4 =	vld [tilespmem:s5+$0x0];
	v6 =	vadd.s32 s12, v0;
	s12 =	sadd.s32 $0x814, s11  }
0x117: {  	[tilespmem:v10+s17+$0x0] =	vst.idx.msk $0xffff, v9;
	v9 =	vld [tilespmem:s5+$0x10];
	v10 =	vadd.s32 s12, v0;
	s12 =	sadd.s32 $0x5, s11  }
.Ltmp6:
0x118: {  	[tilespmem:v11+s17+$0x0] =	vst.idx.msk $0xffff, v8;
	v8 =	vld [tilespmem:s5+$0x340];
	v11 =	vadd.s32 s12, v0;
	s12 =	sadd.s32 $0x815, s11;
	(pc) =	sbr.rel @p0 .LBB2_11-.Ltmp6, $4  }
0x119: {  	[tilespmem:v5+s17+$0x0] =	vst.idx.msk $0xffff, v2;
	v2 =	vld [tilespmem:s5+$0x350];
	v5 =	vadd.s32 s12, v0;
	s12 =	sadd.s32 $0x6, s11  }
0x11a: {  	[tilespmem:v7+s17+$0x0] =	vst.idx.msk $0xffff, v3;
	v3 =	vld [tilespmem:s5+$0x680];
	v7 =	vadd.s32 s12, v0;
	s12 =	sadd.s32 $0x816, s11  }
0x11b: {  	s13 =	sadd.s32 $0x7, s11;
	[tilespmem:v6+s17+$0x0] =	vst.idx.msk $0xffff, v4;
	v4 =	vld [tilespmem:s5+$0x690];
	v6 =	vadd.s32 s12, v0  }
0x11c: {  	s10 =	sadd.s32 $0x8, s10;
	v12 =	vadd.s32 s4, v0;
	s11 =	sadd.s32 $0x817, s11;
	s12 =	sadd.s32 $0x810, s4;
	[tilespmem:v10+s17+$0x0] =	vst.idx.msk $0xffff, v9;
	v9 =	vld [tilespmem:s5+$0x9C0];
	v10 =	vadd.s32 s13, v0  }
0x11d: {  	_ =	sdelay $0x3  }
0x11e: {  	v12 =	vand.u32 $0xFF8, v12;
	v13 =	vadd.s32 s12, v0;
	[tilespmem:v11+s17+$0x0] =	vst.idx.msk $0xffff, v8;
	v8 =	vld [tilespmem:s5+$0x9D0];
	v54 =	vadd.s32 s11, v0;
	s26 =	sadd.s32 $0x1A00, s5  }
0x11f: {  	v14 =	vld [tilespmem:s26+$0xFFFFF300];
	v12 =	vor.u32 v1, v12;
	v13 =	vand.u32 $0x1FF8, v13;
	[tilespmem:v5+s17+$0x0] =	vst.idx.msk $0xffff, v2  }
0x120: {  	s10 =	sadd.s32 $0x1, s4;
	v2 =	vld [tilespmem:s26+$0xFFFFF310];
	v5 =	vor.u32 v1, v13;
	[tilespmem:v7+s17+$0x0] =	vst.idx.msk $0xffff, v3  }
0x121: {  	s28 =	sadd.s32 $0x811, s4;
	v3 =	vld [tilespmem:s26+$0xFFFFF640];
	v7 =	vadd.s32 s10, v0;
	[tilespmem:v6+s17+$0x0] =	vst.idx.msk $0xffff, v4  }
0x122: {  	s29 =	sadd.s32 $0x2, s4;
	v4 =	vld [tilespmem:s26+$0xFFFFF650];
	v6 =	vadd.s32 s28, v0;
	[tilespmem:v10+s17+$0x0] =	vst.idx.msk $0xffff, v9  }
0x123: {  	s11 =	sadd.s32 $0x812, s4;
	v55 =	vld [tilespmem:s26+$0xFFFFF980];
	v56 =	vadd.s32 s29, v0;
	[tilespmem:v54+s17+$0x0] =	vst.idx.msk $0xffff, v8  }
0x124: {  	s12 =	sadd.s32 $0x3, s4;
	v57 =	vadd.s32 s11, v0;
	v8 =	vld [tilespmem:s26+$0xFFFFF990];
	[tilespmem:v12+s17+$0x0] =	vst.idx.msk $0xffff, v14  }
0x125: {  	s13 =	sadd.s32 $0x813, s4;
	[tilespmem:v5+s17+$0x0] =	vst.idx.msk $0xffff, v2;
	v2 =	vld [tilespmem:s26+$0xFFFFFCC0];
	v5 =	vadd.s32 s12, v0  }
0x126: {  	s14 =	sadd.s32 $0x4, s4;
	[tilespmem:v7+s17+$0x0] =	vst.idx.msk $0xffff, v3;
	v3 =	vld [tilespmem:s26+$0xFFFFFCD0];
	v7 =	vadd.s32 s13, v0  }
0x127: {  	s15 =	sadd.s32 $0x814, s4;
	[tilespmem:v6+s17+$0x0] =	vst.idx.msk $0xffff, v4;
	v4 =	vld [tilespmem:s26+$0x0];
	v6 =	vadd.s32 s14, v0  }
0x128: {  	s16 =	sadd.s32 $0x5, s4;
	v58 =	vld [tilespmem:s26+$0x10];
	v59 =	vadd.s32 s15, v0;
	[tilespmem:v56+s17+$0x0] =	vst.idx.msk $0xffff, v55  }
0x129: {  	s21 =	sadd.s32 $0x7, s4;
	v60 =	vadd.s32 s16, v0;
	[tilespmem:v57+s17+$0x0] =	vst.idx.msk $0xffff, v8;
	v8 =	vld [tilespmem:s26+$0x340]  }
0x12a: {  	s18 =	sadd.s32 $0x815, s4;
	v61 =	vld [tilespmem:s26+$0x9C0];
	v62 =	vadd.s32 s21, v0;
	[tilespmem:v5+s17+$0x0] =	vst.idx.msk $0xffff, v2  }
0x12b: {  	s19 =	sadd.s32 $0x6, s4;
	v2 =	vld [tilespmem:s26+$0x350];
	v5 =	vadd.s32 s18, v0;
	[tilespmem:v7+s17+$0x0] =	vst.idx.msk $0xffff, v3  }
0x12c: {  	s20 =	sadd.s32 $0x816, s4;
	v3 =	vld [tilespmem:s26+$0x680];
	v7 =	vadd.s32 s19, v0;
	[tilespmem:v6+s17+$0x0] =	vst.idx.msk $0xffff, v4  }
0x12d: {  	s23 =	sadd.s32 $0x817, s4;
	v4 =	vld [tilespmem:s26+$0x690];
	v6 =	vadd.s32 s20, v0;
	[tilespmem:v59+s17+$0x0] =	vst.idx.msk $0xffff, v58  }
0x12e: {  	v63 =	vadd.s32 s23, v0;
	[tilespmem:v60+s17+$0x0] =	vst.idx.msk $0xffff, v8;
	v8 =	vld [tilespmem:s26+$0x9D0]  }
0x12f: {  	[tilespmem:v62+s17+$0x0] =	vst.idx.msk $0xffff, v61  }
0x130: {  	[tilespmem:v5+s17+$0x0] =	vst.idx.msk $0xffff, v2  }
0x131: {  	[tilespmem:v7+s17+$0x0] =	vst.idx.msk $0xffff, v3  }
0x132: {  	[tilespmem:v6+s17+$0x0] =	vst.idx.msk $0xffff, v4  }
0x133: {  	s24 =	simm.s32 $0x1A102;
	[tilespmem:v63+s17+$0x0] =	vst.idx.msk $0xffff, v8  }
0x134: {  	v2 =	vld [tilespmem:s24+$0x81]  }
0x135: {  	v3 =	vld [tilespmem:s24+$0xFFFFFF7F]  }
0x136: {  	v4 =	vld [tilespmem:s24+$0x0];
	_ =	sdelay $0x1  }
0x137: {  	s4 =	simm.s32 $0x1C210;
	s26 =	simm.s32 $0x183  }
0x138: {  	s28 =	simm.s32 $0x81;
	s18 =	sand.u32 $0xFFF, s26;
	v5 =	vld [tilespmem:s24+$0xFFFFFEFE];
	[tilespmem:s4+$0xFFFFFF90] =	vst v2  }
0x139: {  	s29 =	simm.s32 $0x102;
	s15 =	sand.u32 $0xFFD, s28;
	[tilespmem:s4+$0xFFFFFE90] =	vst v3;
	v2 =	vld [tilespmem:s18+$0x1A010]  }
0x13a: {  	s14 =	sand.u32 $0xFFE, s29;
	[tilespmem:s4+$0xFFFFFF10] =	vst v4;
	v3 =	vld [tilespmem:s15+$0x1A010]  }
0x13b: {  	v4 =	vld [tilespmem:s14+$0x1A010];
	_ =	sdelay $0x1  }
0x13c: {  	s16 =	sand.u32 $0xFFC, s9;
	[tilespmem:s4+$0xFFFFFE10] =	vst v5  }
0x13d: {  	v5 =	vld [tilespmem:s16+$0x1A010];
	[tilespmem:s4+$0xFFFFFFA0] =	vst v2  }
0x13e: {  	[tilespmem:s4+$0xFFFFFEA0] =	vst v3;
	v2 =	vld [tilespmem:s18+$0x1A020]  }
0x13f: {  	[tilespmem:s4+$0xFFFFFF20] =	vst v4;
	v3 =	vld [tilespmem:s15+$0x1A020]  }
0x140: {  	v4 =	vld [tilespmem:s14+$0x1A020];
	_ =	sdelay $0x1  }
0x141: {  	[tilespmem:s4+$0xFFFFFE20] =	vst v5  }
0x142: {  	v5 =	vld [tilespmem:s16+$0x1A020];
	[tilespmem:s4+$0xFFFFFFB0] =	vst v2  }
0x143: {  	[tilespmem:s4+$0xFFFFFEB0] =	vst v3;
	v2 =	vld [tilespmem:s18+$0x1A030]  }
0x144: {  	[tilespmem:s4+$0xFFFFFF30] =	vst v4;
	v3 =	vld [tilespmem:s15+$0x1A030]  }
0x145: {  	v4 =	vld [tilespmem:s14+$0x1A030];
	_ =	sdelay $0x1  }
0x146: {  	[tilespmem:s4+$0xFFFFFE30] =	vst v5  }
0x147: {  	v5 =	vld [tilespmem:s16+$0x1A030];
	[tilespmem:s4+$0xFFFFFFC0] =	vst v2  }
0x148: {  	[tilespmem:s4+$0xFFFFFEC0] =	vst v3;
	v3 =	vld [tilespmem:s18+$0x1A040]  }
0x149: {  	[tilespmem:s4+$0xFFFFFF40] =	vst v4;
	v6 =	vld [tilespmem:s15+$0x1A040]  }
0x14a: {  	p1 =	por $0x1, $0x1;
	v7 =	vld [tilespmem:s14+$0x1A040]  }
.Ltmp7:
0x14b: {  	_ = 	snop;
	(pc) =	sbr.rel @!p1 .LBB2_13-.Ltmp7, $4  }
0x14c: {  	[tilespmem:s4+$0xFFFFFE40] =	vst v5  }
0x14d: {  	v2 =	vld [tilespmem:s16+$0x1A040];
	[tilespmem:s4+$0xFFFFFFD0] =	vst v3  }
0x14e: {  	[tilespmem:s4+$0xFFFFFED0] =	vst v6;
	v6 =	vld [tilespmem:s18+$0x1A050]  }
0x14f: {  	s5 =	simm.s32 $0x1A306;
	p0 =	por $0x0, $0x0;
	[tilespmem:s4+$0xFFFFFF50] =	vst v7;
	v4 =	vld [tilespmem:s15+$0x1A050]  }
0x150: {  	v3 =	vld [tilespmem:s5+$0x81]  }
0x151: {  	v5 =	vld [tilespmem:s5+$0xFFFFFF7F]  }
0x152: {  	[tilespmem:s4+$0xFFFFFE50] =	vst v2;
	v2 =	vld [tilespmem:s5+$0x0]  }
0x153: {  	v7 =	vld [tilespmem:s5+$0xFFFFFEFE];
	[tilespmem:s4+$0xFFFFFFE0] =	vst v6  }
0x154: {  	s28 =	simm.s32 $0x387;
	s9 =	simm.s32 $0x1C410;
	[tilespmem:s4+$0xFFFFFEE0] =	vst v4;
	v4 =	vld [tilespmem:s18+$0x1A060]  }
0x155: {  	s11 =	simm.s32 $0x285;
	s10 =	sand.u32 $0xFFF, s28;
	[tilespmem:s9+$0xFFFFFF90] =	vst v3;
	v3 =	vld [tilespmem:s16+$0x1A050]  }
0x156: {  	s29 =	simm.s32 $0x306;
	s5 =	sand.u32 $0xFFD, s11;
	[tilespmem:s9+$0xFFFFFE90] =	vst v5;
	v5 =	vld [tilespmem:s10+$0x1A010]  }
0x157: {  	s12 =	simm.s32 $0x204;
	s11 =	sand.u32 $0xFFE, s29;
	v6 =	vld [tilespmem:s5+$0x1A010];
	[tilespmem:s9+$0xFFFFFF10] =	vst v2  }
0x158: {  	s13 =	sand.u32 $0xFFC, s12;
	[tilespmem:s9+$0xFFFFFE10] =	vst v7;
	v2 =	vld [tilespmem:s11+$0x1A010]  }
0x159: {  	v7 =	vld [tilespmem:s13+$0x1A010];
	[tilespmem:s4+$0xFFFFFFF0] =	vst v4  }
0x15a: {  	v4 =	vld [tilespmem:s14+$0x1A050];
	[tilespmem:s4+$0xFFFFFE60] =	vst v3  }
0x15b: {  	v3 =	vld [tilespmem:s18+$0x1A070];
	[tilespmem:s9+$0xFFFFFFA0] =	vst v5  }
0x15c: {  	[tilespmem:s9+$0xFFFFFEA0] =	vst v6;
	v5 =	vld [tilespmem:s10+$0x1A020]  }
0x15d: {  	v6 =	vld [tilespmem:s5+$0x1A020];
	[tilespmem:s9+$0xFFFFFF20] =	vst v2  }
0x15e: {  	[tilespmem:s9+$0xFFFFFE20] =	vst v7;
	v2 =	vld [tilespmem:s11+$0x1A020]  }
0x15f: {  	v7 =	vld [tilespmem:s13+$0x1A020];
	[tilespmem:s4+$0xFFFFFF60] =	vst v4  }
0x160: {  	v4 =	vld [tilespmem:s15+$0x1A060];
	[tilespmem:s4+$0x0] =	vst v3  }
0x161: {  	v3 =	vld [tilespmem:s16+$0x1A060];
	[tilespmem:s9+$0xFFFFFFB0] =	vst v5  }
0x162: {  	[tilespmem:s9+$0xFFFFFEB0] =	vst v6;
	v5 =	vld [tilespmem:s10+$0x1A030]  }
0x163: {  	v6 =	vld [tilespmem:s5+$0x1A030];
	[tilespmem:s9+$0xFFFFFF30] =	vst v2  }
0x164: {  	[tilespmem:s9+$0xFFFFFE30] =	vst v7;
	v2 =	vld [tilespmem:s11+$0x1A030]  }
0x165: {  	v7 =	vld [tilespmem:s13+$0x1A030];
	[tilespmem:s4+$0xFFFFFEF0] =	vst v4  }
0x166: {  	[tilespmem:s4+$0xFFFFFE70] =	vst v3;
	v3 =	vld [tilespmem:s14+$0x1A060]  }
0x167: {  	v4 =	vld [tilespmem:s16+$0x1A070];
	[tilespmem:s9+$0xFFFFFFC0] =	vst v5  }
0x168: {  	[tilespmem:s9+$0xFFFFFEC0] =	vst v6;
	v5 =	vld [tilespmem:s10+$0x1A040]  }
0x169: {  	v6 =	vld [tilespmem:s5+$0x1A040];
	[tilespmem:s9+$0xFFFFFF40] =	vst v2  }
0x16a: {  	p1 =	por $0x1, $0x1;
	[tilespmem:s9+$0xFFFFFE40] =	vst v7;
	v7 =	vld [tilespmem:s11+$0x1A040]  }
.Ltmp8:
0x16b: {  	v2 =	vld [tilespmem:s13+$0x1A040];
	[tilespmem:s4+$0xFFFFFF70] =	vst v3;
	(pc) =	sbr.rel @!p1 .LBB2_15-.Ltmp8, $4  }
0x16c: {  	v3 =	vld [tilespmem:s15+$0x1A070];
	[tilespmem:s4+$0xFFFFFE80] =	vst v4  }
0x16d: {  	[tilespmem:s9+$0xFFFFFFD0] =	vst v5;
	v5 =	vld [tilespmem:s14+$0x1A070]  }
0x16e: {  	[tilespmem:s9+$0xFFFFFED0] =	vst v6;
	v6 =	vld [tilespmem:s10+$0x1A050]  }
0x16f: {  	p0 =	por $0x1, $0x1;
	s15 =	simm.s32 $0x1A50A;
	s14 =	simm.s32 $0x4;
	v4 =	vld [tilespmem:s5+$0x1A050];
	[tilespmem:s9+$0xFFFFFF50] =	vst v7  }
.LBB2_16:
0x170: {  	v7 =	vld [tilespmem:s15+$0x81];
	s14 =	sadd.s32 $0x4, s14;
	[tilespmem:s9+$0xFFFFFE50] =	vst v2  }
0x171: {  	v2 =	vld [tilespmem:s15+$0xFFFFFF7F];
	p1 =	slt.u32 s14, $0x1C;
	[tilespmem:s4+$0xFFFFFF00] =	vst v3  }
0x172: {  	v3 =	vld [tilespmem:s15+$0x0];
	[tilespmem:s4+$0xFFFFFF80] =	vst v5;
	s4 =	smov.u32 s9  }
0x173: {  	s12 =	sadd.s32 $0x204, s12;
	v5 =	vld [tilespmem:s15+$0xFFFFFEFE];
	[tilespmem:s9+$0xFFFFFFE0] =	vst v6  }
0x174: {  	s16 =	sadd.s32 $0x81, s12;
	s18 =	sadd.s32 $0x183, s12;
	s9 =	sadd.s32 $0x200, s9;
	[tilespmem:s4+$0xFFFFFEE0] =	vst v4;
	v4 =	vld [tilespmem:s10+$0x1A060]  }
0x175: {  	s19 =	sadd.s32 $0x102, s12;
	s16 =	sand.u32 $0xFFD, s16;
	s20 =	sand.u32 $0xFFF, s18;
	[tilespmem:s9+$0xFFFFFF90] =	vst v7;
	v6 =	vld [tilespmem:s13+$0x1A050]  }
0x176: {  	s21 =	sand.u32 $0xFFC, s12;
	s18 =	sand.u32 $0xFFE, s19;
	[tilespmem:s9+$0xFFFFFE90] =	vst v2;
	v2 =	vld [tilespmem:s20+$0x1A010]  }
0x177: {  	v7 =	vld [tilespmem:s16+$0x1A010];
	[tilespmem:s9+$0xFFFFFF10] =	vst v3  }
0x178: {  	[tilespmem:s9+$0xFFFFFE10] =	vst v5;
	v3 =	vld [tilespmem:s18+$0x1A010]  }
0x179: {  	v5 =	vld [tilespmem:s21+$0x1A010];
	[tilespmem:s4+$0xFFFFFFF0] =	vst v4  }
0x17a: {  	[tilespmem:s4+$0xFFFFFE60] =	vst v6;
	v4 =	vld [tilespmem:s10+$0x1A070];
	s10 =	smov.u32 s20  }
0x17b: {  	[tilespmem:s9+$0xFFFFFFA0] =	vst v2;
	v2 =	vld [tilespmem:s11+$0x1A050]  }
0x17c: {  	[tilespmem:s9+$0xFFFFFEA0] =	vst v7;
	v6 =	vld [tilespmem:s10+$0x1A020]  }
0x17d: {  	v7 =	vld [tilespmem:s16+$0x1A020];
	[tilespmem:s9+$0xFFFFFF20] =	vst v3  }
0x17e: {  	[tilespmem:s9+$0xFFFFFE20] =	vst v5;
	v3 =	vld [tilespmem:s18+$0x1A020]  }
0x17f: {  	v5 =	vld [tilespmem:s21+$0x1A020];
	[tilespmem:s4+$0x0] =	vst v4  }
0x180: {  	v4 =	vld [tilespmem:s13+$0x1A060];
	[tilespmem:s4+$0xFFFFFF60] =	vst v2  }
0x181: {  	[tilespmem:s9+$0xFFFFFFB0] =	vst v6;
	v2 =	vld [tilespmem:s5+$0x1A060]  }
0x182: {  	[tilespmem:s9+$0xFFFFFEB0] =	vst v7;
	v6 =	vld [tilespmem:s10+$0x1A030]  }
0x183: {  	v7 =	vld [tilespmem:s16+$0x1A030];
	[tilespmem:s9+$0xFFFFFF30] =	vst v3  }
0x184: {  	[tilespmem:s9+$0xFFFFFE30] =	vst v5;
	v3 =	vld [tilespmem:s18+$0x1A030]  }
0x185: {  	v5 =	vld [tilespmem:s21+$0x1A030];
	[tilespmem:s4+$0xFFFFFE70] =	vst v4  }
0x186: {  	[tilespmem:s4+$0xFFFFFEF0] =	vst v2;
	v4 =	vld [tilespmem:s11+$0x1A060]  }
0x187: {  	[tilespmem:s9+$0xFFFFFFC0] =	vst v6;
	v6 =	vld [tilespmem:s13+$0x1A070];
	s13 =	smov.u32 s21  }
0x188: {  	[tilespmem:s9+$0xFFFFFEC0] =	vst v7;
	v7 =	vld [tilespmem:s10+$0x1A040]  }
0x189: {  	v8 =	vld [tilespmem:s16+$0x1A040];
	[tilespmem:s9+$0xFFFFFF40] =	vst v3  }
0x18a: {  	[tilespmem:s9+$0xFFFFFE40] =	vst v5;
	v9 =	vld [tilespmem:s18+$0x1A040]  }
.Ltmp9:
0x18b: {  	v2 =	vld [tilespmem:s13+$0x1A040];
	[tilespmem:s4+$0xFFFFFF70] =	vst v4;
	(pc) =	sbr.rel @p1 .LBB2_16-.Ltmp9, $4  }
0x18c: {  	[tilespmem:s4+$0xFFFFFE80] =	vst v6;
	v3 =	vld [tilespmem:s5+$0x1A070];
	s5 =	smov.u32 s16  }
0x18d: {  	[tilespmem:s9+$0xFFFFFFD0] =	vst v7;
	v5 =	vld [tilespmem:s11+$0x1A070];
	s11 =	smov.u32 s18  }
0x18e: {  	[tilespmem:s9+$0xFFFFFED0] =	vst v8;
	v6 =	vld [tilespmem:s10+$0x1A050]  }
0x18f: {  	s15 =	sadd.s32 $0x204, s15;
	v4 =	vld [tilespmem:s5+$0x1A050];
	[tilespmem:s9+$0xFFFFFF50] =	vst v9  }
0x190: {  	s18 =	smov.u32 s10  }
0x191: {  	s16 =	smov.u32 s13;
	s14 =	smov.u32 s11;
	s15 =	smov.u32 s5  }
.LBB2_18:
0x192: {  	[tilespmem:s9+$0xFFFFFE50] =	vst v2;
	v7 =	vld [tilespmem:s14+$0x1A050]  }
0x193: {  	v2 =	vld [tilespmem:s16+$0x1A050];
	_ =	sdelay $0x1  }
0x194: {  	[tilespmem:s9+$0xFFFFFFE0] =	vst v6  }
0x195: {  	v6 =	vld [tilespmem:s18+$0x1A060];
	[tilespmem:s9+$0xFFFFFEE0] =	vst v4  }
0x196: {  	v4 =	vld [tilespmem:s15+$0x1A060];
	[tilespmem:s9+$0xFFFFFF60] =	vst v7  }
0x197: {  	[tilespmem:s9+$0xFFFFFE60] =	vst v2;
	v7 =	vld [tilespmem:s14+$0x1A060]  }
0x198: {  	v2 =	vld [tilespmem:s16+$0x1A060];
	_ =	sdelay $0x1  }
0x199: {  	[tilespmem:s9+$0xFFFFFFF0] =	vst v6  }
0x19a: {  	[tilespmem:s9+$0xFFFFFEF0] =	vst v4  }
0x19b: {  	v63 =	vld [tilespmem:s15+$0x1A070];
	[tilespmem:s9+$0xFFFFFF70] =	vst v7  }
0x19c: {  	[tilespmem:s9+$0xFFFFFE70] =	vst v2;
	v2 =	vld [tilespmem:s18+$0x1A070]  }
0x19d: {  	[tilespmem:s4+$0xFFFFFF00] =	vst @p0 v3;
	v3 =	vld [tilespmem:s14+$0x1A070]  }
0x19e: {  	v62 =	vld [tilespmem:s16+$0x1A070]  }
0x19f: {  	[tilespmem:s4+$0xFFFFFF80] =	vst @p0 v5  }
0x1a0: {  	[tilespmem:s9+$0xFFFFFF00] =	vst v63  }
0x1a1: {  	s1 =	sshll.u32 s1, $0x10;
	[tilespmem:s9+$0x0] =	vst v2  }
0x1a2: {  	s1 =	sor.u32 s22, s1;
	[tilespmem:s9+$0xFFFFFF80] =	vst v3  }
0x1a3: {  	s5 =	simm.s32 $0x1C020;
	s0 =	sadd.s32 $0x1, s0;
	s23 =	sadd.s32 s2, s1;
	[tilespmem:s9+$0xFFFFFE80] =	vst v62  }
0x1a4: {  	[hbm4b:s23+s3] =	stream.linear.scatter [tilespmem:s5], [sflag:$0x3], $0x400, $0x38;
	[tilespmem:$0x1D020] =	vst v63  }
0x1a5: {  	s26 =	simm.s32 $0x1C420;
	p0 =	sne.s32 s0, $0xD;
	s24 =	sadd.s32 s1, s6  }
0x1a6: {  	[hbm4b:s24+s3] =	stream.linear.scatter [tilespmem:s26], [sflag:$0x3], $0x400, $0x38;
	[tilespmem:$0x1D020] =	vst v63  }
.Ltmp10:
0x1a7: {  	_ = 	snop;
	(pc) =	sbr.rel @p0 .LBB2_2-.Ltmp10, $4  }
.Ltmp11:
0x1a8: {  	s29 =	simm.s32 $0x1C820;
	s28 =	sadd.s32 s1, s7;
	(pc) =	sbr.rel @!p0 .LBB2_19-.Ltmp11, $4  }
0x1a9: {  	[hbm4b:s28+s3] =	stream.linear.scatter [tilespmem:s29], [sflag:$0x3], $0x400, $0x38;
	[tilespmem:$0x1D020] =	vst v63  }
0x1aa: {  	s30 =	sadd.s32 $0x40, s30;
	s31 =	sadd.s32 $0x40, s31;
	s1 =	sadd.s32 s1, s8  }
0x1ab: {  	[hbm4b:s1+s3] =	stream.linear.scatter [tilespmem:s25], [sflag:$0x3], $0x400, $0x38;
	[tilespmem:$0x1D020] =	vst v63  }
0x1ac: {  	_ = 	snop  }
.LBB2_5:
.Ltmp12:
0x1ad: {  	(pc) =	sbr.rel .LBB2_10-.Ltmp12, $2  }
0x1ae: {  	_ =	sdelay $0x2  }
0x1af: {  	s9 =	simm.s32 $0x1B120  }
.LBB2_13:
.Ltmp13:
0x1b0: {  	(pc) =	sbr.rel .LBB2_18-.Ltmp13, $2  }
0x1b1: {  	_ =	sdelay $0x2  }
0x1b2: {  	s9 =	simm.s32 $0x1C210  }
.LBB2_7:
.Ltmp14:
0x1b3: {  	(pc) =	sbr.rel .LBB2_10-.Ltmp14, $3  }
0x1b4: {  	_ =	sdelay $0x1  }
0x1b5: {  	s18 =	smov.u32 s10  }
0x1b6: {  	s16 =	smov.u32 s13;
	s14 =	smov.u32 s11;
	s15 =	smov.u32 s5  }
.LBB2_15:
.Ltmp15:
0x1b7: {  	(pc) =	sbr.rel .LBB2_18-.Ltmp15, $3  }
0x1b8: {  	_ =	sdelay $0x1  }
0x1b9: {  	s18 =	smov.u32 s10  }
0x1ba: {  	s16 =	smov.u32 s13;
	s14 =	smov.u32 s11;
	s15 =	smov.u32 s5  }
.LBB2_19:
0x1bb: {  	s0 =	simm.s32 $0x2  }
0x1bc: {  	_ =	swait.ge [sflag:s0], $0x400  }
0x1bd: {  	[sflag:s0] =	ssyncset.done $0x0  }
0x1be: {  	[sflag:s0] =	ssyncadd.s32 $0xFFFFFC00  }
0x1bf: {  	_ =	swait.ge [sflag:s0], $0x400  }
0x1c0: {  	[sflag:s0] =	ssyncset.done $0x0  }
0x1c1: {  	[sflag:s0] =	ssyncadd.s32 $0xFFFFFC00  }
0x1c2: {  	_ =	swait.ge [sflag:s0], $0x400  }
0x1c3: {  	[sflag:s0] =	ssyncset.done $0x0  }
0x1c4: {  	[sflag:s0] =	ssyncadd.s32 $0xFFFFFC00  }
0x1c5: {  	_ =	swait.ge [sflag:s0], $0x400  }
0x1c6: {  	[sflag:s0] =	ssyncset.done $0x0  }
0x1c7: {  	s28 =	simm.s32 $0x3;
	[sflag:s0] =	ssyncadd.s32 $0xFFFFFC00  }
0x1c8: {  	_ =	swait.ge [sflag:s28], $0x400  }
0x1c9: {  	[sflag:s28] =	ssyncset.done $0x0  }
0x1ca: {  	[sflag:s28] =	ssyncadd.s32 $0xFFFFFC00  }
0x1cb: {  	_ =	swait.ge [sflag:s28], $0x400  }
0x1cc: {  	[sflag:s28] =	ssyncset.done $0x0  }
0x1cd: {  	[sflag:s28] =	ssyncadd.s32 $0xFFFFFC00  }
0x1ce: {  	_ =	swait.ge [sflag:s28], $0x400  }
0x1cf: {  	[sflag:s28] =	ssyncset.done $0x0  }
0x1d0: {  	[sflag:s28] =	ssyncadd.s32 $0xFFFFFC00  }
0x1d1: {  	_ =	swait.ge [sflag:s28], $0x400  }
0x1d2: {  	s29 =	simm.s32 $0x1;
	[sflag:s28] =	ssyncset.done $0x0  }
0x1d3: {  	s0 =	simm.s32 $0x0;
	s1 =	rddreg [dreg:$0x5];
	[sflag:s28] =	ssyncadd.s32 $0xFFFFFC00  }
0x1d4: {  	[tilespmem:s0], [sflag:$0x1] =	stream.linear.gather [hbm4b:s1+s0], $0x1A000, $0x38;
	[tilespmem:$0x1D020] =	vst v63  }
0x1d5: {  	_ =	swait.ge [sflag:s29], $0x1A000  }
0x1d6: {  	s30 =	simm.s32 $0xD00;
	[sflag:s29] =	ssyncset.done $0x0  }
0x1d7: {  	s31 =	simm.s32 $0xD20;
	s1 =	simm.s32 $0x0;
	[sflag:s29] =	ssyncadd.s32 $0xFFFE6000  }
.LBB2_20:
0x1d8: {  	p0 =	seq.s32 s1, $0x0  }
0x1d9: {  	s4 =	simm.s32 @!p0 $0x2  }
0x1da: {  	_ =	swait.ge @!p0 [sflag:s4], $0x400  }
0x1db: {  	[sflag:s4] =	ssyncset.done @!p0 $0x0  }
0x1dc: {  	[sflag:s4] =	ssyncadd.s32 @!p0 $0xFFFFFC00  }
0x1dd: {  	_ =	swait.ge @!p0 [sflag:s4], $0x400  }
0x1de: {  	[sflag:s4] =	ssyncset.done @!p0 $0x0  }
0x1df: {  	[sflag:s4] =	ssyncadd.s32 @!p0 $0xFFFFFC00  }
0x1e0: {  	_ =	swait.ge @!p0 [sflag:s4], $0x400  }
0x1e1: {  	[sflag:s4] =	ssyncset.done @!p0 $0x0  }
0x1e2: {  	[sflag:s4] =	ssyncadd.s32 @!p0 $0xFFFFFC00  }
0x1e3: {  	_ =	swait.ge @!p0 [sflag:s4], $0x400  }
0x1e4: {  	v2 =	vadd.s32 s0, v0;
	s5 =	simm.s32 $0x810;
	[sflag:s4] =	ssyncset.done @!p0 $0x0  }
0x1e5: {  	v2 =	vand.u32 $0xFF8, v2;
	v3 =	vadd.s32 s5, v0;
	[sflag:s4] =	ssyncadd.s32 @!p0 $0xFFFFFC00  }
0x1e6: {  	v2 =	vor.u32 v1, v2;
	v3 =	vand.u32 $0x1FF8, v3;
	v4 =	vld [tilespmem:s30+$0xFFFFF300]  }
0x1e7: {  	s15 =	simm.s32 $0x1;
	v3 =	vor.u32 v1, v3;
	v5 =	vld [tilespmem:s30+$0xFFFFF310]  }
0x1e8: {  	s16 =	simm.s32 $0x811;
	v7 =	vadd.s32 s15, v0;
	v6 =	vld [tilespmem:s30+$0xFFFFF640]  }
0x1e9: {  	s18 =	simm.s32 $0x2;
	v9 =	vadd.s32 s16, v0;
	v8 =	vld [tilespmem:s30+$0xFFFFF650]  }
0x1ea: {  	s19 =	simm.s32 $0x812;
	v11 =	vadd.s32 s18, v0;
	v10 =	vld [tilespmem:s30+$0xFFFFF980]  }
0x1eb: {  	s20 =	simm.s32 $0x3;
	[tilespmem:v2+s17+$0x0] =	vst.idx.msk $0xffff, v4;
	v2 =	vld [tilespmem:s30+$0xFFFFF990];
	v4 =	vadd.s32 s19, v0  }
0x1ec: {  	s21 =	simm.s32 $0x813;
	[tilespmem:v3+s17+$0x0] =	vst.idx.msk $0xffff, v5;
	v3 =	vld [tilespmem:s30+$0xFFFFFCC0];
	v5 =	vadd.s32 s20, v0  }
0x1ed: {  	s22 =	simm.s32 $0x4;
	[tilespmem:v7+s17+$0x0] =	vst.idx.msk $0xffff, v6;
	v6 =	vld [tilespmem:s30+$0xFFFFFCD0];
	v7 =	vadd.s32 s21, v0  }
0x1ee: {  	s23 =	simm.s32 $0x814;
	v12 =	vadd.s32 s22, v0;
	[tilespmem:v9+s17+$0x0] =	vst.idx.msk $0xffff, v8;
	v9 =	vld [tilespmem:s30+$0x0]  }
0x1ef: {  	s24 =	simm.s32 $0x5;
	v13 =	vadd.s32 s23, v0;
	[tilespmem:v11+s17+$0x0] =	vst.idx.msk $0xffff, v10;
	v10 =	vld [tilespmem:s30+$0x10]  }
0x1f0: {  	s26 =	simm.s32 $0x815;
	v11 =	vadd.s32 s24, v0;
	v8 =	vld [tilespmem:s30+$0x340];
	[tilespmem:v4+s17+$0x0] =	vst.idx.msk $0xffff, v2  }
0x1f1: {  	s28 =	simm.s32 $0x6;
	v2 =	vld [tilespmem:s30+$0x350];
	[tilespmem:v5+s17+$0x0] =	vst.idx.msk $0xffff, v3;
	v5 =	vadd.s32 s26, v0  }
0x1f2: {  	s9 =	simm.s32 $0x816;
	s29 =	simm.s32 $0x7;
	v3 =	vld [tilespmem:s30+$0x680];
	[tilespmem:v7+s17+$0x0] =	vst.idx.msk $0xffff, v6;
	v7 =	vadd.s32 s28, v0  }
0x1f3: {  	s11 =	simm.s32 $0x818;
	s10 =	simm.s32 $0x817;
	s4 =	simm.s32 $0x8;
	v4 =	vld [tilespmem:s30+$0x690];
	[tilespmem:v12+s17+$0x0] =	vst.idx.msk $0xffff, v9;
	v6 =	vadd.s32 s9, v0  }
0x1f4: {  	s15 =	sshll.u32 s1, $0x1;
	s5 =	smov.u32 s30;
	v12 =	vadd.s32 s4, v0;
	v9 =	vld [tilespmem:s30+$0x9C0];
	s9 =	simm.s32 $0x10;
	[tilespmem:v13+s17+$0x0] =	vst.idx.msk $0xffff, v10;
	v10 =	vadd.s32 s29, v0  }
.LBB2_21:
0x1f5: {  	p1 =	slt.u32 s9, $0x78;
	v12 =	vand.u32 $0xFF8, v12;
	v13 =	vadd.s32 s11, v0;
	[tilespmem:v11+s17+$0x0] =	vst.idx.msk $0xffff, v8;
	v8 =	vld [tilespmem:s5+$0x9D0];
	v11 =	vadd.s32 s10, v0;
	s5 =	sadd.s32 $0x1A00, s5;
	s10 =	smov.u32 s4  }
0x1f6: {  	s4 =	smov.u32 s9;
	v14 =	vld [tilespmem:s5+$0xFFFFF300];
	v12 =	vor.u32 v1, v12;
	v13 =	vand.u32 $0x1FF8, v13;
	[tilespmem:v5+s17+$0x0] =	vst.idx.msk $0xffff, v2  }
0x1f7: {  	s11 =	sadd.s32 $0x1, s10;
	v2 =	vld [tilespmem:s5+$0xFFFFF310];
	v5 =	vor.u32 v1, v13;
	[tilespmem:v7+s17+$0x0] =	vst.idx.msk $0xffff, v3  }
0x1f8: {  	v7 =	vadd.s32 s11, v0;
	s11 =	sadd.s32 $0x811, s10;
	v3 =	vld [tilespmem:s5+$0xFFFFF640];
	[tilespmem:v6+s17+$0x0] =	vst.idx.msk $0xffff, v4  }
0x1f9: {  	v6 =	vadd.s32 s11, v0;
	s11 =	sadd.s32 $0x2, s10;
	v4 =	vld [tilespmem:s5+$0xFFFFF650];
	[tilespmem:v10+s17+$0x0] =	vst.idx.msk $0xffff, v9  }
0x1fa: {  	v10 =	vadd.s32 s11, v0;
	s11 =	sadd.s32 $0x812, s10;
	v9 =	vld [tilespmem:s5+$0xFFFFF980];
	[tilespmem:v11+s17+$0x0] =	vst.idx.msk $0xffff, v8  }
0x1fb: {  	v11 =	vadd.s32 s11, v0;
	s11 =	sadd.s32 $0x3, s10;
	[tilespmem:v12+s17+$0x0] =	vst.idx.msk $0xffff, v14;
	v8 =	vld [tilespmem:s5+$0xFFFFF990]  }
0x1fc: {  	[tilespmem:v5+s17+$0x0] =	vst.idx.msk $0xffff, v2;
	v2 =	vld [tilespmem:s5+$0xFFFFFCC0];
	v5 =	vadd.s32 s11, v0;
	s11 =	sadd.s32 $0x813, s10  }
0x1fd: {  	[tilespmem:v7+s17+$0x0] =	vst.idx.msk $0xffff, v3;
	v3 =	vld [tilespmem:s5+$0xFFFFFCD0];
	v7 =	vadd.s32 s11, v0;
	s11 =	sadd.s32 $0x4, s10  }
0x1fe: {  	[tilespmem:v6+s17+$0x0] =	vst.idx.msk $0xffff, v4;
	v4 =	vld [tilespmem:s5+$0x0];
	v6 =	vadd.s32 s11, v0;
	s11 =	sadd.s32 $0x814, s10  }
0x1ff: {  	[tilespmem:v10+s17+$0x0] =	vst.idx.msk $0xffff, v9;
	v9 =	vld [tilespmem:s5+$0x10];
	v10 =	vadd.s32 s11, v0;
	s11 =	sadd.s32 $0x5, s10  }
.Ltmp16:
0x200: {  	[tilespmem:v11+s17+$0x0] =	vst.idx.msk $0xffff, v8;
	v8 =	vld [tilespmem:s5+$0x340];
	v11 =	vadd.s32 s11, v0;
	s11 =	sadd.s32 $0x815, s10;
	(pc) =	sbr.rel @p1 .LBB2_21-.Ltmp16, $4  }
0x201: {  	[tilespmem:v5+s17+$0x0] =	vst.idx.msk $0xffff, v2;
	v2 =	vld [tilespmem:s5+$0x350];
	v5 =	vadd.s32 s11, v0;
	s11 =	sadd.s32 $0x6, s10  }
0x202: {  	[tilespmem:v7+s17+$0x0] =	vst.idx.msk $0xffff, v3;
	v3 =	vld [tilespmem:s5+$0x680];
	v7 =	vadd.s32 s11, v0;
	s11 =	sadd.s32 $0x816, s10  }
0x203: {  	s12 =	sadd.s32 $0x7, s10;
	[tilespmem:v6+s17+$0x0] =	vst.idx.msk $0xffff, v4;
	v4 =	vld [tilespmem:s5+$0x690];
	v6 =	vadd.s32 s11, v0  }
0x204: {  	s9 =	sadd.s32 $0x8, s9;
	v12 =	vadd.s32 s4, v0;
	s10 =	sadd.s32 $0x817, s10;
	s11 =	sadd.s32 $0x810, s4;
	[tilespmem:v10+s17+$0x0] =	vst.idx.msk $0xffff, v9;
	v9 =	vld [tilespmem:s5+$0x9C0];
	v10 =	vadd.s32 s12, v0  }
0x205: {  	_ =	sdelay $0x3  }
0x206: {  	v12 =	vand.u32 $0xFF8, v12;
	v13 =	vadd.s32 s11, v0;
	[tilespmem:v11+s17+$0x0] =	vst.idx.msk $0xffff, v8;
	v8 =	vld [tilespmem:s5+$0x9D0];
	v54 =	vadd.s32 s10, v0;
	s22 =	sadd.s32 $0x1A00, s5  }
0x207: {  	v14 =	vld [tilespmem:s22+$0xFFFFF300];
	v12 =	vor.u32 v1, v12;
	v13 =	vand.u32 $0x1FF8, v13;
	[tilespmem:v5+s17+$0x0] =	vst.idx.msk $0xffff, v2  }
0x208: {  	s9 =	sadd.s32 $0x1, s4;
	v2 =	vld [tilespmem:s22+$0xFFFFF310];
	v5 =	vor.u32 v1, v13;
	[tilespmem:v7+s17+$0x0] =	vst.idx.msk $0xffff, v3  }
0x209: {  	s23 =	sadd.s32 $0x811, s4;
	v3 =	vld [tilespmem:s22+$0xFFFFF640];
	v7 =	vadd.s32 s9, v0;
	[tilespmem:v6+s17+$0x0] =	vst.idx.msk $0xffff, v4  }
0x20a: {  	s24 =	sadd.s32 $0x2, s4;
	v4 =	vld [tilespmem:s22+$0xFFFFF650];
	v6 =	vadd.s32 s23, v0;
	[tilespmem:v10+s17+$0x0] =	vst.idx.msk $0xffff, v9  }
0x20b: {  	s26 =	sadd.s32 $0x812, s4;
	v55 =	vld [tilespmem:s22+$0xFFFFF980];
	v56 =	vadd.s32 s24, v0;
	[tilespmem:v54+s17+$0x0] =	vst.idx.msk $0xffff, v8  }
0x20c: {  	s10 =	sadd.s32 $0x3, s4;
	v57 =	vadd.s32 s26, v0;
	v8 =	vld [tilespmem:s22+$0xFFFFF990];
	[tilespmem:v12+s17+$0x0] =	vst.idx.msk $0xffff, v14  }
0x20d: {  	s11 =	sadd.s32 $0x813, s4;
	[tilespmem:v5+s17+$0x0] =	vst.idx.msk $0xffff, v2;
	v2 =	vld [tilespmem:s22+$0xFFFFFCC0];
	v5 =	vadd.s32 s10, v0  }
0x20e: {  	s12 =	sadd.s32 $0x4, s4;
	[tilespmem:v7+s17+$0x0] =	vst.idx.msk $0xffff, v3;
	v3 =	vld [tilespmem:s22+$0xFFFFFCD0];
	v7 =	vadd.s32 s11, v0  }
0x20f: {  	s13 =	sadd.s32 $0x814, s4;
	[tilespmem:v6+s17+$0x0] =	vst.idx.msk $0xffff, v4;
	v4 =	vld [tilespmem:s22+$0x0];
	v6 =	vadd.s32 s12, v0  }
0x210: {  	s14 =	sadd.s32 $0x5, s4;
	v58 =	vld [tilespmem:s22+$0x10];
	v59 =	vadd.s32 s13, v0;
	[tilespmem:v56+s17+$0x0] =	vst.idx.msk $0xffff, v55  }
0x211: {  	s20 =	sadd.s32 $0x7, s4;
	v60 =	vadd.s32 s14, v0;
	[tilespmem:v57+s17+$0x0] =	vst.idx.msk $0xffff, v8;
	v8 =	vld [tilespmem:s22+$0x340]  }
0x212: {  	s16 =	sadd.s32 $0x815, s4;
	v61 =	vld [tilespmem:s22+$0x9C0];
	v62 =	vadd.s32 s20, v0;
	[tilespmem:v5+s17+$0x0] =	vst.idx.msk $0xffff, v2  }
0x213: {  	s18 =	sadd.s32 $0x6, s4;
	v2 =	vld [tilespmem:s22+$0x350];
	v5 =	vadd.s32 s16, v0;
	[tilespmem:v7+s17+$0x0] =	vst.idx.msk $0xffff, v3  }
0x214: {  	s19 =	sadd.s32 $0x816, s4;
	v3 =	vld [tilespmem:s22+$0x680];
	v7 =	vadd.s32 s18, v0;
	[tilespmem:v6+s17+$0x0] =	vst.idx.msk $0xffff, v4  }
0x215: {  	s21 =	sadd.s32 $0x817, s4;
	v4 =	vld [tilespmem:s22+$0x690];
	v6 =	vadd.s32 s19, v0;
	[tilespmem:v59+s17+$0x0] =	vst.idx.msk $0xffff, v58  }
0x216: {  	v63 =	vadd.s32 s21, v0;
	[tilespmem:v60+s17+$0x0] =	vst.idx.msk $0xffff, v8;
	v8 =	vld [tilespmem:s22+$0x9D0]  }
0x217: {  	[tilespmem:v62+s17+$0x0] =	vst.idx.msk $0xffff, v61  }
0x218: {  	[tilespmem:v5+s17+$0x0] =	vst.idx.msk $0xffff, v2  }
0x219: {  	[tilespmem:v7+s17+$0x0] =	vst.idx.msk $0xffff, v3  }
0x21a: {  	[tilespmem:v6+s17+$0x0] =	vst.idx.msk $0xffff, v4  }
0x21b: {  	s22 =	simm.s32 $0x1A102;
	[tilespmem:v63+s17+$0x0] =	vst.idx.msk $0xffff, v8  }
0x21c: {  	v2 =	vld [tilespmem:s22+$0x81]  }
0x21d: {  	v3 =	vld [tilespmem:s22+$0xFFFFFF7F]  }
0x21e: {  	v4 =	vld [tilespmem:s22+$0x0];
	_ =	sdelay $0x1  }
0x21f: {  	s29 =	simm.s32 $0x1B120;
	s23 =	simm.s32 $0x183  }
0x220: {  	s24 =	simm.s32 $0x81;
	s28 =	sand.u32 $0xFFF, s23;
	v5 =	vld [tilespmem:s22+$0xFFFFFEFE];
	[tilespmem:s29+$0x80] =	vst v2  }
0x221: {  	s26 =	simm.s32 $0x102;
	s5 =	sand.u32 $0xFFD, s24;
	[tilespmem:s29+$0xFFFFFF80] =	vst v3;
	v2 =	vld [tilespmem:s28+$0x1A010]  }
0x222: {  	s10 =	sand.u32 $0xFFE, s26;
	[tilespmem:s29+$0x0] =	vst v4;
	v3 =	vld [tilespmem:s5+$0x1A010]  }
0x223: {  	v4 =	vld [tilespmem:s10+$0x1A010]  }
0x224: {  	s16 =	simm.s32 $0x0  }
0x225: {  	s12 =	sand.u32 $0xFFC, s16;
	[tilespmem:s29+$0xFFFFFF00] =	vst v5  }
0x226: {  	v5 =	vld [tilespmem:s12+$0x1A010];
	[tilespmem:s29+$0x90] =	vst v2  }
0x227: {  	[tilespmem:s29+$0xFFFFFF90] =	vst v3;
	v2 =	vld [tilespmem:s28+$0x1A020]  }
0x228: {  	[tilespmem:s29+$0x10] =	vst v4;
	v3 =	vld [tilespmem:s5+$0x1A020]  }
0x229: {  	v4 =	vld [tilespmem:s10+$0x1A020];
	_ =	sdelay $0x1  }
0x22a: {  	[tilespmem:s29+$0xFFFFFF10] =	vst v5  }
0x22b: {  	v5 =	vld [tilespmem:s12+$0x1A020];
	[tilespmem:s29+$0xA0] =	vst v2  }
0x22c: {  	[tilespmem:s29+$0xFFFFFFA0] =	vst v3;
	v2 =	vld [tilespmem:s28+$0x1A030]  }
0x22d: {  	[tilespmem:s29+$0x20] =	vst v4;
	v3 =	vld [tilespmem:s5+$0x1A030]  }
0x22e: {  	v4 =	vld [tilespmem:s10+$0x1A030];
	_ =	sdelay $0x1  }
0x22f: {  	[tilespmem:s29+$0xFFFFFF20] =	vst v5  }
0x230: {  	v5 =	vld [tilespmem:s12+$0x1A030];
	[tilespmem:s29+$0xB0] =	vst v2  }
0x231: {  	[tilespmem:s29+$0xFFFFFFB0] =	vst v3;
	v3 =	vld [tilespmem:s28+$0x1A040]  }
0x232: {  	[tilespmem:s29+$0x30] =	vst v4;
	v6 =	vld [tilespmem:s5+$0x1A040]  }
0x233: {  	p2 =	por $0x1, $0x1;
	v7 =	vld [tilespmem:s10+$0x1A040]  }
.Ltmp17:
0x234: {  	_ = 	snop;
	(pc) =	sbr.rel @!p2 .LBB2_23-.Ltmp17, $4  }
0x235: {  	[tilespmem:s29+$0xFFFFFF30] =	vst v5  }
0x236: {  	v2 =	vld [tilespmem:s12+$0x1A040];
	[tilespmem:s29+$0xC0] =	vst v3  }
0x237: {  	[tilespmem:s29+$0xFFFFFFC0] =	vst v6;
	v6 =	vld [tilespmem:s28+$0x1A050]  }
0x238: {  	s4 =	simm.s32 $0x1A306;
	p1 =	por $0x0, $0x0;
	[tilespmem:s29+$0x40] =	vst v7;
	v4 =	vld [tilespmem:s5+$0x1A050]  }
0x239: {  	v3 =	vld [tilespmem:s4+$0x81]  }
0x23a: {  	v5 =	vld [tilespmem:s4+$0xFFFFFF7F]  }
0x23b: {  	[tilespmem:s29+$0xFFFFFF40] =	vst v2;
	v2 =	vld [tilespmem:s4+$0x0]  }
0x23c: {  	v7 =	vld [tilespmem:s4+$0xFFFFFEFE];
	[tilespmem:s29+$0xD0] =	vst v6  }
0x23d: {  	s23 =	simm.s32 $0x387;
	s26 =	simm.s32 $0x1B320;
	[tilespmem:s29+$0xFFFFFFD0] =	vst v4;
	v4 =	vld [tilespmem:s28+$0x1A060]  }
0x23e: {  	s9 =	simm.s32 $0x285;
	s13 =	sand.u32 $0xFFF, s23;
	[tilespmem:s26+$0x80] =	vst v3;
	v3 =	vld [tilespmem:s12+$0x1A050]  }
0x23f: {  	s24 =	simm.s32 $0x306;
	s9 =	sand.u32 $0xFFD, s9;
	[tilespmem:s26+$0xFFFFFF80] =	vst v5;
	v5 =	vld [tilespmem:s13+$0x1A010]  }
0x240: {  	s14 =	simm.s32 $0x204;
	s4 =	sand.u32 $0xFFE, s24;
	v6 =	vld [tilespmem:s9+$0x1A010];
	[tilespmem:s26+$0x0] =	vst v2  }
0x241: {  	s11 =	sand.u32 $0xFFC, s14;
	[tilespmem:s26+$0xFFFFFF00] =	vst v7;
	v2 =	vld [tilespmem:s4+$0x1A010]  }
0x242: {  	v7 =	vld [tilespmem:s11+$0x1A010];
	[tilespmem:s29+$0xE0] =	vst v4  }
0x243: {  	v4 =	vld [tilespmem:s10+$0x1A050];
	[tilespmem:s29+$0xFFFFFF50] =	vst v3  }
0x244: {  	v3 =	vld [tilespmem:s28+$0x1A070];
	[tilespmem:s26+$0x90] =	vst v5  }
0x245: {  	[tilespmem:s26+$0xFFFFFF90] =	vst v6;
	v5 =	vld [tilespmem:s13+$0x1A020]  }
0x246: {  	v6 =	vld [tilespmem:s9+$0x1A020];
	[tilespmem:s26+$0x10] =	vst v2  }
0x247: {  	[tilespmem:s26+$0xFFFFFF10] =	vst v7;
	v2 =	vld [tilespmem:s4+$0x1A020]  }
0x248: {  	v7 =	vld [tilespmem:s11+$0x1A020];
	[tilespmem:s29+$0x50] =	vst v4  }
0x249: {  	v4 =	vld [tilespmem:s5+$0x1A060];
	[tilespmem:s29+$0xF0] =	vst v3  }
0x24a: {  	v3 =	vld [tilespmem:s12+$0x1A060];
	[tilespmem:s26+$0xA0] =	vst v5  }
0x24b: {  	[tilespmem:s26+$0xFFFFFFA0] =	vst v6;
	v5 =	vld [tilespmem:s13+$0x1A030]  }
0x24c: {  	v6 =	vld [tilespmem:s9+$0x1A030];
	[tilespmem:s26+$0x20] =	vst v2  }
0x24d: {  	[tilespmem:s26+$0xFFFFFF20] =	vst v7;
	v2 =	vld [tilespmem:s4+$0x1A030]  }
0x24e: {  	v7 =	vld [tilespmem:s11+$0x1A030];
	[tilespmem:s29+$0xFFFFFFE0] =	vst v4  }
0x24f: {  	[tilespmem:s29+$0xFFFFFF60] =	vst v3;
	v3 =	vld [tilespmem:s10+$0x1A060]  }
0x250: {  	v4 =	vld [tilespmem:s12+$0x1A070];
	[tilespmem:s26+$0xB0] =	vst v5  }
0x251: {  	[tilespmem:s26+$0xFFFFFFB0] =	vst v6;
	v5 =	vld [tilespmem:s13+$0x1A040]  }
0x252: {  	v6 =	vld [tilespmem:s9+$0x1A040];
	[tilespmem:s26+$0x30] =	vst v2  }
0x253: {  	p2 =	por $0x1, $0x1;
	[tilespmem:s26+$0xFFFFFF30] =	vst v7;
	v7 =	vld [tilespmem:s4+$0x1A040]  }
.Ltmp18:
0x254: {  	v2 =	vld [tilespmem:s11+$0x1A040];
	[tilespmem:s29+$0x60] =	vst v3;
	(pc) =	sbr.rel @!p2 .LBB2_26-.Ltmp18, $4  }
0x255: {  	v3 =	vld [tilespmem:s5+$0x1A070];
	[tilespmem:s29+$0xFFFFFF70] =	vst v4  }
0x256: {  	[tilespmem:s26+$0xC0] =	vst v5;
	v5 =	vld [tilespmem:s10+$0x1A070]  }
0x257: {  	[tilespmem:s26+$0xFFFFFFC0] =	vst v6;
	v6 =	vld [tilespmem:s13+$0x1A050]  }
0x258: {  	s18 =	simm.s32 $0x4;
	s19 =	simm.s32 $0x1A50A;
	p1 =	por $0x1, $0x1;
	v4 =	vld [tilespmem:s9+$0x1A050];
	[tilespmem:s26+$0x40] =	vst v7  }
.LBB2_25:
0x259: {  	v7 =	vld [tilespmem:s19+$0x81];
	s18 =	sadd.s32 $0x4, s18;
	[tilespmem:s26+$0xFFFFFF40] =	vst v2  }
0x25a: {  	v2 =	vld [tilespmem:s19+$0xFFFFFF7F];
	p2 =	slt.u32 s18, $0x1C;
	[tilespmem:s29+$0xFFFFFFF0] =	vst v3  }
0x25b: {  	v3 =	vld [tilespmem:s19+$0x0];
	[tilespmem:s29+$0x70] =	vst v5;
	s29 =	smov.u32 s26  }
0x25c: {  	s14 =	sadd.s32 $0x204, s14;
	v5 =	vld [tilespmem:s19+$0xFFFFFEFE];
	[tilespmem:s26+$0xD0] =	vst v6  }
0x25d: {  	s20 =	sadd.s32 $0x81, s14;
	s21 =	sadd.s32 $0x183, s14;
	s26 =	sadd.s32 $0x200, s26;
	[tilespmem:s29+$0xFFFFFFD0] =	vst v4;
	v4 =	vld [tilespmem:s13+$0x1A060]  }
0x25e: {  	s22 =	sadd.s32 $0x102, s14;
	s20 =	sand.u32 $0xFFD, s20;
	s23 =	sand.u32 $0xFFF, s21;
	[tilespmem:s26+$0x80] =	vst v7;
	v6 =	vld [tilespmem:s11+$0x1A050]  }
0x25f: {  	s24 =	sand.u32 $0xFFC, s14;
	s21 =	sand.u32 $0xFFE, s22;
	[tilespmem:s26+$0xFFFFFF80] =	vst v2;
	v2 =	vld [tilespmem:s23+$0x1A010]  }
0x260: {  	v7 =	vld [tilespmem:s20+$0x1A010];
	[tilespmem:s26+$0x0] =	vst v3  }
0x261: {  	[tilespmem:s26+$0xFFFFFF00] =	vst v5;
	v3 =	vld [tilespmem:s21+$0x1A010]  }
0x262: {  	v5 =	vld [tilespmem:s24+$0x1A010];
	[tilespmem:s29+$0xE0] =	vst v4  }
0x263: {  	[tilespmem:s29+$0xFFFFFF50] =	vst v6;
	v4 =	vld [tilespmem:s13+$0x1A070];
	s13 =	smov.u32 s23  }
0x264: {  	[tilespmem:s26+$0x90] =	vst v2;
	v2 =	vld [tilespmem:s4+$0x1A050]  }
0x265: {  	[tilespmem:s26+$0xFFFFFF90] =	vst v7;
	v6 =	vld [tilespmem:s13+$0x1A020]  }
0x266: {  	v7 =	vld [tilespmem:s20+$0x1A020];
	[tilespmem:s26+$0x10] =	vst v3  }
0x267: {  	[tilespmem:s26+$0xFFFFFF10] =	vst v5;
	v3 =	vld [tilespmem:s21+$0x1A020]  }
0x268: {  	v5 =	vld [tilespmem:s24+$0x1A020];
	[tilespmem:s29+$0xF0] =	vst v4  }
0x269: {  	v4 =	vld [tilespmem:s11+$0x1A060];
	[tilespmem:s29+$0x50] =	vst v2  }
0x26a: {  	[tilespmem:s26+$0xA0] =	vst v6;
	v2 =	vld [tilespmem:s9+$0x1A060]  }
0x26b: {  	[tilespmem:s26+$0xFFFFFFA0] =	vst v7;
	v6 =	vld [tilespmem:s13+$0x1A030]  }
0x26c: {  	v7 =	vld [tilespmem:s20+$0x1A030];
	[tilespmem:s26+$0x20] =	vst v3  }
0x26d: {  	[tilespmem:s26+$0xFFFFFF20] =	vst v5;
	v3 =	vld [tilespmem:s21+$0x1A030]  }
0x26e: {  	v5 =	vld [tilespmem:s24+$0x1A030];
	[tilespmem:s29+$0xFFFFFF60] =	vst v4  }
0x26f: {  	[tilespmem:s29+$0xFFFFFFE0] =	vst v2;
	v4 =	vld [tilespmem:s4+$0x1A060]  }
0x270: {  	[tilespmem:s26+$0xB0] =	vst v6;
	v6 =	vld [tilespmem:s11+$0x1A070];
	s11 =	smov.u32 s24  }
0x271: {  	[tilespmem:s26+$0xFFFFFFB0] =	vst v7;
	v7 =	vld [tilespmem:s13+$0x1A040]  }
0x272: {  	v8 =	vld [tilespmem:s20+$0x1A040];
	[tilespmem:s26+$0x30] =	vst v3  }
0x273: {  	[tilespmem:s26+$0xFFFFFF30] =	vst v5;
	v9 =	vld [tilespmem:s21+$0x1A040]  }
.Ltmp19:
0x274: {  	v2 =	vld [tilespmem:s11+$0x1A040];
	[tilespmem:s29+$0x60] =	vst v4;
	(pc) =	sbr.rel @p2 .LBB2_25-.Ltmp19, $4  }
0x275: {  	[tilespmem:s29+$0xFFFFFF70] =	vst v6;
	v3 =	vld [tilespmem:s9+$0x1A070];
	s9 =	smov.u32 s20  }
0x276: {  	[tilespmem:s26+$0xC0] =	vst v7;
	v5 =	vld [tilespmem:s4+$0x1A070];
	s4 =	smov.u32 s21  }
0x277: {  	[tilespmem:s26+$0xFFFFFFC0] =	vst v8;
	v6 =	vld [tilespmem:s13+$0x1A050]  }
0x278: {  	s19 =	sadd.s32 $0x204, s19;
	v4 =	vld [tilespmem:s9+$0x1A050];
	[tilespmem:s26+$0x40] =	vst v9  }
.LBB2_26:
0x279: {  	[tilespmem:s26+$0xFFFFFF40] =	vst v2  }
0x27a: {  	v2 =	vld [tilespmem:s11+$0x1A050];
	_ =	sdelay $0x2  }
0x27b: {  	v7 =	vld [tilespmem:s4+$0x1A050];
	[tilespmem:s26+$0xD0] =	vst v6  }
0x27c: {  	v6 =	vld [tilespmem:s13+$0x1A060];
	[tilespmem:s26+$0xFFFFFFD0] =	vst v4  }
0x27d: {  	v4 =	vld [tilespmem:s9+$0x1A060];
	[tilespmem:s26+$0xFFFFFF50] =	vst v2  }
0x27e: {  	v2 =	vld [tilespmem:s11+$0x1A060];
	_ =	sdelay $0x1  }
0x27f: {  	[tilespmem:s26+$0x50] =	vst v7  }
0x280: {  	v7 =	vld [tilespmem:s4+$0x1A060];
	[tilespmem:s26+$0xE0] =	vst v6  }
0x281: {  	v6 =	vld [tilespmem:s13+$0x1A070];
	[tilespmem:s26+$0xFFFFFFE0] =	vst v4  }
0x282: {  	v4 =	vld [tilespmem:s9+$0x1A070];
	[tilespmem:s26+$0xFFFFFF60] =	vst v2  }
0x283: {  	[tilespmem:s29+$0xFFFFFFF0] =	vst @p1 v3;
	v2 =	vld [tilespmem:s11+$0x1A070]  }
0x284: {  	[tilespmem:s29+$0x70] =	vst @p1 v5  }
0x285: {  	[tilespmem:s26+$0x60] =	vst v7  }
0x286: {  	v3 =	vld [tilespmem:s4+$0x1A070];
	[tilespmem:s26+$0xF0] =	vst v6  }
0x287: {  	[tilespmem:s26+$0xFFFFFFF0] =	vst v4  }
0x288: {  	[tilespmem:s26+$0xFFFFFF70] =	vst v2  }
0x289: {  	s18 =	sshll.u32 s1, $0x11;
	s19 =	rddreg [dreg:$0x6]  }
0x28a: {  	s4 =	sor.u32 s19, s18  }
0x28b: {  	s20 =	simm.s32 $0x1B020;
	[tilespmem:s26+$0x70] =	vst v3;
	s9 =	sadd.s32 s2, s4  }
0x28c: {  	[hbm4b:s9+s3] =	stream.linear.scatter [tilespmem:s20], [sflag:$0x2], $0x400, $0x38;
	[tilespmem:$0x1D020] =	vst v63  }
0x28d: {  	s22 =	simm.s32 $0x1B420;
	s21 =	sadd.s32 s4, s6  }
0x28e: {  	[hbm4b:s21+s3] =	stream.linear.scatter [tilespmem:s22], [sflag:$0x2], $0x400, $0x38;
	[tilespmem:$0x1D020] =	vst v63  }
0x28f: {  	s24 =	simm.s32 $0x1B820;
	s23 =	sadd.s32 s4, s7  }
0x290: {  	[hbm4b:s23+s3] =	stream.linear.scatter [tilespmem:s24], [sflag:$0x2], $0x400, $0x38;
	[tilespmem:$0x1D020] =	vst v63  }
0x291: {  	s26 =	simm.s32 $0x1BC20;
	s4 =	sadd.s32 s4, s8  }
0x292: {  	[hbm4b:s4+s3] =	stream.linear.scatter [tilespmem:s26], [sflag:$0x2], $0x400, $0x38;
	[tilespmem:$0x1D020] =	vst v63  }
0x293: {  	s4 =	simm.s32 @!p0 $0x3  }
0x294: {  	_ =	swait.ge @!p0 [sflag:s4], $0x400  }
0x295: {  	[sflag:s4] =	ssyncset.done @!p0 $0x0  }
0x296: {  	[sflag:s4] =	ssyncadd.s32 @!p0 $0xFFFFFC00  }
0x297: {  	_ =	swait.ge @!p0 [sflag:s4], $0x400  }
0x298: {  	[sflag:s4] =	ssyncset.done @!p0 $0x0  }
0x299: {  	[sflag:s4] =	ssyncadd.s32 @!p0 $0xFFFFFC00  }
0x29a: {  	_ =	swait.ge @!p0 [sflag:s4], $0x400  }
0x29b: {  	[sflag:s4] =	ssyncset.done @!p0 $0x0  }
0x29c: {  	[sflag:s4] =	ssyncadd.s32 @!p0 $0xFFFFFC00  }
0x29d: {  	_ =	swait.ge @!p0 [sflag:s4], $0x400  }
0x29e: {  	s29 =	simm.s32 $0x810;
	v2 =	vadd.s32 s16, v0;
	[sflag:s4] =	ssyncset.done @!p0 $0x0  }
0x29f: {  	v2 =	vand.u32 $0xFF8, v2;
	v3 =	vadd.s32 s29, v0;
	[sflag:s4] =	ssyncadd.s32 @!p0 $0xFFFFFC00  }
0x2a0: {  	v2 =	vor.u32 v1, v2;
	v3 =	vand.u32 $0x1FF8, v3;
	v4 =	vld [tilespmem:s31+$0xFFFFF300]  }
0x2a1: {  	s11 =	simm.s32 $0x1;
	v3 =	vor.u32 v1, v3;
	v5 =	vld [tilespmem:s31+$0xFFFFF310]  }
0x2a2: {  	s13 =	simm.s32 $0x811;
	v7 =	vadd.s32 s11, v0;
	v6 =	vld [tilespmem:s31+$0xFFFFF640]  }
0x2a3: {  	s14 =	simm.s32 $0x2;
	v9 =	vadd.s32 s13, v0;
	v8 =	vld [tilespmem:s31+$0xFFFFF650]  }
0x2a4: {  	v11 =	vadd.s32 s14, v0;
	s16 =	simm.s32 $0x812;
	v10 =	vld [tilespmem:s31+$0xFFFFF980]  }
0x2a5: {  	s18 =	simm.s32 $0x3;
	[tilespmem:v2+s17+$0x0] =	vst.idx.msk $0xffff, v4;
	v2 =	vld [tilespmem:s31+$0xFFFFF990];
	v4 =	vadd.s32 s16, v0  }
0x2a6: {  	s19 =	simm.s32 $0x813;
	[tilespmem:v3+s17+$0x0] =	vst.idx.msk $0xffff, v5;
	v3 =	vld [tilespmem:s31+$0xFFFFFCC0];
	v5 =	vadd.s32 s18, v0  }
0x2a7: {  	s20 =	simm.s32 $0x4;
	[tilespmem:v7+s17+$0x0] =	vst.idx.msk $0xffff, v6;
	v6 =	vld [tilespmem:s31+$0xFFFFFCD0];
	v7 =	vadd.s32 s19, v0  }
0x2a8: {  	v12 =	vadd.s32 s20, v0;
	s21 =	simm.s32 $0x814;
	[tilespmem:v9+s17+$0x0] =	vst.idx.msk $0xffff, v8;
	v9 =	vld [tilespmem:s31+$0x0]  }
0x2a9: {  	s22 =	simm.s32 $0x5;
	v13 =	vadd.s32 s21, v0;
	[tilespmem:v11+s17+$0x0] =	vst.idx.msk $0xffff, v10;
	v10 =	vld [tilespmem:s31+$0x10]  }
0x2aa: {  	s23 =	simm.s32 $0x815;
	v11 =	vadd.s32 s22, v0;
	v8 =	vld [tilespmem:s31+$0x340];
	[tilespmem:v4+s17+$0x0] =	vst.idx.msk $0xffff, v2  }
0x2ab: {  	s24 =	simm.s32 $0x6;
	v2 =	vld [tilespmem:s31+$0x350];
	[tilespmem:v5+s17+$0x0] =	vst.idx.msk $0xffff, v3;
	v5 =	vadd.s32 s23, v0  }
0x2ac: {  	s15 =	sor.u32 $0x1, s15;
	s26 =	simm.s32 $0x816;
	v3 =	vld [tilespmem:s31+$0x680];
	[tilespmem:v7+s17+$0x0] =	vst.idx.msk $0xffff, v6;
	v7 =	vadd.s32 s24, v0  }
0x2ad: {  	s14 =	simm.s32 $0x818;
	s29 =	simm.s32 $0x7;
	s4 =	simm.s32 $0x8;
	v4 =	vld [tilespmem:s31+$0x690];
	[tilespmem:v12+s17+$0x0] =	vst.idx.msk $0xffff, v9;
	v6 =	vadd.s32 s26, v0  }
0x2ae: {  	s13 =	simm.s32 $0x817;
	s11 =	simm.s32 $0x10;
	s9 =	smov.u32 s31;
	v12 =	vadd.s32 s4, v0;
	v9 =	vld [tilespmem:s31+$0x9C0];
	[tilespmem:v13+s17+$0x0] =	vst.idx.msk $0xffff, v10;
	v10 =	vadd.s32 s29, v0  }
.LBB2_27:
0x2af: {  	p0 =	slt.u32 s11, $0x78;
	v12 =	vand.u32 $0xFF8, v12;
	v13 =	vadd.s32 s14, v0;
	[tilespmem:v11+s17+$0x0] =	vst.idx.msk $0xffff, v8;
	v8 =	vld [tilespmem:s9+$0x9D0];
	v11 =	vadd.s32 s13, v0;
	s9 =	sadd.s32 $0x1A00, s9;
	s13 =	smov.u32 s4  }
0x2b0: {  	s4 =	smov.u32 s11;
	v14 =	vld [tilespmem:s9+$0xFFFFF300];
	v12 =	vor.u32 v1, v12;
	v13 =	vand.u32 $0x1FF8, v13;
	[tilespmem:v5+s17+$0x0] =	vst.idx.msk $0xffff, v2  }
0x2b1: {  	s14 =	sadd.s32 $0x1, s13;
	v2 =	vld [tilespmem:s9+$0xFFFFF310];
	v5 =	vor.u32 v1, v13;
	[tilespmem:v7+s17+$0x0] =	vst.idx.msk $0xffff, v3  }
0x2b2: {  	v7 =	vadd.s32 s14, v0;
	s14 =	sadd.s32 $0x811, s13;
	v3 =	vld [tilespmem:s9+$0xFFFFF640];
	[tilespmem:v6+s17+$0x0] =	vst.idx.msk $0xffff, v4  }
0x2b3: {  	v6 =	vadd.s32 s14, v0;
	s14 =	sadd.s32 $0x2, s13;
	v4 =	vld [tilespmem:s9+$0xFFFFF650];
	[tilespmem:v10+s17+$0x0] =	vst.idx.msk $0xffff, v9  }
0x2b4: {  	v10 =	vadd.s32 s14, v0;
	s14 =	sadd.s32 $0x812, s13;
	v9 =	vld [tilespmem:s9+$0xFFFFF980];
	[tilespmem:v11+s17+$0x0] =	vst.idx.msk $0xffff, v8  }
0x2b5: {  	v11 =	vadd.s32 s14, v0;
	s14 =	sadd.s32 $0x3, s13;
	[tilespmem:v12+s17+$0x0] =	vst.idx.msk $0xffff, v14;
	v8 =	vld [tilespmem:s9+$0xFFFFF990]  }
0x2b6: {  	[tilespmem:v5+s17+$0x0] =	vst.idx.msk $0xffff, v2;
	v2 =	vld [tilespmem:s9+$0xFFFFFCC0];
	v5 =	vadd.s32 s14, v0;
	s14 =	sadd.s32 $0x813, s13  }
0x2b7: {  	[tilespmem:v7+s17+$0x0] =	vst.idx.msk $0xffff, v3;
	v3 =	vld [tilespmem:s9+$0xFFFFFCD0];
	v7 =	vadd.s32 s14, v0;
	s14 =	sadd.s32 $0x4, s13  }
0x2b8: {  	[tilespmem:v6+s17+$0x0] =	vst.idx.msk $0xffff, v4;
	v4 =	vld [tilespmem:s9+$0x0];
	v6 =	vadd.s32 s14, v0;
	s14 =	sadd.s32 $0x814, s13  }
0x2b9: {  	[tilespmem:v10+s17+$0x0] =	vst.idx.msk $0xffff, v9;
	v9 =	vld [tilespmem:s9+$0x10];
	v10 =	vadd.s32 s14, v0;
	s14 =	sadd.s32 $0x5, s13  }
.Ltmp20:
0x2ba: {  	[tilespmem:v11+s17+$0x0] =	vst.idx.msk $0xffff, v8;
	v8 =	vld [tilespmem:s9+$0x340];
	v11 =	vadd.s32 s14, v0;
	s14 =	sadd.s32 $0x815, s13;
	(pc) =	sbr.rel @p0 .LBB2_27-.Ltmp20, $4  }
0x2bb: {  	[tilespmem:v5+s17+$0x0] =	vst.idx.msk $0xffff, v2;
	v2 =	vld [tilespmem:s9+$0x350];
	v5 =	vadd.s32 s14, v0;
	s14 =	sadd.s32 $0x6, s13  }
0x2bc: {  	[tilespmem:v7+s17+$0x0] =	vst.idx.msk $0xffff, v3;
	v3 =	vld [tilespmem:s9+$0x680];
	v7 =	vadd.s32 s14, v0;
	s14 =	sadd.s32 $0x816, s13  }
0x2bd: {  	s16 =	sadd.s32 $0x7, s13;
	[tilespmem:v6+s17+$0x0] =	vst.idx.msk $0xffff, v4;
	v4 =	vld [tilespmem:s9+$0x690];
	v6 =	vadd.s32 s14, v0  }
0x2be: {  	s11 =	sadd.s32 $0x8, s11;
	v12 =	vadd.s32 s4, v0;
	s13 =	sadd.s32 $0x817, s13;
	s14 =	sadd.s32 $0x810, s4;
	[tilespmem:v10+s17+$0x0] =	vst.idx.msk $0xffff, v9;
	v9 =	vld [tilespmem:s9+$0x9C0];
	v10 =	vadd.s32 s16, v0  }
0x2bf: {  	_ =	sdelay $0x3  }
0x2c0: {  	v12 =	vand.u32 $0xFF8, v12;
	v13 =	vadd.s32 s14, v0;
	[tilespmem:v11+s17+$0x0] =	vst.idx.msk $0xffff, v8;
	v8 =	vld [tilespmem:s9+$0x9D0];
	v54 =	vadd.s32 s13, v0;
	s9 =	sadd.s32 $0x1A00, s9  }
0x2c1: {  	v14 =	vld [tilespmem:s9+$0xFFFFF300];
	v12 =	vor.u32 v1, v12;
	v13 =	vand.u32 $0x1FF8, v13;
	[tilespmem:v5+s17+$0x0] =	vst.idx.msk $0xffff, v2  }
0x2c2: {  	s11 =	sadd.s32 $0x1, s4;
	v2 =	vld [tilespmem:s9+$0xFFFFF310];
	v5 =	vor.u32 v1, v13;
	[tilespmem:v7+s17+$0x0] =	vst.idx.msk $0xffff, v3  }
0x2c3: {  	s26 =	sadd.s32 $0x811, s4;
	v3 =	vld [tilespmem:s9+$0xFFFFF640];
	v7 =	vadd.s32 s11, v0;
	[tilespmem:v6+s17+$0x0] =	vst.idx.msk $0xffff, v4  }
0x2c4: {  	s29 =	sadd.s32 $0x2, s4;
	v4 =	vld [tilespmem:s9+$0xFFFFF650];
	v6 =	vadd.s32 s26, v0;
	[tilespmem:v10+s17+$0x0] =	vst.idx.msk $0xffff, v9  }
0x2c5: {  	s13 =	sadd.s32 $0x812, s4;
	v55 =	vld [tilespmem:s9+$0xFFFFF980];
	v56 =	vadd.s32 s29, v0;
	[tilespmem:v54+s17+$0x0] =	vst.idx.msk $0xffff, v8  }
0x2c6: {  	s14 =	sadd.s32 $0x3, s4;
	v57 =	vadd.s32 s13, v0;
	v8 =	vld [tilespmem:s9+$0xFFFFF990];
	[tilespmem:v12+s17+$0x0] =	vst.idx.msk $0xffff, v14  }
0x2c7: {  	s16 =	sadd.s32 $0x813, s4;
	[tilespmem:v5+s17+$0x0] =	vst.idx.msk $0xffff, v2;
	v2 =	vld [tilespmem:s9+$0xFFFFFCC0];
	v5 =	vadd.s32 s14, v0  }
0x2c8: {  	s18 =	sadd.s32 $0x4, s4;
	[tilespmem:v7+s17+$0x0] =	vst.idx.msk $0xffff, v3;
	v3 =	vld [tilespmem:s9+$0xFFFFFCD0];
	v7 =	vadd.s32 s16, v0  }
0x2c9: {  	s19 =	sadd.s32 $0x814, s4;
	[tilespmem:v6+s17+$0x0] =	vst.idx.msk $0xffff, v4;
	v4 =	vld [tilespmem:s9+$0x0];
	v6 =	vadd.s32 s18, v0  }
0x2ca: {  	s20 =	sadd.s32 $0x5, s4;
	v58 =	vld [tilespmem:s9+$0x10];
	v59 =	vadd.s32 s19, v0;
	[tilespmem:v56+s17+$0x0] =	vst.idx.msk $0xffff, v55  }
0x2cb: {  	s24 =	sadd.s32 $0x7, s4;
	v60 =	vadd.s32 s20, v0;
	[tilespmem:v57+s17+$0x0] =	vst.idx.msk $0xffff, v8;
	v8 =	vld [tilespmem:s9+$0x340]  }
0x2cc: {  	s21 =	sadd.s32 $0x815, s4;
	v61 =	vld [tilespmem:s9+$0x9C0];
	v62 =	vadd.s32 s24, v0;
	[tilespmem:v5+s17+$0x0] =	vst.idx.msk $0xffff, v2  }
0x2cd: {  	s22 =	sadd.s32 $0x6, s4;
	v2 =	vld [tilespmem:s9+$0x350];
	v5 =	vadd.s32 s21, v0;
	[tilespmem:v7+s17+$0x0] =	vst.idx.msk $0xffff, v3  }
0x2ce: {  	s23 =	sadd.s32 $0x816, s4;
	v3 =	vld [tilespmem:s9+$0x680];
	v7 =	vadd.s32 s22, v0;
	[tilespmem:v6+s17+$0x0] =	vst.idx.msk $0xffff, v4  }
0x2cf: {  	s26 =	sadd.s32 $0x817, s4;
	v4 =	vld [tilespmem:s9+$0x690];
	v6 =	vadd.s32 s23, v0;
	[tilespmem:v59+s17+$0x0] =	vst.idx.msk $0xffff, v58  }
0x2d0: {  	v63 =	vadd.s32 s26, v0;
	[tilespmem:v60+s17+$0x0] =	vst.idx.msk $0xffff, v8;
	v8 =	vld [tilespmem:s9+$0x9D0]  }
0x2d1: {  	[tilespmem:v62+s17+$0x0] =	vst.idx.msk $0xffff, v61  }
0x2d2: {  	[tilespmem:v5+s17+$0x0] =	vst.idx.msk $0xffff, v2  }
0x2d3: {  	[tilespmem:v7+s17+$0x0] =	vst.idx.msk $0xffff, v3  }
0x2d4: {  	[tilespmem:v6+s17+$0x0] =	vst.idx.msk $0xffff, v4  }
0x2d5: {  	s29 =	simm.s32 $0x1A102;
	[tilespmem:v63+s17+$0x0] =	vst.idx.msk $0xffff, v8  }
0x2d6: {  	v2 =	vld [tilespmem:s29+$0x81]  }
0x2d7: {  	v3 =	vld [tilespmem:s29+$0xFFFFFF7F]  }
0x2d8: {  	v4 =	vld [tilespmem:s29+$0x0];
	_ =	sdelay $0x1  }
0x2d9: {  	s16 =	simm.s32 $0x1C210  }
0x2da: {  	v5 =	vld [tilespmem:s29+$0xFFFFFEFE];
	[tilespmem:s16+$0xFFFFFF90] =	vst v2  }
0x2db: {  	[tilespmem:s16+$0xFFFFFE90] =	vst v3;
	v2 =	vld [tilespmem:s28+$0x1A010]  }
0x2dc: {  	[tilespmem:s16+$0xFFFFFF10] =	vst v4;
	v3 =	vld [tilespmem:s5+$0x1A010]  }
0x2dd: {  	v4 =	vld [tilespmem:s10+$0x1A010];
	_ =	sdelay $0x1  }
0x2de: {  	[tilespmem:s16+$0xFFFFFE10] =	vst v5  }
0x2df: {  	v5 =	vld [tilespmem:s12+$0x1A010];
	[tilespmem:s16+$0xFFFFFFA0] =	vst v2  }
0x2e0: {  	[tilespmem:s16+$0xFFFFFEA0] =	vst v3;
	v2 =	vld [tilespmem:s28+$0x1A020]  }
0x2e1: {  	[tilespmem:s16+$0xFFFFFF20] =	vst v4;
	v3 =	vld [tilespmem:s5+$0x1A020]  }
0x2e2: {  	v4 =	vld [tilespmem:s10+$0x1A020];
	_ =	sdelay $0x1  }
0x2e3: {  	[tilespmem:s16+$0xFFFFFE20] =	vst v5  }
0x2e4: {  	v5 =	vld [tilespmem:s12+$0x1A020];
	[tilespmem:s16+$0xFFFFFFB0] =	vst v2  }
0x2e5: {  	[tilespmem:s16+$0xFFFFFEB0] =	vst v3;
	v2 =	vld [tilespmem:s28+$0x1A030]  }
0x2e6: {  	[tilespmem:s16+$0xFFFFFF30] =	vst v4;
	v3 =	vld [tilespmem:s5+$0x1A030]  }
0x2e7: {  	v4 =	vld [tilespmem:s10+$0x1A030];
	_ =	sdelay $0x1  }
0x2e8: {  	[tilespmem:s16+$0xFFFFFE30] =	vst v5  }
0x2e9: {  	v5 =	vld [tilespmem:s12+$0x1A030];
	[tilespmem:s16+$0xFFFFFFC0] =	vst v2  }
0x2ea: {  	[tilespmem:s16+$0xFFFFFEC0] =	vst v3;
	v3 =	vld [tilespmem:s28+$0x1A040]  }
0x2eb: {  	[tilespmem:s16+$0xFFFFFF40] =	vst v4;
	v6 =	vld [tilespmem:s5+$0x1A040]  }
0x2ec: {  	p1 =	por $0x1, $0x1;
	v7 =	vld [tilespmem:s10+$0x1A040]  }
.Ltmp21:
0x2ed: {  	_ = 	snop;
	(pc) =	sbr.rel @!p1 .LBB2_29-.Ltmp21, $4  }
0x2ee: {  	[tilespmem:s16+$0xFFFFFE40] =	vst v5  }
0x2ef: {  	v2 =	vld [tilespmem:s12+$0x1A040];
	[tilespmem:s16+$0xFFFFFFD0] =	vst v3  }
0x2f0: {  	[tilespmem:s16+$0xFFFFFED0] =	vst v6;
	v6 =	vld [tilespmem:s28+$0x1A050]  }
0x2f1: {  	p0 =	por $0x0, $0x0;
	s4 =	simm.s32 $0x1A306;
	[tilespmem:s16+$0xFFFFFF50] =	vst v7;
	v4 =	vld [tilespmem:s5+$0x1A050]  }
0x2f2: {  	v3 =	vld [tilespmem:s4+$0x81]  }
0x2f3: {  	v5 =	vld [tilespmem:s4+$0xFFFFFF7F]  }
0x2f4: {  	[tilespmem:s16+$0xFFFFFE50] =	vst v2;
	v2 =	vld [tilespmem:s4+$0x0]  }
0x2f5: {  	v7 =	vld [tilespmem:s4+$0xFFFFFEFE];
	[tilespmem:s16+$0xFFFFFFE0] =	vst v6  }
0x2f6: {  	s24 =	simm.s32 $0x387;
	s29 =	simm.s32 $0x1C410;
	[tilespmem:s16+$0xFFFFFEE0] =	vst v4;
	v4 =	vld [tilespmem:s28+$0x1A060]  }
0x2f7: {  	s11 =	simm.s32 $0x285;
	s9 =	sand.u32 $0xFFF, s24;
	[tilespmem:s29+$0xFFFFFF90] =	vst v3;
	v3 =	vld [tilespmem:s12+$0x1A050]  }
0x2f8: {  	s26 =	simm.s32 $0x306;
	s4 =	sand.u32 $0xFFD, s11;
	[tilespmem:s29+$0xFFFFFE90] =	vst v5;
	v5 =	vld [tilespmem:s9+$0x1A010]  }
0x2f9: {  	s13 =	simm.s32 $0x204;
	s11 =	sand.u32 $0xFFE, s26;
	v6 =	vld [tilespmem:s4+$0x1A010];
	[tilespmem:s29+$0xFFFFFF10] =	vst v2  }
0x2fa: {  	s14 =	sand.u32 $0xFFC, s13;
	[tilespmem:s29+$0xFFFFFE10] =	vst v7;
	v2 =	vld [tilespmem:s11+$0x1A010]  }
0x2fb: {  	v7 =	vld [tilespmem:s14+$0x1A010];
	[tilespmem:s16+$0xFFFFFFF0] =	vst v4  }
0x2fc: {  	v4 =	vld [tilespmem:s10+$0x1A050];
	[tilespmem:s16+$0xFFFFFE60] =	vst v3  }
0x2fd: {  	v3 =	vld [tilespmem:s28+$0x1A070];
	[tilespmem:s29+$0xFFFFFFA0] =	vst v5  }
0x2fe: {  	[tilespmem:s29+$0xFFFFFEA0] =	vst v6;
	v5 =	vld [tilespmem:s9+$0x1A020]  }
0x2ff: {  	v6 =	vld [tilespmem:s4+$0x1A020];
	[tilespmem:s29+$0xFFFFFF20] =	vst v2  }
0x300: {  	[tilespmem:s29+$0xFFFFFE20] =	vst v7;
	v2 =	vld [tilespmem:s11+$0x1A020]  }
0x301: {  	v7 =	vld [tilespmem:s14+$0x1A020];
	[tilespmem:s16+$0xFFFFFF60] =	vst v4  }
0x302: {  	v4 =	vld [tilespmem:s5+$0x1A060];
	[tilespmem:s16+$0x0] =	vst v3  }
0x303: {  	v3 =	vld [tilespmem:s12+$0x1A060];
	[tilespmem:s29+$0xFFFFFFB0] =	vst v5  }
0x304: {  	[tilespmem:s29+$0xFFFFFEB0] =	vst v6;
	v5 =	vld [tilespmem:s9+$0x1A030]  }
0x305: {  	v6 =	vld [tilespmem:s4+$0x1A030];
	[tilespmem:s29+$0xFFFFFF30] =	vst v2  }
0x306: {  	[tilespmem:s29+$0xFFFFFE30] =	vst v7;
	v2 =	vld [tilespmem:s11+$0x1A030]  }
0x307: {  	v7 =	vld [tilespmem:s14+$0x1A030];
	[tilespmem:s16+$0xFFFFFEF0] =	vst v4  }
0x308: {  	[tilespmem:s16+$0xFFFFFE70] =	vst v3;
	v3 =	vld [tilespmem:s10+$0x1A060]  }
0x309: {  	v4 =	vld [tilespmem:s12+$0x1A070];
	[tilespmem:s29+$0xFFFFFFC0] =	vst v5  }
0x30a: {  	[tilespmem:s29+$0xFFFFFEC0] =	vst v6;
	v5 =	vld [tilespmem:s9+$0x1A040]  }
0x30b: {  	v6 =	vld [tilespmem:s4+$0x1A040];
	[tilespmem:s29+$0xFFFFFF40] =	vst v2  }
0x30c: {  	p1 =	por $0x1, $0x1;
	[tilespmem:s29+$0xFFFFFE40] =	vst v7;
	v7 =	vld [tilespmem:s11+$0x1A040]  }
.Ltmp22:
0x30d: {  	v2 =	vld [tilespmem:s14+$0x1A040];
	[tilespmem:s16+$0xFFFFFF70] =	vst v3;
	(pc) =	sbr.rel @!p1 .LBB2_31-.Ltmp22, $4  }
0x30e: {  	v3 =	vld [tilespmem:s5+$0x1A070];
	[tilespmem:s16+$0xFFFFFE80] =	vst v4  }
0x30f: {  	[tilespmem:s29+$0xFFFFFFD0] =	vst v5;
	v5 =	vld [tilespmem:s10+$0x1A070]  }
0x310: {  	[tilespmem:s29+$0xFFFFFED0] =	vst v6;
	v6 =	vld [tilespmem:s9+$0x1A050]  }
0x311: {  	p0 =	por $0x1, $0x1;
	s5 =	simm.s32 $0x4;
	s10 =	simm.s32 $0x1A50A;
	v4 =	vld [tilespmem:s4+$0x1A050];
	[tilespmem:s29+$0xFFFFFF50] =	vst v7  }
.LBB2_32:
0x312: {  	v7 =	vld [tilespmem:s10+$0x81];
	s5 =	sadd.s32 $0x4, s5;
	[tilespmem:s29+$0xFFFFFE50] =	vst v2  }
0x313: {  	v2 =	vld [tilespmem:s10+$0xFFFFFF7F];
	p1 =	slt.u32 s5, $0x1C;
	[tilespmem:s16+$0xFFFFFF00] =	vst v3  }
0x314: {  	v3 =	vld [tilespmem:s10+$0x0];
	[tilespmem:s16+$0xFFFFFF80] =	vst v5;
	s16 =	smov.u32 s29  }
0x315: {  	s13 =	sadd.s32 $0x204, s13;
	v5 =	vld [tilespmem:s10+$0xFFFFFEFE];
	[tilespmem:s29+$0xFFFFFFE0] =	vst v6  }
0x316: {  	s12 =	sadd.s32 $0x81, s13;
	s18 =	sadd.s32 $0x183, s13;
	s29 =	sadd.s32 $0x200, s29;
	[tilespmem:s16+$0xFFFFFEE0] =	vst v4;
	v4 =	vld [tilespmem:s9+$0x1A060]  }
0x317: {  	s19 =	sadd.s32 $0x102, s13;
	s12 =	sand.u32 $0xFFD, s12;
	s20 =	sand.u32 $0xFFF, s18;
	[tilespmem:s29+$0xFFFFFF90] =	vst v7;
	v6 =	vld [tilespmem:s14+$0x1A050]  }
0x318: {  	s21 =	sand.u32 $0xFFC, s13;
	s18 =	sand.u32 $0xFFE, s19;
	[tilespmem:s29+$0xFFFFFE90] =	vst v2;
	v2 =	vld [tilespmem:s20+$0x1A010]  }
0x319: {  	v7 =	vld [tilespmem:s12+$0x1A010];
	[tilespmem:s29+$0xFFFFFF10] =	vst v3  }
0x31a: {  	[tilespmem:s29+$0xFFFFFE10] =	vst v5;
	v3 =	vld [tilespmem:s18+$0x1A010]  }
0x31b: {  	v5 =	vld [tilespmem:s21+$0x1A010];
	[tilespmem:s16+$0xFFFFFFF0] =	vst v4  }
0x31c: {  	[tilespmem:s16+$0xFFFFFE60] =	vst v6;
	v4 =	vld [tilespmem:s9+$0x1A070];
	s9 =	smov.u32 s20  }
0x31d: {  	[tilespmem:s29+$0xFFFFFFA0] =	vst v2;
	v2 =	vld [tilespmem:s11+$0x1A050]  }
0x31e: {  	[tilespmem:s29+$0xFFFFFEA0] =	vst v7;
	v6 =	vld [tilespmem:s9+$0x1A020]  }
0x31f: {  	v7 =	vld [tilespmem:s12+$0x1A020];
	[tilespmem:s29+$0xFFFFFF20] =	vst v3  }
0x320: {  	[tilespmem:s29+$0xFFFFFE20] =	vst v5;
	v3 =	vld [tilespmem:s18+$0x1A020]  }
0x321: {  	v5 =	vld [tilespmem:s21+$0x1A020];
	[tilespmem:s16+$0x0] =	vst v4  }
0x322: {  	v4 =	vld [tilespmem:s14+$0x1A060];
	[tilespmem:s16+$0xFFFFFF60] =	vst v2  }
0x323: {  	[tilespmem:s29+$0xFFFFFFB0] =	vst v6;
	v2 =	vld [tilespmem:s4+$0x1A060]  }
0x324: {  	[tilespmem:s29+$0xFFFFFEB0] =	vst v7;
	v6 =	vld [tilespmem:s9+$0x1A030]  }
0x325: {  	v7 =	vld [tilespmem:s12+$0x1A030];
	[tilespmem:s29+$0xFFFFFF30] =	vst v3  }
0x326: {  	[tilespmem:s29+$0xFFFFFE30] =	vst v5;
	v3 =	vld [tilespmem:s18+$0x1A030]  }
0x327: {  	v5 =	vld [tilespmem:s21+$0x1A030];
	[tilespmem:s16+$0xFFFFFE70] =	vst v4  }
0x328: {  	[tilespmem:s16+$0xFFFFFEF0] =	vst v2;
	v4 =	vld [tilespmem:s11+$0x1A060]  }
0x329: {  	[tilespmem:s29+$0xFFFFFFC0] =	vst v6;
	v6 =	vld [tilespmem:s14+$0x1A070];
	s14 =	smov.u32 s21  }
0x32a: {  	[tilespmem:s29+$0xFFFFFEC0] =	vst v7;
	v7 =	vld [tilespmem:s9+$0x1A040]  }
0x32b: {  	v8 =	vld [tilespmem:s12+$0x1A040];
	[tilespmem:s29+$0xFFFFFF40] =	vst v3  }
0x32c: {  	[tilespmem:s29+$0xFFFFFE40] =	vst v5;
	v9 =	vld [tilespmem:s18+$0x1A040]  }
.Ltmp23:
0x32d: {  	v2 =	vld [tilespmem:s14+$0x1A040];
	[tilespmem:s16+$0xFFFFFF70] =	vst v4;
	(pc) =	sbr.rel @p1 .LBB2_32-.Ltmp23, $4  }
0x32e: {  	[tilespmem:s16+$0xFFFFFE80] =	vst v6;
	v3 =	vld [tilespmem:s4+$0x1A070];
	s4 =	smov.u32 s12  }
0x32f: {  	[tilespmem:s29+$0xFFFFFFD0] =	vst v7;
	v5 =	vld [tilespmem:s11+$0x1A070];
	s11 =	smov.u32 s18  }
0x330: {  	[tilespmem:s29+$0xFFFFFED0] =	vst v8;
	v6 =	vld [tilespmem:s9+$0x1A050]  }
0x331: {  	s10 =	sadd.s32 $0x204, s10;
	v4 =	vld [tilespmem:s4+$0x1A050];
	[tilespmem:s29+$0xFFFFFF50] =	vst v9  }
0x332: {  	s28 =	smov.u32 s9  }
0x333: {  	s12 =	smov.u32 s14;
	s10 =	smov.u32 s11;
	s5 =	smov.u32 s4  }
.LBB2_34:
0x334: {  	[tilespmem:s29+$0xFFFFFE50] =	vst v2  }
0x335: {  	v2 =	vld [tilespmem:s12+$0x1A050];
	_ =	sdelay $0x2  }
0x336: {  	v7 =	vld [tilespmem:s10+$0x1A050];
	[tilespmem:s29+$0xFFFFFEE0] =	vst v4  }
0x337: {  	[tilespmem:s29+$0xFFFFFFE0] =	vst v6;
	v4 =	vld [tilespmem:s5+$0x1A060]  }
0x338: {  	v6 =	vld [tilespmem:s28+$0x1A060];
	[tilespmem:s29+$0xFFFFFE60] =	vst v2  }
0x339: {  	v2 =	vld [tilespmem:s12+$0x1A060];
	_ =	sdelay $0x1  }
0x33a: {  	[tilespmem:s29+$0xFFFFFF60] =	vst v7  }
0x33b: {  	v7 =	vld [tilespmem:s10+$0x1A060];
	[tilespmem:s29+$0xFFFFFEF0] =	vst v4  }
0x33c: {  	[tilespmem:s29+$0xFFFFFFF0] =	vst v6;
	v63 =	vld [tilespmem:s5+$0x1A070]  }
0x33d: {  	[tilespmem:s29+$0xFFFFFE70] =	vst v2;
	v2 =	vld [tilespmem:s28+$0x1A070]  }
0x33e: {  	[tilespmem:s16+$0xFFFFFF00] =	vst @p0 v3;
	v62 =	vld [tilespmem:s12+$0x1A070]  }
0x33f: {  	[tilespmem:s16+$0xFFFFFF80] =	vst @p0 v5  }
0x340: {  	[tilespmem:s29+$0xFFFFFF70] =	vst v7  }
0x341: {  	v3 =	vld [tilespmem:s10+$0x1A070];
	[tilespmem:s29+$0xFFFFFF00] =	vst v63  }
0x342: {  	[tilespmem:s29+$0x0] =	vst v2  }
0x343: {  	[tilespmem:s29+$0xFFFFFE80] =	vst v62  }
0x344: {  	s4 =	sshll.u32 s15, $0x10;
	s23 =	rddreg [dreg:$0x6]  }
0x345: {  	s4 =	sor.u32 s23, s4  }
0x346: {  	s9 =	simm.s32 $0x1C020;
	s1 =	sadd.s32 $0x1, s1;
	[tilespmem:s29+$0xFFFFFF80] =	vst v3;
	s5 =	sadd.s32 s2, s4  }
0x347: {  	[hbm4b:s5+s3] =	stream.linear.scatter [tilespmem:s9], [sflag:$0x3], $0x400, $0x38;
	[tilespmem:$0x1D020] =	vst v63  }
0x348: {  	s26 =	simm.s32 $0x1C420;
	p0 =	sne.s32 s1, $0xD;
	s24 =	sadd.s32 s4, s6  }
0x349: {  	[hbm4b:s24+s3] =	stream.linear.scatter [tilespmem:s26], [sflag:$0x3], $0x400, $0x38;
	[tilespmem:$0x1D020] =	vst v63  }
.Ltmp24:
0x34a: {  	_ = 	snop;
	(pc) =	sbr.rel @p0 .LBB2_20-.Ltmp24, $4  }
.Ltmp25:
0x34b: {  	s29 =	simm.s32 $0x1C820;
	s28 =	sadd.s32 s4, s7;
	(pc) =	sbr.rel @!p0 .LBB2_35-.Ltmp25, $4  }
0x34c: {  	[hbm4b:s28+s3] =	stream.linear.scatter [tilespmem:s29], [sflag:$0x3], $0x400, $0x38;
	[tilespmem:$0x1D020] =	vst v63  }
0x34d: {  	s30 =	sadd.s32 $0x40, s30;
	s31 =	sadd.s32 $0x40, s31;
	s4 =	sadd.s32 s4, s8  }
0x34e: {  	[hbm4b:s4+s3] =	stream.linear.scatter [tilespmem:s25], [sflag:$0x3], $0x400, $0x38;
	[tilespmem:$0x1D020] =	vst v63  }
0x34f: {  	_ = 	snop  }
.LBB2_23:
.Ltmp26:
0x350: {  	(pc) =	sbr.rel .LBB2_26-.Ltmp26, $3  }
0x351: {  	_ =	sdelay $0x1  }
0x352: {  	s26 =	simm.s32 $0x1B120;
	s13 =	smov.u32 s28  }
0x353: {  	s11 =	smov.u32 s12;
	s4 =	smov.u32 s10;
	s9 =	smov.u32 s5  }
.LBB2_29:
.Ltmp27:
0x354: {  	(pc) =	sbr.rel .LBB2_34-.Ltmp27, $2  }
0x355: {  	_ =	sdelay $0x2  }
0x356: {  	s29 =	simm.s32 $0x1C210  }
.LBB2_31:
.Ltmp28:
0x357: {  	(pc) =	sbr.rel .LBB2_34-.Ltmp28, $3  }
0x358: {  	_ =	sdelay $0x1  }
0x359: {  	s28 =	smov.u32 s9  }
0x35a: {  	s12 =	smov.u32 s14;
	s10 =	smov.u32 s11;
	s5 =	smov.u32 s4  }
.LBB2_35:
0x35b: {  	s0 =	simm.s32 $0x2  }
0x35c: {  	_ =	swait.ge [sflag:s0], $0x400  }
0x35d: {  	[sflag:s0] =	ssyncset.done $0x0  }
0x35e: {  	[sflag:s0] =	ssyncadd.s32 $0xFFFFFC00  }
0x35f: {  	_ =	swait.ge [sflag:s0], $0x400  }
0x360: {  	[sflag:s0] =	ssyncset.done $0x0  }
0x361: {  	[sflag:s0] =	ssyncadd.s32 $0xFFFFFC00  }
0x362: {  	_ =	swait.ge [sflag:s0], $0x400  }
0x363: {  	[sflag:s0] =	ssyncset.done $0x0  }
0x364: {  	[sflag:s0] =	ssyncadd.s32 $0xFFFFFC00  }
0x365: {  	_ =	swait.ge [sflag:s0], $0x400  }
0x366: {  	[sflag:s0] =	ssyncset.done $0x0  }
0x367: {  	s28 =	simm.s32 $0x3;
	[sflag:s0] =	ssyncadd.s32 $0xFFFFFC00  }
0x368: {  	_ =	swait.ge [sflag:s28], $0x400  }
0x369: {  	[sflag:s28] =	ssyncset.done $0x0  }
0x36a: {  	[sflag:s28] =	ssyncadd.s32 $0xFFFFFC00  }
0x36b: {  	_ =	swait.ge [sflag:s28], $0x400  }
0x36c: {  	[sflag:s28] =	ssyncset.done $0x0  }
0x36d: {  	[sflag:s28] =	ssyncadd.s32 $0xFFFFFC00  }
0x36e: {  	_ =	swait.ge [sflag:s28], $0x400  }
0x36f: {  	[sflag:s28] =	ssyncset.done $0x0  }
0x370: {  	[sflag:s28] =	ssyncadd.s32 $0xFFFFFC00  }
0x371: {  	_ =	swait.ge [sflag:s28], $0x400  }
0x372: {  	s29 =	simm.s32 $0x1;
	[sflag:s28] =	ssyncset.done $0x0  }
0x373: {  	s0 =	simm.s32 $0x0;
	s1 =	rddreg [dreg:$0x7];
	[sflag:s28] =	ssyncadd.s32 $0xFFFFFC00  }
0x374: {  	[tilespmem:s0], [sflag:$0x1] =	stream.linear.gather [hbm4b:s1+s0], $0x1A000, $0x38;
	[tilespmem:$0x1D020] =	vst v63  }
0x375: {  	_ =	swait.ge [sflag:s29], $0x1A000  }
0x376: {  	s30 =	simm.s32 $0xD00;
	[sflag:s29] =	ssyncset.done $0x0  }
0x377: {  	s31 =	simm.s32 $0xD20;
	s1 =	simm.s32 $0x0;
	[sflag:s29] =	ssyncadd.s32 $0xFFFE6000  }
.LBB2_36:
0x378: {  	p0 =	seq.s32 s1, $0x0  }
0x379: {  	s4 =	simm.s32 @!p0 $0x2  }
0x37a: {  	_ =	swait.ge @!p0 [sflag:s4], $0x400  }
0x37b: {  	[sflag:s4] =	ssyncset.done @!p0 $0x0  }
0x37c: {  	[sflag:s4] =	ssyncadd.s32 @!p0 $0xFFFFFC00  }
0x37d: {  	_ =	swait.ge @!p0 [sflag:s4], $0x400  }
0x37e: {  	[sflag:s4] =	ssyncset.done @!p0 $0x0  }
0x37f: {  	[sflag:s4] =	ssyncadd.s32 @!p0 $0xFFFFFC00  }
0x380: {  	_ =	swait.ge @!p0 [sflag:s4], $0x400  }
0x381: {  	[sflag:s4] =	ssyncset.done @!p0 $0x0  }
0x382: {  	[sflag:s4] =	ssyncadd.s32 @!p0 $0xFFFFFC00  }
0x383: {  	_ =	swait.ge @!p0 [sflag:s4], $0x400  }
0x384: {  	v2 =	vadd.s32 s0, v0;
	s5 =	simm.s32 $0x810;
	[sflag:s4] =	ssyncset.done @!p0 $0x0  }
0x385: {  	v2 =	vand.u32 $0xFF8, v2;
	v3 =	vadd.s32 s5, v0;
	[sflag:s4] =	ssyncadd.s32 @!p0 $0xFFFFFC00  }
0x386: {  	v2 =	vor.u32 v1, v2;
	v3 =	vand.u32 $0x1FF8, v3;
	v4 =	vld [tilespmem:s30+$0xFFFFF300]  }
0x387: {  	s15 =	simm.s32 $0x1;
	v3 =	vor.u32 v1, v3;
	v5 =	vld [tilespmem:s30+$0xFFFFF310]  }
0x388: {  	s16 =	simm.s32 $0x811;
	v7 =	vadd.s32 s15, v0;
	v6 =	vld [tilespmem:s30+$0xFFFFF640]  }
0x389: {  	s18 =	simm.s32 $0x2;
	v9 =	vadd.s32 s16, v0;
	v8 =	vld [tilespmem:s30+$0xFFFFF650]  }
0x38a: {  	s19 =	simm.s32 $0x812;
	v11 =	vadd.s32 s18, v0;
	v10 =	vld [tilespmem:s30+$0xFFFFF980]  }
0x38b: {  	s20 =	simm.s32 $0x3;
	[tilespmem:v2+s17+$0x0] =	vst.idx.msk $0xffff, v4;
	v2 =	vld [tilespmem:s30+$0xFFFFF990];
	v4 =	vadd.s32 s19, v0  }
0x38c: {  	s21 =	simm.s32 $0x813;
	[tilespmem:v3+s17+$0x0] =	vst.idx.msk $0xffff, v5;
	v3 =	vld [tilespmem:s30+$0xFFFFFCC0];
	v5 =	vadd.s32 s20, v0  }
0x38d: {  	s22 =	simm.s32 $0x4;
	[tilespmem:v7+s17+$0x0] =	vst.idx.msk $0xffff, v6;
	v6 =	vld [tilespmem:s30+$0xFFFFFCD0];
	v7 =	vadd.s32 s21, v0  }
0x38e: {  	s23 =	simm.s32 $0x814;
	v12 =	vadd.s32 s22, v0;
	[tilespmem:v9+s17+$0x0] =	vst.idx.msk $0xffff, v8;
	v9 =	vld [tilespmem:s30+$0x0]  }
0x38f: {  	s24 =	simm.s32 $0x5;
	v13 =	vadd.s32 s23, v0;
	[tilespmem:v11+s17+$0x0] =	vst.idx.msk $0xffff, v10;
	v10 =	vld [tilespmem:s30+$0x10]  }
0x390: {  	s26 =	simm.s32 $0x815;
	v11 =	vadd.s32 s24, v0;
	v8 =	vld [tilespmem:s30+$0x340];
	[tilespmem:v4+s17+$0x0] =	vst.idx.msk $0xffff, v2  }
0x391: {  	s28 =	simm.s32 $0x6;
	v2 =	vld [tilespmem:s30+$0x350];
	[tilespmem:v5+s17+$0x0] =	vst.idx.msk $0xffff, v3;
	v5 =	vadd.s32 s26, v0  }
0x392: {  	s9 =	simm.s32 $0x816;
	s29 =	simm.s32 $0x7;
	v3 =	vld [tilespmem:s30+$0x680];
	[tilespmem:v7+s17+$0x0] =	vst.idx.msk $0xffff, v6;
	v7 =	vadd.s32 s28, v0  }
0x393: {  	s11 =	simm.s32 $0x818;
	s10 =	simm.s32 $0x817;
	s4 =	simm.s32 $0x8;
	v4 =	vld [tilespmem:s30+$0x690];
	[tilespmem:v12+s17+$0x0] =	vst.idx.msk $0xffff, v9;
	v6 =	vadd.s32 s9, v0  }
0x394: {  	s15 =	sshll.u32 s1, $0x1;
	s5 =	smov.u32 s30;
	v12 =	vadd.s32 s4, v0;
	v9 =	vld [tilespmem:s30+$0x9C0];
	s9 =	simm.s32 $0x10;
	[tilespmem:v13+s17+$0x0] =	vst.idx.msk $0xffff, v10;
	v10 =	vadd.s32 s29, v0  }
.LBB2_37:
0x395: {  	p1 =	slt.u32 s9, $0x78;
	v12 =	vand.u32 $0xFF8, v12;
	v13 =	vadd.s32 s11, v0;
	[tilespmem:v11+s17+$0x0] =	vst.idx.msk $0xffff, v8;
	v8 =	vld [tilespmem:s5+$0x9D0];
	v11 =	vadd.s32 s10, v0;
	s5 =	sadd.s32 $0x1A00, s5;
	s10 =	smov.u32 s4  }
0x396: {  	s4 =	smov.u32 s9;
	v14 =	vld [tilespmem:s5+$0xFFFFF300];
	v12 =	vor.u32 v1, v12;
	v13 =	vand.u32 $0x1FF8, v13;
	[tilespmem:v5+s17+$0x0] =	vst.idx.msk $0xffff, v2  }
0x397: {  	s11 =	sadd.s32 $0x1, s10;
	v2 =	vld [tilespmem:s5+$0xFFFFF310];
	v5 =	vor.u32 v1, v13;
	[tilespmem:v7+s17+$0x0] =	vst.idx.msk $0xffff, v3  }
0x398: {  	v7 =	vadd.s32 s11, v0;
	s11 =	sadd.s32 $0x811, s10;
	v3 =	vld [tilespmem:s5+$0xFFFFF640];
	[tilespmem:v6+s17+$0x0] =	vst.idx.msk $0xffff, v4  }
0x399: {  	v6 =	vadd.s32 s11, v0;
	s11 =	sadd.s32 $0x2, s10;
	v4 =	vld [tilespmem:s5+$0xFFFFF650];
	[tilespmem:v10+s17+$0x0] =	vst.idx.msk $0xffff, v9  }
0x39a: {  	v10 =	vadd.s32 s11, v0;
	s11 =	sadd.s32 $0x812, s10;
	v9 =	vld [tilespmem:s5+$0xFFFFF980];
	[tilespmem:v11+s17+$0x0] =	vst.idx.msk $0xffff, v8  }
0x39b: {  	v11 =	vadd.s32 s11, v0;
	s11 =	sadd.s32 $0x3, s10;
	[tilespmem:v12+s17+$0x0] =	vst.idx.msk $0xffff, v14;
	v8 =	vld [tilespmem:s5+$0xFFFFF990]  }
0x39c: {  	[tilespmem:v5+s17+$0x0] =	vst.idx.msk $0xffff, v2;
	v2 =	vld [tilespmem:s5+$0xFFFFFCC0];
	v5 =	vadd.s32 s11, v0;
	s11 =	sadd.s32 $0x813, s10  }
0x39d: {  	[tilespmem:v7+s17+$0x0] =	vst.idx.msk $0xffff, v3;
	v3 =	vld [tilespmem:s5+$0xFFFFFCD0];
	v7 =	vadd.s32 s11, v0;
	s11 =	sadd.s32 $0x4, s10  }
0x39e: {  	[tilespmem:v6+s17+$0x0] =	vst.idx.msk $0xffff, v4;
	v4 =	vld [tilespmem:s5+$0x0];
	v6 =	vadd.s32 s11, v0;
	s11 =	sadd.s32 $0x814, s10  }
0x39f: {  	[tilespmem:v10+s17+$0x0] =	vst.idx.msk $0xffff, v9;
	v9 =	vld [tilespmem:s5+$0x10];
	v10 =	vadd.s32 s11, v0;
	s11 =	sadd.s32 $0x5, s10  }
.Ltmp29:
0x3a0: {  	[tilespmem:v11+s17+$0x0] =	vst.idx.msk $0xffff, v8;
	v8 =	vld [tilespmem:s5+$0x340];
	v11 =	vadd.s32 s11, v0;
	s11 =	sadd.s32 $0x815, s10;
	(pc) =	sbr.rel @p1 .LBB2_37-.Ltmp29, $4  }
0x3a1: {  	[tilespmem:v5+s17+$0x0] =	vst.idx.msk $0xffff, v2;
	v2 =	vld [tilespmem:s5+$0x350];
	v5 =	vadd.s32 s11, v0;
	s11 =	sadd.s32 $0x6, s10  }
0x3a2: {  	[tilespmem:v7+s17+$0x0] =	vst.idx.msk $0xffff, v3;
	v3 =	vld [tilespmem:s5+$0x680];
	v7 =	vadd.s32 s11, v0;
	s11 =	sadd.s32 $0x816, s10  }
0x3a3: {  	s12 =	sadd.s32 $0x7, s10;
	[tilespmem:v6+s17+$0x0] =	vst.idx.msk $0xffff, v4;
	v4 =	vld [tilespmem:s5+$0x690];
	v6 =	vadd.s32 s11, v0  }
0x3a4: {  	s9 =	sadd.s32 $0x8, s9;
	v12 =	vadd.s32 s4, v0;
	s10 =	sadd.s32 $0x817, s10;
	s11 =	sadd.s32 $0x810, s4;
	[tilespmem:v10+s17+$0x0] =	vst.idx.msk $0xffff, v9;
	v9 =	vld [tilespmem:s5+$0x9C0];
	v10 =	vadd.s32 s12, v0  }
0x3a5: {  	_ =	sdelay $0x3  }
0x3a6: {  	v12 =	vand.u32 $0xFF8, v12;
	v13 =	vadd.s32 s11, v0;
	[tilespmem:v11+s17+$0x0] =	vst.idx.msk $0xffff, v8;
	v8 =	vld [tilespmem:s5+$0x9D0];
	v54 =	vadd.s32 s10, v0;
	s24 =	sadd.s32 $0x1A00, s5  }
0x3a7: {  	v14 =	vld [tilespmem:s24+$0xFFFFF300];
	v12 =	vor.u32 v1, v12;
	v13 =	vand.u32 $0x1FF8, v13;
	[tilespmem:v5+s17+$0x0] =	vst.idx.msk $0xffff, v2  }
0x3a8: {  	s9 =	sadd.s32 $0x1, s4;
	v2 =	vld [tilespmem:s24+$0xFFFFF310];
	v5 =	vor.u32 v1, v13;
	[tilespmem:v7+s17+$0x0] =	vst.idx.msk $0xffff, v3  }
0x3a9: {  	s26 =	sadd.s32 $0x811, s4;
	v3 =	vld [tilespmem:s24+$0xFFFFF640];
	v7 =	vadd.s32 s9, v0;
	[tilespmem:v6+s17+$0x0] =	vst.idx.msk $0xffff, v4  }
0x3aa: {  	s28 =	sadd.s32 $0x2, s4;
	v4 =	vld [tilespmem:s24+$0xFFFFF650];
	v6 =	vadd.s32 s26, v0;
	[tilespmem:v10+s17+$0x0] =	vst.idx.msk $0xffff, v9  }
0x3ab: {  	s10 =	sadd.s32 $0x812, s4;
	v55 =	vld [tilespmem:s24+$0xFFFFF980];
	v56 =	vadd.s32 s28, v0;
	[tilespmem:v54+s17+$0x0] =	vst.idx.msk $0xffff, v8  }
0x3ac: {  	s11 =	sadd.s32 $0x3, s4;
	v57 =	vadd.s32 s10, v0;
	v8 =	vld [tilespmem:s24+$0xFFFFF990];
	[tilespmem:v12+s17+$0x0] =	vst.idx.msk $0xffff, v14  }
0x3ad: {  	s12 =	sadd.s32 $0x813, s4;
	[tilespmem:v5+s17+$0x0] =	vst.idx.msk $0xffff, v2;
	v2 =	vld [tilespmem:s24+$0xFFFFFCC0];
	v5 =	vadd.s32 s11, v0  }
0x3ae: {  	s13 =	sadd.s32 $0x4, s4;
	[tilespmem:v7+s17+$0x0] =	vst.idx.msk $0xffff, v3;
	v3 =	vld [tilespmem:s24+$0xFFFFFCD0];
	v7 =	vadd.s32 s12, v0  }
0x3af: {  	s14 =	sadd.s32 $0x814, s4;
	[tilespmem:v6+s17+$0x0] =	vst.idx.msk $0xffff, v4;
	v4 =	vld [tilespmem:s24+$0x0];
	v6 =	vadd.s32 s13, v0  }
0x3b0: {  	s16 =	sadd.s32 $0x5, s4;
	v58 =	vld [tilespmem:s24+$0x10];
	v59 =	vadd.s32 s14, v0;
	[tilespmem:v56+s17+$0x0] =	vst.idx.msk $0xffff, v55  }
0x3b1: {  	s21 =	sadd.s32 $0x7, s4;
	v60 =	vadd.s32 s16, v0;
	[tilespmem:v57+s17+$0x0] =	vst.idx.msk $0xffff, v8;
	v8 =	vld [tilespmem:s24+$0x340]  }
0x3b2: {  	s18 =	sadd.s32 $0x815, s4;
	v61 =	vld [tilespmem:s24+$0x9C0];
	v62 =	vadd.s32 s21, v0;
	[tilespmem:v5+s17+$0x0] =	vst.idx.msk $0xffff, v2  }
0x3b3: {  	s19 =	sadd.s32 $0x6, s4;
	v2 =	vld [tilespmem:s24+$0x350];
	v5 =	vadd.s32 s18, v0;
	[tilespmem:v7+s17+$0x0] =	vst.idx.msk $0xffff, v3  }
0x3b4: {  	s20 =	sadd.s32 $0x816, s4;
	v3 =	vld [tilespmem:s24+$0x680];
	v7 =	vadd.s32 s19, v0;
	[tilespmem:v6+s17+$0x0] =	vst.idx.msk $0xffff, v4  }
0x3b5: {  	s22 =	sadd.s32 $0x817, s4;
	v4 =	vld [tilespmem:s24+$0x690];
	v6 =	vadd.s32 s20, v0;
	[tilespmem:v59+s17+$0x0] =	vst.idx.msk $0xffff, v58  }
0x3b6: {  	v63 =	vadd.s32 s22, v0;
	[tilespmem:v60+s17+$0x0] =	vst.idx.msk $0xffff, v8;
	v8 =	vld [tilespmem:s24+$0x9D0]  }
0x3b7: {  	[tilespmem:v62+s17+$0x0] =	vst.idx.msk $0xffff, v61  }
0x3b8: {  	[tilespmem:v5+s17+$0x0] =	vst.idx.msk $0xffff, v2  }
0x3b9: {  	[tilespmem:v7+s17+$0x0] =	vst.idx.msk $0xffff, v3  }
0x3ba: {  	[tilespmem:v6+s17+$0x0] =	vst.idx.msk $0xffff, v4  }
0x3bb: {  	s23 =	simm.s32 $0x1A102;
	[tilespmem:v63+s17+$0x0] =	vst.idx.msk $0xffff, v8  }
0x3bc: {  	v2 =	vld [tilespmem:s23+$0x81]  }
0x3bd: {  	v3 =	vld [tilespmem:s23+$0xFFFFFF7F]  }
0x3be: {  	v4 =	vld [tilespmem:s23+$0x0];
	_ =	sdelay $0x1  }
0x3bf: {  	s29 =	simm.s32 $0x1B120;
	s24 =	simm.s32 $0x183  }
0x3c0: {  	s26 =	simm.s32 $0x81;
	s13 =	sand.u32 $0xFFF, s24;
	v5 =	vld [tilespmem:s23+$0xFFFFFEFE];
	[tilespmem:s29+$0x80] =	vst v2  }
0x3c1: {  	s28 =	simm.s32 $0x102;
	s9 =	sand.u32 $0xFFD, s26;
	[tilespmem:s29+$0xFFFFFF80] =	vst v3;
	v2 =	vld [tilespmem:s13+$0x1A010]  }
0x3c2: {  	s4 =	sand.u32 $0xFFE, s28;
	[tilespmem:s29+$0x0] =	vst v4;
	v3 =	vld [tilespmem:s9+$0x1A010]  }
0x3c3: {  	v4 =	vld [tilespmem:s4+$0x1A010]  }
0x3c4: {  	s16 =	simm.s32 $0x0  }
0x3c5: {  	s11 =	sand.u32 $0xFFC, s16;
	[tilespmem:s29+$0xFFFFFF00] =	vst v5  }
0x3c6: {  	v5 =	vld [tilespmem:s11+$0x1A010];
	[tilespmem:s29+$0x90] =	vst v2  }
0x3c7: {  	[tilespmem:s29+$0xFFFFFF90] =	vst v3;
	v2 =	vld [tilespmem:s13+$0x1A020]  }
0x3c8: {  	[tilespmem:s29+$0x10] =	vst v4;
	v3 =	vld [tilespmem:s9+$0x1A020]  }
0x3c9: {  	v4 =	vld [tilespmem:s4+$0x1A020];
	_ =	sdelay $0x1  }
0x3ca: {  	[tilespmem:s29+$0xFFFFFF10] =	vst v5  }
0x3cb: {  	v5 =	vld [tilespmem:s11+$0x1A020];
	[tilespmem:s29+$0xA0] =	vst v2  }
0x3cc: {  	[tilespmem:s29+$0xFFFFFFA0] =	vst v3;
	v2 =	vld [tilespmem:s13+$0x1A030]  }
0x3cd: {  	[tilespmem:s29+$0x20] =	vst v4;
	v3 =	vld [tilespmem:s9+$0x1A030]  }
0x3ce: {  	v4 =	vld [tilespmem:s4+$0x1A030];
	_ =	sdelay $0x1  }
0x3cf: {  	[tilespmem:s29+$0xFFFFFF20] =	vst v5  }
0x3d0: {  	v5 =	vld [tilespmem:s11+$0x1A030];
	[tilespmem:s29+$0xB0] =	vst v2  }
0x3d1: {  	[tilespmem:s29+$0xFFFFFFB0] =	vst v3;
	v3 =	vld [tilespmem:s13+$0x1A040]  }
0x3d2: {  	[tilespmem:s29+$0x30] =	vst v4;
	v6 =	vld [tilespmem:s9+$0x1A040]  }
0x3d3: {  	p2 =	por $0x1, $0x1;
	v7 =	vld [tilespmem:s4+$0x1A040]  }
.Ltmp30:
0x3d4: {  	_ = 	snop;
	(pc) =	sbr.rel @!p2 .LBB2_39-.Ltmp30, $4  }
0x3d5: {  	[tilespmem:s29+$0xFFFFFF30] =	vst v5  }
0x3d6: {  	v2 =	vld [tilespmem:s11+$0x1A040];
	[tilespmem:s29+$0xC0] =	vst v3  }
0x3d7: {  	[tilespmem:s29+$0xFFFFFFC0] =	vst v6;
	v6 =	vld [tilespmem:s13+$0x1A050]  }
0x3d8: {  	s5 =	simm.s32 $0x1A306;
	p1 =	por $0x0, $0x0;
	[tilespmem:s29+$0x40] =	vst v7;
	v4 =	vld [tilespmem:s9+$0x1A050]  }
0x3d9: {  	v3 =	vld [tilespmem:s5+$0x81]  }
0x3da: {  	v5 =	vld [tilespmem:s5+$0xFFFFFF7F]  }
0x3db: {  	[tilespmem:s29+$0xFFFFFF40] =	vst v2;
	v2 =	vld [tilespmem:s5+$0x0]  }
0x3dc: {  	v7 =	vld [tilespmem:s5+$0xFFFFFEFE];
	[tilespmem:s29+$0xD0] =	vst v6  }
0x3dd: {  	s23 =	simm.s32 $0x387;
	s26 =	simm.s32 $0x1B320;
	[tilespmem:s29+$0xFFFFFFD0] =	vst v4;
	v4 =	vld [tilespmem:s13+$0x1A060]  }
0x3de: {  	s10 =	simm.s32 $0x285;
	s5 =	sand.u32 $0xFFF, s23;
	[tilespmem:s26+$0x80] =	vst v3;
	v3 =	vld [tilespmem:s11+$0x1A050]  }
0x3df: {  	s24 =	simm.s32 $0x306;
	s28 =	sand.u32 $0xFFD, s10;
	[tilespmem:s26+$0xFFFFFF80] =	vst v5;
	v5 =	vld [tilespmem:s5+$0x1A010]  }
0x3e0: {  	s14 =	simm.s32 $0x204;
	s10 =	sand.u32 $0xFFE, s24;
	v6 =	vld [tilespmem:s28+$0x1A010];
	[tilespmem:s26+$0x0] =	vst v2  }
0x3e1: {  	s12 =	sand.u32 $0xFFC, s14;
	[tilespmem:s26+$0xFFFFFF00] =	vst v7;
	v2 =	vld [tilespmem:s10+$0x1A010]  }
0x3e2: {  	v7 =	vld [tilespmem:s12+$0x1A010];
	[tilespmem:s29+$0xE0] =	vst v4  }
0x3e3: {  	v4 =	vld [tilespmem:s4+$0x1A050];
	[tilespmem:s29+$0xFFFFFF50] =	vst v3  }
0x3e4: {  	v3 =	vld [tilespmem:s13+$0x1A070];
	[tilespmem:s26+$0x90] =	vst v5  }
0x3e5: {  	[tilespmem:s26+$0xFFFFFF90] =	vst v6;
	v5 =	vld [tilespmem:s5+$0x1A020]  }
0x3e6: {  	v6 =	vld [tilespmem:s28+$0x1A020];
	[tilespmem:s26+$0x10] =	vst v2  }
0x3e7: {  	[tilespmem:s26+$0xFFFFFF10] =	vst v7;
	v2 =	vld [tilespmem:s10+$0x1A020]  }
0x3e8: {  	v7 =	vld [tilespmem:s12+$0x1A020];
	[tilespmem:s29+$0x50] =	vst v4  }
0x3e9: {  	v4 =	vld [tilespmem:s9+$0x1A060];
	[tilespmem:s29+$0xF0] =	vst v3  }
0x3ea: {  	v3 =	vld [tilespmem:s11+$0x1A060];
	[tilespmem:s26+$0xA0] =	vst v5  }
0x3eb: {  	[tilespmem:s26+$0xFFFFFFA0] =	vst v6;
	v5 =	vld [tilespmem:s5+$0x1A030]  }
0x3ec: {  	v6 =	vld [tilespmem:s28+$0x1A030];
	[tilespmem:s26+$0x20] =	vst v2  }
0x3ed: {  	[tilespmem:s26+$0xFFFFFF20] =	vst v7;
	v2 =	vld [tilespmem:s10+$0x1A030]  }
0x3ee: {  	v7 =	vld [tilespmem:s12+$0x1A030];
	[tilespmem:s29+$0xFFFFFFE0] =	vst v4  }
0x3ef: {  	[tilespmem:s29+$0xFFFFFF60] =	vst v3;
	v3 =	vld [tilespmem:s4+$0x1A060]  }
0x3f0: {  	v4 =	vld [tilespmem:s11+$0x1A070];
	[tilespmem:s26+$0xB0] =	vst v5  }
0x3f1: {  	[tilespmem:s26+$0xFFFFFFB0] =	vst v6;
	v5 =	vld [tilespmem:s5+$0x1A040]  }
0x3f2: {  	v6 =	vld [tilespmem:s28+$0x1A040];
	[tilespmem:s26+$0x30] =	vst v2  }
0x3f3: {  	p2 =	por $0x1, $0x1;
	[tilespmem:s26+$0xFFFFFF30] =	vst v7;
	v7 =	vld [tilespmem:s10+$0x1A040]  }
.Ltmp31:
0x3f4: {  	v2 =	vld [tilespmem:s12+$0x1A040];
	[tilespmem:s29+$0x60] =	vst v3;
	(pc) =	sbr.rel @!p2 .LBB2_42-.Ltmp31, $4  }
0x3f5: {  	v3 =	vld [tilespmem:s9+$0x1A070];
	[tilespmem:s29+$0xFFFFFF70] =	vst v4  }
0x3f6: {  	[tilespmem:s26+$0xC0] =	vst v5;
	v5 =	vld [tilespmem:s4+$0x1A070]  }
0x3f7: {  	[tilespmem:s26+$0xFFFFFFC0] =	vst v6;
	v6 =	vld [tilespmem:s5+$0x1A050]  }
0x3f8: {  	s18 =	simm.s32 $0x4;
	s19 =	simm.s32 $0x1A50A;
	p1 =	por $0x1, $0x1;
	v4 =	vld [tilespmem:s28+$0x1A050];
	[tilespmem:s26+$0x40] =	vst v7  }
.LBB2_41:
0x3f9: {  	v7 =	vld [tilespmem:s19+$0x81];
	s18 =	sadd.s32 $0x4, s18;
	[tilespmem:s26+$0xFFFFFF40] =	vst v2  }
0x3fa: {  	v2 =	vld [tilespmem:s19+$0xFFFFFF7F];
	p2 =	slt.u32 s18, $0x1C;
	[tilespmem:s29+$0xFFFFFFF0] =	vst v3  }
0x3fb: {  	v3 =	vld [tilespmem:s19+$0x0];
	[tilespmem:s29+$0x70] =	vst v5;
	s29 =	smov.u32 s26  }
0x3fc: {  	s14 =	sadd.s32 $0x204, s14;
	v5 =	vld [tilespmem:s19+$0xFFFFFEFE];
	[tilespmem:s26+$0xD0] =	vst v6  }
0x3fd: {  	s20 =	sadd.s32 $0x81, s14;
	s21 =	sadd.s32 $0x183, s14;
	s26 =	sadd.s32 $0x200, s26;
	[tilespmem:s29+$0xFFFFFFD0] =	vst v4;
	v4 =	vld [tilespmem:s5+$0x1A060]  }
0x3fe: {  	s22 =	sadd.s32 $0x102, s14;
	s20 =	sand.u32 $0xFFD, s20;
	s23 =	sand.u32 $0xFFF, s21;
	[tilespmem:s26+$0x80] =	vst v7;
	v6 =	vld [tilespmem:s12+$0x1A050]  }
0x3ff: {  	s24 =	sand.u32 $0xFFC, s14;
	s21 =	sand.u32 $0xFFE, s22;
	[tilespmem:s26+$0xFFFFFF80] =	vst v2;
	v2 =	vld [tilespmem:s23+$0x1A010]  }
0x400: {  	v7 =	vld [tilespmem:s20+$0x1A010];
	[tilespmem:s26+$0x0] =	vst v3  }
0x401: {  	[tilespmem:s26+$0xFFFFFF00] =	vst v5;
	v3 =	vld [tilespmem:s21+$0x1A010]  }
0x402: {  	v5 =	vld [tilespmem:s24+$0x1A010];
	[tilespmem:s29+$0xE0] =	vst v4  }
0x403: {  	[tilespmem:s29+$0xFFFFFF50] =	vst v6;
	v4 =	vld [tilespmem:s5+$0x1A070];
	s5 =	smov.u32 s23  }
0x404: {  	[tilespmem:s26+$0x90] =	vst v2;
	v2 =	vld [tilespmem:s10+$0x1A050]  }
0x405: {  	[tilespmem:s26+$0xFFFFFF90] =	vst v7;
	v6 =	vld [tilespmem:s5+$0x1A020]  }
0x406: {  	v7 =	vld [tilespmem:s20+$0x1A020];
	[tilespmem:s26+$0x10] =	vst v3  }
0x407: {  	[tilespmem:s26+$0xFFFFFF10] =	vst v5;
	v3 =	vld [tilespmem:s21+$0x1A020]  }
0x408: {  	v5 =	vld [tilespmem:s24+$0x1A020];
	[tilespmem:s29+$0xF0] =	vst v4  }
0x409: {  	v4 =	vld [tilespmem:s12+$0x1A060];
	[tilespmem:s29+$0x50] =	vst v2  }
0x40a: {  	[tilespmem:s26+$0xA0] =	vst v6;
	v2 =	vld [tilespmem:s28+$0x1A060]  }
0x40b: {  	[tilespmem:s26+$0xFFFFFFA0] =	vst v7;
	v6 =	vld [tilespmem:s5+$0x1A030]  }
0x40c: {  	v7 =	vld [tilespmem:s20+$0x1A030];
	[tilespmem:s26+$0x20] =	vst v3  }
0x40d: {  	[tilespmem:s26+$0xFFFFFF20] =	vst v5;
	v3 =	vld [tilespmem:s21+$0x1A030]  }
0x40e: {  	v5 =	vld [tilespmem:s24+$0x1A030];
	[tilespmem:s29+$0xFFFFFF60] =	vst v4  }
0x40f: {  	[tilespmem:s29+$0xFFFFFFE0] =	vst v2;
	v4 =	vld [tilespmem:s10+$0x1A060]  }
0x410: {  	[tilespmem:s26+$0xB0] =	vst v6;
	v6 =	vld [tilespmem:s12+$0x1A070];
	s12 =	smov.u32 s24  }
0x411: {  	[tilespmem:s26+$0xFFFFFFB0] =	vst v7;
	v7 =	vld [tilespmem:s5+$0x1A040]  }
0x412: {  	v8 =	vld [tilespmem:s20+$0x1A040];
	[tilespmem:s26+$0x30] =	vst v3  }
0x413: {  	[tilespmem:s26+$0xFFFFFF30] =	vst v5;
	v9 =	vld [tilespmem:s21+$0x1A040]  }
.Ltmp32:
0x414: {  	v2 =	vld [tilespmem:s12+$0x1A040];
	[tilespmem:s29+$0x60] =	vst v4;
	(pc) =	sbr.rel @p2 .LBB2_41-.Ltmp32, $4  }
0x415: {  	[tilespmem:s29+$0xFFFFFF70] =	vst v6;
	v3 =	vld [tilespmem:s28+$0x1A070];
	s28 =	smov.u32 s20  }
0x416: {  	[tilespmem:s26+$0xC0] =	vst v7;
	v5 =	vld [tilespmem:s10+$0x1A070];
	s10 =	smov.u32 s21  }
0x417: {  	[tilespmem:s26+$0xFFFFFFC0] =	vst v8;
	v6 =	vld [tilespmem:s5+$0x1A050]  }
0x418: {  	s19 =	sadd.s32 $0x204, s19;
	v4 =	vld [tilespmem:s28+$0x1A050];
	[tilespmem:s26+$0x40] =	vst v9  }
.LBB2_42:
0x419: {  	[tilespmem:s26+$0xFFFFFF40] =	vst v2  }
0x41a: {  	v2 =	vld [tilespmem:s12+$0x1A050];
	_ =	sdelay $0x2  }
0x41b: {  	v7 =	vld [tilespmem:s10+$0x1A050];
	[tilespmem:s26+$0xD0] =	vst v6  }
0x41c: {  	v6 =	vld [tilespmem:s5+$0x1A060];
	[tilespmem:s26+$0xFFFFFFD0] =	vst v4  }
0x41d: {  	v4 =	vld [tilespmem:s28+$0x1A060];
	[tilespmem:s26+$0xFFFFFF50] =	vst v2  }
0x41e: {  	v2 =	vld [tilespmem:s12+$0x1A060];
	_ =	sdelay $0x1  }
0x41f: {  	[tilespmem:s26+$0x50] =	vst v7  }
0x420: {  	v7 =	vld [tilespmem:s10+$0x1A060];
	[tilespmem:s26+$0xE0] =	vst v6  }
0x421: {  	v6 =	vld [tilespmem:s5+$0x1A070];
	[tilespmem:s26+$0xFFFFFFE0] =	vst v4  }
0x422: {  	v4 =	vld [tilespmem:s28+$0x1A070];
	[tilespmem:s26+$0xFFFFFF60] =	vst v2  }
0x423: {  	[tilespmem:s29+$0xFFFFFFF0] =	vst @p1 v3;
	v2 =	vld [tilespmem:s12+$0x1A070]  }
0x424: {  	[tilespmem:s29+$0x70] =	vst @p1 v5  }
0x425: {  	[tilespmem:s26+$0x60] =	vst v7  }
0x426: {  	v3 =	vld [tilespmem:s10+$0x1A070];
	[tilespmem:s26+$0xF0] =	vst v6  }
0x427: {  	[tilespmem:s26+$0xFFFFFFF0] =	vst v4  }
0x428: {  	[tilespmem:s26+$0xFFFFFF70] =	vst v2  }
0x429: {  	s19 =	sshll.u32 s1, $0x11;
	s20 =	rddreg [dreg:$0x8]  }
0x42a: {  	s5 =	sor.u32 s20, s19  }
0x42b: {  	s21 =	simm.s32 $0x1B020;
	[tilespmem:s26+$0x70] =	vst v3;
	s10 =	sadd.s32 s2, s5  }
0x42c: {  	[hbm4b:s10+s3] =	stream.linear.scatter [tilespmem:s21], [sflag:$0x2], $0x400, $0x38;
	[tilespmem:$0x1D020] =	vst v63  }
0x42d: {  	s23 =	simm.s32 $0x1B420;
	s22 =	sadd.s32 s5, s6  }
0x42e: {  	[hbm4b:s22+s3] =	stream.linear.scatter [tilespmem:s23], [sflag:$0x2], $0x400, $0x38;
	[tilespmem:$0x1D020] =	vst v63  }
0x42f: {  	s26 =	simm.s32 $0x1B820;
	s24 =	sadd.s32 s5, s7  }
0x430: {  	[hbm4b:s24+s3] =	stream.linear.scatter [tilespmem:s26], [sflag:$0x2], $0x400, $0x38;
	[tilespmem:$0x1D020] =	vst v63  }
0x431: {  	s28 =	simm.s32 $0x1BC20;
	s5 =	sadd.s32 s5, s8  }
0x432: {  	[hbm4b:s5+s3] =	stream.linear.scatter [tilespmem:s28], [sflag:$0x2], $0x400, $0x38;
	[tilespmem:$0x1D020] =	vst v63  }
0x433: {  	s5 =	simm.s32 @!p0 $0x3  }
0x434: {  	_ =	swait.ge @!p0 [sflag:s5], $0x400  }
0x435: {  	[sflag:s5] =	ssyncset.done @!p0 $0x0  }
0x436: {  	[sflag:s5] =	ssyncadd.s32 @!p0 $0xFFFFFC00  }
0x437: {  	_ =	swait.ge @!p0 [sflag:s5], $0x400  }
0x438: {  	[sflag:s5] =	ssyncset.done @!p0 $0x0  }
0x439: {  	[sflag:s5] =	ssyncadd.s32 @!p0 $0xFFFFFC00  }
0x43a: {  	_ =	swait.ge @!p0 [sflag:s5], $0x400  }
0x43b: {  	[sflag:s5] =	ssyncset.done @!p0 $0x0  }
0x43c: {  	[sflag:s5] =	ssyncadd.s32 @!p0 $0xFFFFFC00  }
0x43d: {  	_ =	swait.ge @!p0 [sflag:s5], $0x400  }
0x43e: {  	s29 =	simm.s32 $0x810;
	v2 =	vadd.s32 s16, v0;
	[sflag:s5] =	ssyncset.done @!p0 $0x0  }
0x43f: {  	v2 =	vand.u32 $0xFF8, v2;
	v3 =	vadd.s32 s29, v0;
	[sflag:s5] =	ssyncadd.s32 @!p0 $0xFFFFFC00  }
0x440: {  	v2 =	vor.u32 v1, v2;
	v3 =	vand.u32 $0x1FF8, v3;
	v4 =	vld [tilespmem:s31+$0xFFFFF300]  }
0x441: {  	s12 =	simm.s32 $0x1;
	v3 =	vor.u32 v1, v3;
	v5 =	vld [tilespmem:s31+$0xFFFFF310]  }
0x442: {  	s14 =	simm.s32 $0x811;
	v7 =	vadd.s32 s12, v0;
	v6 =	vld [tilespmem:s31+$0xFFFFF640]  }
0x443: {  	v9 =	vadd.s32 s14, v0;
	s16 =	simm.s32 $0x2;
	v8 =	vld [tilespmem:s31+$0xFFFFF650]  }
0x444: {  	s18 =	simm.s32 $0x812;
	v11 =	vadd.s32 s16, v0;
	v10 =	vld [tilespmem:s31+$0xFFFFF980]  }
0x445: {  	s19 =	simm.s32 $0x3;
	[tilespmem:v2+s17+$0x0] =	vst.idx.msk $0xffff, v4;
	v2 =	vld [tilespmem:s31+$0xFFFFF990];
	v4 =	vadd.s32 s18, v0  }
0x446: {  	s20 =	simm.s32 $0x813;
	[tilespmem:v3+s17+$0x0] =	vst.idx.msk $0xffff, v5;
	v3 =	vld [tilespmem:s31+$0xFFFFFCC0];
	v5 =	vadd.s32 s19, v0  }
0x447: {  	s21 =	simm.s32 $0x4;
	[tilespmem:v7+s17+$0x0] =	vst.idx.msk $0xffff, v6;
	v6 =	vld [tilespmem:s31+$0xFFFFFCD0];
	v7 =	vadd.s32 s20, v0  }
0x448: {  	v12 =	vadd.s32 s21, v0;
	s22 =	simm.s32 $0x814;
	[tilespmem:v9+s17+$0x0] =	vst.idx.msk $0xffff, v8;
	v9 =	vld [tilespmem:s31+$0x0]  }
0x449: {  	s23 =	simm.s32 $0x5;
	v13 =	vadd.s32 s22, v0;
	[tilespmem:v11+s17+$0x0] =	vst.idx.msk $0xffff, v10;
	v10 =	vld [tilespmem:s31+$0x10]  }
0x44a: {  	s24 =	simm.s32 $0x815;
	v11 =	vadd.s32 s23, v0;
	v8 =	vld [tilespmem:s31+$0x340];
	[tilespmem:v4+s17+$0x0] =	vst.idx.msk $0xffff, v2  }
0x44b: {  	s26 =	simm.s32 $0x6;
	v2 =	vld [tilespmem:s31+$0x350];
	[tilespmem:v5+s17+$0x0] =	vst.idx.msk $0xffff, v3;
	v5 =	vadd.s32 s24, v0  }
0x44c: {  	s15 =	sor.u32 $0x1, s15;
	s28 =	simm.s32 $0x816;
	v3 =	vld [tilespmem:s31+$0x680];
	[tilespmem:v7+s17+$0x0] =	vst.idx.msk $0xffff, v6;
	v7 =	vadd.s32 s26, v0  }
0x44d: {  	s14 =	simm.s32 $0x817;
	s29 =	simm.s32 $0x7;
	s5 =	simm.s32 $0x8;
	v4 =	vld [tilespmem:s31+$0x690];
	[tilespmem:v12+s17+$0x0] =	vst.idx.msk $0xffff, v9;
	v6 =	vadd.s32 s28, v0  }
0x44e: {  	s12 =	simm.s32 $0x10;
	s16 =	simm.s32 $0x818;
	s10 =	smov.u32 s31;
	v12 =	vadd.s32 s5, v0;
	v9 =	vld [tilespmem:s31+$0x9C0];
	[tilespmem:v13+s17+$0x0] =	vst.idx.msk $0xffff, v10;
	v10 =	vadd.s32 s29, v0  }
.LBB2_43:
0x44f: {  	p0 =	slt.u32 s12, $0x78;
	v12 =	vand.u32 $0xFF8, v12;
	v13 =	vadd.s32 s16, v0;
	[tilespmem:v11+s17+$0x0] =	vst.idx.msk $0xffff, v8;
	v8 =	vld [tilespmem:s10+$0x9D0];
	v11 =	vadd.s32 s14, v0;
	s10 =	sadd.s32 $0x1A00, s10;
	s14 =	smov.u32 s5  }
0x450: {  	s5 =	smov.u32 s12;
	v14 =	vld [tilespmem:s10+$0xFFFFF300];
	v12 =	vor.u32 v1, v12;
	v13 =	vand.u32 $0x1FF8, v13;
	[tilespmem:v5+s17+$0x0] =	vst.idx.msk $0xffff, v2  }
0x451: {  	s16 =	sadd.s32 $0x1, s14;
	v2 =	vld [tilespmem:s10+$0xFFFFF310];
	v5 =	vor.u32 v1, v13;
	[tilespmem:v7+s17+$0x0] =	vst.idx.msk $0xffff, v3  }
0x452: {  	v7 =	vadd.s32 s16, v0;
	s16 =	sadd.s32 $0x811, s14;
	v3 =	vld [tilespmem:s10+$0xFFFFF640];
	[tilespmem:v6+s17+$0x0] =	vst.idx.msk $0xffff, v4  }
0x453: {  	v6 =	vadd.s32 s16, v0;
	s16 =	sadd.s32 $0x2, s14;
	v4 =	vld [tilespmem:s10+$0xFFFFF650];
	[tilespmem:v10+s17+$0x0] =	vst.idx.msk $0xffff, v9  }
0x454: {  	v10 =	vadd.s32 s16, v0;
	s16 =	sadd.s32 $0x812, s14;
	v9 =	vld [tilespmem:s10+$0xFFFFF980];
	[tilespmem:v11+s17+$0x0] =	vst.idx.msk $0xffff, v8  }
0x455: {  	v11 =	vadd.s32 s16, v0;
	s16 =	sadd.s32 $0x3, s14;
	[tilespmem:v12+s17+$0x0] =	vst.idx.msk $0xffff, v14;
	v8 =	vld [tilespmem:s10+$0xFFFFF990]  }
0x456: {  	[tilespmem:v5+s17+$0x0] =	vst.idx.msk $0xffff, v2;
	v2 =	vld [tilespmem:s10+$0xFFFFFCC0];
	v5 =	vadd.s32 s16, v0;
	s16 =	sadd.s32 $0x813, s14  }
0x457: {  	[tilespmem:v7+s17+$0x0] =	vst.idx.msk $0xffff, v3;
	v3 =	vld [tilespmem:s10+$0xFFFFFCD0];
	v7 =	vadd.s32 s16, v0;
	s16 =	sadd.s32 $0x4, s14  }
0x458: {  	[tilespmem:v6+s17+$0x0] =	vst.idx.msk $0xffff, v4;
	v4 =	vld [tilespmem:s10+$0x0];
	v6 =	vadd.s32 s16, v0;
	s16 =	sadd.s32 $0x814, s14  }
0x459: {  	[tilespmem:v10+s17+$0x0] =	vst.idx.msk $0xffff, v9;
	v9 =	vld [tilespmem:s10+$0x10];
	v10 =	vadd.s32 s16, v0;
	s16 =	sadd.s32 $0x5, s14  }
.Ltmp33:
0x45a: {  	[tilespmem:v11+s17+$0x0] =	vst.idx.msk $0xffff, v8;
	v8 =	vld [tilespmem:s10+$0x340];
	v11 =	vadd.s32 s16, v0;
	s16 =	sadd.s32 $0x815, s14;
	(pc) =	sbr.rel @p0 .LBB2_43-.Ltmp33, $4  }
0x45b: {  	[tilespmem:v5+s17+$0x0] =	vst.idx.msk $0xffff, v2;
	v2 =	vld [tilespmem:s10+$0x350];
	v5 =	vadd.s32 s16, v0;
	s16 =	sadd.s32 $0x6, s14  }
0x45c: {  	[tilespmem:v7+s17+$0x0] =	vst.idx.msk $0xffff, v3;
	v3 =	vld [tilespmem:s10+$0x680];
	v7 =	vadd.s32 s16, v0;
	s16 =	sadd.s32 $0x816, s14  }
0x45d: {  	s18 =	sadd.s32 $0x7, s14;
	[tilespmem:v6+s17+$0x0] =	vst.idx.msk $0xffff, v4;
	v4 =	vld [tilespmem:s10+$0x690];
	v6 =	vadd.s32 s16, v0  }
0x45e: {  	s12 =	sadd.s32 $0x8, s12;
	v12 =	vadd.s32 s5, v0;
	s14 =	sadd.s32 $0x817, s14;
	s16 =	sadd.s32 $0x810, s5;
	[tilespmem:v10+s17+$0x0] =	vst.idx.msk $0xffff, v9;
	v9 =	vld [tilespmem:s10+$0x9C0];
	v10 =	vadd.s32 s18, v0  }
0x45f: {  	_ =	sdelay $0x3  }
0x460: {  	v12 =	vand.u32 $0xFF8, v12;
	v13 =	vadd.s32 s16, v0;
	[tilespmem:v11+s17+$0x0] =	vst.idx.msk $0xffff, v8;
	v8 =	vld [tilespmem:s10+$0x9D0];
	v54 =	vadd.s32 s14, v0;
	s10 =	sadd.s32 $0x1A00, s10  }
0x461: {  	v14 =	vld [tilespmem:s10+$0xFFFFF300];
	v12 =	vor.u32 v1, v12;
	v13 =	vand.u32 $0x1FF8, v13;
	[tilespmem:v5+s17+$0x0] =	vst.idx.msk $0xffff, v2  }
0x462: {  	s12 =	sadd.s32 $0x1, s5;
	v2 =	vld [tilespmem:s10+$0xFFFFF310];
	v5 =	vor.u32 v1, v13;
	[tilespmem:v7+s17+$0x0] =	vst.idx.msk $0xffff, v3  }
0x463: {  	s28 =	sadd.s32 $0x811, s5;
	v3 =	vld [tilespmem:s10+$0xFFFFF640];
	v7 =	vadd.s32 s12, v0;
	[tilespmem:v6+s17+$0x0] =	vst.idx.msk $0xffff, v4  }
0x464: {  	s29 =	sadd.s32 $0x2, s5;
	v4 =	vld [tilespmem:s10+$0xFFFFF650];
	v6 =	vadd.s32 s28, v0;
	[tilespmem:v10+s17+$0x0] =	vst.idx.msk $0xffff, v9  }
0x465: {  	s14 =	sadd.s32 $0x812, s5;
	v55 =	vld [tilespmem:s10+$0xFFFFF980];
	v56 =	vadd.s32 s29, v0;
	[tilespmem:v54+s17+$0x0] =	vst.idx.msk $0xffff, v8  }
0x466: {  	s16 =	sadd.s32 $0x3, s5;
	v57 =	vadd.s32 s14, v0;
	v8 =	vld [tilespmem:s10+$0xFFFFF990];
	[tilespmem:v12+s17+$0x0] =	vst.idx.msk $0xffff, v14  }
0x467: {  	s18 =	sadd.s32 $0x813, s5;
	[tilespmem:v5+s17+$0x0] =	vst.idx.msk $0xffff, v2;
	v2 =	vld [tilespmem:s10+$0xFFFFFCC0];
	v5 =	vadd.s32 s16, v0  }
0x468: {  	s19 =	sadd.s32 $0x4, s5;
	[tilespmem:v7+s17+$0x0] =	vst.idx.msk $0xffff, v3;
	v3 =	vld [tilespmem:s10+$0xFFFFFCD0];
	v7 =	vadd.s32 s18, v0  }
0x469: {  	s20 =	sadd.s32 $0x814, s5;
	[tilespmem:v6+s17+$0x0] =	vst.idx.msk $0xffff, v4;
	v4 =	vld [tilespmem:s10+$0x0];
	v6 =	vadd.s32 s19, v0  }
0x46a: {  	s21 =	sadd.s32 $0x5, s5;
	v58 =	vld [tilespmem:s10+$0x10];
	v59 =	vadd.s32 s20, v0;
	[tilespmem:v56+s17+$0x0] =	vst.idx.msk $0xffff, v55  }
0x46b: {  	s26 =	sadd.s32 $0x7, s5;
	v60 =	vadd.s32 s21, v0;
	[tilespmem:v57+s17+$0x0] =	vst.idx.msk $0xffff, v8;
	v8 =	vld [tilespmem:s10+$0x340]  }
0x46c: {  	s22 =	sadd.s32 $0x815, s5;
	v61 =	vld [tilespmem:s10+$0x9C0];
	v62 =	vadd.s32 s26, v0;
	[tilespmem:v5+s17+$0x0] =	vst.idx.msk $0xffff, v2  }
0x46d: {  	s23 =	sadd.s32 $0x6, s5;
	v2 =	vld [tilespmem:s10+$0x350];
	v5 =	vadd.s32 s22, v0;
	[tilespmem:v7+s17+$0x0] =	vst.idx.msk $0xffff, v3  }
0x46e: {  	s24 =	sadd.s32 $0x816, s5;
	v3 =	vld [tilespmem:s10+$0x680];
	v7 =	vadd.s32 s23, v0;
	[tilespmem:v6+s17+$0x0] =	vst.idx.msk $0xffff, v4  }
0x46f: {  	s28 =	sadd.s32 $0x817, s5;
	v4 =	vld [tilespmem:s10+$0x690];
	v6 =	vadd.s32 s24, v0;
	[tilespmem:v59+s17+$0x0] =	vst.idx.msk $0xffff, v58  }
0x470: {  	v63 =	vadd.s32 s28, v0;
	[tilespmem:v60+s17+$0x0] =	vst.idx.msk $0xffff, v8;
	v8 =	vld [tilespmem:s10+$0x9D0]  }
0x471: {  	[tilespmem:v62+s17+$0x0] =	vst.idx.msk $0xffff, v61  }
0x472: {  	[tilespmem:v5+s17+$0x0] =	vst.idx.msk $0xffff, v2  }
0x473: {  	[tilespmem:v7+s17+$0x0] =	vst.idx.msk $0xffff, v3  }
0x474: {  	[tilespmem:v6+s17+$0x0] =	vst.idx.msk $0xffff, v4  }
0x475: {  	s29 =	simm.s32 $0x1A102;
	[tilespmem:v63+s17+$0x0] =	vst.idx.msk $0xffff, v8  }
0x476: {  	v2 =	vld [tilespmem:s29+$0x81]  }
0x477: {  	v3 =	vld [tilespmem:s29+$0xFFFFFF7F]  }
0x478: {  	v4 =	vld [tilespmem:s29+$0x0];
	_ =	sdelay $0x1  }
0x479: {  	s16 =	simm.s32 $0x1C210  }
0x47a: {  	v5 =	vld [tilespmem:s29+$0xFFFFFEFE];
	[tilespmem:s16+$0xFFFFFF90] =	vst v2  }
0x47b: {  	[tilespmem:s16+$0xFFFFFE90] =	vst v3;
	v2 =	vld [tilespmem:s13+$0x1A010]  }
0x47c: {  	[tilespmem:s16+$0xFFFFFF10] =	vst v4;
	v3 =	vld [tilespmem:s9+$0x1A010]  }
0x47d: {  	v4 =	vld [tilespmem:s4+$0x1A010];
	_ =	sdelay $0x1  }
0x47e: {  	[tilespmem:s16+$0xFFFFFE10] =	vst v5  }
0x47f: {  	v5 =	vld [tilespmem:s11+$0x1A010];
	[tilespmem:s16+$0xFFFFFFA0] =	vst v2  }
0x480: {  	[tilespmem:s16+$0xFFFFFEA0] =	vst v3;
	v2 =	vld [tilespmem:s13+$0x1A020]  }
0x481: {  	[tilespmem:s16+$0xFFFFFF20] =	vst v4;
	v3 =	vld [tilespmem:s9+$0x1A020]  }
0x482: {  	v4 =	vld [tilespmem:s4+$0x1A020];
	_ =	sdelay $0x1  }
0x483: {  	[tilespmem:s16+$0xFFFFFE20] =	vst v5  }
0x484: {  	v5 =	vld [tilespmem:s11+$0x1A020];
	[tilespmem:s16+$0xFFFFFFB0] =	vst v2  }
0x485: {  	[tilespmem:s16+$0xFFFFFEB0] =	vst v3;
	v2 =	vld [tilespmem:s13+$0x1A030]  }
0x486: {  	[tilespmem:s16+$0xFFFFFF30] =	vst v4;
	v3 =	vld [tilespmem:s9+$0x1A030]  }
0x487: {  	v4 =	vld [tilespmem:s4+$0x1A030];
	_ =	sdelay $0x1  }
0x488: {  	[tilespmem:s16+$0xFFFFFE30] =	vst v5  }
0x489: {  	v5 =	vld [tilespmem:s11+$0x1A030];
	[tilespmem:s16+$0xFFFFFFC0] =	vst v2  }
0x48a: {  	[tilespmem:s16+$0xFFFFFEC0] =	vst v3;
	v3 =	vld [tilespmem:s13+$0x1A040]  }
0x48b: {  	[tilespmem:s16+$0xFFFFFF40] =	vst v4;
	v6 =	vld [tilespmem:s9+$0x1A040]  }
0x48c: {  	p1 =	por $0x1, $0x1;
	v7 =	vld [tilespmem:s4+$0x1A040]  }
.Ltmp34:
0x48d: {  	_ = 	snop;
	(pc) =	sbr.rel @!p1 .LBB2_45-.Ltmp34, $4  }
0x48e: {  	[tilespmem:s16+$0xFFFFFE40] =	vst v5  }
0x48f: {  	v2 =	vld [tilespmem:s11+$0x1A040];
	[tilespmem:s16+$0xFFFFFFD0] =	vst v3  }
0x490: {  	[tilespmem:s16+$0xFFFFFED0] =	vst v6;
	v6 =	vld [tilespmem:s13+$0x1A050]  }
0x491: {  	p0 =	por $0x0, $0x0;
	s5 =	simm.s32 $0x1A306;
	[tilespmem:s16+$0xFFFFFF50] =	vst v7;
	v4 =	vld [tilespmem:s9+$0x1A050]  }
0x492: {  	v3 =	vld [tilespmem:s5+$0x81]  }
0x493: {  	v5 =	vld [tilespmem:s5+$0xFFFFFF7F]  }
0x494: {  	[tilespmem:s16+$0xFFFFFE50] =	vst v2;
	v2 =	vld [tilespmem:s5+$0x0]  }
0x495: {  	v7 =	vld [tilespmem:s5+$0xFFFFFEFE];
	[tilespmem:s16+$0xFFFFFFE0] =	vst v6  }
0x496: {  	s26 =	simm.s32 $0x387;
	s29 =	simm.s32 $0x1C410;
	[tilespmem:s16+$0xFFFFFEE0] =	vst v4;
	v4 =	vld [tilespmem:s13+$0x1A060]  }
0x497: {  	s12 =	simm.s32 $0x285;
	s10 =	sand.u32 $0xFFF, s26;
	[tilespmem:s29+$0xFFFFFF90] =	vst v3;
	v3 =	vld [tilespmem:s11+$0x1A050]  }
0x498: {  	s28 =	simm.s32 $0x306;
	s5 =	sand.u32 $0xFFD, s12;
	[tilespmem:s29+$0xFFFFFE90] =	vst v5;
	v5 =	vld [tilespmem:s10+$0x1A010]  }
0x499: {  	s14 =	simm.s32 $0x204;
	s12 =	sand.u32 $0xFFE, s28;
	v6 =	vld [tilespmem:s5+$0x1A010];
	[tilespmem:s29+$0xFFFFFF10] =	vst v2  }
0x49a: {  	s26 =	sand.u32 $0xFFC, s14;
	[tilespmem:s29+$0xFFFFFE10] =	vst v7;
	v2 =	vld [tilespmem:s12+$0x1A010]  }
0x49b: {  	v7 =	vld [tilespmem:s26+$0x1A010];
	[tilespmem:s16+$0xFFFFFFF0] =	vst v4  }
0x49c: {  	v4 =	vld [tilespmem:s4+$0x1A050];
	[tilespmem:s16+$0xFFFFFE60] =	vst v3  }
0x49d: {  	v3 =	vld [tilespmem:s13+$0x1A070];
	[tilespmem:s29+$0xFFFFFFA0] =	vst v5  }
0x49e: {  	[tilespmem:s29+$0xFFFFFEA0] =	vst v6;
	v5 =	vld [tilespmem:s10+$0x1A020]  }
0x49f: {  	v6 =	vld [tilespmem:s5+$0x1A020];
	[tilespmem:s29+$0xFFFFFF20] =	vst v2  }
0x4a0: {  	[tilespmem:s29+$0xFFFFFE20] =	vst v7;
	v2 =	vld [tilespmem:s12+$0x1A020]  }
0x4a1: {  	v7 =	vld [tilespmem:s26+$0x1A020];
	[tilespmem:s16+$0xFFFFFF60] =	vst v4  }
0x4a2: {  	v4 =	vld [tilespmem:s9+$0x1A060];
	[tilespmem:s16+$0x0] =	vst v3  }
0x4a3: {  	v3 =	vld [tilespmem:s11+$0x1A060];
	[tilespmem:s29+$0xFFFFFFB0] =	vst v5  }
0x4a4: {  	[tilespmem:s29+$0xFFFFFEB0] =	vst v6;
	v5 =	vld [tilespmem:s10+$0x1A030]  }
0x4a5: {  	v6 =	vld [tilespmem:s5+$0x1A030];
	[tilespmem:s29+$0xFFFFFF30] =	vst v2  }
0x4a6: {  	[tilespmem:s29+$0xFFFFFE30] =	vst v7;
	v2 =	vld [tilespmem:s12+$0x1A030]  }
0x4a7: {  	v7 =	vld [tilespmem:s26+$0x1A030];
	[tilespmem:s16+$0xFFFFFEF0] =	vst v4  }
0x4a8: {  	[tilespmem:s16+$0xFFFFFE70] =	vst v3;
	v3 =	vld [tilespmem:s4+$0x1A060]  }
0x4a9: {  	v4 =	vld [tilespmem:s11+$0x1A070];
	[tilespmem:s29+$0xFFFFFFC0] =	vst v5  }
0x4aa: {  	[tilespmem:s29+$0xFFFFFEC0] =	vst v6;
	v5 =	vld [tilespmem:s10+$0x1A040]  }
0x4ab: {  	v6 =	vld [tilespmem:s5+$0x1A040];
	[tilespmem:s29+$0xFFFFFF40] =	vst v2  }
0x4ac: {  	p1 =	por $0x1, $0x1;
	[tilespmem:s29+$0xFFFFFE40] =	vst v7;
	v7 =	vld [tilespmem:s12+$0x1A040]  }
.Ltmp35:
0x4ad: {  	v2 =	vld [tilespmem:s26+$0x1A040];
	[tilespmem:s16+$0xFFFFFF70] =	vst v3;
	(pc) =	sbr.rel @!p1 .LBB2_47-.Ltmp35, $4  }
0x4ae: {  	v3 =	vld [tilespmem:s9+$0x1A070];
	[tilespmem:s16+$0xFFFFFE80] =	vst v4  }
0x4af: {  	[tilespmem:s29+$0xFFFFFFD0] =	vst v5;
	v5 =	vld [tilespmem:s4+$0x1A070]  }
0x4b0: {  	[tilespmem:s29+$0xFFFFFED0] =	vst v6;
	v6 =	vld [tilespmem:s10+$0x1A050]  }
0x4b1: {  	p0 =	por $0x1, $0x1;
	s9 =	simm.s32 $0x1A50A;
	s4 =	simm.s32 $0x4;
	v4 =	vld [tilespmem:s5+$0x1A050];
	[tilespmem:s29+$0xFFFFFF50] =	vst v7  }
.LBB2_48:
0x4b2: {  	v7 =	vld [tilespmem:s9+$0x81];
	s4 =	sadd.s32 $0x4, s4;
	[tilespmem:s29+$0xFFFFFE50] =	vst v2  }
0x4b3: {  	v2 =	vld [tilespmem:s9+$0xFFFFFF7F];
	p1 =	slt.u32 s4, $0x1C;
	[tilespmem:s16+$0xFFFFFF00] =	vst v3  }
0x4b4: {  	v3 =	vld [tilespmem:s9+$0x0];
	[tilespmem:s16+$0xFFFFFF80] =	vst v5;
	s16 =	smov.u32 s29  }
0x4b5: {  	s14 =	sadd.s32 $0x204, s14;
	v5 =	vld [tilespmem:s9+$0xFFFFFEFE];
	[tilespmem:s29+$0xFFFFFFE0] =	vst v6  }
0x4b6: {  	s11 =	sadd.s32 $0x81, s14;
	s13 =	sadd.s32 $0x183, s14;
	s29 =	sadd.s32 $0x200, s29;
	[tilespmem:s16+$0xFFFFFEE0] =	vst v4;
	v4 =	vld [tilespmem:s10+$0x1A060]  }
0x4b7: {  	s18 =	sadd.s32 $0x102, s14;
	s11 =	sand.u32 $0xFFD, s11;
	s19 =	sand.u32 $0xFFF, s13;
	[tilespmem:s29+$0xFFFFFF90] =	vst v7;
	v6 =	vld [tilespmem:s26+$0x1A050]  }
0x4b8: {  	s20 =	sand.u32 $0xFFC, s14;
	s13 =	sand.u32 $0xFFE, s18;
	[tilespmem:s29+$0xFFFFFE90] =	vst v2;
	v2 =	vld [tilespmem:s19+$0x1A010]  }
0x4b9: {  	v7 =	vld [tilespmem:s11+$0x1A010];
	[tilespmem:s29+$0xFFFFFF10] =	vst v3  }
0x4ba: {  	[tilespmem:s29+$0xFFFFFE10] =	vst v5;
	v3 =	vld [tilespmem:s13+$0x1A010]  }
0x4bb: {  	v5 =	vld [tilespmem:s20+$0x1A010];
	[tilespmem:s16+$0xFFFFFFF0] =	vst v4  }
0x4bc: {  	[tilespmem:s16+$0xFFFFFE60] =	vst v6;
	v4 =	vld [tilespmem:s10+$0x1A070];
	s10 =	smov.u32 s19  }
0x4bd: {  	[tilespmem:s29+$0xFFFFFFA0] =	vst v2;
	v2 =	vld [tilespmem:s12+$0x1A050]  }
0x4be: {  	[tilespmem:s29+$0xFFFFFEA0] =	vst v7;
	v6 =	vld [tilespmem:s10+$0x1A020]  }
0x4bf: {  	v7 =	vld [tilespmem:s11+$0x1A020];
	[tilespmem:s29+$0xFFFFFF20] =	vst v3  }
0x4c0: {  	[tilespmem:s29+$0xFFFFFE20] =	vst v5;
	v3 =	vld [tilespmem:s13+$0x1A020]  }
0x4c1: {  	v5 =	vld [tilespmem:s20+$0x1A020];
	[tilespmem:s16+$0x0] =	vst v4  }
0x4c2: {  	v4 =	vld [tilespmem:s26+$0x1A060];
	[tilespmem:s16+$0xFFFFFF60] =	vst v2  }
0x4c3: {  	[tilespmem:s29+$0xFFFFFFB0] =	vst v6;
	v2 =	vld [tilespmem:s5+$0x1A060]  }
0x4c4: {  	[tilespmem:s29+$0xFFFFFEB0] =	vst v7;
	v6 =	vld [tilespmem:s10+$0x1A030]  }
0x4c5: {  	v7 =	vld [tilespmem:s11+$0x1A030];
	[tilespmem:s29+$0xFFFFFF30] =	vst v3  }
0x4c6: {  	[tilespmem:s29+$0xFFFFFE30] =	vst v5;
	v3 =	vld [tilespmem:s13+$0x1A030]  }
0x4c7: {  	v5 =	vld [tilespmem:s20+$0x1A030];
	[tilespmem:s16+$0xFFFFFE70] =	vst v4  }
0x4c8: {  	[tilespmem:s16+$0xFFFFFEF0] =	vst v2;
	v4 =	vld [tilespmem:s12+$0x1A060]  }
0x4c9: {  	[tilespmem:s29+$0xFFFFFFC0] =	vst v6;
	v6 =	vld [tilespmem:s26+$0x1A070];
	s26 =	smov.u32 s20  }
0x4ca: {  	[tilespmem:s29+$0xFFFFFEC0] =	vst v7;
	v7 =	vld [tilespmem:s10+$0x1A040]  }
0x4cb: {  	v8 =	vld [tilespmem:s11+$0x1A040];
	[tilespmem:s29+$0xFFFFFF40] =	vst v3  }
0x4cc: {  	[tilespmem:s29+$0xFFFFFE40] =	vst v5;
	v9 =	vld [tilespmem:s13+$0x1A040]  }
.Ltmp36:
0x4cd: {  	v2 =	vld [tilespmem:s26+$0x1A040];
	[tilespmem:s16+$0xFFFFFF70] =	vst v4;
	(pc) =	sbr.rel @p1 .LBB2_48-.Ltmp36, $4  }
0x4ce: {  	[tilespmem:s16+$0xFFFFFE80] =	vst v6;
	v3 =	vld [tilespmem:s5+$0x1A070];
	s5 =	smov.u32 s11  }
0x4cf: {  	[tilespmem:s29+$0xFFFFFFD0] =	vst v7;
	v5 =	vld [tilespmem:s12+$0x1A070];
	s12 =	smov.u32 s13  }
0x4d0: {  	[tilespmem:s29+$0xFFFFFED0] =	vst v8;
	v6 =	vld [tilespmem:s10+$0x1A050]  }
0x4d1: {  	s9 =	sadd.s32 $0x204, s9;
	v4 =	vld [tilespmem:s5+$0x1A050];
	[tilespmem:s29+$0xFFFFFF50] =	vst v9  }
0x4d2: {  	s13 =	smov.u32 s10  }
0x4d3: {  	s11 =	smov.u32 s26;
	s4 =	smov.u32 s12;
	s9 =	smov.u32 s5  }
.LBB2_50:
0x4d4: {  	[tilespmem:s29+$0xFFFFFE50] =	vst v2  }
0x4d5: {  	v2 =	vld [tilespmem:s11+$0x1A050];
	_ =	sdelay $0x2  }
0x4d6: {  	v7 =	vld [tilespmem:s4+$0x1A050];
	[tilespmem:s29+$0xFFFFFEE0] =	vst v4  }
0x4d7: {  	[tilespmem:s29+$0xFFFFFFE0] =	vst v6;
	v4 =	vld [tilespmem:s9+$0x1A060]  }
0x4d8: {  	v6 =	vld [tilespmem:s13+$0x1A060];
	[tilespmem:s29+$0xFFFFFE60] =	vst v2  }
0x4d9: {  	v2 =	vld [tilespmem:s11+$0x1A060];
	_ =	sdelay $0x1  }
0x4da: {  	[tilespmem:s29+$0xFFFFFF60] =	vst v7  }
0x4db: {  	v7 =	vld [tilespmem:s4+$0x1A060];
	[tilespmem:s29+$0xFFFFFEF0] =	vst v4  }
0x4dc: {  	[tilespmem:s29+$0xFFFFFFF0] =	vst v6;
	v63 =	vld [tilespmem:s9+$0x1A070]  }
0x4dd: {  	[tilespmem:s29+$0xFFFFFE70] =	vst v2;
	v2 =	vld [tilespmem:s13+$0x1A070]  }
0x4de: {  	[tilespmem:s16+$0xFFFFFF00] =	vst @p0 v3;
	v62 =	vld [tilespmem:s11+$0x1A070]  }
0x4df: {  	[tilespmem:s16+$0xFFFFFF80] =	vst @p0 v5  }
0x4e0: {  	[tilespmem:s29+$0xFFFFFF70] =	vst v7  }
0x4e1: {  	v3 =	vld [tilespmem:s4+$0x1A070];
	[tilespmem:s29+$0xFFFFFF00] =	vst v63  }
0x4e2: {  	[tilespmem:s29+$0x0] =	vst v2  }
0x4e3: {  	[tilespmem:s29+$0xFFFFFE80] =	vst v62  }
0x4e4: {  	s22 =	sshll.u32 s15, $0x10;
	s5 =	rddreg [dreg:$0x8]  }
0x4e5: {  	s4 =	sor.u32 s5, s22  }
0x4e6: {  	s23 =	simm.s32 $0x1C020;
	s1 =	sadd.s32 $0x1, s1;
	[tilespmem:s29+$0xFFFFFF80] =	vst v3;
	s5 =	sadd.s32 s2, s4  }
0x4e7: {  	[hbm4b:s5+s3] =	stream.linear.scatter [tilespmem:s23], [sflag:$0x3], $0x400, $0x38;
	[tilespmem:$0x1D020] =	vst v63  }
0x4e8: {  	s26 =	simm.s32 $0x1C420;
	p0 =	sne.s32 s1, $0xD;
	s24 =	sadd.s32 s4, s6  }
0x4e9: {  	[hbm4b:s24+s3] =	stream.linear.scatter [tilespmem:s26], [sflag:$0x3], $0x400, $0x38;
	[tilespmem:$0x1D020] =	vst v63  }
.Ltmp37:
0x4ea: {  	_ = 	snop;
	(pc) =	sbr.rel @p0 .LBB2_36-.Ltmp37, $4  }
.Ltmp38:
0x4eb: {  	s29 =	simm.s32 $0x1C820;
	s28 =	sadd.s32 s4, s7;
	(pc) =	sbr.rel @!p0 .LBB2_51-.Ltmp38, $4  }
0x4ec: {  	[hbm4b:s28+s3] =	stream.linear.scatter [tilespmem:s29], [sflag:$0x3], $0x400, $0x38;
	[tilespmem:$0x1D020] =	vst v63  }
0x4ed: {  	s30 =	sadd.s32 $0x40, s30;
	s31 =	sadd.s32 $0x40, s31;
	s4 =	sadd.s32 s4, s8  }
0x4ee: {  	[hbm4b:s4+s3] =	stream.linear.scatter [tilespmem:s25], [sflag:$0x3], $0x400, $0x38;
	[tilespmem:$0x1D020] =	vst v63  }
0x4ef: {  	_ = 	snop  }
.LBB2_39:
.Ltmp39:
0x4f0: {  	(pc) =	sbr.rel .LBB2_42-.Ltmp39, $3  }
0x4f1: {  	_ =	sdelay $0x1  }
0x4f2: {  	s26 =	simm.s32 $0x1B120;
	s5 =	smov.u32 s13  }
0x4f3: {  	s12 =	smov.u32 s11;
	s10 =	smov.u32 s4;
	s28 =	smov.u32 s9  }
.LBB2_45:
.Ltmp40:
0x4f4: {  	(pc) =	sbr.rel .LBB2_50-.Ltmp40, $2  }
0x4f5: {  	_ =	sdelay $0x2  }
0x4f6: {  	s29 =	simm.s32 $0x1C210  }
.LBB2_47:
.Ltmp41:
0x4f7: {  	(pc) =	sbr.rel .LBB2_50-.Ltmp41, $3  }
0x4f8: {  	_ =	sdelay $0x1  }
0x4f9: {  	s13 =	smov.u32 s10  }
0x4fa: {  	s11 =	smov.u32 s26;
	s4 =	smov.u32 s12;
	s9 =	smov.u32 s5  }
.LBB2_51:
0x4fb: {  	s0 =	simm.s32 $0x2  }
0x4fc: {  	_ =	swait.ge [sflag:s0], $0x400  }
0x4fd: {  	[sflag:s0] =	ssyncset.done $0x0  }
0x4fe: {  	[sflag:s0] =	ssyncadd.s32 $0xFFFFFC00  }
0x4ff: {  	_ =	swait.ge [sflag:s0], $0x400  }
0x500: {  	[sflag:s0] =	ssyncset.done $0x0  }
0x501: {  	[sflag:s0] =	ssyncadd.s32 $0xFFFFFC00  }
0x502: {  	_ =	swait.ge [sflag:s0], $0x400  }
0x503: {  	[sflag:s0] =	ssyncset.done $0x0  }
0x504: {  	[sflag:s0] =	ssyncadd.s32 $0xFFFFFC00  }
0x505: {  	_ =	swait.ge [sflag:s0], $0x400  }
0x506: {  	[sflag:s0] =	ssyncset.done $0x0  }
0x507: {  	s28 =	simm.s32 $0x3;
	[sflag:s0] =	ssyncadd.s32 $0xFFFFFC00  }
0x508: {  	_ =	swait.ge [sflag:s28], $0x400  }
0x509: {  	[sflag:s28] =	ssyncset.done $0x0  }
0x50a: {  	[sflag:s28] =	ssyncadd.s32 $0xFFFFFC00  }
0x50b: {  	_ =	swait.ge [sflag:s28], $0x400  }
0x50c: {  	[sflag:s28] =	ssyncset.done $0x0  }
0x50d: {  	[sflag:s28] =	ssyncadd.s32 $0xFFFFFC00  }
0x50e: {  	_ =	swait.ge [sflag:s28], $0x400  }
0x50f: {  	[sflag:s28] =	ssyncset.done $0x0  }
0x510: {  	[sflag:s28] =	ssyncadd.s32 $0xFFFFFC00  }
0x511: {  	_ =	swait.ge [sflag:s28], $0x400  }
0x512: {  	s29 =	simm.s32 $0x1;
	[sflag:s28] =	ssyncset.done $0x0  }
0x513: {  	s0 =	simm.s32 $0x0;
	s1 =	rddreg [dreg:$0x9];
	[sflag:s28] =	ssyncadd.s32 $0xFFFFFC00  }
0x514: {  	[tilespmem:s0], [sflag:$0x1] =	stream.linear.gather [hbm4b:s1+s0], $0x1A000, $0x38;
	[tilespmem:$0x1D020] =	vst v63  }
0x515: {  	_ =	swait.ge [sflag:s29], $0x1A000  }
0x516: {  	s30 =	simm.s32 $0xD00;
	[sflag:s29] =	ssyncset.done $0x0  }
0x517: {  	s31 =	simm.s32 $0xD20;
	s1 =	simm.s32 $0x0;
	[sflag:s29] =	ssyncadd.s32 $0xFFFE6000  }
.LBB2_52:
0x518: {  	p0 =	seq.s32 s1, $0x0  }
0x519: {  	s4 =	simm.s32 @!p0 $0x2  }
0x51a: {  	_ =	swait.ge @!p0 [sflag:s4], $0x400  }
0x51b: {  	[sflag:s4] =	ssyncset.done @!p0 $0x0  }
0x51c: {  	[sflag:s4] =	ssyncadd.s32 @!p0 $0xFFFFFC00  }
0x51d: {  	_ =	swait.ge @!p0 [sflag:s4], $0x400  }
0x51e: {  	[sflag:s4] =	ssyncset.done @!p0 $0x0  }
0x51f: {  	[sflag:s4] =	ssyncadd.s32 @!p0 $0xFFFFFC00  }
0x520: {  	_ =	swait.ge @!p0 [sflag:s4], $0x400  }
0x521: {  	[sflag:s4] =	ssyncset.done @!p0 $0x0  }
0x522: {  	[sflag:s4] =	ssyncadd.s32 @!p0 $0xFFFFFC00  }
0x523: {  	_ =	swait.ge @!p0 [sflag:s4], $0x400  }
0x524: {  	v2 =	vadd.s32 s0, v0;
	s5 =	simm.s32 $0x810;
	[sflag:s4] =	ssyncset.done @!p0 $0x0  }
0x525: {  	v2 =	vand.u32 $0xFF8, v2;
	v3 =	vadd.s32 s5, v0;
	[sflag:s4] =	ssyncadd.s32 @!p0 $0xFFFFFC00  }
0x526: {  	v2 =	vor.u32 v1, v2;
	v3 =	vand.u32 $0x1FF8, v3;
	v4 =	vld [tilespmem:s30+$0xFFFFF300]  }
0x527: {  	s15 =	simm.s32 $0x1;
	v3 =	vor.u32 v1, v3;
	v5 =	vld [tilespmem:s30+$0xFFFFF310]  }
0x528: {  	s16 =	simm.s32 $0x811;
	v7 =	vadd.s32 s15, v0;
	v6 =	vld [tilespmem:s30+$0xFFFFF640]  }
0x529: {  	s18 =	simm.s32 $0x2;
	v9 =	vadd.s32 s16, v0;
	v8 =	vld [tilespmem:s30+$0xFFFFF650]  }
0x52a: {  	s19 =	simm.s32 $0x812;
	v11 =	vadd.s32 s18, v0;
	v10 =	vld [tilespmem:s30+$0xFFFFF980]  }
0x52b: {  	s20 =	simm.s32 $0x3;
	[tilespmem:v2+s17+$0x0] =	vst.idx.msk $0xffff, v4;
	v2 =	vld [tilespmem:s30+$0xFFFFF990];
	v4 =	vadd.s32 s19, v0  }
0x52c: {  	s21 =	simm.s32 $0x813;
	[tilespmem:v3+s17+$0x0] =	vst.idx.msk $0xffff, v5;
	v3 =	vld [tilespmem:s30+$0xFFFFFCC0];
	v5 =	vadd.s32 s20, v0  }
0x52d: {  	s22 =	simm.s32 $0x4;
	[tilespmem:v7+s17+$0x0] =	vst.idx.msk $0xffff, v6;
	v6 =	vld [tilespmem:s30+$0xFFFFFCD0];
	v7 =	vadd.s32 s21, v0  }
0x52e: {  	s23 =	simm.s32 $0x814;
	v12 =	vadd.s32 s22, v0;
	[tilespmem:v9+s17+$0x0] =	vst.idx.msk $0xffff, v8;
	v9 =	vld [tilespmem:s30+$0x0]  }
0x52f: {  	s24 =	simm.s32 $0x5;
	v13 =	vadd.s32 s23, v0;
	[tilespmem:v11+s17+$0x0] =	vst.idx.msk $0xffff, v10;
	v10 =	vld [tilespmem:s30+$0x10]  }
0x530: {  	s26 =	simm.s32 $0x815;
	v11 =	vadd.s32 s24, v0;
	v8 =	vld [tilespmem:s30+$0x340];
	[tilespmem:v4+s17+$0x0] =	vst.idx.msk $0xffff, v2  }
0x531: {  	s28 =	simm.s32 $0x6;
	v2 =	vld [tilespmem:s30+$0x350];
	[tilespmem:v5+s17+$0x0] =	vst.idx.msk $0xffff, v3;
	v5 =	vadd.s32 s26, v0  }
0x532: {  	s9 =	simm.s32 $0x816;
	s29 =	simm.s32 $0x7;
	v3 =	vld [tilespmem:s30+$0x680];
	[tilespmem:v7+s17+$0x0] =	vst.idx.msk $0xffff, v6;
	v7 =	vadd.s32 s28, v0  }
0x533: {  	s11 =	simm.s32 $0x818;
	s10 =	simm.s32 $0x817;
	s4 =	simm.s32 $0x8;
	v4 =	vld [tilespmem:s30+$0x690];
	[tilespmem:v12+s17+$0x0] =	vst.idx.msk $0xffff, v9;
	v6 =	vadd.s32 s9, v0  }
0x534: {  	s15 =	sshll.u32 s1, $0x1;
	s5 =	smov.u32 s30;
	v12 =	vadd.s32 s4, v0;
	v9 =	vld [tilespmem:s30+$0x9C0];
	s9 =	simm.s32 $0x10;
	[tilespmem:v13+s17+$0x0] =	vst.idx.msk $0xffff, v10;
	v10 =	vadd.s32 s29, v0  }
.LBB2_53:
0x535: {  	p1 =	slt.u32 s9, $0x78;
	v12 =	vand.u32 $0xFF8, v12;
	v13 =	vadd.s32 s11, v0;
	[tilespmem:v11+s17+$0x0] =	vst.idx.msk $0xffff, v8;
	v8 =	vld [tilespmem:s5+$0x9D0];
	v11 =	vadd.s32 s10, v0;
	s5 =	sadd.s32 $0x1A00, s5;
	s10 =	smov.u32 s4  }
0x536: {  	s4 =	smov.u32 s9;
	v14 =	vld [tilespmem:s5+$0xFFFFF300];
	v12 =	vor.u32 v1, v12;
	v13 =	vand.u32 $0x1FF8, v13;
	[tilespmem:v5+s17+$0x0] =	vst.idx.msk $0xffff, v2  }
0x537: {  	s11 =	sadd.s32 $0x1, s10;
	v2 =	vld [tilespmem:s5+$0xFFFFF310];
	v5 =	vor.u32 v1, v13;
	[tilespmem:v7+s17+$0x0] =	vst.idx.msk $0xffff, v3  }
0x538: {  	v7 =	vadd.s32 s11, v0;
	s11 =	sadd.s32 $0x811, s10;
	v3 =	vld [tilespmem:s5+$0xFFFFF640];
	[tilespmem:v6+s17+$0x0] =	vst.idx.msk $0xffff, v4  }
0x539: {  	v6 =	vadd.s32 s11, v0;
	s11 =	sadd.s32 $0x2, s10;
	v4 =	vld [tilespmem:s5+$0xFFFFF650];
	[tilespmem:v10+s17+$0x0] =	vst.idx.msk $0xffff, v9  }
0x53a: {  	v10 =	vadd.s32 s11, v0;
	s11 =	sadd.s32 $0x812, s10;
	v9 =	vld [tilespmem:s5+$0xFFFFF980];
	[tilespmem:v11+s17+$0x0] =	vst.idx.msk $0xffff, v8  }
0x53b: {  	v11 =	vadd.s32 s11, v0;
	s11 =	sadd.s32 $0x3, s10;
	[tilespmem:v12+s17+$0x0] =	vst.idx.msk $0xffff, v14;
	v8 =	vld [tilespmem:s5+$0xFFFFF990]  }
0x53c: {  	[tilespmem:v5+s17+$0x0] =	vst.idx.msk $0xffff, v2;
	v2 =	vld [tilespmem:s5+$0xFFFFFCC0];
	v5 =	vadd.s32 s11, v0;
	s11 =	sadd.s32 $0x813, s10  }
0x53d: {  	[tilespmem:v7+s17+$0x0] =	vst.idx.msk $0xffff, v3;
	v3 =	vld [tilespmem:s5+$0xFFFFFCD0];
	v7 =	vadd.s32 s11, v0;
	s11 =	sadd.s32 $0x4, s10  }
0x53e: {  	[tilespmem:v6+s17+$0x0] =	vst.idx.msk $0xffff, v4;
	v4 =	vld [tilespmem:s5+$0x0];
	v6 =	vadd.s32 s11, v0;
	s11 =	sadd.s32 $0x814, s10  }
0x53f: {  	[tilespmem:v10+s17+$0x0] =	vst.idx.msk $0xffff, v9;
	v9 =	vld [tilespmem:s5+$0x10];
	v10 =	vadd.s32 s11, v0;
	s11 =	sadd.s32 $0x5, s10  }
.Ltmp42:
0x540: {  	[tilespmem:v11+s17+$0x0] =	vst.idx.msk $0xffff, v8;
	v8 =	vld [tilespmem:s5+$0x340];
	v11 =	vadd.s32 s11, v0;
	s11 =	sadd.s32 $0x815, s10;
	(pc) =	sbr.rel @p1 .LBB2_53-.Ltmp42, $4  }
0x541: {  	[tilespmem:v5+s17+$0x0] =	vst.idx.msk $0xffff, v2;
	v2 =	vld [tilespmem:s5+$0x350];
	v5 =	vadd.s32 s11, v0;
	s11 =	sadd.s32 $0x6, s10  }
0x542: {  	[tilespmem:v7+s17+$0x0] =	vst.idx.msk $0xffff, v3;
	v3 =	vld [tilespmem:s5+$0x680];
	v7 =	vadd.s32 s11, v0;
	s11 =	sadd.s32 $0x816, s10  }
0x543: {  	s12 =	sadd.s32 $0x7, s10;
	[tilespmem:v6+s17+$0x0] =	vst.idx.msk $0xffff, v4;
	v4 =	vld [tilespmem:s5+$0x690];
	v6 =	vadd.s32 s11, v0  }
0x544: {  	s9 =	sadd.s32 $0x8, s9;
	v12 =	vadd.s32 s4, v0;
	s10 =	sadd.s32 $0x817, s10;
	s11 =	sadd.s32 $0x810, s4;
	[tilespmem:v10+s17+$0x0] =	vst.idx.msk $0xffff, v9;
	v9 =	vld [tilespmem:s5+$0x9C0];
	v10 =	vadd.s32 s12, v0  }
0x545: {  	_ =	sdelay $0x3  }
0x546: {  	v12 =	vand.u32 $0xFF8, v12;
	v13 =	vadd.s32 s11, v0;
	[tilespmem:v11+s17+$0x0] =	vst.idx.msk $0xffff, v8;
	v8 =	vld [tilespmem:s5+$0x9D0];
	v54 =	vadd.s32 s10, v0;
	s24 =	sadd.s32 $0x1A00, s5  }
0x547: {  	v14 =	vld [tilespmem:s24+$0xFFFFF300];
	v12 =	vor.u32 v1, v12;
	v13 =	vand.u32 $0x1FF8, v13;
	[tilespmem:v5+s17+$0x0] =	vst.idx.msk $0xffff, v2  }
0x548: {  	s9 =	sadd.s32 $0x1, s4;
	v2 =	vld [tilespmem:s24+$0xFFFFF310];
	v5 =	vor.u32 v1, v13;
	[tilespmem:v7+s17+$0x0] =	vst.idx.msk $0xffff, v3  }
0x549: {  	s26 =	sadd.s32 $0x811, s4;
	v3 =	vld [tilespmem:s24+$0xFFFFF640];
	v7 =	vadd.s32 s9, v0;
	[tilespmem:v6+s17+$0x0] =	vst.idx.msk $0xffff, v4  }
0x54a: {  	s28 =	sadd.s32 $0x2, s4;
	v4 =	vld [tilespmem:s24+$0xFFFFF650];
	v6 =	vadd.s32 s26, v0;
	[tilespmem:v10+s17+$0x0] =	vst.idx.msk $0xffff, v9  }
0x54b: {  	s10 =	sadd.s32 $0x812, s4;
	v55 =	vld [tilespmem:s24+$0xFFFFF980];
	v56 =	vadd.s32 s28, v0;
	[tilespmem:v54+s17+$0x0] =	vst.idx.msk $0xffff, v8  }
0x54c: {  	s11 =	sadd.s32 $0x3, s4;
	v57 =	vadd.s32 s10, v0;
	v8 =	vld [tilespmem:s24+$0xFFFFF990];
	[tilespmem:v12+s17+$0x0] =	vst.idx.msk $0xffff, v14  }
0x54d: {  	s12 =	sadd.s32 $0x813, s4;
	[tilespmem:v5+s17+$0x0] =	vst.idx.msk $0xffff, v2;
	v2 =	vld [tilespmem:s24+$0xFFFFFCC0];
	v5 =	vadd.s32 s11, v0  }
0x54e: {  	s13 =	sadd.s32 $0x4, s4;
	[tilespmem:v7+s17+$0x0] =	vst.idx.msk $0xffff, v3;
	v3 =	vld [tilespmem:s24+$0xFFFFFCD0];
	v7 =	vadd.s32 s12, v0  }
0x54f: {  	s14 =	sadd.s32 $0x814, s4;
	[tilespmem:v6+s17+$0x0] =	vst.idx.msk $0xffff, v4;
	v4 =	vld [tilespmem:s24+$0x0];
	v6 =	vadd.s32 s13, v0  }
0x550: {  	s16 =	sadd.s32 $0x5, s4;
	v58 =	vld [tilespmem:s24+$0x10];
	v59 =	vadd.s32 s14, v0;
	[tilespmem:v56+s17+$0x0] =	vst.idx.msk $0xffff, v55  }
0x551: {  	s21 =	sadd.s32 $0x7, s4;
	v60 =	vadd.s32 s16, v0;
	[tilespmem:v57+s17+$0x0] =	vst.idx.msk $0xffff, v8;
	v8 =	vld [tilespmem:s24+$0x340]  }
0x552: {  	s18 =	sadd.s32 $0x815, s4;
	v61 =	vld [tilespmem:s24+$0x9C0];
	v62 =	vadd.s32 s21, v0;
	[tilespmem:v5+s17+$0x0] =	vst.idx.msk $0xffff, v2  }
0x553: {  	s19 =	sadd.s32 $0x6, s4;
	v2 =	vld [tilespmem:s24+$0x350];
	v5 =	vadd.s32 s18, v0;
	[tilespmem:v7+s17+$0x0] =	vst.idx.msk $0xffff, v3  }
0x554: {  	s20 =	sadd.s32 $0x816, s4;
	v3 =	vld [tilespmem:s24+$0x680];
	v7 =	vadd.s32 s19, v0;
	[tilespmem:v6+s17+$0x0] =	vst.idx.msk $0xffff, v4  }
0x555: {  	s22 =	sadd.s32 $0x817, s4;
	v4 =	vld [tilespmem:s24+$0x690];
	v6 =	vadd.s32 s20, v0;
	[tilespmem:v59+s17+$0x0] =	vst.idx.msk $0xffff, v58  }
0x556: {  	v63 =	vadd.s32 s22, v0;
	[tilespmem:v60+s17+$0x0] =	vst.idx.msk $0xffff, v8;
	v8 =	vld [tilespmem:s24+$0x9D0]  }
0x557: {  	[tilespmem:v62+s17+$0x0] =	vst.idx.msk $0xffff, v61  }
0x558: {  	[tilespmem:v5+s17+$0x0] =	vst.idx.msk $0xffff, v2  }
0x559: {  	[tilespmem:v7+s17+$0x0] =	vst.idx.msk $0xffff, v3  }
0x55a: {  	[tilespmem:v6+s17+$0x0] =	vst.idx.msk $0xffff, v4  }
0x55b: {  	s23 =	simm.s32 $0x1A102;
	[tilespmem:v63+s17+$0x0] =	vst.idx.msk $0xffff, v8  }
0x55c: {  	v2 =	vld [tilespmem:s23+$0x81]  }
0x55d: {  	v3 =	vld [tilespmem:s23+$0xFFFFFF7F]  }
0x55e: {  	v4 =	vld [tilespmem:s23+$0x0];
	_ =	sdelay $0x1  }
0x55f: {  	s29 =	simm.s32 $0x1B120;
	s24 =	simm.s32 $0x183  }
0x560: {  	s26 =	simm.s32 $0x81;
	s13 =	sand.u32 $0xFFF, s24;
	v5 =	vld [tilespmem:s23+$0xFFFFFEFE];
	[tilespmem:s29+$0x80] =	vst v2  }
0x561: {  	s28 =	simm.s32 $0x102;
	s9 =	sand.u32 $0xFFD, s26;
	[tilespmem:s29+$0xFFFFFF80] =	vst v3;
	v2 =	vld [tilespmem:s13+$0x1A010]  }
0x562: {  	s4 =	sand.u32 $0xFFE, s28;
	[tilespmem:s29+$0x0] =	vst v4;
	v3 =	vld [tilespmem:s9+$0x1A010]  }
0x563: {  	v4 =	vld [tilespmem:s4+$0x1A010]  }
0x564: {  	s16 =	simm.s32 $0x0  }
0x565: {  	s11 =	sand.u32 $0xFFC, s16;
	[tilespmem:s29+$0xFFFFFF00] =	vst v5  }
0x566: {  	v5 =	vld [tilespmem:s11+$0x1A010];
	[tilespmem:s29+$0x90] =	vst v2  }
0x567: {  	[tilespmem:s29+$0xFFFFFF90] =	vst v3;
	v2 =	vld [tilespmem:s13+$0x1A020]  }
0x568: {  	[tilespmem:s29+$0x10] =	vst v4;
	v3 =	vld [tilespmem:s9+$0x1A020]  }
0x569: {  	v4 =	vld [tilespmem:s4+$0x1A020];
	_ =	sdelay $0x1  }
0x56a: {  	[tilespmem:s29+$0xFFFFFF10] =	vst v5  }
0x56b: {  	v5 =	vld [tilespmem:s11+$0x1A020];
	[tilespmem:s29+$0xA0] =	vst v2  }
0x56c: {  	[tilespmem:s29+$0xFFFFFFA0] =	vst v3;
	v2 =	vld [tilespmem:s13+$0x1A030]  }
0x56d: {  	[tilespmem:s29+$0x20] =	vst v4;
	v3 =	vld [tilespmem:s9+$0x1A030]  }
0x56e: {  	v4 =	vld [tilespmem:s4+$0x1A030];
	_ =	sdelay $0x1  }
0x56f: {  	[tilespmem:s29+$0xFFFFFF20] =	vst v5  }
0x570: {  	v5 =	vld [tilespmem:s11+$0x1A030];
	[tilespmem:s29+$0xB0] =	vst v2  }
0x571: {  	[tilespmem:s29+$0xFFFFFFB0] =	vst v3;
	v3 =	vld [tilespmem:s13+$0x1A040]  }
0x572: {  	[tilespmem:s29+$0x30] =	vst v4;
	v6 =	vld [tilespmem:s9+$0x1A040]  }
0x573: {  	p2 =	por $0x1, $0x1;
	v7 =	vld [tilespmem:s4+$0x1A040]  }
.Ltmp43:
0x574: {  	_ = 	snop;
	(pc) =	sbr.rel @!p2 .LBB2_55-.Ltmp43, $4  }
0x575: {  	[tilespmem:s29+$0xFFFFFF30] =	vst v5  }
0x576: {  	v2 =	vld [tilespmem:s11+$0x1A040];
	[tilespmem:s29+$0xC0] =	vst v3  }
0x577: {  	[tilespmem:s29+$0xFFFFFFC0] =	vst v6;
	v6 =	vld [tilespmem:s13+$0x1A050]  }
0x578: {  	s5 =	simm.s32 $0x1A306;
	p1 =	por $0x0, $0x0;
	[tilespmem:s29+$0x40] =	vst v7;
	v4 =	vld [tilespmem:s9+$0x1A050]  }
0x579: {  	v3 =	vld [tilespmem:s5+$0x81]  }
0x57a: {  	v5 =	vld [tilespmem:s5+$0xFFFFFF7F]  }
0x57b: {  	[tilespmem:s29+$0xFFFFFF40] =	vst v2;
	v2 =	vld [tilespmem:s5+$0x0]  }
0x57c: {  	v7 =	vld [tilespmem:s5+$0xFFFFFEFE];
	[tilespmem:s29+$0xD0] =	vst v6  }
0x57d: {  	s23 =	simm.s32 $0x387;
	s26 =	simm.s32 $0x1B320;
	[tilespmem:s29+$0xFFFFFFD0] =	vst v4;
	v4 =	vld [tilespmem:s13+$0x1A060]  }
0x57e: {  	s10 =	simm.s32 $0x285;
	s5 =	sand.u32 $0xFFF, s23;
	[tilespmem:s26+$0x80] =	vst v3;
	v3 =	vld [tilespmem:s11+$0x1A050]  }
0x57f: {  	s24 =	simm.s32 $0x306;
	s28 =	sand.u32 $0xFFD, s10;
	[tilespmem:s26+$0xFFFFFF80] =	vst v5;
	v5 =	vld [tilespmem:s5+$0x1A010]  }
0x580: {  	s14 =	simm.s32 $0x204;
	s10 =	sand.u32 $0xFFE, s24;
	v6 =	vld [tilespmem:s28+$0x1A010];
	[tilespmem:s26+$0x0] =	vst v2  }
0x581: {  	s12 =	sand.u32 $0xFFC, s14;
	[tilespmem:s26+$0xFFFFFF00] =	vst v7;
	v2 =	vld [tilespmem:s10+$0x1A010]  }
0x582: {  	v7 =	vld [tilespmem:s12+$0x1A010];
	[tilespmem:s29+$0xE0] =	vst v4  }
0x583: {  	v4 =	vld [tilespmem:s4+$0x1A050];
	[tilespmem:s29+$0xFFFFFF50] =	vst v3  }
0x584: {  	v3 =	vld [tilespmem:s13+$0x1A070];
	[tilespmem:s26+$0x90] =	vst v5  }
0x585: {  	[tilespmem:s26+$0xFFFFFF90] =	vst v6;
	v5 =	vld [tilespmem:s5+$0x1A020]  }
0x586: {  	v6 =	vld [tilespmem:s28+$0x1A020];
	[tilespmem:s26+$0x10] =	vst v2  }
0x587: {  	[tilespmem:s26+$0xFFFFFF10] =	vst v7;
	v2 =	vld [tilespmem:s10+$0x1A020]  }
0x588: {  	v7 =	vld [tilespmem:s12+$0x1A020];
	[tilespmem:s29+$0x50] =	vst v4  }
0x589: {  	v4 =	vld [tilespmem:s9+$0x1A060];
	[tilespmem:s29+$0xF0] =	vst v3  }
0x58a: {  	v3 =	vld [tilespmem:s11+$0x1A060];
	[tilespmem:s26+$0xA0] =	vst v5  }
0x58b: {  	[tilespmem:s26+$0xFFFFFFA0] =	vst v6;
	v5 =	vld [tilespmem:s5+$0x1A030]  }
0x58c: {  	v6 =	vld [tilespmem:s28+$0x1A030];
	[tilespmem:s26+$0x20] =	vst v2  }
0x58d: {  	[tilespmem:s26+$0xFFFFFF20] =	vst v7;
	v2 =	vld [tilespmem:s10+$0x1A030]  }
0x58e: {  	v7 =	vld [tilespmem:s12+$0x1A030];
	[tilespmem:s29+$0xFFFFFFE0] =	vst v4  }
0x58f: {  	[tilespmem:s29+$0xFFFFFF60] =	vst v3;
	v3 =	vld [tilespmem:s4+$0x1A060]  }
0x590: {  	v4 =	vld [tilespmem:s11+$0x1A070];
	[tilespmem:s26+$0xB0] =	vst v5  }
0x591: {  	[tilespmem:s26+$0xFFFFFFB0] =	vst v6;
	v5 =	vld [tilespmem:s5+$0x1A040]  }
0x592: {  	v6 =	vld [tilespmem:s28+$0x1A040];
	[tilespmem:s26+$0x30] =	vst v2  }
0x593: {  	p2 =	por $0x1, $0x1;
	[tilespmem:s26+$0xFFFFFF30] =	vst v7;
	v7 =	vld [tilespmem:s10+$0x1A040]  }
.Ltmp44:
0x594: {  	v2 =	vld [tilespmem:s12+$0x1A040];
	[tilespmem:s29+$0x60] =	vst v3;
	(pc) =	sbr.rel @!p2 .LBB2_58-.Ltmp44, $4  }
0x595: {  	v3 =	vld [tilespmem:s9+$0x1A070];
	[tilespmem:s29+$0xFFFFFF70] =	vst v4  }
0x596: {  	[tilespmem:s26+$0xC0] =	vst v5;
	v5 =	vld [tilespmem:s4+$0x1A070]  }
0x597: {  	[tilespmem:s26+$0xFFFFFFC0] =	vst v6;
	v6 =	vld [tilespmem:s5+$0x1A050]  }
0x598: {  	s18 =	simm.s32 $0x4;
	s19 =	simm.s32 $0x1A50A;
	p1 =	por $0x1, $0x1;
	v4 =	vld [tilespmem:s28+$0x1A050];
	[tilespmem:s26+$0x40] =	vst v7  }
.LBB2_57:
0x599: {  	v7 =	vld [tilespmem:s19+$0x81];
	s18 =	sadd.s32 $0x4, s18;
	[tilespmem:s26+$0xFFFFFF40] =	vst v2  }
0x59a: {  	v2 =	vld [tilespmem:s19+$0xFFFFFF7F];
	p2 =	slt.u32 s18, $0x1C;
	[tilespmem:s29+$0xFFFFFFF0] =	vst v3  }
0x59b: {  	v3 =	vld [tilespmem:s19+$0x0];
	[tilespmem:s29+$0x70] =	vst v5;
	s29 =	smov.u32 s26  }
0x59c: {  	s14 =	sadd.s32 $0x204, s14;
	v5 =	vld [tilespmem:s19+$0xFFFFFEFE];
	[tilespmem:s26+$0xD0] =	vst v6  }
0x59d: {  	s20 =	sadd.s32 $0x81, s14;
	s21 =	sadd.s32 $0x183, s14;
	s26 =	sadd.s32 $0x200, s26;
	[tilespmem:s29+$0xFFFFFFD0] =	vst v4;
	v4 =	vld [tilespmem:s5+$0x1A060]  }
0x59e: {  	s22 =	sadd.s32 $0x102, s14;
	s20 =	sand.u32 $0xFFD, s20;
	s23 =	sand.u32 $0xFFF, s21;
	[tilespmem:s26+$0x80] =	vst v7;
	v6 =	vld [tilespmem:s12+$0x1A050]  }
0x59f: {  	s24 =	sand.u32 $0xFFC, s14;
	s21 =	sand.u32 $0xFFE, s22;
	[tilespmem:s26+$0xFFFFFF80] =	vst v2;
	v2 =	vld [tilespmem:s23+$0x1A010]  }
0x5a0: {  	v7 =	vld [tilespmem:s20+$0x1A010];
	[tilespmem:s26+$0x0] =	vst v3  }
0x5a1: {  	[tilespmem:s26+$0xFFFFFF00] =	vst v5;
	v3 =	vld [tilespmem:s21+$0x1A010]  }
0x5a2: {  	v5 =	vld [tilespmem:s24+$0x1A010];
	[tilespmem:s29+$0xE0] =	vst v4  }
0x5a3: {  	[tilespmem:s29+$0xFFFFFF50] =	vst v6;
	v4 =	vld [tilespmem:s5+$0x1A070];
	s5 =	smov.u32 s23  }
0x5a4: {  	[tilespmem:s26+$0x90] =	vst v2;
	v2 =	vld [tilespmem:s10+$0x1A050]  }
0x5a5: {  	[tilespmem:s26+$0xFFFFFF90] =	vst v7;
	v6 =	vld [tilespmem:s5+$0x1A020]  }
0x5a6: {  	v7 =	vld [tilespmem:s20+$0x1A020];
	[tilespmem:s26+$0x10] =	vst v3  }
0x5a7: {  	[tilespmem:s26+$0xFFFFFF10] =	vst v5;
	v3 =	vld [tilespmem:s21+$0x1A020]  }
0x5a8: {  	v5 =	vld [tilespmem:s24+$0x1A020];
	[tilespmem:s29+$0xF0] =	vst v4  }
0x5a9: {  	v4 =	vld [tilespmem:s12+$0x1A060];
	[tilespmem:s29+$0x50] =	vst v2  }
0x5aa: {  	[tilespmem:s26+$0xA0] =	vst v6;
	v2 =	vld [tilespmem:s28+$0x1A060]  }
0x5ab: {  	[tilespmem:s26+$0xFFFFFFA0] =	vst v7;
	v6 =	vld [tilespmem:s5+$0x1A030]  }
0x5ac: {  	v7 =	vld [tilespmem:s20+$0x1A030];
	[tilespmem:s26+$0x20] =	vst v3  }
0x5ad: {  	[tilespmem:s26+$0xFFFFFF20] =	vst v5;
	v3 =	vld [tilespmem:s21+$0x1A030]  }
0x5ae: {  	v5 =	vld [tilespmem:s24+$0x1A030];
	[tilespmem:s29+$0xFFFFFF60] =	vst v4  }
0x5af: {  	[tilespmem:s29+$0xFFFFFFE0] =	vst v2;
	v4 =	vld [tilespmem:s10+$0x1A060]  }
0x5b0: {  	[tilespmem:s26+$0xB0] =	vst v6;
	v6 =	vld [tilespmem:s12+$0x1A070];
	s12 =	smov.u32 s24  }
0x5b1: {  	[tilespmem:s26+$0xFFFFFFB0] =	vst v7;
	v7 =	vld [tilespmem:s5+$0x1A040]  }
0x5b2: {  	v8 =	vld [tilespmem:s20+$0x1A040];
	[tilespmem:s26+$0x30] =	vst v3  }
0x5b3: {  	[tilespmem:s26+$0xFFFFFF30] =	vst v5;
	v9 =	vld [tilespmem:s21+$0x1A040]  }
.Ltmp45:
0x5b4: {  	v2 =	vld [tilespmem:s12+$0x1A040];
	[tilespmem:s29+$0x60] =	vst v4;
	(pc) =	sbr.rel @p2 .LBB2_57-.Ltmp45, $4  }
0x5b5: {  	[tilespmem:s29+$0xFFFFFF70] =	vst v6;
	v3 =	vld [tilespmem:s28+$0x1A070];
	s28 =	smov.u32 s20  }
0x5b6: {  	[tilespmem:s26+$0xC0] =	vst v7;
	v5 =	vld [tilespmem:s10+$0x1A070];
	s10 =	smov.u32 s21  }
0x5b7: {  	[tilespmem:s26+$0xFFFFFFC0] =	vst v8;
	v6 =	vld [tilespmem:s5+$0x1A050]  }
0x5b8: {  	s19 =	sadd.s32 $0x204, s19;
	v4 =	vld [tilespmem:s28+$0x1A050];
	[tilespmem:s26+$0x40] =	vst v9  }
.LBB2_58:
0x5b9: {  	[tilespmem:s26+$0xFFFFFF40] =	vst v2  }
0x5ba: {  	v2 =	vld [tilespmem:s12+$0x1A050];
	_ =	sdelay $0x2  }
0x5bb: {  	v7 =	vld [tilespmem:s10+$0x1A050];
	[tilespmem:s26+$0xD0] =	vst v6  }
0x5bc: {  	v6 =	vld [tilespmem:s5+$0x1A060];
	[tilespmem:s26+$0xFFFFFFD0] =	vst v4  }
0x5bd: {  	v4 =	vld [tilespmem:s28+$0x1A060];
	[tilespmem:s26+$0xFFFFFF50] =	vst v2  }
0x5be: {  	v2 =	vld [tilespmem:s12+$0x1A060];
	_ =	sdelay $0x1  }
0x5bf: {  	[tilespmem:s26+$0x50] =	vst v7  }
0x5c0: {  	v7 =	vld [tilespmem:s10+$0x1A060];
	[tilespmem:s26+$0xE0] =	vst v6  }
0x5c1: {  	v6 =	vld [tilespmem:s5+$0x1A070];
	[tilespmem:s26+$0xFFFFFFE0] =	vst v4  }
0x5c2: {  	v4 =	vld [tilespmem:s28+$0x1A070];
	[tilespmem:s26+$0xFFFFFF60] =	vst v2  }
0x5c3: {  	[tilespmem:s29+$0xFFFFFFF0] =	vst @p1 v3;
	v2 =	vld [tilespmem:s12+$0x1A070]  }
0x5c4: {  	[tilespmem:s29+$0x70] =	vst @p1 v5  }
0x5c5: {  	[tilespmem:s26+$0x60] =	vst v7  }
0x5c6: {  	v3 =	vld [tilespmem:s10+$0x1A070];
	[tilespmem:s26+$0xF0] =	vst v6  }
0x5c7: {  	[tilespmem:s26+$0xFFFFFFF0] =	vst v4  }
0x5c8: {  	[tilespmem:s26+$0xFFFFFF70] =	vst v2  }
0x5c9: {  	s19 =	sshll.u32 s1, $0x11;
	s20 =	rddreg [dreg:$0xa]  }
0x5ca: {  	s5 =	sor.u32 s20, s19  }
0x5cb: {  	s21 =	simm.s32 $0x1B020;
	[tilespmem:s26+$0x70] =	vst v3;
	s10 =	sadd.s32 s2, s5  }
0x5cc: {  	[hbm4b:s10+s3] =	stream.linear.scatter [tilespmem:s21], [sflag:$0x2], $0x400, $0x38;
	[tilespmem:$0x1D020] =	vst v63  }
0x5cd: {  	s23 =	simm.s32 $0x1B420;
	s22 =	sadd.s32 s5, s6  }
0x5ce: {  	[hbm4b:s22+s3] =	stream.linear.scatter [tilespmem:s23], [sflag:$0x2], $0x400, $0x38;
	[tilespmem:$0x1D020] =	vst v63  }
0x5cf: {  	s26 =	simm.s32 $0x1B820;
	s24 =	sadd.s32 s5, s7  }
0x5d0: {  	[hbm4b:s24+s3] =	stream.linear.scatter [tilespmem:s26], [sflag:$0x2], $0x400, $0x38;
	[tilespmem:$0x1D020] =	vst v63  }
0x5d1: {  	s28 =	simm.s32 $0x1BC20;
	s5 =	sadd.s32 s5, s8  }
0x5d2: {  	[hbm4b:s5+s3] =	stream.linear.scatter [tilespmem:s28], [sflag:$0x2], $0x400, $0x38;
	[tilespmem:$0x1D020] =	vst v63  }
0x5d3: {  	s5 =	simm.s32 @!p0 $0x3  }
0x5d4: {  	_ =	swait.ge @!p0 [sflag:s5], $0x400  }
0x5d5: {  	[sflag:s5] =	ssyncset.done @!p0 $0x0  }
0x5d6: {  	[sflag:s5] =	ssyncadd.s32 @!p0 $0xFFFFFC00  }
0x5d7: {  	_ =	swait.ge @!p0 [sflag:s5], $0x400  }
0x5d8: {  	[sflag:s5] =	ssyncset.done @!p0 $0x0  }
0x5d9: {  	[sflag:s5] =	ssyncadd.s32 @!p0 $0xFFFFFC00  }
0x5da: {  	_ =	swait.ge @!p0 [sflag:s5], $0x400  }
0x5db: {  	[sflag:s5] =	ssyncset.done @!p0 $0x0  }
0x5dc: {  	[sflag:s5] =	ssyncadd.s32 @!p0 $0xFFFFFC00  }
0x5dd: {  	_ =	swait.ge @!p0 [sflag:s5], $0x400  }
0x5de: {  	s29 =	simm.s32 $0x810;
	v2 =	vadd.s32 s16, v0;
	[sflag:s5] =	ssyncset.done @!p0 $0x0  }
0x5df: {  	v2 =	vand.u32 $0xFF8, v2;
	v3 =	vadd.s32 s29, v0;
	[sflag:s5] =	ssyncadd.s32 @!p0 $0xFFFFFC00  }
0x5e0: {  	v2 =	vor.u32 v1, v2;
	v3 =	vand.u32 $0x1FF8, v3;
	v4 =	vld [tilespmem:s31+$0xFFFFF300]  }
0x5e1: {  	s12 =	simm.s32 $0x1;
	v3 =	vor.u32 v1, v3;
	v5 =	vld [tilespmem:s31+$0xFFFFF310]  }
0x5e2: {  	s14 =	simm.s32 $0x811;
	v7 =	vadd.s32 s12, v0;
	v6 =	vld [tilespmem:s31+$0xFFFFF640]  }
0x5e3: {  	v9 =	vadd.s32 s14, v0;
	s16 =	simm.s32 $0x2;
	v8 =	vld [tilespmem:s31+$0xFFFFF650]  }
0x5e4: {  	s18 =	simm.s32 $0x812;
	v11 =	vadd.s32 s16, v0;
	v10 =	vld [tilespmem:s31+$0xFFFFF980]  }
0x5e5: {  	s19 =	simm.s32 $0x3;
	[tilespmem:v2+s17+$0x0] =	vst.idx.msk $0xffff, v4;
	v2 =	vld [tilespmem:s31+$0xFFFFF990];
	v4 =	vadd.s32 s18, v0  }
0x5e6: {  	s20 =	simm.s32 $0x813;
	[tilespmem:v3+s17+$0x0] =	vst.idx.msk $0xffff, v5;
	v3 =	vld [tilespmem:s31+$0xFFFFFCC0];
	v5 =	vadd.s32 s19, v0  }
0x5e7: {  	s21 =	simm.s32 $0x4;
	[tilespmem:v7+s17+$0x0] =	vst.idx.msk $0xffff, v6;
	v6 =	vld [tilespmem:s31+$0xFFFFFCD0];
	v7 =	vadd.s32 s20, v0  }
0x5e8: {  	v12 =	vadd.s32 s21, v0;
	s22 =	simm.s32 $0x814;
	[tilespmem:v9+s17+$0x0] =	vst.idx.msk $0xffff, v8;
	v9 =	vld [tilespmem:s31+$0x0]  }
0x5e9: {  	s23 =	simm.s32 $0x5;
	v13 =	vadd.s32 s22, v0;
	[tilespmem:v11+s17+$0x0] =	vst.idx.msk $0xffff, v10;
	v10 =	vld [tilespmem:s31+$0x10]  }
0x5ea: {  	s24 =	simm.s32 $0x815;
	v11 =	vadd.s32 s23, v0;
	v8 =	vld [tilespmem:s31+$0x340];
	[tilespmem:v4+s17+$0x0] =	vst.idx.msk $0xffff, v2  }
0x5eb: {  	s26 =	simm.s32 $0x6;
	v2 =	vld [tilespmem:s31+$0x350];
	[tilespmem:v5+s17+$0x0] =	vst.idx.msk $0xffff, v3;
	v5 =	vadd.s32 s24, v0  }
0x5ec: {  	s15 =	sor.u32 $0x1, s15;
	s28 =	simm.s32 $0x816;
	v3 =	vld [tilespmem:s31+$0x680];
	[tilespmem:v7+s17+$0x0] =	vst.idx.msk $0xffff, v6;
	v7 =	vadd.s32 s26, v0  }
0x5ed: {  	s14 =	simm.s32 $0x817;
	s29 =	simm.s32 $0x7;
	s5 =	simm.s32 $0x8;
	v4 =	vld [tilespmem:s31+$0x690];
	[tilespmem:v12+s17+$0x0] =	vst.idx.msk $0xffff, v9;
	v6 =	vadd.s32 s28, v0  }
0x5ee: {  	s12 =	simm.s32 $0x10;
	s16 =	simm.s32 $0x818;
	s10 =	smov.u32 s31;
	v12 =	vadd.s32 s5, v0;
	v9 =	vld [tilespmem:s31+$0x9C0];
	[tilespmem:v13+s17+$0x0] =	vst.idx.msk $0xffff, v10;
	v10 =	vadd.s32 s29, v0  }
.LBB2_59:
0x5ef: {  	p0 =	slt.u32 s12, $0x78;
	v12 =	vand.u32 $0xFF8, v12;
	v13 =	vadd.s32 s16, v0;
	[tilespmem:v11+s17+$0x0] =	vst.idx.msk $0xffff, v8;
	v8 =	vld [tilespmem:s10+$0x9D0];
	v11 =	vadd.s32 s14, v0;
	s10 =	sadd.s32 $0x1A00, s10;
	s14 =	smov.u32 s5  }
0x5f0: {  	s5 =	smov.u32 s12;
	v14 =	vld [tilespmem:s10+$0xFFFFF300];
	v12 =	vor.u32 v1, v12;
	v13 =	vand.u32 $0x1FF8, v13;
	[tilespmem:v5+s17+$0x0] =	vst.idx.msk $0xffff, v2  }
0x5f1: {  	s16 =	sadd.s32 $0x1, s14;
	v2 =	vld [tilespmem:s10+$0xFFFFF310];
	v5 =	vor.u32 v1, v13;
	[tilespmem:v7+s17+$0x0] =	vst.idx.msk $0xffff, v3  }
0x5f2: {  	v7 =	vadd.s32 s16, v0;
	s16 =	sadd.s32 $0x811, s14;
	v3 =	vld [tilespmem:s10+$0xFFFFF640];
	[tilespmem:v6+s17+$0x0] =	vst.idx.msk $0xffff, v4  }
0x5f3: {  	v6 =	vadd.s32 s16, v0;
	s16 =	sadd.s32 $0x2, s14;
	v4 =	vld [tilespmem:s10+$0xFFFFF650];
	[tilespmem:v10+s17+$0x0] =	vst.idx.msk $0xffff, v9  }
0x5f4: {  	v10 =	vadd.s32 s16, v0;
	s16 =	sadd.s32 $0x812, s14;
	v9 =	vld [tilespmem:s10+$0xFFFFF980];
	[tilespmem:v11+s17+$0x0] =	vst.idx.msk $0xffff, v8  }
0x5f5: {  	v11 =	vadd.s32 s16, v0;
	s16 =	sadd.s32 $0x3, s14;
	[tilespmem:v12+s17+$0x0] =	vst.idx.msk $0xffff, v14;
	v8 =	vld [tilespmem:s10+$0xFFFFF990]  }
0x5f6: {  	[tilespmem:v5+s17+$0x0] =	vst.idx.msk $0xffff, v2;
	v2 =	vld [tilespmem:s10+$0xFFFFFCC0];
	v5 =	vadd.s32 s16, v0;
	s16 =	sadd.s32 $0x813, s14  }
0x5f7: {  	[tilespmem:v7+s17+$0x0] =	vst.idx.msk $0xffff, v3;
	v3 =	vld [tilespmem:s10+$0xFFFFFCD0];
	v7 =	vadd.s32 s16, v0;
	s16 =	sadd.s32 $0x4, s14  }
0x5f8: {  	[tilespmem:v6+s17+$0x0] =	vst.idx.msk $0xffff, v4;
	v4 =	vld [tilespmem:s10+$0x0];
	v6 =	vadd.s32 s16, v0;
	s16 =	sadd.s32 $0x814, s14  }
0x5f9: {  	[tilespmem:v10+s17+$0x0] =	vst.idx.msk $0xffff, v9;
	v9 =	vld [tilespmem:s10+$0x10];
	v10 =	vadd.s32 s16, v0;
	s16 =	sadd.s32 $0x5, s14  }
.Ltmp46:
0x5fa: {  	[tilespmem:v11+s17+$0x0] =	vst.idx.msk $0xffff, v8;
	v8 =	vld [tilespmem:s10+$0x340];
	v11 =	vadd.s32 s16, v0;
	s16 =	sadd.s32 $0x815, s14;
	(pc) =	sbr.rel @p0 .LBB2_59-.Ltmp46, $4  }
0x5fb: {  	[tilespmem:v5+s17+$0x0] =	vst.idx.msk $0xffff, v2;
	v2 =	vld [tilespmem:s10+$0x350];
	v5 =	vadd.s32 s16, v0;
	s16 =	sadd.s32 $0x6, s14  }
0x5fc: {  	[tilespmem:v7+s17+$0x0] =	vst.idx.msk $0xffff, v3;
	v3 =	vld [tilespmem:s10+$0x680];
	v7 =	vadd.s32 s16, v0;
	s16 =	sadd.s32 $0x816, s14  }
0x5fd: {  	s18 =	sadd.s32 $0x7, s14;
	[tilespmem:v6+s17+$0x0] =	vst.idx.msk $0xffff, v4;
	v4 =	vld [tilespmem:s10+$0x690];
	v6 =	vadd.s32 s16, v0  }
0x5fe: {  	s12 =	sadd.s32 $0x8, s12;
	v12 =	vadd.s32 s5, v0;
	s14 =	sadd.s32 $0x817, s14;
	s16 =	sadd.s32 $0x810, s5;
	[tilespmem:v10+s17+$0x0] =	vst.idx.msk $0xffff, v9;
	v9 =	vld [tilespmem:s10+$0x9C0];
	v10 =	vadd.s32 s18, v0  }
0x5ff: {  	_ =	sdelay $0x3  }
0x600: {  	v12 =	vand.u32 $0xFF8, v12;
	v13 =	vadd.s32 s16, v0;
	[tilespmem:v11+s17+$0x0] =	vst.idx.msk $0xffff, v8;
	v8 =	vld [tilespmem:s10+$0x9D0];
	v54 =	vadd.s32 s14, v0;
	s10 =	sadd.s32 $0x1A00, s10  }
0x601: {  	v14 =	vld [tilespmem:s10+$0xFFFFF300];
	v12 =	vor.u32 v1, v12;
	v13 =	vand.u32 $0x1FF8, v13;
	[tilespmem:v5+s17+$0x0] =	vst.idx.msk $0xffff, v2  }
0x602: {  	s12 =	sadd.s32 $0x1, s5;
	v2 =	vld [tilespmem:s10+$0xFFFFF310];
	v5 =	vor.u32 v1, v13;
	[tilespmem:v7+s17+$0x0] =	vst.idx.msk $0xffff, v3  }
0x603: {  	s28 =	sadd.s32 $0x811, s5;
	v3 =	vld [tilespmem:s10+$0xFFFFF640];
	v7 =	vadd.s32 s12, v0;
	[tilespmem:v6+s17+$0x0] =	vst.idx.msk $0xffff, v4  }
0x604: {  	s29 =	sadd.s32 $0x2, s5;
	v4 =	vld [tilespmem:s10+$0xFFFFF650];
	v6 =	vadd.s32 s28, v0;
	[tilespmem:v10+s17+$0x0] =	vst.idx.msk $0xffff, v9  }
0x605: {  	s14 =	sadd.s32 $0x812, s5;
	v55 =	vld [tilespmem:s10+$0xFFFFF980];
	v56 =	vadd.s32 s29, v0;
	[tilespmem:v54+s17+$0x0] =	vst.idx.msk $0xffff, v8  }
0x606: {  	s16 =	sadd.s32 $0x3, s5;
	v57 =	vadd.s32 s14, v0;
	v8 =	vld [tilespmem:s10+$0xFFFFF990];
	[tilespmem:v12+s17+$0x0] =	vst.idx.msk $0xffff, v14  }
0x607: {  	s18 =	sadd.s32 $0x813, s5;
	[tilespmem:v5+s17+$0x0] =	vst.idx.msk $0xffff, v2;
	v2 =	vld [tilespmem:s10+$0xFFFFFCC0];
	v5 =	vadd.s32 s16, v0  }
0x608: {  	s19 =	sadd.s32 $0x4, s5;
	[tilespmem:v7+s17+$0x0] =	vst.idx.msk $0xffff, v3;
	v3 =	vld [tilespmem:s10+$0xFFFFFCD0];
	v7 =	vadd.s32 s18, v0  }
0x609: {  	s20 =	sadd.s32 $0x814, s5;
	[tilespmem:v6+s17+$0x0] =	vst.idx.msk $0xffff, v4;
	v4 =	vld [tilespmem:s10+$0x0];
	v6 =	vadd.s32 s19, v0  }
0x60a: {  	s21 =	sadd.s32 $0x5, s5;
	v58 =	vld [tilespmem:s10+$0x10];
	v59 =	vadd.s32 s20, v0;
	[tilespmem:v56+s17+$0x0] =	vst.idx.msk $0xffff, v55  }
0x60b: {  	s26 =	sadd.s32 $0x7, s5;
	v60 =	vadd.s32 s21, v0;
	[tilespmem:v57+s17+$0x0] =	vst.idx.msk $0xffff, v8;
	v8 =	vld [tilespmem:s10+$0x340]  }
0x60c: {  	s22 =	sadd.s32 $0x815, s5;
	v61 =	vld [tilespmem:s10+$0x9C0];
	v62 =	vadd.s32 s26, v0;
	[tilespmem:v5+s17+$0x0] =	vst.idx.msk $0xffff, v2  }
0x60d: {  	s23 =	sadd.s32 $0x6, s5;
	v2 =	vld [tilespmem:s10+$0x350];
	v5 =	vadd.s32 s22, v0;
	[tilespmem:v7+s17+$0x0] =	vst.idx.msk $0xffff, v3  }
0x60e: {  	s24 =	sadd.s32 $0x816, s5;
	v3 =	vld [tilespmem:s10+$0x680];
	v7 =	vadd.s32 s23, v0;
	[tilespmem:v6+s17+$0x0] =	vst.idx.msk $0xffff, v4  }
0x60f: {  	s28 =	sadd.s32 $0x817, s5;
	v4 =	vld [tilespmem:s10+$0x690];
	v6 =	vadd.s32 s24, v0;
	[tilespmem:v59+s17+$0x0] =	vst.idx.msk $0xffff, v58  }
0x610: {  	v63 =	vadd.s32 s28, v0;
	[tilespmem:v60+s17+$0x0] =	vst.idx.msk $0xffff, v8;
	v8 =	vld [tilespmem:s10+$0x9D0]  }
0x611: {  	[tilespmem:v62+s17+$0x0] =	vst.idx.msk $0xffff, v61  }
0x612: {  	[tilespmem:v5+s17+$0x0] =	vst.idx.msk $0xffff, v2  }
0x613: {  	[tilespmem:v7+s17+$0x0] =	vst.idx.msk $0xffff, v3  }
0x614: {  	[tilespmem:v6+s17+$0x0] =	vst.idx.msk $0xffff, v4  }
0x615: {  	s29 =	simm.s32 $0x1A102;
	[tilespmem:v63+s17+$0x0] =	vst.idx.msk $0xffff, v8  }
0x616: {  	v2 =	vld [tilespmem:s29+$0x81]  }
0x617: {  	v3 =	vld [tilespmem:s29+$0xFFFFFF7F]  }
0x618: {  	v4 =	vld [tilespmem:s29+$0x0];
	_ =	sdelay $0x1  }
0x619: {  	s16 =	simm.s32 $0x1C210  }
0x61a: {  	v5 =	vld [tilespmem:s29+$0xFFFFFEFE];
	[tilespmem:s16+$0xFFFFFF90] =	vst v2  }
0x61b: {  	[tilespmem:s16+$0xFFFFFE90] =	vst v3;
	v2 =	vld [tilespmem:s13+$0x1A010]  }
0x61c: {  	[tilespmem:s16+$0xFFFFFF10] =	vst v4;
	v3 =	vld [tilespmem:s9+$0x1A010]  }
0x61d: {  	v4 =	vld [tilespmem:s4+$0x1A010];
	_ =	sdelay $0x1  }
0x61e: {  	[tilespmem:s16+$0xFFFFFE10] =	vst v5  }
0x61f: {  	v5 =	vld [tilespmem:s11+$0x1A010];
	[tilespmem:s16+$0xFFFFFFA0] =	vst v2  }
0x620: {  	[tilespmem:s16+$0xFFFFFEA0] =	vst v3;
	v2 =	vld [tilespmem:s13+$0x1A020]  }
0x621: {  	[tilespmem:s16+$0xFFFFFF20] =	vst v4;
	v3 =	vld [tilespmem:s9+$0x1A020]  }
0x622: {  	v4 =	vld [tilespmem:s4+$0x1A020];
	_ =	sdelay $0x1  }
0x623: {  	[tilespmem:s16+$0xFFFFFE20] =	vst v5  }
0x624: {  	v5 =	vld [tilespmem:s11+$0x1A020];
	[tilespmem:s16+$0xFFFFFFB0] =	vst v2  }
0x625: {  	[tilespmem:s16+$0xFFFFFEB0] =	vst v3;
	v2 =	vld [tilespmem:s13+$0x1A030]  }
0x626: {  	[tilespmem:s16+$0xFFFFFF30] =	vst v4;
	v3 =	vld [tilespmem:s9+$0x1A030]  }
0x627: {  	v4 =	vld [tilespmem:s4+$0x1A030];
	_ =	sdelay $0x1  }
0x628: {  	[tilespmem:s16+$0xFFFFFE30] =	vst v5  }
0x629: {  	v5 =	vld [tilespmem:s11+$0x1A030];
	[tilespmem:s16+$0xFFFFFFC0] =	vst v2  }
0x62a: {  	[tilespmem:s16+$0xFFFFFEC0] =	vst v3;
	v3 =	vld [tilespmem:s13+$0x1A040]  }
0x62b: {  	[tilespmem:s16+$0xFFFFFF40] =	vst v4;
	v6 =	vld [tilespmem:s9+$0x1A040]  }
0x62c: {  	p1 =	por $0x1, $0x1;
	v7 =	vld [tilespmem:s4+$0x1A040]  }
.Ltmp47:
0x62d: {  	_ = 	snop;
	(pc) =	sbr.rel @!p1 .LBB2_61-.Ltmp47, $4  }
0x62e: {  	[tilespmem:s16+$0xFFFFFE40] =	vst v5  }
0x62f: {  	v2 =	vld [tilespmem:s11+$0x1A040];
	[tilespmem:s16+$0xFFFFFFD0] =	vst v3  }
0x630: {  	[tilespmem:s16+$0xFFFFFED0] =	vst v6;
	v6 =	vld [tilespmem:s13+$0x1A050]  }
0x631: {  	p0 =	por $0x0, $0x0;
	s5 =	simm.s32 $0x1A306;
	[tilespmem:s16+$0xFFFFFF50] =	vst v7;
	v4 =	vld [tilespmem:s9+$0x1A050]  }
0x632: {  	v3 =	vld [tilespmem:s5+$0x81]  }
0x633: {  	v5 =	vld [tilespmem:s5+$0xFFFFFF7F]  }
0x634: {  	[tilespmem:s16+$0xFFFFFE50] =	vst v2;
	v2 =	vld [tilespmem:s5+$0x0]  }
0x635: {  	v7 =	vld [tilespmem:s5+$0xFFFFFEFE];
	[tilespmem:s16+$0xFFFFFFE0] =	vst v6  }
0x636: {  	s26 =	simm.s32 $0x387;
	s29 =	simm.s32 $0x1C410;
	[tilespmem:s16+$0xFFFFFEE0] =	vst v4;
	v4 =	vld [tilespmem:s13+$0x1A060]  }
0x637: {  	s12 =	simm.s32 $0x285;
	s10 =	sand.u32 $0xFFF, s26;
	[tilespmem:s29+$0xFFFFFF90] =	vst v3;
	v3 =	vld [tilespmem:s11+$0x1A050]  }
0x638: {  	s28 =	simm.s32 $0x306;
	s5 =	sand.u32 $0xFFD, s12;
	[tilespmem:s29+$0xFFFFFE90] =	vst v5;
	v5 =	vld [tilespmem:s10+$0x1A010]  }
0x639: {  	s14 =	simm.s32 $0x204;
	s12 =	sand.u32 $0xFFE, s28;
	v6 =	vld [tilespmem:s5+$0x1A010];
	[tilespmem:s29+$0xFFFFFF10] =	vst v2  }
0x63a: {  	s26 =	sand.u32 $0xFFC, s14;
	[tilespmem:s29+$0xFFFFFE10] =	vst v7;
	v2 =	vld [tilespmem:s12+$0x1A010]  }
0x63b: {  	v7 =	vld [tilespmem:s26+$0x1A010];
	[tilespmem:s16+$0xFFFFFFF0] =	vst v4  }
0x63c: {  	v4 =	vld [tilespmem:s4+$0x1A050];
	[tilespmem:s16+$0xFFFFFE60] =	vst v3  }
0x63d: {  	v3 =	vld [tilespmem:s13+$0x1A070];
	[tilespmem:s29+$0xFFFFFFA0] =	vst v5  }
0x63e: {  	[tilespmem:s29+$0xFFFFFEA0] =	vst v6;
	v5 =	vld [tilespmem:s10+$0x1A020]  }
0x63f: {  	v6 =	vld [tilespmem:s5+$0x1A020];
	[tilespmem:s29+$0xFFFFFF20] =	vst v2  }
0x640: {  	[tilespmem:s29+$0xFFFFFE20] =	vst v7;
	v2 =	vld [tilespmem:s12+$0x1A020]  }
0x641: {  	v7 =	vld [tilespmem:s26+$0x1A020];
	[tilespmem:s16+$0xFFFFFF60] =	vst v4  }
0x642: {  	v4 =	vld [tilespmem:s9+$0x1A060];
	[tilespmem:s16+$0x0] =	vst v3  }
0x643: {  	v3 =	vld [tilespmem:s11+$0x1A060];
	[tilespmem:s29+$0xFFFFFFB0] =	vst v5  }
0x644: {  	[tilespmem:s29+$0xFFFFFEB0] =	vst v6;
	v5 =	vld [tilespmem:s10+$0x1A030]  }
0x645: {  	v6 =	vld [tilespmem:s5+$0x1A030];
	[tilespmem:s29+$0xFFFFFF30] =	vst v2  }
0x646: {  	[tilespmem:s29+$0xFFFFFE30] =	vst v7;
	v2 =	vld [tilespmem:s12+$0x1A030]  }
0x647: {  	v7 =	vld [tilespmem:s26+$0x1A030];
	[tilespmem:s16+$0xFFFFFEF0] =	vst v4  }
0x648: {  	[tilespmem:s16+$0xFFFFFE70] =	vst v3;
	v3 =	vld [tilespmem:s4+$0x1A060]  }
0x649: {  	v4 =	vld [tilespmem:s11+$0x1A070];
	[tilespmem:s29+$0xFFFFFFC0] =	vst v5  }
0x64a: {  	[tilespmem:s29+$0xFFFFFEC0] =	vst v6;
	v5 =	vld [tilespmem:s10+$0x1A040]  }
0x64b: {  	v6 =	vld [tilespmem:s5+$0x1A040];
	[tilespmem:s29+$0xFFFFFF40] =	vst v2  }
0x64c: {  	p1 =	por $0x1, $0x1;
	[tilespmem:s29+$0xFFFFFE40] =	vst v7;
	v7 =	vld [tilespmem:s12+$0x1A040]  }
.Ltmp48:
0x64d: {  	v2 =	vld [tilespmem:s26+$0x1A040];
	[tilespmem:s16+$0xFFFFFF70] =	vst v3;
	(pc) =	sbr.rel @!p1 .LBB2_63-.Ltmp48, $4  }
0x64e: {  	v3 =	vld [tilespmem:s9+$0x1A070];
	[tilespmem:s16+$0xFFFFFE80] =	vst v4  }
0x64f: {  	[tilespmem:s29+$0xFFFFFFD0] =	vst v5;
	v5 =	vld [tilespmem:s4+$0x1A070]  }
0x650: {  	[tilespmem:s29+$0xFFFFFED0] =	vst v6;
	v6 =	vld [tilespmem:s10+$0x1A050]  }
0x651: {  	p0 =	por $0x1, $0x1;
	s9 =	simm.s32 $0x1A50A;
	s4 =	simm.s32 $0x4;
	v4 =	vld [tilespmem:s5+$0x1A050];
	[tilespmem:s29+$0xFFFFFF50] =	vst v7  }
.LBB2_64:
0x652: {  	v7 =	vld [tilespmem:s9+$0x81];
	s4 =	sadd.s32 $0x4, s4;
	[tilespmem:s29+$0xFFFFFE50] =	vst v2  }
0x653: {  	v2 =	vld [tilespmem:s9+$0xFFFFFF7F];
	p1 =	slt.u32 s4, $0x1C;
	[tilespmem:s16+$0xFFFFFF00] =	vst v3  }
0x654: {  	v3 =	vld [tilespmem:s9+$0x0];
	[tilespmem:s16+$0xFFFFFF80] =	vst v5;
	s16 =	smov.u32 s29  }
0x655: {  	s14 =	sadd.s32 $0x204, s14;
	v5 =	vld [tilespmem:s9+$0xFFFFFEFE];
	[tilespmem:s29+$0xFFFFFFE0] =	vst v6  }
0x656: {  	s11 =	sadd.s32 $0x81, s14;
	s13 =	sadd.s32 $0x183, s14;
	s29 =	sadd.s32 $0x200, s29;
	[tilespmem:s16+$0xFFFFFEE0] =	vst v4;
	v4 =	vld [tilespmem:s10+$0x1A060]  }
0x657: {  	s18 =	sadd.s32 $0x102, s14;
	s11 =	sand.u32 $0xFFD, s11;
	s19 =	sand.u32 $0xFFF, s13;
	[tilespmem:s29+$0xFFFFFF90] =	vst v7;
	v6 =	vld [tilespmem:s26+$0x1A050]  }
0x658: {  	s20 =	sand.u32 $0xFFC, s14;
	s13 =	sand.u32 $0xFFE, s18;
	[tilespmem:s29+$0xFFFFFE90] =	vst v2;
	v2 =	vld [tilespmem:s19+$0x1A010]  }
0x659: {  	v7 =	vld [tilespmem:s11+$0x1A010];
	[tilespmem:s29+$0xFFFFFF10] =	vst v3  }
0x65a: {  	[tilespmem:s29+$0xFFFFFE10] =	vst v5;
	v3 =	vld [tilespmem:s13+$0x1A010]  }
0x65b: {  	v5 =	vld [tilespmem:s20+$0x1A010];
	[tilespmem:s16+$0xFFFFFFF0] =	vst v4  }
0x65c: {  	[tilespmem:s16+$0xFFFFFE60] =	vst v6;
	v4 =	vld [tilespmem:s10+$0x1A070];
	s10 =	smov.u32 s19  }
0x65d: {  	[tilespmem:s29+$0xFFFFFFA0] =	vst v2;
	v2 =	vld [tilespmem:s12+$0x1A050]  }
0x65e: {  	[tilespmem:s29+$0xFFFFFEA0] =	vst v7;
	v6 =	vld [tilespmem:s10+$0x1A020]  }
0x65f: {  	v7 =	vld [tilespmem:s11+$0x1A020];
	[tilespmem:s29+$0xFFFFFF20] =	vst v3  }
0x660: {  	[tilespmem:s29+$0xFFFFFE20] =	vst v5;
	v3 =	vld [tilespmem:s13+$0x1A020]  }
0x661: {  	v5 =	vld [tilespmem:s20+$0x1A020];
	[tilespmem:s16+$0x0] =	vst v4  }
0x662: {  	v4 =	vld [tilespmem:s26+$0x1A060];
	[tilespmem:s16+$0xFFFFFF60] =	vst v2  }
0x663: {  	[tilespmem:s29+$0xFFFFFFB0] =	vst v6;
	v2 =	vld [tilespmem:s5+$0x1A060]  }
0x664: {  	[tilespmem:s29+$0xFFFFFEB0] =	vst v7;
	v6 =	vld [tilespmem:s10+$0x1A030]  }
0x665: {  	v7 =	vld [tilespmem:s11+$0x1A030];
	[tilespmem:s29+$0xFFFFFF30] =	vst v3  }
0x666: {  	[tilespmem:s29+$0xFFFFFE30] =	vst v5;
	v3 =	vld [tilespmem:s13+$0x1A030]  }
0x667: {  	v5 =	vld [tilespmem:s20+$0x1A030];
	[tilespmem:s16+$0xFFFFFE70] =	vst v4  }
0x668: {  	[tilespmem:s16+$0xFFFFFEF0] =	vst v2;
	v4 =	vld [tilespmem:s12+$0x1A060]  }
0x669: {  	[tilespmem:s29+$0xFFFFFFC0] =	vst v6;
	v6 =	vld [tilespmem:s26+$0x1A070];
	s26 =	smov.u32 s20  }
0x66a: {  	[tilespmem:s29+$0xFFFFFEC0] =	vst v7;
	v7 =	vld [tilespmem:s10+$0x1A040]  }
0x66b: {  	v8 =	vld [tilespmem:s11+$0x1A040];
	[tilespmem:s29+$0xFFFFFF40] =	vst v3  }
0x66c: {  	[tilespmem:s29+$0xFFFFFE40] =	vst v5;
	v9 =	vld [tilespmem:s13+$0x1A040]  }
.Ltmp49:
0x66d: {  	v2 =	vld [tilespmem:s26+$0x1A040];
	[tilespmem:s16+$0xFFFFFF70] =	vst v4;
	(pc) =	sbr.rel @p1 .LBB2_64-.Ltmp49, $4  }
0x66e: {  	[tilespmem:s16+$0xFFFFFE80] =	vst v6;
	v3 =	vld [tilespmem:s5+$0x1A070];
	s5 =	smov.u32 s11  }
0x66f: {  	[tilespmem:s29+$0xFFFFFFD0] =	vst v7;
	v5 =	vld [tilespmem:s12+$0x1A070];
	s12 =	smov.u32 s13  }
0x670: {  	[tilespmem:s29+$0xFFFFFED0] =	vst v8;
	v6 =	vld [tilespmem:s10+$0x1A050]  }
0x671: {  	s9 =	sadd.s32 $0x204, s9;
	v4 =	vld [tilespmem:s5+$0x1A050];
	[tilespmem:s29+$0xFFFFFF50] =	vst v9  }
0x672: {  	s13 =	smov.u32 s10  }
0x673: {  	s11 =	smov.u32 s26;
	s4 =	smov.u32 s12;
	s9 =	smov.u32 s5  }
.LBB2_66:
0x674: {  	[tilespmem:s29+$0xFFFFFE50] =	vst v2  }
0x675: {  	v2 =	vld [tilespmem:s11+$0x1A050];
	_ =	sdelay $0x2  }
0x676: {  	v7 =	vld [tilespmem:s4+$0x1A050];
	[tilespmem:s29+$0xFFFFFEE0] =	vst v4  }
0x677: {  	[tilespmem:s29+$0xFFFFFFE0] =	vst v6;
	v4 =	vld [tilespmem:s9+$0x1A060]  }
0x678: {  	v6 =	vld [tilespmem:s13+$0x1A060];
	[tilespmem:s29+$0xFFFFFE60] =	vst v2  }
0x679: {  	v2 =	vld [tilespmem:s11+$0x1A060];
	_ =	sdelay $0x1  }
0x67a: {  	[tilespmem:s29+$0xFFFFFF60] =	vst v7  }
0x67b: {  	v7 =	vld [tilespmem:s4+$0x1A060];
	[tilespmem:s29+$0xFFFFFEF0] =	vst v4  }
0x67c: {  	[tilespmem:s29+$0xFFFFFFF0] =	vst v6;
	v63 =	vld [tilespmem:s9+$0x1A070]  }
0x67d: {  	[tilespmem:s29+$0xFFFFFE70] =	vst v2;
	v2 =	vld [tilespmem:s13+$0x1A070]  }
0x67e: {  	[tilespmem:s16+$0xFFFFFF00] =	vst @p0 v3;
	v62 =	vld [tilespmem:s11+$0x1A070]  }
0x67f: {  	[tilespmem:s16+$0xFFFFFF80] =	vst @p0 v5  }
0x680: {  	[tilespmem:s29+$0xFFFFFF70] =	vst v7  }
0x681: {  	v3 =	vld [tilespmem:s4+$0x1A070];
	[tilespmem:s29+$0xFFFFFF00] =	vst v63  }
0x682: {  	[tilespmem:s29+$0x0] =	vst v2  }
0x683: {  	[tilespmem:s29+$0xFFFFFE80] =	vst v62  }
0x684: {  	s22 =	sshll.u32 s15, $0x10;
	s5 =	rddreg [dreg:$0xa]  }
0x685: {  	s4 =	sor.u32 s5, s22  }
0x686: {  	s23 =	simm.s32 $0x1C020;
	s1 =	sadd.s32 $0x1, s1;
	[tilespmem:s29+$0xFFFFFF80] =	vst v3;
	s5 =	sadd.s32 s2, s4  }
0x687: {  	[hbm4b:s5+s3] =	stream.linear.scatter [tilespmem:s23], [sflag:$0x3], $0x400, $0x38;
	[tilespmem:$0x1D020] =	vst v63  }
0x688: {  	s26 =	simm.s32 $0x1C420;
	p0 =	sne.s32 s1, $0xD;
	s24 =	sadd.s32 s4, s6  }
0x689: {  	[hbm4b:s24+s3] =	stream.linear.scatter [tilespmem:s26], [sflag:$0x3], $0x400, $0x38;
	[tilespmem:$0x1D020] =	vst v63  }
.Ltmp50:
0x68a: {  	_ = 	snop;
	(pc) =	sbr.rel @p0 .LBB2_52-.Ltmp50, $4  }
.Ltmp51:
0x68b: {  	s29 =	simm.s32 $0x1C820;
	s28 =	sadd.s32 s4, s7;
	(pc) =	sbr.rel @!p0 .LBB2_67-.Ltmp51, $4  }
0x68c: {  	[hbm4b:s28+s3] =	stream.linear.scatter [tilespmem:s29], [sflag:$0x3], $0x400, $0x38;
	[tilespmem:$0x1D020] =	vst v63  }
0x68d: {  	s30 =	sadd.s32 $0x40, s30;
	s31 =	sadd.s32 $0x40, s31;
	s4 =	sadd.s32 s4, s8  }
0x68e: {  	[hbm4b:s4+s3] =	stream.linear.scatter [tilespmem:s25], [sflag:$0x3], $0x400, $0x38;
	[tilespmem:$0x1D020] =	vst v63  }
0x68f: {  	_ = 	snop  }
.LBB2_55:
.Ltmp52:
0x690: {  	(pc) =	sbr.rel .LBB2_58-.Ltmp52, $3  }
0x691: {  	_ =	sdelay $0x1  }
0x692: {  	s26 =	simm.s32 $0x1B120;
	s5 =	smov.u32 s13  }
0x693: {  	s12 =	smov.u32 s11;
	s10 =	smov.u32 s4;
	s28 =	smov.u32 s9  }
.LBB2_61:
.Ltmp53:
0x694: {  	(pc) =	sbr.rel .LBB2_66-.Ltmp53, $2  }
0x695: {  	_ =	sdelay $0x2  }
0x696: {  	s29 =	simm.s32 $0x1C210  }
.LBB2_63:
.Ltmp54:
0x697: {  	(pc) =	sbr.rel .LBB2_66-.Ltmp54, $3  }
0x698: {  	_ =	sdelay $0x1  }
0x699: {  	s13 =	smov.u32 s10  }
0x69a: {  	s11 =	smov.u32 s26;
	s4 =	smov.u32 s12;
	s9 =	smov.u32 s5  }
.LBB2_68:
0x69b: {  	_ =	sfence.sel $0x180000  }
0x69c: {  	[bflag:$0x0] =	sbarrier.arrive $0xFFFF  }
0x69d: {  	_ =	strace $0x9000004A  }
0x69e: {  	s0 =	stileid.u32;
	[bflag:$0x2] =	sbarrier.arrive $0xFFFF  }
0x69f: {  	p0 =	sne.s32 s0, $0x0;
	s0 =	rddreg [dreg:$0x2]  }
0x6a0: {  	s0 =	sadd.s32 @!p0 $0x100000, s0  }
0x6a1: {  	[sflag:s0] =	ssyncadd.tile.s32 @!p0 $0x1;
	_ =	shalt  }
.Lfunc_end2:
_tile_overlayer_lowered:
.L_overlay_start_2:
0x6a2: {  	(tag) =	ssettag $0x2  }
0x6a3: {  	s0 =	rddreg [dreg:$0x0];
	s2 =	stileid.u32  }
0x6a4: {  	s1 =	rddreg [dreg:$0x1];
	p0 =	sne.s32 s2, $0x0  }
0x6a5: {  	s3 =	rddreg [dreg:$0x2];
	[bflag:$0x3] =	sbarrier.arrive $0xFFFF;
	s2 =	simm.s32 @!p0 $0x1C04  }
0x6a6: {  	[timem:s3], [sflag:s2] =	dma.local @!p0 [hbm:s0], s1  }
0x6a7: {  	s0 =	simm.s32 @!p0 $0x4  }
0x6a8: {  	_ =	swait.ge @!p0 [sflag:s0], s1  }
0x6a9: {  	s1 =	ssub.s32 @!p0 $0x0, s1;
	[sflag:s0] =	ssyncset.done @!p0 $0x0  }
0x6aa: {  	[sflag:s0] =	ssyncadd.s32 @!p0 s1  }
0x6ab: {  	[bflag:$0x3] =	sbarrier.arrive $0xFFFF  }
0x6ac: {  	_ =	shalt  }

</sc_bundles>
